<compile_context>
chip_gen: v7x
topology: tpu7x:2x2x1
jax: 0.10.2.dev20260603
libtpu: 0.0.44.dev20260713+nightly
codegen_flags: <defaults>
</compile_context>

<pallas_src>
import functools

import jax
import jax.numpy as jnp
from jax import lax
from jax.experimental import pallas as pl
from jax.experimental.pallas import tpu as pltpu
from jax.experimental.pallas import tpu_sc as plsc

N = 16384
D = 256
M = 8
NCODES = 256
DSUB = D // M
BN = 4096

_DN = (((1,), (1,)), ((), ()))

NW = 32
RPW = N // NW
LANES = 16


def _pdt_tc_body(x_ref, w_ref, cbn_ref, sh_ref, gidx_ref):
    xb = x_ref[:]
    xb16 = xb.astype(jnp.bfloat16)
    xsq16 = xb16 * xb16
    ones8 = jnp.ones((8, D), jnp.bfloat16)
    xnorm = lax.dot_general(ones8, xsq16, _DN,
                            preferred_element_type=jnp.float32)[0]
    iota_col = lax.broadcasted_iota(
        jnp.int32, (NCODES, 1), 0).astype(jnp.bfloat16)
    big16 = jnp.bfloat16(256.0)
    sum_s = jnp.zeros((BN,), jnp.float32)
    for m in range(M):
        xc16 = xb16[:, m * DSUB:(m + 1) * DSUB]
        cbn_col = cbn_ref[m][:, None]
        s = cbn_col + lax.dot_general(
            w_ref[m], xc16, _DN,
            preferred_element_type=jnp.float32,
        ).astype(jnp.bfloat16)
        smin = jnp.min(s, axis=0)
        mask = s == smin[None, :]
        idx16 = jnp.min(jnp.where(mask, iota_col, big16), axis=0)
        gidx_ref[m, :] = idx16.astype(jnp.int32) + m * NCODES
        sum_s = sum_s + smin.astype(jnp.float32)
    sh_ref[0, :] = jnp.maximum(xnorm + sum_s, 0.0)
    sh_ref[1, :] = 0.5 * sum_s + xnorm


def _pdt_sc_body(gidx_hbm, sh_hbm, cbnf_hbm, out_hbm,
                 gidx_v, sh_v, cbnf_v, out_v):
    wid = lax.axis_index("s") * 2 + lax.axis_index("c")
    base = wid * RPW
    pltpu.sync_copy(cbnf_hbm, cbnf_v)
    pltpu.sync_copy(gidx_hbm.at[:, pl.ds(base, RPW)], gidx_v)
    pltpu.sync_copy(sh_hbm.at[:, pl.ds(base, RPW)], sh_v)
    half = jnp.full((LANES,), 0.5, jnp.float32)
    tiny = jnp.full((LANES,), 1e-30, jnp.float32)
    magic = jnp.full((LANES,), 0x1FBD1DF5, jnp.int32)
    for i in range(RPW // LANES):
        sl = pl.ds(i * LANES, LANES)
        g = jnp.zeros((LANES,), jnp.float32)
        for m in range(M):
            g = g + plsc.load_gather(cbnf_v, [gidx_v[m, sl]])
        d = jnp.maximum(sh_v[0, sl], tiny)
        y = plsc.bitcast((plsc.bitcast(d, jnp.int32) >> 1) + magic,
                         jnp.float32)
        y = half * (y + d / y)
        y = half * (y + d / y)
        y = half * (y + d / y)
        out_v[sl] = y + jnp.abs(half * g - sh_v[1, sl])
    pltpu.sync_copy(out_v, out_hbm.at[pl.ds(base, RPW)])


def kernel(x, codebook):
    cbn_f32 = jnp.sum(codebook * codebook, axis=-1)
    cbn16 = cbn_f32.astype(jnp.bfloat16)
    w = (-2.0 * codebook).astype(jnp.bfloat16)
    cbnf = cbn_f32.reshape(M * NCODES)

    sh, gidx = pl.pallas_call(
        _pdt_tc_body,
        grid=(N // BN,),
        in_specs=[
            pl.BlockSpec((BN, D), lambda i: (i, 0)),
            pl.BlockSpec((M, NCODES, DSUB), lambda i: (0, 0, 0)),
            pl.BlockSpec((M, NCODES), lambda i: (0, 0)),
        ],
        out_specs=[
            pl.BlockSpec((2, BN), lambda i: (0, i)),
            pl.BlockSpec((M, BN), lambda i: (0, i)),
        ],
        out_shape=[
            jax.ShapeDtypeStruct((2, N), jnp.float32),
            jax.ShapeDtypeStruct((M, N), jnp.int32),
        ],
    )(x, w, cbn16)

    mesh = plsc.VectorSubcoreMesh(core_axis_name="c", subcore_axis_name="s")
    sc_stage = functools.partial(
        pl.kernel,
        mesh=mesh,
        compiler_params=pltpu.CompilerParams(needs_layout_passes=False),
        out_type=jax.ShapeDtypeStruct((N,), jnp.float32),
        scratch_types=[
            pltpu.VMEM((M, RPW), jnp.int32),
            pltpu.VMEM((2, RPW), jnp.float32),
            pltpu.VMEM((M * NCODES,), jnp.float32),
            pltpu.VMEM((RPW,), jnp.float32),
        ],
    )(_pdt_sc_body)
    return sc_stage(gidx, sh, cbnf)

# --- scband reference (transcript-rebuilt; emitter-appended) ---
"""Pipeline reference for scband-pdt-19232863551815 (READ-ONLY COPY).

The authoritative reference and input builder live on the scoring server;
editing this copy changes nothing except your own understanding.
"""

import jax, jax.numpy as jnp
import numpy as np

N = 16384
D = 256
M = 8
NCODES = 256  # 2**K, K=8 bits
DSUB = D // M  # 32


def setup_inputs(seed: int = 0) -> dict:
    key = jax.random.key(seed)
    k1, k2 = jax.random.split(key)
    x = jax.random.normal(k1, (N, D), dtype=jnp.float32)
    # learned product-quantizer codebooks: [M, 2**K, d/M]
    codebook = jax.random.normal(k2, (M, NCODES, DSUB), dtype=jnp.float32) * 0.1
    return {"x": x, "codebook": codebook}


def distance_loss(recon, x):
    # inner-product (distance) preservation loss used alongside the L2 recon norm
    return jnp.abs(jnp.sum(recon * x, axis=-1) - jnp.sum(x * x, axis=-1))


def reference(x, codebook):
    # trans_type='no' -> DefaultTransLayer: encode/decode are identity
    x_enc = x
    # DPQ: deep product quantizer, hard assignment per subspace
    xs = x_enc.reshape(x_enc.shape[0], M, DSUB)
    recon_parts = []
    for m in range(M):
        xc = xs[:, m, :]                      # [N, DSUB]
        cb = codebook[m]                      # [NCODES, DSUB]
        d = (jnp.sum(xc * xc, axis=-1, keepdims=True)
             - 2.0 * (xc @ cb.T)
             + jnp.sum(cb * cb, axis=-1)[None, :])  # [N, NCODES]
        idx = jnp.argmin(d, axis=-1)          # [N]
        recon_parts.append(jnp.take(cb, idx, axis=0))  # gather codewords
    x_recon_vq = jnp.concatenate(recon_parts, axis=-1)  # [N, D]
    x_recon = x_recon_vq  # identity decode
    loss = jnp.linalg.norm(x_recon - x, ord=2, axis=-1) + distance_loss(x_recon, x)
    return loss

if __name__ == "__main__":
    import jax
    _d = setup_inputs()
    print(jax.jit(kernel)(*tuple(_d.values())))

</pallas_src>

<mosaic_0001>
#map = affine_map<(d0, d1) -> (0, 0)>
#map1 = affine_map<(d0, d1) -> (0)>
module attributes {stable_mosaic.version = 14 : i64} {
  func.func @_pdt_sc_body(%arg0: i32, %arg1: i32, %arg2: memref<8x16384xi32, #tpu.memory_space<hbm>>, %arg3: memref<2x16384xf32, #tpu.memory_space<hbm>>, %arg4: memref<2048xf32, #tpu.memory_space<hbm>>, %arg5: memref<16384xf32, #tpu.memory_space<hbm>>, %arg6: memref<8x512xi32, #tpu.memory_space<vmem>>, %arg7: memref<2x512xf32, #tpu.memory_space<vmem>>, %arg8: memref<2048xf32, #tpu.memory_space<vmem>>, %arg9: memref<512xf32, #tpu.memory_space<vmem>>) attributes {dimension_semantics = [#tpu.dimension_semantics<core_parallel>, #tpu.dimension_semantics<subcore_parallel>], iteration_bounds = array<i64: 2, 16>, scalar_prefetch = 0 : i64, scratch_operands = 4 : i64, tpu.core_type = #tpu.core_type<sc_vector_subcore>, window_params = [{transform_indices = #map}, {transform_indices = #map}, {transform_indices = #map1}, {transform_indices = #map1}]} {
    %mul3A = arith.constant 2 : i32
    %mul3A_0 = arith.muli %arg1, %mul3A : i32
    %add3A = arith.addi %mul3A_0, %arg0 : i32
    %mul3A_1 = arith.constant 512 : i32
    %mul3A_2 = arith.muli %add3A, %mul3A_1 : i32
    "tpu.region"() ({
      %run_scoped3A = tpu.sem_alloc : memref<!tpu.dma_semaphore, #tpu.memory_space<semaphore_mem>>
      tpu.enqueue_dma source(%arg4 : memref<2048xf32, #tpu.memory_space<hbm>>) target(%arg8 : memref<2048xf32, #tpu.memory_space<vmem>>) target_semaphore(%run_scoped3A : memref<!tpu.dma_semaphore, #tpu.memory_space<semaphore_mem>>)
      tpu.wait_dma2 semaphore(%run_scoped3A : memref<!tpu.dma_semaphore, #tpu.memory_space<semaphore_mem>>) src(%arg4 : memref<2048xf32, #tpu.memory_space<hbm>>) dst(%arg8 : memref<2048xf32, #tpu.memory_space<vmem>>)
      tpu.yield
    }) : () -> ()
    "tpu.region"() ({
      %run_scoped3A = tpu.sem_alloc : memref<!tpu.dma_semaphore, #tpu.memory_space<semaphore_mem>>
      %dma_start3A = arith.constant 0 : i32
      %dma_start3A_2559 = tpu.memref_slice %arg2[%dma_start3A, %mul3A_2] : memref<8x16384xi32, #tpu.memory_space<hbm>> -> memref<8x512xi32, #tpu.memory_space<hbm>>
      %dma_start3A_2560 = arith.constant 0 : i32
      %dma_start3A_2561 = tpu.memref_slice %arg2[%dma_start3A_2560, %mul3A_2] : memref<8x16384xi32, #tpu.memory_space<hbm>> -> memref<8x512xi32, #tpu.memory_space<hbm>>
      tpu.enqueue_dma source(%dma_start3A_2561 : memref<8x512xi32, #tpu.memory_space<hbm>>) target(%arg6 : memref<8x512xi32, #tpu.memory_space<vmem>>) target_semaphore(%run_scoped3A : memref<!tpu.dma_semaphore, #tpu.memory_space<semaphore_mem>>)
      %dma_wait3A = arith.constant 0 : i32
      %dma_wait3A_2562 = tpu.memref_slice %arg2[%dma_wait3A, %mul3A_2] : memref<8x16384xi32, #tpu.memory_space<hbm>> -> memref<8x512xi32, #tpu.memory_space<hbm>>
      %dma_wait3A_2563 = arith.constant 0 : i32
      %dma_wait3A_2564 = tpu.memref_slice %arg2[%dma_wait3A_2563, %mul3A_2] : memref<8x16384xi32, #tpu.memory_space<hbm>> -> memref<8x512xi32, #tpu.memory_space<hbm>>
      tpu.wait_dma2 semaphore(%run_scoped3A : memref<!tpu.dma_semaphore, #tpu.memory_space<semaphore_mem>>) src(%dma_wait3A_2564 : memref<8x512xi32, #tpu.memory_space<hbm>>) dst(%arg6 : memref<8x512xi32, #tpu.memory_space<vmem>>)
      tpu.yield
    }) : () -> ()
    "tpu.region"() ({
      %run_scoped3A = tpu.sem_alloc : memref<!tpu.dma_semaphore, #tpu.memory_space<semaphore_mem>>
      %dma_start3A = arith.constant 0 : i32
      %dma_start3A_2559 = tpu.memref_slice %arg3[%dma_start3A, %mul3A_2] : memref<2x16384xf32, #tpu.memory_space<hbm>> -> memref<2x512xf32, #tpu.memory_space<hbm>>
      %dma_start3A_2560 = arith.constant 0 : i32
      %dma_start3A_2561 = tpu.memref_slice %arg3[%dma_start3A_2560, %mul3A_2] : memref<2x16384xf32, #tpu.memory_space<hbm>> -> memref<2x512xf32, #tpu.memory_space<hbm>>
      tpu.enqueue_dma source(%dma_start3A_2561 : memref<2x512xf32, #tpu.memory_space<hbm>>) target(%arg7 : memref<2x512xf32, #tpu.memory_space<vmem>>) target_semaphore(%run_scoped3A : memref<!tpu.dma_semaphore, #tpu.memory_space<semaphore_mem>>)
      %dma_wait3A = arith.constant 0 : i32
      %dma_wait3A_2562 = tpu.memref_slice %arg3[%dma_wait3A, %mul3A_2] : memref<2x16384xf32, #tpu.memory_space<hbm>> -> memref<2x512xf32, #tpu.memory_space<hbm>>
      %dma_wait3A_2563 = arith.constant 0 : i32
      %dma_wait3A_2564 = tpu.memref_slice %arg3[%dma_wait3A_2563, %mul3A_2] : memref<2x16384xf32, #tpu.memory_space<hbm>> -> memref<2x512xf32, #tpu.memory_space<hbm>>
      tpu.wait_dma2 semaphore(%run_scoped3A : memref<!tpu.dma_semaphore, #tpu.memory_space<semaphore_mem>>) src(%dma_wait3A_2564 : memref<2x512xf32, #tpu.memory_space<hbm>>) dst(%arg7 : memref<2x512xf32, #tpu.memory_space<vmem>>)
      tpu.yield
    }) : () -> ()
    %broadcast_in_dim3A = arith.constant 5.000000e-01 : f32
    %broadcast_in_dim3A_3 = vector.broadcast %broadcast_in_dim3A : f32 to vector<16xf32>
    %broadcast_in_dim3A_4 = arith.constant 1.000000e-30 : f32
    %broadcast_in_dim3A_5 = vector.broadcast %broadcast_in_dim3A_4 : f32 to vector<16xf32>
    %broadcast_in_dim3A_6 = arith.constant 532487669 : i32
    %broadcast_in_dim3A_7 = vector.broadcast %broadcast_in_dim3A_6 : i32 to vector<16xi32>
    %broadcast_in_dim3A_8 = arith.constant 0.000000e+00 : f32
    %broadcast_in_dim3A_9 = vector.broadcast %broadcast_in_dim3A_8 : f32 to vector<16xf32>
    %get3A = arith.constant 0 : i32
    %get3A_10 = arith.index_cast %get3A : i32 to index
    %get3A_11 = arith.constant 0 : index
    %get3A_12 = tpu.vector_load %arg6[%get3A_10, %get3A_11] {strides = array<i32>} : memref<8x512xi32, #tpu.memory_space<vmem>>, vector<16xi32>,
    %gather3A = tpu.vector_load_idx %arg8[%get3A_12] : memref<2048xf32, #tpu.memory_space<vmem>>[vector<16xi32>], vector<16xf32>,
    %add3A_13 = arith.addf %broadcast_in_dim3A_9, %gather3A : vector<16xf32>
    %get3A_14 = arith.constant 1 : i32
    %get3A_15 = arith.index_cast %get3A_14 : i32 to index
    %get3A_16 = arith.constant 0 : index
    %get3A_17 = tpu.vector_load %arg6[%get3A_15, %get3A_16] {strides = array<i32>} : memref<8x512xi32, #tpu.memory_space<vmem>>, vector<16xi32>,
    %gather3A_18 = tpu.vector_load_idx %arg8[%get3A_17] : memref<2048xf32, #tpu.memory_space<vmem>>[vector<16xi32>], vector<16xf32>,
    %add3A_19 = arith.addf %add3A_13, %gather3A_18 : vector<16xf32>
    %get3A_20 = arith.constant 2 : i32
    %get3A_21 = arith.index_cast %get3A_20 : i32 to index
    %get3A_22 = arith.constant 0 : index
    %get3A_23 = tpu.vector_load %arg6[%get3A_21, %get3A_22] {strides = array<i32>} : memref<8x512xi32, #tpu.memory_space<vmem>>, vector<16xi32>,
    %gather3A_24 = tpu.vector_load_idx %arg8[%get3A_23] : memref<2048xf32, #tpu.memory_space<vmem>>[vector<16xi32>], vector<16xf32>,
    %add3A_25 = arith.addf %add3A_19, %gather3A_24 : vector<16xf32>
    %get3A_26 = arith.constant 3 : i32
    %get3A_27 = arith.index_cast %get3A_26 : i32 to index
    %get3A_28 = arith.constant 0 : index
    %get3A_29 = tpu.vector_load %arg6[%get3A_27, %get3A_28] {strides = array<i32>} : memref<8x512xi32, #tpu.memory_space<vmem>>, vector<16xi32>,
    %gather3A_30 = tpu.vector_load_idx %arg8[%get3A_29] : memref<2048xf32, #tpu.memory_space<vmem>>[vector<16xi32>], vector<16xf32>,
    %add3A_31 = arith.addf %add3A_25, %gather3A_30 : vector<16xf32>
    %get3A_32 = arith.constant 4 : i32
    %get3A_33 = arith.index_cast %get3A_32 : i32 to index
    %get3A_34 = arith.constant 0 : index
    %get3A_35 = tpu.vector_load %arg6[%get3A_33, %get3A_34] {strides = array<i32>} : memref<8x512xi32, #tpu.memory_space<vmem>>, vector<16xi32>,
    %gather3A_36 = tpu.vector_load_idx %arg8[%get3A_35] : memref<2048xf32, #tpu.memory_space<vmem>>[vector<16xi32>], vector<16xf32>,
    %add3A_37 = arith.addf %add3A_31, %gather3A_36 : vector<16xf32>
    %get3A_38 = arith.constant 5 : i32
    %get3A_39 = arith.index_cast %get3A_38 : i32 to index
    %get3A_40 = arith.constant 0 : index
    %get3A_41 = tpu.vector_load %arg6[%get3A_39, %get3A_40] {strides = array<i32>} : memref<8x512xi32, #tpu.memory_space<vmem>>, vector<16xi32>,
    %gather3A_42 = tpu.vector_load_idx %arg8[%get3A_41] : memref<2048xf32, #tpu.memory_space<vmem>>[vector<16xi32>], vector<16xf32>,
    %add3A_43 = arith.addf %add3A_37, %gather3A_42 : vector<16xf32>
    %get3A_44 = arith.constant 6 : i32
    %get3A_45 = arith.index_cast %get3A_44 : i32 to index
    %get3A_46 = arith.constant 0 : index
    %get3A_47 = tpu.vector_load %arg6[%get3A_45, %get3A_46] {strides = array<i32>} : memref<8x512xi32, #tpu.memory_space<vmem>>, vector<16xi32>,
    %gather3A_48 = tpu.vector_load_idx %arg8[%get3A_47] : memref<2048xf32, #tpu.memory_space<vmem>>[vector<16xi32>], vector<16xf32>,
    %add3A_49 = arith.addf %add3A_43, %gather3A_48 : vector<16xf32>
    %get3A_50 = arith.constant 7 : i32
    %get3A_51 = arith.index_cast %get3A_50 : i32 to index
    %get3A_52 = arith.constant 0 : index
    %get3A_53 = tpu.vector_load %arg6[%get3A_51, %get3A_52] {strides = array<i32>} : memref<8x512xi32, #tpu.memory_space<vmem>>, vector<16xi32>,
    %gather3A_54 = tpu.vector_load_idx %arg8[%get3A_53] : memref<2048xf32, #tpu.memory_space<vmem>>[vector<16xi32>], vector<16xf32>,
    %add3A_55 = arith.addf %add3A_49, %gather3A_54 : vector<16xf32>
    %get3A_56 = arith.constant 0 : i32
    %get3A_57 = arith.index_cast %get3A_56 : i32 to index
    %get3A_58 = arith.constant 0 : index
    %get3A_59 = tpu.vector_load %arg7[%get3A_57, %get3A_58] {strides = array<i32>} : memref<2x512xf32, #tpu.memory_space<vmem>>, vector<16xf32>,
    %max3A = arith.maximumf %get3A_59, %broadcast_in_dim3A_5 : vector<16xf32>
    %bitcast3A = vector.bitcast %max3A : vector<16xf32> to vector<16xi32>
    %shift_right_arithmetic3A = arith.constant 1 : i32
    %shift_right_arithmetic3A_60 = vector.broadcast %shift_right_arithmetic3A : i32 to vector<16xi32>
    %shift_right_arithmetic3A_61 = arith.shrsi %bitcast3A, %shift_right_arithmetic3A_60 : vector<16xi32>
    %add3A_62 = arith.addi %shift_right_arithmetic3A_61, %broadcast_in_dim3A_7 : vector<16xi32>
    %bitcast3A_63 = vector.bitcast %add3A_62 : vector<16xi32> to vector<16xf32>
    %div3A = arith.divf %max3A, %bitcast3A_63 : vector<16xf32>
    %add3A_64 = arith.addf %bitcast3A_63, %div3A : vector<16xf32>
    %mul3A_65 = arith.mulf %broadcast_in_dim3A_3, %add3A_64 : vector<16xf32>
    %div3A_66 = arith.divf %max3A, %mul3A_65 : vector<16xf32>
    %add3A_67 = arith.addf %mul3A_65, %div3A_66 : vector<16xf32>
    %mul3A_68 = arith.mulf %broadcast_in_dim3A_3, %add3A_67 : vector<16xf32>
    %div3A_69 = arith.divf %max3A, %mul3A_68 : vector<16xf32>
    %add3A_70 = arith.addf %mul3A_68, %div3A_69 : vector<16xf32>
    %mul3A_71 = arith.mulf %broadcast_in_dim3A_3, %add3A_70 : vector<16xf32>
    %mul3A_72 = arith.mulf %broadcast_in_dim3A_3, %add3A_55 : vector<16xf32>
    %get3A_73 = arith.constant 1 : i32
    %get3A_74 = arith.index_cast %get3A_73 : i32 to index
    %get3A_75 = arith.constant 0 : index
    %get3A_76 = tpu.vector_load %arg7[%get3A_74, %get3A_75] {strides = array<i32>} : memref<2x512xf32, #tpu.memory_space<vmem>>, vector<16xf32>,
    %sub3A = arith.subf %mul3A_72, %get3A_76 : vector<16xf32>
    %abs3A = math.absf %sub3A : vector<16xf32>
    %add3A_77 = arith.addf %mul3A_71, %abs3A : vector<16xf32>
    %swap3A = arith.constant 0 : index
    %swap3A_78 = tpu.vector_load %arg9[%swap3A] {strides = array<i32>} : memref<512xf32, #tpu.memory_space<vmem>>, vector<16xf32>,
    tpu.vector_store %arg9[%swap3A], %add3A_77 {strides = array<i32>} : memref<512xf32, #tpu.memory_space<vmem>>, vector<16xf32>,
    %broadcast_in_dim3A_79 = arith.constant 0.000000e+00 : f32
    %broadcast_in_dim3A_80 = vector.broadcast %broadcast_in_dim3A_79 : f32 to vector<16xf32>
    %get3A_81 = arith.constant 0 : i32
    %get3A_82 = arith.index_cast %get3A_81 : i32 to index
    %get3A_83 = arith.constant 16 : index
    %get3A_84 = tpu.vector_load %arg6[%get3A_82, %get3A_83] {strides = array<i32>} : memref<8x512xi32, #tpu.memory_space<vmem>>, vector<16xi32>,
    %gather3A_85 = tpu.vector_load_idx %arg8[%get3A_84] : memref<2048xf32, #tpu.memory_space<vmem>>[vector<16xi32>], vector<16xf32>,
    %add3A_86 = arith.addf %broadcast_in_dim3A_80, %gather3A_85 : vector<16xf32>
    %get3A_87 = arith.constant 1 : i32
    %get3A_88 = arith.index_cast %get3A_87 : i32 to index
    %get3A_89 = arith.constant 16 : index
    %get3A_90 = tpu.vector_load %arg6[%get3A_88, %get3A_89] {strides = array<i32>} : memref<8x512xi32, #tpu.memory_space<vmem>>, vector<16xi32>,
    %gather3A_91 = tpu.vector_load_idx %arg8[%get3A_90] : memref<2048xf32, #tpu.memory_space<vmem>>[vector<16xi32>], vector<16xf32>,
    %add3A_92 = arith.addf %add3A_86, %gather3A_91 : vector<16xf32>
    %get3A_93 = arith.constant 2 : i32
    %get3A_94 = arith.index_cast %get3A_93 : i32 to index
    %get3A_95 = arith.constant 16 : index
    %get3A_96 = tpu.vector_load %arg6[%get3A_94, %get3A_95] {strides = array<i32>} : memref<8x512xi32, #tpu.memory_space<vmem>>, vector<16xi32>,
    %gather3A_97 = tpu.vector_load_idx %arg8[%get3A_96] : memref<2048xf32, #tpu.memory_space<vmem>>[vector<16xi32>], vector<16xf32>,
    %add3A_98 = arith.addf %add3A_92, %gather3A_97 : vector<16xf32>
    %get3A_99 = arith.constant 3 : i32
    %get3A_100 = arith.index_cast %get3A_99 : i32 to index
    %get3A_101 = arith.constant 16 : index
    %get3A_102 = tpu.vector_load %arg6[%get3A_100, %get3A_101] {strides = array<i32>} : memref<8x512xi32, #tpu.memory_space<vmem>>, vector<16xi32>,
    %gather3A_103 = tpu.vector_load_idx %arg8[%get3A_102] : memref<2048xf32, #tpu.memory_space<vmem>>[vector<16xi32>], vector<16xf32>,
    %add3A_104 = arith.addf %add3A_98, %gather3A_103 : vector<16xf32>
    %get3A_105 = arith.constant 4 : i32
    %get3A_106 = arith.index_cast %get3A_105 : i32 to index
    %get3A_107 = arith.constant 16 : index
    %get3A_108 = tpu.vector_load %arg6[%get3A_106, %get3A_107] {strides = array<i32>} : memref<8x512xi32, #tpu.memory_space<vmem>>, vector<16xi32>,
    %gather3A_109 = tpu.vector_load_idx %arg8[%get3A_108] : memref<2048xf32, #tpu.memory_space<vmem>>[vector<16xi32>], vector<16xf32>,
    %add3A_110 = arith.addf %add3A_104, %gather3A_109 : vector<16xf32>
    %get3A_111 = arith.constant 5 : i32
    %get3A_112 = arith.index_cast %get3A_111 : i32 to index
    %get3A_113 = arith.constant 16 : index
    %get3A_114 = tpu.vector_load %arg6[%get3A_112, %get3A_113] {strides = array<i32>} : memref<8x512xi32, #tpu.memory_space<vmem>>, vector<16xi32>,
    %gather3A_115 = tpu.vector_load_idx %arg8[%get3A_114] : memref<2048xf32, #tpu.memory_space<vmem>>[vector<16xi32>], vector<16xf32>,
    %add3A_116 = arith.addf %add3A_110, %gather3A_115 : vector<16xf32>
    %get3A_117 = arith.constant 6 : i32
    %get3A_118 = arith.index_cast %get3A_117 : i32 to index
    %get3A_119 = arith.constant 16 : index
    %get3A_120 = tpu.vector_load %arg6[%get3A_118, %get3A_119] {strides = array<i32>} : memref<8x512xi32, #tpu.memory_space<vmem>>, vector<16xi32>,
    %gather3A_121 = tpu.vector_load_idx %arg8[%get3A_120] : memref<2048xf32, #tpu.memory_space<vmem>>[vector<16xi32>], vector<16xf32>,
    %add3A_122 = arith.addf %add3A_116, %gather3A_121 : vector<16xf32>
    %get3A_123 = arith.constant 7 : i32
    %get3A_124 = arith.index_cast %get3A_123 : i32 to index
    %get3A_125 = arith.constant 16 : index
    %get3A_126 = tpu.vector_load %arg6[%get3A_124, %get3A_125] {strides = array<i32>} : memref<8x512xi32, #tpu.memory_space<vmem>>, vector<16xi32>,
    %gather3A_127 = tpu.vector_load_idx %arg8[%get3A_126] : memref<2048xf32, #tpu.memory_space<vmem>>[vector<16xi32>], vector<16xf32>,
    %add3A_128 = arith.addf %add3A_122, %gather3A_127 : vector<16xf32>
    %get3A_129 = arith.constant 0 : i32
    %get3A_130 = arith.index_cast %get3A_129 : i32 to index
    %get3A_131 = arith.constant 16 : index
    %get3A_132 = tpu.vector_load %arg7[%get3A_130, %get3A_131] {strides = array<i32>} : memref<2x512xf32, #tpu.memory_space<vmem>>, vector<16xf32>,
    %max3A_133 = arith.maximumf %get3A_132, %broadcast_in_dim3A_5 : vector<16xf32>
    %bitcast3A_134 = vector.bitcast %max3A_133 : vector<16xf32> to vector<16xi32>
    %shift_right_arithmetic3A_135 = arith.constant 1 : i32
    %shift_right_arithmetic3A_136 = vector.broadcast %shift_right_arithmetic3A_135 : i32 to vector<16xi32>
    %shift_right_arithmetic3A_137 = arith.shrsi %bitcast3A_134, %shift_right_arithmetic3A_136 : vector<16xi32>
    %add3A_138 = arith.addi %shift_right_arithmetic3A_137, %broadcast_in_dim3A_7 : vector<16xi32>
    %bitcast3A_139 = vector.bitcast %add3A_138 : vector<16xi32> to vector<16xf32>
    %div3A_140 = arith.divf %max3A_133, %bitcast3A_139 : vector<16xf32>
    %add3A_141 = arith.addf %bitcast3A_139, %div3A_140 : vector<16xf32>
    %mul3A_142 = arith.mulf %broadcast_in_dim3A_3, %add3A_141 : vector<16xf32>
    %div3A_143 = arith.divf %max3A_133, %mul3A_142 : vector<16xf32>
    %add3A_144 = arith.addf %mul3A_142, %div3A_143 : vector<16xf32>
    %mul3A_145 = arith.mulf %broadcast_in_dim3A_3, %add3A_144 : vector<16xf32>
    %div3A_146 = arith.divf %max3A_133, %mul3A_145 : vector<16xf32>
    %add3A_147 = arith.addf %mul3A_145, %div3A_146 : vector<16xf32>
    %mul3A_148 = arith.mulf %broadcast_in_dim3A_3, %add3A_147 : vector<16xf32>
    %mul3A_149 = arith.mulf %broadcast_in_dim3A_3, %add3A_128 : vector<16xf32>
    %get3A_150 = arith.constant 1 : i32
    %get3A_151 = arith.index_cast %get3A_150 : i32 to index
    %get3A_152 = arith.constant 16 : index
    %get3A_153 = tpu.vector_load %arg7[%get3A_151, %get3A_152] {strides = array<i32>} : memref<2x512xf32, #tpu.memory_space<vmem>>, vector<16xf32>,
    %sub3A_154 = arith.subf %mul3A_149, %get3A_153 : vector<16xf32>
    %abs3A_155 = math.absf %sub3A_154 : vector<16xf32>
    %add3A_156 = arith.addf %mul3A_148, %abs3A_155 : vector<16xf32>
    %swap3A_157 = arith.constant 16 : index
    %swap3A_158 = tpu.vector_load %arg9[%swap3A_157] {strides = array<i32>} : memref<512xf32, #tpu.memory_space<vmem>>, vector<16xf32>,
    tpu.vector_store %arg9[%swap3A_157], %add3A_156 {strides = array<i32>} : memref<512xf32, #tpu.memory_space<vmem>>, vector<16xf32>,
    %broadcast_in_dim3A_159 = arith.constant 0.000000e+00 : f32
    %broadcast_in_dim3A_160 = vector.broadcast %broadcast_in_dim3A_159 : f32 to vector<16xf32>
    %get3A_161 = arith.constant 0 : i32
    %get3A_162 = arith.index_cast %get3A_161 : i32 to index
    %get3A_163 = arith.constant 32 : index
    %get3A_164 = tpu.vector_load %arg6[%get3A_162, %get3A_163] {strides = array<i32>} : memref<8x512xi32, #tpu.memory_space<vmem>>, vector<16xi32>,
    %gather3A_165 = tpu.vector_load_idx %arg8[%get3A_164] : memref<2048xf32, #tpu.memory_space<vmem>>[vector<16xi32>], vector<16xf32>,
    %add3A_166 = arith.addf %broadcast_in_dim3A_160, %gather3A_165 : vector<16xf32>
    %get3A_167 = arith.constant 1 : i32
    %get3A_168 = arith.index_cast %get3A_167 : i32 to index
    %get3A_169 = arith.constant 32 : index
    %get3A_170 = tpu.vector_load %arg6[%get3A_168, %get3A_169] {strides = array<i32>} : memref<8x512xi32, #tpu.memory_space<vmem>>, vector<16xi32>,
    %gather3A_171 = tpu.vector_load_idx %arg8[%get3A_170] : memref<2048xf32, #tpu.memory_space<vmem>>[vector<16xi32>], vector<16xf32>,
    %add3A_172 = arith.addf %add3A_166, %gather3A_171 : vector<16xf32>
    %get3A_173 = arith.constant 2 : i32
    %get3A_174 = arith.index_cast %get3A_173 : i32 to index
    %get3A_175 = arith.constant 32 : index
    %get3A_176 = tpu.vector_load %arg6[%get3A_174, %get3A_175] {strides = array<i32>} : memref<8x512xi32, #tpu.memory_space<vmem>>, vector<16xi32>,
    %gather3A_177 = tpu.vector_load_idx %arg8[%get3A_176] : memref<2048xf32, #tpu.memory_space<vmem>>[vector<16xi32>], vector<16xf32>,
    %add3A_178 = arith.addf %add3A_172, %gather3A_177 : vector<16xf32>
    %get3A_179 = arith.constant 3 : i32
    %get3A_180 = arith.index_cast %get3A_179 : i32 to index
    %get3A_181 = arith.constant 32 : index
    %get3A_182 = tpu.vector_load %arg6[%get3A_180, %get3A_181] {strides = array<i32>} : memref<8x512xi32, #tpu.memory_space<vmem>>, vector<16xi32>,
    %gather3A_183 = tpu.vector_load_idx %arg8[%get3A_182] : memref<2048xf32, #tpu.memory_space<vmem>>[vector<16xi32>], vector<16xf32>,
    %add3A_184 = arith.addf %add3A_178, %gather3A_183 : vector<16xf32>
    %get3A_185 = arith.constant 4 : i32
    %get3A_186 = arith.index_cast %get3A_185 : i32 to index
    %get3A_187 = arith.constant 32 : index
    %get3A_188 = tpu.vector_load %arg6[%get3A_186, %get3A_187] {strides = array<i32>} : memref<8x512xi32, #tpu.memory_space<vmem>>, vector<16xi32>,
    %gather3A_189 = tpu.vector_load_idx %arg8[%get3A_188] : memref<2048xf32, #tpu.memory_space<vmem>>[vector<16xi32>], vector<16xf32>,
    %add3A_190 = arith.addf %add3A_184, %gather3A_189 : vector<16xf32>
    %get3A_191 = arith.constant 5 : i32
    %get3A_192 = arith.index_cast %get3A_191 : i32 to index
    %get3A_193 = arith.constant 32 : index
    %get3A_194 = tpu.vector_load %arg6[%get3A_192, %get3A_193] {strides = array<i32>} : memref<8x512xi32, #tpu.memory_space<vmem>>, vector<16xi32>,
    %gather3A_195 = tpu.vector_load_idx %arg8[%get3A_194] : memref<2048xf32, #tpu.memory_space<vmem>>[vector<16xi32>], vector<16xf32>,
    %add3A_196 = arith.addf %add3A_190, %gather3A_195 : vector<16xf32>
    %get3A_197 = arith.constant 6 : i32
    %get3A_198 = arith.index_cast %get3A_197 : i32 to index
    %get3A_199 = arith.constant 32 : index
    %get3A_200 = tpu.vector_load %arg6[%get3A_198, %get3A_199] {strides = array<i32>} : memref<8x512xi32, #tpu.memory_space<vmem>>, vector<16xi32>,
    %gather3A_201 = tpu.vector_load_idx %arg8[%get3A_200] : memref<2048xf32, #tpu.memory_space<vmem>>[vector<16xi32>], vector<16xf32>,
    %add3A_202 = arith.addf %add3A_196, %gather3A_201 : vector<16xf32>
    %get3A_203 = arith.constant 7 : i32
    %get3A_204 = arith.index_cast %get3A_203 : i32 to index
    %get3A_205 = arith.constant 32 : index
    %get3A_206 = tpu.vector_load %arg6[%get3A_204, %get3A_205] {strides = array<i32>} : memref<8x512xi32, #tpu.memory_space<vmem>>, vector<16xi32>,
    %gather3A_207 = tpu.vector_load_idx %arg8[%get3A_206] : memref<2048xf32, #tpu.memory_space<vmem>>[vector<16xi32>], vector<16xf32>,
    %add3A_208 = arith.addf %add3A_202, %gather3A_207 : vector<16xf32>
    %get3A_209 = arith.constant 0 : i32
    %get3A_210 = arith.index_cast %get3A_209 : i32 to index
    %get3A_211 = arith.constant 32 : index
    %get3A_212 = tpu.vector_load %arg7[%get3A_210, %get3A_211] {strides = array<i32>} : memref<2x512xf32, #tpu.memory_space<vmem>>, vector<16xf32>,
    %max3A_213 = arith.maximumf %get3A_212, %broadcast_in_dim3A_5 : vector<16xf32>
    %bitcast3A_214 = vector.bitcast %max3A_213 : vector<16xf32> to vector<16xi32>
    %shift_right_arithmetic3A_215 = arith.constant 1 : i32
    %shift_right_arithmetic3A_216 = vector.broadcast %shift_right_arithmetic3A_215 : i32 to vector<16xi32>
    %shift_right_arithmetic3A_217 = arith.shrsi %bitcast3A_214, %shift_right_arithmetic3A_216 : vector<16xi32>
    %add3A_218 = arith.addi %shift_right_arithmetic3A_217, %broadcast_in_dim3A_7 : vector<16xi32>
    %bitcast3A_219 = vector.bitcast %add3A_218 : vector<16xi32> to vector<16xf32>
    %div3A_220 = arith.divf %max3A_213, %bitcast3A_219 : vector<16xf32>
    %add3A_221 = arith.addf %bitcast3A_219, %div3A_220 : vector<16xf32>
    %mul3A_222 = arith.mulf %broadcast_in_dim3A_3, %add3A_221 : vector<16xf32>
    %div3A_223 = arith.divf %max3A_213, %mul3A_222 : vector<16xf32>
    %add3A_224 = arith.addf %mul3A_222, %div3A_223 : vector<16xf32>
    %mul3A_225 = arith.mulf %broadcast_in_dim3A_3, %add3A_224 : vector<16xf32>
    %div3A_226 = arith.divf %max3A_213, %mul3A_225 : vector<16xf32>
    %add3A_227 = arith.addf %mul3A_225, %div3A_226 : vector<16xf32>
    %mul3A_228 = arith.mulf %broadcast_in_dim3A_3, %add3A_227 : vector<16xf32>
    %mul3A_229 = arith.mulf %broadcast_in_dim3A_3, %add3A_208 : vector<16xf32>
    %get3A_230 = arith.constant 1 : i32
    %get3A_231 = arith.index_cast %get3A_230 : i32 to index
    %get3A_232 = arith.constant 32 : index
    %get3A_233 = tpu.vector_load %arg7[%get3A_231, %get3A_232] {strides = array<i32>} : memref<2x512xf32, #tpu.memory_space<vmem>>, vector<16xf32>,
    %sub3A_234 = arith.subf %mul3A_229, %get3A_233 : vector<16xf32>
    %abs3A_235 = math.absf %sub3A_234 : vector<16xf32>
    %add3A_236 = arith.addf %mul3A_228, %abs3A_235 : vector<16xf32>
    %swap3A_237 = arith.constant 32 : index
    %swap3A_238 = tpu.vector_load %arg9[%swap3A_237] {strides = array<i32>} : memref<512xf32, #tpu.memory_space<vmem>>, vector<16xf32>,
    tpu.vector_store %arg9[%swap3A_237], %add3A_236 {strides = array<i32>} : memref<512xf32, #tpu.memory_space<vmem>>, vector<16xf32>,
    %broadcast_in_dim3A_239 = arith.constant 0.000000e+00 : f32
    %broadcast_in_dim3A_240 = vector.broadcast %broadcast_in_dim3A_239 : f32 to vector<16xf32>
    %get3A_241 = arith.constant 0 : i32
    %get3A_242 = arith.index_cast %get3A_241 : i32 to index
    %get3A_243 = arith.constant 48 : index
    %get3A_244 = tpu.vector_load %arg6[%get3A_242, %get3A_243] {strides = array<i32>} : memref<8x512xi32, #tpu.memory_space<vmem>>, vector<16xi32>,
    %gather3A_245 = tpu.vector_load_idx %arg8[%get3A_244] : memref<2048xf32, #tpu.memory_space<vmem>>[vector<16xi32>], vector<16xf32>,
    %add3A_246 = arith.addf %broadcast_in_dim3A_240, %gather3A_245 : vector<16xf32>
    %get3A_247 = arith.constant 1 : i32
    %get3A_248 = arith.index_cast %get3A_247 : i32 to index
    %get3A_249 = arith.constant 48 : index
    %get3A_250 = tpu.vector_load %arg6[%get3A_248, %get3A_249] {strides = array<i32>} : memref<8x512xi32, #tpu.memory_space<vmem>>, vector<16xi32>,
    %gather3A_251 = tpu.vector_load_idx %arg8[%get3A_250] : memref<2048xf32, #tpu.memory_space<vmem>>[vector<16xi32>], vector<16xf32>,
    %add3A_252 = arith.addf %add3A_246, %gather3A_251 : vector<16xf32>
    %get3A_253 = arith.constant 2 : i32
    %get3A_254 = arith.index_cast %get3A_253 : i32 to index
    %get3A_255 = arith.constant 48 : index
    %get3A_256 = tpu.vector_load %arg6[%get3A_254, %get3A_255] {strides = array<i32>} : memref<8x512xi32, #tpu.memory_space<vmem>>, vector<16xi32>,
    %gather3A_257 = tpu.vector_load_idx %arg8[%get3A_256] : memref<2048xf32, #tpu.memory_space<vmem>>[vector<16xi32>], vector<16xf32>,
    %add3A_258 = arith.addf %add3A_252, %gather3A_257 : vector<16xf32>
    %get3A_259 = arith.constant 3 : i32
    %get3A_260 = arith.index_cast %get3A_259 : i32 to index
    %get3A_261 = arith.constant 48 : index
    %get3A_262 = tpu.vector_load %arg6[%get3A_260, %get3A_261] {strides = array<i32>} : memref<8x512xi32, #tpu.memory_space<vmem>>, vector<16xi32>,
    %gather3A_263 = tpu.vector_load_idx %arg8[%get3A_262] : memref<2048xf32, #tpu.memory_space<vmem>>[vector<16xi32>], vector<16xf32>,
    %add3A_264 = arith.addf %add3A_258, %gather3A_263 : vector<16xf32>
    %get3A_265 = arith.constant 4 : i32
    %get3A_266 = arith.index_cast %get3A_265 : i32 to index
    %get3A_267 = arith.constant 48 : index
    %get3A_268 = tpu.vector_load %arg6[%get3A_266, %get3A_267] {strides = array<i32>} : memref<8x512xi32, #tpu.memory_space<vmem>>, vector<16xi32>,
    %gather3A_269 = tpu.vector_load_idx %arg8[%get3A_268] : memref<2048xf32, #tpu.memory_space<vmem>>[vector<16xi32>], vector<16xf32>,
    %add3A_270 = arith.addf %add3A_264, %gather3A_269 : vector<16xf32>
    %get3A_271 = arith.constant 5 : i32
    %get3A_272 = arith.index_cast %get3A_271 : i32 to index
    %get3A_273 = arith.constant 48 : index
    %get3A_274 = tpu.vector_load %arg6[%get3A_272, %get3A_273] {strides = array<i32>} : memref<8x512xi32, #tpu.memory_space<vmem>>, vector<16xi32>,
    %gather3A_275 = tpu.vector_load_idx %arg8[%get3A_274] : memref<2048xf32, #tpu.memory_space<vmem>>[vector<16xi32>], vector<16xf32>,
    %add3A_276 = arith.addf %add3A_270, %gather3A_275 : vector<16xf32>
    %get3A_277 = arith.constant 6 : i32
    %get3A_278 = arith.index_cast %get3A_277 : i32 to index
    %get3A_279 = arith.constant 48 : index
    %get3A_280 = tpu.vector_load %arg6[%get3A_278, %get3A_279] {strides = array<i32>} : memref<8x512xi32, #tpu.memory_space<vmem>>, vector<16xi32>,
    %gather3A_281 = tpu.vector_load_idx %arg8[%get3A_280] : memref<2048xf32, #tpu.memory_space<vmem>>[vector<16xi32>], vector<16xf32>,
    %add3A_282 = arith.addf %add3A_276, %gather3A_281 : vector<16xf32>
    %get3A_283 = arith.constant 7 : i32
    %get3A_284 = arith.index_cast %get3A_283 : i32 to index
    %get3A_285 = arith.constant 48 : index
    %get3A_286 = tpu.vector_load %arg6[%get3A_284, %get3A_285] {strides = array<i32>} : memref<8x512xi32, #tpu.memory_space<vmem>>, vector<16xi32>,
    %gather3A_287 = tpu.vector_load_idx %arg8[%get3A_286] : memref<2048xf32, #tpu.memory_space<vmem>>[vector<16xi32>], vector<16xf32>,
    %add3A_288 = arith.addf %add3A_282, %gather3A_287 : vector<16xf32>
    %get3A_289 = arith.constant 0 : i32
    %get3A_290 = arith.index_cast %get3A_289 : i32 to index
    %get3A_291 = arith.constant 48 : index
    %get3A_292 = tpu.vector_load %arg7[%get3A_290, %get3A_291] {strides = array<i32>} : memref<2x512xf32, #tpu.memory_space<vmem>>, vector<16xf32>,
    %max3A_293 = arith.maximumf %get3A_292, %broadcast_in_dim3A_5 : vector<16xf32>
    %bitcast3A_294 = vector.bitcast %max3A_293 : vector<16xf32> to vector<16xi32>
    %shift_right_arithmetic3A_295 = arith.constant 1 : i32
    %shift_right_arithmetic3A_296 = vector.broadcast %shift_right_arithmetic3A_295 : i32 to vector<16xi32>
    %shift_right_arithmetic3A_297 = arith.shrsi %bitcast3A_294, %shift_right_arithmetic3A_296 : vector<16xi32>
    %add3A_298 = arith.addi %shift_right_arithmetic3A_297, %broadcast_in_dim3A_7 : vector<16xi32>
    %bitcast3A_299 = vector.bitcast %add3A_298 : vector<16xi32> to vector<16xf32>
    %div3A_300 = arith.divf %max3A_293, %bitcast3A_299 : vector<16xf32>
    %add3A_301 = arith.addf %bitcast3A_299, %div3A_300 : vector<16xf32>
    %mul3A_302 = arith.mulf %broadcast_in_dim3A_3, %add3A_301 : vector<16xf32>
    %div3A_303 = arith.divf %max3A_293, %mul3A_302 : vector<16xf32>
    %add3A_304 = arith.addf %mul3A_302, %div3A_303 : vector<16xf32>
    %mul3A_305 = arith.mulf %broadcast_in_dim3A_3, %add3A_304 : vector<16xf32>
    %div3A_306 = arith.divf %max3A_293, %mul3A_305 : vector<16xf32>
    %add3A_307 = arith.addf %mul3A_305, %div3A_306 : vector<16xf32>
    %mul3A_308 = arith.mulf %broadcast_in_dim3A_3, %add3A_307 : vector<16xf32>
    %mul3A_309 = arith.mulf %broadcast_in_dim3A_3, %add3A_288 : vector<16xf32>
    %get3A_310 = arith.constant 1 : i32
    %get3A_311 = arith.index_cast %get3A_310 : i32 to index
    %get3A_312 = arith.constant 48 : index
    %get3A_313 = tpu.vector_load %arg7[%get3A_311, %get3A_312] {strides = array<i32>} : memref<2x512xf32, #tpu.memory_space<vmem>>, vector<16xf32>,
    %sub3A_314 = arith.subf %mul3A_309, %get3A_313 : vector<16xf32>
    %abs3A_315 = math.absf %sub3A_314 : vector<16xf32>
    %add3A_316 = arith.addf %mul3A_308, %abs3A_315 : vector<16xf32>
    %swap3A_317 = arith.constant 48 : index
    %swap3A_318 = tpu.vector_load %arg9[%swap3A_317] {strides = array<i32>} : memref<512xf32, #tpu.memory_space<vmem>>, vector<16xf32>,
    tpu.vector_store %arg9[%swap3A_317], %add3A_316 {strides = array<i32>} : memref<512xf32, #tpu.memory_space<vmem>>, vector<16xf32>,
    %broadcast_in_dim3A_319 = arith.constant 0.000000e+00 : f32
    %broadcast_in_dim3A_320 = vector.broadcast %broadcast_in_dim3A_319 : f32 to vector<16xf32>
    %get3A_321 = arith.constant 0 : i32
    %get3A_322 = arith.index_cast %get3A_321 : i32 to index
    %get3A_323 = arith.constant 64 : index
    %get3A_324 = tpu.vector_load %arg6[%get3A_322, %get3A_323] {strides = array<i32>} : memref<8x512xi32, #tpu.memory_space<vmem>>, vector<16xi32>,
    %gather3A_325 = tpu.vector_load_idx %arg8[%get3A_324] : memref<2048xf32, #tpu.memory_space<vmem>>[vector<16xi32>], vector<16xf32>,
    %add3A_326 = arith.addf %broadcast_in_dim3A_320, %gather3A_325 : vector<16xf32>
    %get3A_327 = arith.constant 1 : i32
    %get3A_328 = arith.index_cast %get3A_327 : i32 to index
    %get3A_329 = arith.constant 64 : index
    %get3A_330 = tpu.vector_load %arg6[%get3A_328, %get3A_329] {strides = array<i32>} : memref<8x512xi32, #tpu.memory_space<vmem>>, vector<16xi32>,
    %gather3A_331 = tpu.vector_load_idx %arg8[%get3A_330] : memref<2048xf32, #tpu.memory_space<vmem>>[vector<16xi32>], vector<16xf32>,
    %add3A_332 = arith.addf %add3A_326, %gather3A_331 : vector<16xf32>
    %get3A_333 = arith.constant 2 : i32
    %get3A_334 = arith.index_cast %get3A_333 : i32 to index
    %get3A_335 = arith.constant 64 : index
    %get3A_336 = tpu.vector_load %arg6[%get3A_334, %get3A_335] {strides = array<i32>} : memref<8x512xi32, #tpu.memory_space<vmem>>, vector<16xi32>,
    %gather3A_337 = tpu.vector_load_idx %arg8[%get3A_336] : memref<2048xf32, #tpu.memory_space<vmem>>[vector<16xi32>], vector<16xf32>,
    %add3A_338 = arith.addf %add3A_332, %gather3A_337 : vector<16xf32>
    %get3A_339 = arith.constant 3 : i32
    %get3A_340 = arith.index_cast %get3A_339 : i32 to index
    %get3A_341 = arith.constant 64 : index
    %get3A_342 = tpu.vector_load %arg6[%get3A_340, %get3A_341] {strides = array<i32>} : memref<8x512xi32, #tpu.memory_space<vmem>>, vector<16xi32>,
    %gather3A_343 = tpu.vector_load_idx %arg8[%get3A_342] : memref<2048xf32, #tpu.memory_space<vmem>>[vector<16xi32>], vector<16xf32>,
    %add3A_344 = arith.addf %add3A_338, %gather3A_343 : vector<16xf32>
    %get3A_345 = arith.constant 4 : i32
    %get3A_346 = arith.index_cast %get3A_345 : i32 to index
    %get3A_347 = arith.constant 64 : index
    %get3A_348 = tpu.vector_load %arg6[%get3A_346, %get3A_347] {strides = array<i32>} : memref<8x512xi32, #tpu.memory_space<vmem>>, vector<16xi32>,
    %gather3A_349 = tpu.vector_load_idx %arg8[%get3A_348] : memref<2048xf32, #tpu.memory_space<vmem>>[vector<16xi32>], vector<16xf32>,
    %add3A_350 = arith.addf %add3A_344, %gather3A_349 : vector<16xf32>
    %get3A_351 = arith.constant 5 : i32
    %get3A_352 = arith.index_cast %get3A_351 : i32 to index
    %get3A_353 = arith.constant 64 : index
    %get3A_354 = tpu.vector_load %arg6[%get3A_352, %get3A_353] {strides = array<i32>} : memref<8x512xi32, #tpu.memory_space<vmem>>, vector<16xi32>,
    %gather3A_355 = tpu.vector_load_idx %arg8[%get3A_354] : memref<2048xf32, #tpu.memory_space<vmem>>[vector<16xi32>], vector<16xf32>,
    %add3A_356 = arith.addf %add3A_350, %gather3A_355 : vector<16xf32>
    %get3A_357 = arith.constant 6 : i32
    %get3A_358 = arith.index_cast %get3A_357 : i32 to index
    %get3A_359 = arith.constant 64 : index
    %get3A_360 = tpu.vector_load %arg6[%get3A_358, %get3A_359] {strides = array<i32>} : memref<8x512xi32, #tpu.memory_space<vmem>>, vector<16xi32>,
    %gather3A_361 = tpu.vector_load_idx %arg8[%get3A_360] : memref<2048xf32, #tpu.memory_space<vmem>>[vector<16xi32>], vector<16xf32>,
    %add3A_362 = arith.addf %add3A_356, %gather3A_361 : vector<16xf32>
    %get3A_363 = arith.constant 7 : i32
    %get3A_364 = arith.index_cast %get3A_363 : i32 to index
    %get3A_365 = arith.constant 64 : index
    %get3A_366 = tpu.vector_load %arg6[%get3A_364, %get3A_365] {strides = array<i32>} : memref<8x512xi32, #tpu.memory_space<vmem>>, vector<16xi32>,
    %gather3A_367 = tpu.vector_load_idx %arg8[%get3A_366] : memref<2048xf32, #tpu.memory_space<vmem>>[vector<16xi32>], vector<16xf32>,
    %add3A_368 = arith.addf %add3A_362, %gather3A_367 : vector<16xf32>
    %get3A_369 = arith.constant 0 : i32
    %get3A_370 = arith.index_cast %get3A_369 : i32 to index
    %get3A_371 = arith.constant 64 : index
    %get3A_372 = tpu.vector_load %arg7[%get3A_370, %get3A_371] {strides = array<i32>} : memref<2x512xf32, #tpu.memory_space<vmem>>, vector<16xf32>,
    %max3A_373 = arith.maximumf %get3A_372, %broadcast_in_dim3A_5 : vector<16xf32>
    %bitcast3A_374 = vector.bitcast %max3A_373 : vector<16xf32> to vector<16xi32>
    %shift_right_arithmetic3A_375 = arith.constant 1 : i32
    %shift_right_arithmetic3A_376 = vector.broadcast %shift_right_arithmetic3A_375 : i32 to vector<16xi32>
    %shift_right_arithmetic3A_377 = arith.shrsi %bitcast3A_374, %shift_right_arithmetic3A_376 : vector<16xi32>
    %add3A_378 = arith.addi %shift_right_arithmetic3A_377, %broadcast_in_dim3A_7 : vector<16xi32>
    %bitcast3A_379 = vector.bitcast %add3A_378 : vector<16xi32> to vector<16xf32>
    %div3A_380 = arith.divf %max3A_373, %bitcast3A_379 : vector<16xf32>
    %add3A_381 = arith.addf %bitcast3A_379, %div3A_380 : vector<16xf32>
    %mul3A_382 = arith.mulf %broadcast_in_dim3A_3, %add3A_381 : vector<16xf32>
    %div3A_383 = arith.divf %max3A_373, %mul3A_382 : vector<16xf32>
    %add3A_384 = arith.addf %mul3A_382, %div3A_383 : vector<16xf32>
    %mul3A_385 = arith.mulf %broadcast_in_dim3A_3, %add3A_384 : vector<16xf32>
    %div3A_386 = arith.divf %max3A_373, %mul3A_385 : vector<16xf32>
    %add3A_387 = arith.addf %mul3A_385, %div3A_386 : vector<16xf32>
    %mul3A_388 = arith.mulf %broadcast_in_dim3A_3, %add3A_387 : vector<16xf32>
    %mul3A_389 = arith.mulf %broadcast_in_dim3A_3, %add3A_368 : vector<16xf32>
    %get3A_390 = arith.constant 1 : i32
    %get3A_391 = arith.index_cast %get3A_390 : i32 to index
    %get3A_392 = arith.constant 64 : index
    %get3A_393 = tpu.vector_load %arg7[%get3A_391, %get3A_392] {strides = array<i32>} : memref<2x512xf32, #tpu.memory_space<vmem>>, vector<16xf32>,
    %sub3A_394 = arith.subf %mul3A_389, %get3A_393 : vector<16xf32>
    %abs3A_395 = math.absf %sub3A_394 : vector<16xf32>
    %add3A_396 = arith.addf %mul3A_388, %abs3A_395 : vector<16xf32>
    %swap3A_397 = arith.constant 64 : index
    %swap3A_398 = tpu.vector_load %arg9[%swap3A_397] {strides = array<i32>} : memref<512xf32, #tpu.memory_space<vmem>>, vector<16xf32>,
    tpu.vector_store %arg9[%swap3A_397], %add3A_396 {strides = array<i32>} : memref<512xf32, #tpu.memory_space<vmem>>, vector<16xf32>,
    %broadcast_in_dim3A_399 = arith.constant 0.000000e+00 : f32
    %broadcast_in_dim3A_400 = vector.broadcast %broadcast_in_dim3A_399 : f32 to vector<16xf32>
    %get3A_401 = arith.constant 0 : i32
    %get3A_402 = arith.index_cast %get3A_401 : i32 to index
    %get3A_403 = arith.constant 80 : index
    %get3A_404 = tpu.vector_load %arg6[%get3A_402, %get3A_403] {strides = array<i32>} : memref<8x512xi32, #tpu.memory_space<vmem>>, vector<16xi32>,
    %gather3A_405 = tpu.vector_load_idx %arg8[%get3A_404] : memref<2048xf32, #tpu.memory_space<vmem>>[vector<16xi32>], vector<16xf32>,
    %add3A_406 = arith.addf %broadcast_in_dim3A_400, %gather3A_405 : vector<16xf32>
    %get3A_407 = arith.constant 1 : i32
    %get3A_408 = arith.index_cast %get3A_407 : i32 to index
    %get3A_409 = arith.constant 80 : index
    %get3A_410 = tpu.vector_load %arg6[%get3A_408, %get3A_409] {strides = array<i32>} : memref<8x512xi32, #tpu.memory_space<vmem>>, vector<16xi32>,
    %gather3A_411 = tpu.vector_load_idx %arg8[%get3A_410] : memref<2048xf32, #tpu.memory_space<vmem>>[vector<16xi32>], vector<16xf32>,
    %add3A_412 = arith.addf %add3A_406, %gather3A_411 : vector<16xf32>
    %get3A_413 = arith.constant 2 : i32
    %get3A_414 = arith.index_cast %get3A_413 : i32 to index
    %get3A_415 = arith.constant 80 : index
    %get3A_416 = tpu.vector_load %arg6[%get3A_414, %get3A_415] {strides = array<i32>} : memref<8x512xi32, #tpu.memory_space<vmem>>, vector<16xi32>,
    %gather3A_417 = tpu.vector_load_idx %arg8[%get3A_416] : memref<2048xf32, #tpu.memory_space<vmem>>[vector<16xi32>], vector<16xf32>,
    %add3A_418 = arith.addf %add3A_412, %gather3A_417 : vector<16xf32>
    %get3A_419 = arith.constant 3 : i32
    %get3A_420 = arith.index_cast %get3A_419 : i32 to index
    %get3A_421 = arith.constant 80 : index
    %get3A_422 = tpu.vector_load %arg6[%get3A_420, %get3A_421] {strides = array<i32>} : memref<8x512xi32, #tpu.memory_space<vmem>>, vector<16xi32>,
    %gather3A_423 = tpu.vector_load_idx %arg8[%get3A_422] : memref<2048xf32, #tpu.memory_space<vmem>>[vector<16xi32>], vector<16xf32>,
    %add3A_424 = arith.addf %add3A_418, %gather3A_423 : vector<16xf32>
    %get3A_425 = arith.constant 4 : i32
    %get3A_426 = arith.index_cast %get3A_425 : i32 to index
    %get3A_427 = arith.constant 80 : index
    %get3A_428 = tpu.vector_load %arg6[%get3A_426, %get3A_427] {strides = array<i32>} : memref<8x512xi32, #tpu.memory_space<vmem>>, vector<16xi32>,
    %gather3A_429 = tpu.vector_load_idx %arg8[%get3A_428] : memref<2048xf32, #tpu.memory_space<vmem>>[vector<16xi32>], vector<16xf32>,
    %add3A_430 = arith.addf %add3A_424, %gather3A_429 : vector<16xf32>
    %get3A_431 = arith.constant 5 : i32
    %get3A_432 = arith.index_cast %get3A_431 : i32 to index
    %get3A_433 = arith.constant 80 : index
    %get3A_434 = tpu.vector_load %arg6[%get3A_432, %get3A_433] {strides = array<i32>} : memref<8x512xi32, #tpu.memory_space<vmem>>, vector<16xi32>,
    %gather3A_435 = tpu.vector_load_idx %arg8[%get3A_434] : memref<2048xf32, #tpu.memory_space<vmem>>[vector<16xi32>], vector<16xf32>,
    %add3A_436 = arith.addf %add3A_430, %gather3A_435 : vector<16xf32>
    %get3A_437 = arith.constant 6 : i32
    %get3A_438 = arith.index_cast %get3A_437 : i32 to index
    %get3A_439 = arith.constant 80 : index
    %get3A_440 = tpu.vector_load %arg6[%get3A_438, %get3A_439] {strides = array<i32>} : memref<8x512xi32, #tpu.memory_space<vmem>>, vector<16xi32>,
    %gather3A_441 = tpu.vector_load_idx %arg8[%get3A_440] : memref<2048xf32, #tpu.memory_space<vmem>>[vector<16xi32>], vector<16xf32>,
    %add3A_442 = arith.addf %add3A_436, %gather3A_441 : vector<16xf32>
    %get3A_443 = arith.constant 7 : i32
    %get3A_444 = arith.index_cast %get3A_443 : i32 to index
    %get3A_445 = arith.constant 80 : index
    %get3A_446 = tpu.vector_load %arg6[%get3A_444, %get3A_445] {strides = array<i32>} : memref<8x512xi32, #tpu.memory_space<vmem>>, vector<16xi32>,
    %gather3A_447 = tpu.vector_load_idx %arg8[%get3A_446] : memref<2048xf32, #tpu.memory_space<vmem>>[vector<16xi32>], vector<16xf32>,
    %add3A_448 = arith.addf %add3A_442, %gather3A_447 : vector<16xf32>
    %get3A_449 = arith.constant 0 : i32
    %get3A_450 = arith.index_cast %get3A_449 : i32 to index
    %get3A_451 = arith.constant 80 : index
    %get3A_452 = tpu.vector_load %arg7[%get3A_450, %get3A_451] {strides = array<i32>} : memref<2x512xf32, #tpu.memory_space<vmem>>, vector<16xf32>,
    %max3A_453 = arith.maximumf %get3A_452, %broadcast_in_dim3A_5 : vector<16xf32>
    %bitcast3A_454 = vector.bitcast %max3A_453 : vector<16xf32> to vector<16xi32>
    %shift_right_arithmetic3A_455 = arith.constant 1 : i32
    %shift_right_arithmetic3A_456 = vector.broadcast %shift_right_arithmetic3A_455 : i32 to vector<16xi32>
    %shift_right_arithmetic3A_457 = arith.shrsi %bitcast3A_454, %shift_right_arithmetic3A_456 : vector<16xi32>
    %add3A_458 = arith.addi %shift_right_arithmetic3A_457, %broadcast_in_dim3A_7 : vector<16xi32>
    %bitcast3A_459 = vector.bitcast %add3A_458 : vector<16xi32> to vector<16xf32>
    %div3A_460 = arith.divf %max3A_453, %bitcast3A_459 : vector<16xf32>
    %add3A_461 = arith.addf %bitcast3A_459, %div3A_460 : vector<16xf32>
    %mul3A_462 = arith.mulf %broadcast_in_dim3A_3, %add3A_461 : vector<16xf32>
    %div3A_463 = arith.divf %max3A_453, %mul3A_462 : vector<16xf32>
    %add3A_464 = arith.addf %mul3A_462, %div3A_463 : vector<16xf32>
    %mul3A_465 = arith.mulf %broadcast_in_dim3A_3, %add3A_464 : vector<16xf32>
    %div3A_466 = arith.divf %max3A_453, %mul3A_465 : vector<16xf32>
    %add3A_467 = arith.addf %mul3A_465, %div3A_466 : vector<16xf32>
    %mul3A_468 = arith.mulf %broadcast_in_dim3A_3, %add3A_467 : vector<16xf32>
    %mul3A_469 = arith.mulf %broadcast_in_dim3A_3, %add3A_448 : vector<16xf32>
    %get3A_470 = arith.constant 1 : i32
    %get3A_471 = arith.index_cast %get3A_470 : i32 to index
    %get3A_472 = arith.constant 80 : index
    %get3A_473 = tpu.vector_load %arg7[%get3A_471, %get3A_472] {strides = array<i32>} : memref<2x512xf32, #tpu.memory_space<vmem>>, vector<16xf32>,
    %sub3A_474 = arith.subf %mul3A_469, %get3A_473 : vector<16xf32>
    %abs3A_475 = math.absf %sub3A_474 : vector<16xf32>
    %add3A_476 = arith.addf %mul3A_468, %abs3A_475 : vector<16xf32>
    %swap3A_477 = arith.constant 80 : index
    %swap3A_478 = tpu.vector_load %arg9[%swap3A_477] {strides = array<i32>} : memref<512xf32, #tpu.memory_space<vmem>>, vector<16xf32>,
    tpu.vector_store %arg9[%swap3A_477], %add3A_476 {strides = array<i32>} : memref<512xf32, #tpu.memory_space<vmem>>, vector<16xf32>,
    %broadcast_in_dim3A_479 = arith.constant 0.000000e+00 : f32
    %broadcast_in_dim3A_480 = vector.broadcast %broadcast_in_dim3A_479 : f32 to vector<16xf32>
    %get3A_481 = arith.constant 0 : i32
    %get3A_482 = arith.index_cast %get3A_481 : i32 to index
    %get3A_483 = arith.constant 96 : index
    %get3A_484 = tpu.vector_load %arg6[%get3A_482, %get3A_483] {strides = array<i32>} : memref<8x512xi32, #tpu.memory_space<vmem>>, vector<16xi32>,
    %gather3A_485 = tpu.vector_load_idx %arg8[%get3A_484] : memref<2048xf32, #tpu.memory_space<vmem>>[vector<16xi32>], vector<16xf32>,
    %add3A_486 = arith.addf %broadcast_in_dim3A_480, %gather3A_485 : vector<16xf32>
    %get3A_487 = arith.constant 1 : i32
    %get3A_488 = arith.index_cast %get3A_487 : i32 to index
    %get3A_489 = arith.constant 96 : index
    %get3A_490 = tpu.vector_load %arg6[%get3A_488, %get3A_489] {strides = array<i32>} : memref<8x512xi32, #tpu.memory_space<vmem>>, vector<16xi32>,
    %gather3A_491 = tpu.vector_load_idx %arg8[%get3A_490] : memref<2048xf32, #tpu.memory_space<vmem>>[vector<16xi32>], vector<16xf32>,
    %add3A_492 = arith.addf %add3A_486, %gather3A_491 : vector<16xf32>
    %get3A_493 = arith.constant 2 : i32
    %get3A_494 = arith.index_cast %get3A_493 : i32 to index
    %get3A_495 = arith.constant 96 : index
    %get3A_496 = tpu.vector_load %arg6[%get3A_494, %get3A_495] {strides = array<i32>} : memref<8x512xi32, #tpu.memory_space<vmem>>, vector<16xi32>,
    %gather3A_497 = tpu.vector_load_idx %arg8[%get3A_496] : memref<2048xf32, #tpu.memory_space<vmem>>[vector<16xi32>], vector<16xf32>,
    %add3A_498 = arith.addf %add3A_492, %gather3A_497 : vector<16xf32>
    %get3A_499 = arith.constant 3 : i32
    %get3A_500 = arith.index_cast %get3A_499 : i32 to index
    %get3A_501 = arith.constant 96 : index
    %get3A_502 = tpu.vector_load %arg6[%get3A_500, %get3A_501] {strides = array<i32>} : memref<8x512xi32, #tpu.memory_space<vmem>>, vector<16xi32>,
    %gather3A_503 = tpu.vector_load_idx %arg8[%get3A_502] : memref<2048xf32, #tpu.memory_space<vmem>>[vector<16xi32>], vector<16xf32>,
    %add3A_504 = arith.addf %add3A_498, %gather3A_503 : vector<16xf32>
    %get3A_505 = arith.constant 4 : i32
    %get3A_506 = arith.index_cast %get3A_505 : i32 to index
    %get3A_507 = arith.constant 96 : index
    %get3A_508 = tpu.vector_load %arg6[%get3A_506, %get3A_507] {strides = array<i32>} : memref<8x512xi32, #tpu.memory_space<vmem>>, vector<16xi32>,
    %gather3A_509 = tpu.vector_load_idx %arg8[%get3A_508] : memref<2048xf32, #tpu.memory_space<vmem>>[vector<16xi32>], vector<16xf32>,
    %add3A_510 = arith.addf %add3A_504, %gather3A_509 : vector<16xf32>
    %get3A_511 = arith.constant 5 : i32
    %get3A_512 = arith.index_cast %get3A_511 : i32 to index
    %get3A_513 = arith.constant 96 : index
    %get3A_514 = tpu.vector_load %arg6[%get3A_512, %get3A_513] {strides = array<i32>} : memref<8x512xi32, #tpu.memory_space<vmem>>, vector<16xi32>,
    %gather3A_515 = tpu.vector_load_idx %arg8[%get3A_514] : memref<2048xf32, #tpu.memory_space<vmem>>[vector<16xi32>], vector<16xf32>,
    %add3A_516 = arith.addf %add3A_510, %gather3A_515 : vector<16xf32>
    %get3A_517 = arith.constant 6 : i32
    %get3A_518 = arith.index_cast %get3A_517 : i32 to index
    %get3A_519 = arith.constant 96 : index
    %get3A_520 = tpu.vector_load %arg6[%get3A_518, %get3A_519] {strides = array<i32>} : memref<8x512xi32, #tpu.memory_space<vmem>>, vector<16xi32>,
    %gather3A_521 = tpu.vector_load_idx %arg8[%get3A_520] : memref<2048xf32, #tpu.memory_space<vmem>>[vector<16xi32>], vector<16xf32>,
    %add3A_522 = arith.addf %add3A_516, %gather3A_521 : vector<16xf32>
    %get3A_523 = arith.constant 7 : i32
    %get3A_524 = arith.index_cast %get3A_523 : i32 to index
    %get3A_525 = arith.constant 96 : index
    %get3A_526 = tpu.vector_load %arg6[%get3A_524, %get3A_525] {strides = array<i32>} : memref<8x512xi32, #tpu.memory_space<vmem>>, vector<16xi32>,
    %gather3A_527 = tpu.vector_load_idx %arg8[%get3A_526] : memref<2048xf32, #tpu.memory_space<vmem>>[vector<16xi32>], vector<16xf32>,
    %add3A_528 = arith.addf %add3A_522, %gather3A_527 : vector<16xf32>
    %get3A_529 = arith.constant 0 : i32
    %get3A_530 = arith.index_cast %get3A_529 : i32 to index
    %get3A_531 = arith.constant 96 : index
    %get3A_532 = tpu.vector_load %arg7[%get3A_530, %get3A_531] {strides = array<i32>} : memref<2x512xf32, #tpu.memory_space<vmem>>, vector<16xf32>,
    %max3A_533 = arith.maximumf %get3A_532, %broadcast_in_dim3A_5 : vector<16xf32>
    %bitcast3A_534 = vector.bitcast %max3A_533 : vector<16xf32> to vector<16xi32>
    %shift_right_arithmetic3A_535 = arith.constant 1 : i32
    %shift_right_arithmetic3A_536 = vector.broadcast %shift_right_arithmetic3A_535 : i32 to vector<16xi32>
    %shift_right_arithmetic3A_537 = arith.shrsi %bitcast3A_534, %shift_right_arithmetic3A_536 : vector<16xi32>
    %add3A_538 = arith.addi %shift_right_arithmetic3A_537, %broadcast_in_dim3A_7 : vector<16xi32>
    %bitcast3A_539 = vector.bitcast %add3A_538 : vector<16xi32> to vector<16xf32>
    %div3A_540 = arith.divf %max3A_533, %bitcast3A_539 : vector<16xf32>
    %add3A_541 = arith.addf %bitcast3A_539, %div3A_540 : vector<16xf32>
    %mul3A_542 = arith.mulf %broadcast_in_dim3A_3, %add3A_541 : vector<16xf32>
    %div3A_543 = arith.divf %max3A_533, %mul3A_542 : vector<16xf32>
    %add3A_544 = arith.addf %mul3A_542, %div3A_543 : vector<16xf32>
    %mul3A_545 = arith.mulf %broadcast_in_dim3A_3, %add3A_544 : vector<16xf32>
    %div3A_546 = arith.divf %max3A_533, %mul3A_545 : vector<16xf32>
    %add3A_547 = arith.addf %mul3A_545, %div3A_546 : vector<16xf32>
    %mul3A_548 = arith.mulf %broadcast_in_dim3A_3, %add3A_547 : vector<16xf32>
    %mul3A_549 = arith.mulf %broadcast_in_dim3A_3, %add3A_528 : vector<16xf32>
    %get3A_550 = arith.constant 1 : i32
    %get3A_551 = arith.index_cast %get3A_550 : i32 to index
    %get3A_552 = arith.constant 96 : index
    %get3A_553 = tpu.vector_load %arg7[%get3A_551, %get3A_552] {strides = array<i32>} : memref<2x512xf32, #tpu.memory_space<vmem>>, vector<16xf32>,
    %sub3A_554 = arith.subf %mul3A_549, %get3A_553 : vector<16xf32>
    %abs3A_555 = math.absf %sub3A_554 : vector<16xf32>
    %add3A_556 = arith.addf %mul3A_548, %abs3A_555 : vector<16xf32>
    %swap3A_557 = arith.constant 96 : index
    %swap3A_558 = tpu.vector_load %arg9[%swap3A_557] {strides = array<i32>} : memref<512xf32, #tpu.memory_space<vmem>>, vector<16xf32>,
    tpu.vector_store %arg9[%swap3A_557], %add3A_556 {strides = array<i32>} : memref<512xf32, #tpu.memory_space<vmem>>, vector<16xf32>,
    %broadcast_in_dim3A_559 = arith.constant 0.000000e+00 : f32
    %broadcast_in_dim3A_560 = vector.broadcast %broadcast_in_dim3A_559 : f32 to vector<16xf32>
    %get3A_561 = arith.constant 0 : i32
    %get3A_562 = arith.index_cast %get3A_561 : i32 to index
    %get3A_563 = arith.constant 112 : index
    %get3A_564 = tpu.vector_load %arg6[%get3A_562, %get3A_563] {strides = array<i32>} : memref<8x512xi32, #tpu.memory_space<vmem>>, vector<16xi32>,
    %gather3A_565 = tpu.vector_load_idx %arg8[%get3A_564] : memref<2048xf32, #tpu.memory_space<vmem>>[vector<16xi32>], vector<16xf32>,
    %add3A_566 = arith.addf %broadcast_in_dim3A_560, %gather3A_565 : vector<16xf32>
    %get3A_567 = arith.constant 1 : i32
    %get3A_568 = arith.index_cast %get3A_567 : i32 to index
    %get3A_569 = arith.constant 112 : index
    %get3A_570 = tpu.vector_load %arg6[%get3A_568, %get3A_569] {strides = array<i32>} : memref<8x512xi32, #tpu.memory_space<vmem>>, vector<16xi32>,
    %gather3A_571 = tpu.vector_load_idx %arg8[%get3A_570] : memref<2048xf32, #tpu.memory_space<vmem>>[vector<16xi32>], vector<16xf32>,
    %add3A_572 = arith.addf %add3A_566, %gather3A_571 : vector<16xf32>
    %get3A_573 = arith.constant 2 : i32
    %get3A_574 = arith.index_cast %get3A_573 : i32 to index
    %get3A_575 = arith.constant 112 : index
    %get3A_576 = tpu.vector_load %arg6[%get3A_574, %get3A_575] {strides = array<i32>} : memref<8x512xi32, #tpu.memory_space<vmem>>, vector<16xi32>,
    %gather3A_577 = tpu.vector_load_idx %arg8[%get3A_576] : memref<2048xf32, #tpu.memory_space<vmem>>[vector<16xi32>], vector<16xf32>,
    %add3A_578 = arith.addf %add3A_572, %gather3A_577 : vector<16xf32>
    %get3A_579 = arith.constant 3 : i32
    %get3A_580 = arith.index_cast %get3A_579 : i32 to index
    %get3A_581 = arith.constant 112 : index
    %get3A_582 = tpu.vector_load %arg6[%get3A_580, %get3A_581] {strides = array<i32>} : memref<8x512xi32, #tpu.memory_space<vmem>>, vector<16xi32>,
    %gather3A_583 = tpu.vector_load_idx %arg8[%get3A_582] : memref<2048xf32, #tpu.memory_space<vmem>>[vector<16xi32>], vector<16xf32>,
    %add3A_584 = arith.addf %add3A_578, %gather3A_583 : vector<16xf32>
    %get3A_585 = arith.constant 4 : i32
    %get3A_586 = arith.index_cast %get3A_585 : i32 to index
    %get3A_587 = arith.constant 112 : index
    %get3A_588 = tpu.vector_load %arg6[%get3A_586, %get3A_587] {strides = array<i32>} : memref<8x512xi32, #tpu.memory_space<vmem>>, vector<16xi32>,
    %gather3A_589 = tpu.vector_load_idx %arg8[%get3A_588] : memref<2048xf32, #tpu.memory_space<vmem>>[vector<16xi32>], vector<16xf32>,
    %add3A_590 = arith.addf %add3A_584, %gather3A_589 : vector<16xf32>
    %get3A_591 = arith.constant 5 : i32
    %get3A_592 = arith.index_cast %get3A_591 : i32 to index
    %get3A_593 = arith.constant 112 : index
    %get3A_594 = tpu.vector_load %arg6[%get3A_592, %get3A_593] {strides = array<i32>} : memref<8x512xi32, #tpu.memory_space<vmem>>, vector<16xi32>,
    %gather3A_595 = tpu.vector_load_idx %arg8[%get3A_594] : memref<2048xf32, #tpu.memory_space<vmem>>[vector<16xi32>], vector<16xf32>,
    %add3A_596 = arith.addf %add3A_590, %gather3A_595 : vector<16xf32>
    %get3A_597 = arith.constant 6 : i32
    %get3A_598 = arith.index_cast %get3A_597 : i32 to index
    %get3A_599 = arith.constant 112 : index
    %get3A_600 = tpu.vector_load %arg6[%get3A_598, %get3A_599] {strides = array<i32>} : memref<8x512xi32, #tpu.memory_space<vmem>>, vector<16xi32>,
    %gather3A_601 = tpu.vector_load_idx %arg8[%get3A_600] : memref<2048xf32, #tpu.memory_space<vmem>>[vector<16xi32>], vector<16xf32>,
    %add3A_602 = arith.addf %add3A_596, %gather3A_601 : vector<16xf32>
    %get3A_603 = arith.constant 7 : i32
    %get3A_604 = arith.index_cast %get3A_603 : i32 to index
    %get3A_605 = arith.constant 112 : index
    %get3A_606 = tpu.vector_load %arg6[%get3A_604, %get3A_605] {strides = array<i32>} : memref<8x512xi32, #tpu.memory_space<vmem>>, vector<16xi32>,
    %gather3A_607 = tpu.vector_load_idx %arg8[%get3A_606] : memref<2048xf32, #tpu.memory_space<vmem>>[vector<16xi32>], vector<16xf32>,
    %add3A_608 = arith.addf %add3A_602, %gather3A_607 : vector<16xf32>
    %get3A_609 = arith.constant 0 : i32
    %get3A_610 = arith.index_cast %get3A_609 : i32 to index
    %get3A_611 = arith.constant 112 : index
    %get3A_612 = tpu.vector_load %arg7[%get3A_610, %get3A_611] {strides = array<i32>} : memref<2x512xf32, #tpu.memory_space<vmem>>, vector<16xf32>,
    %max3A_613 = arith.maximumf %get3A_612, %broadcast_in_dim3A_5 : vector<16xf32>
    %bitcast3A_614 = vector.bitcast %max3A_613 : vector<16xf32> to vector<16xi32>
    %shift_right_arithmetic3A_615 = arith.constant 1 : i32
    %shift_right_arithmetic3A_616 = vector.broadcast %shift_right_arithmetic3A_615 : i32 to vector<16xi32>
    %shift_right_arithmetic3A_617 = arith.shrsi %bitcast3A_614, %shift_right_arithmetic3A_616 : vector<16xi32>
    %add3A_618 = arith.addi %shift_right_arithmetic3A_617, %broadcast_in_dim3A_7 : vector<16xi32>
    %bitcast3A_619 = vector.bitcast %add3A_618 : vector<16xi32> to vector<16xf32>
    %div3A_620 = arith.divf %max3A_613, %bitcast3A_619 : vector<16xf32>
    %add3A_621 = arith.addf %bitcast3A_619, %div3A_620 : vector<16xf32>
    %mul3A_622 = arith.mulf %broadcast_in_dim3A_3, %add3A_621 : vector<16xf32>
    %div3A_623 = arith.divf %max3A_613, %mul3A_622 : vector<16xf32>
    %add3A_624 = arith.addf %mul3A_622, %div3A_623 : vector<16xf32>
    %mul3A_625 = arith.mulf %broadcast_in_dim3A_3, %add3A_624 : vector<16xf32>
    %div3A_626 = arith.divf %max3A_613, %mul3A_625 : vector<16xf32>
    %add3A_627 = arith.addf %mul3A_625, %div3A_626 : vector<16xf32>
    %mul3A_628 = arith.mulf %broadcast_in_dim3A_3, %add3A_627 : vector<16xf32>
    %mul3A_629 = arith.mulf %broadcast_in_dim3A_3, %add3A_608 : vector<16xf32>
    %get3A_630 = arith.constant 1 : i32
    %get3A_631 = arith.index_cast %get3A_630 : i32 to index
    %get3A_632 = arith.constant 112 : index
    %get3A_633 = tpu.vector_load %arg7[%get3A_631, %get3A_632] {strides = array<i32>} : memref<2x512xf32, #tpu.memory_space<vmem>>, vector<16xf32>,
    %sub3A_634 = arith.subf %mul3A_629, %get3A_633 : vector<16xf32>
    %abs3A_635 = math.absf %sub3A_634 : vector<16xf32>
    %add3A_636 = arith.addf %mul3A_628, %abs3A_635 : vector<16xf32>
    %swap3A_637 = arith.constant 112 : index
    %swap3A_638 = tpu.vector_load %arg9[%swap3A_637] {strides = array<i32>} : memref<512xf32, #tpu.memory_space<vmem>>, vector<16xf32>,
    tpu.vector_store %arg9[%swap3A_637], %add3A_636 {strides = array<i32>} : memref<512xf32, #tpu.memory_space<vmem>>, vector<16xf32>,
    %broadcast_in_dim3A_639 = arith.constant 0.000000e+00 : f32
    %broadcast_in_dim3A_640 = vector.broadcast %broadcast_in_dim3A_639 : f32 to vector<16xf32>
    %get3A_641 = arith.constant 0 : i32
    %get3A_642 = arith.index_cast %get3A_641 : i32 to index
    %get3A_643 = arith.constant 128 : index
    %get3A_644 = tpu.vector_load %arg6[%get3A_642, %get3A_643] {strides = array<i32>} : memref<8x512xi32, #tpu.memory_space<vmem>>, vector<16xi32>,
    %gather3A_645 = tpu.vector_load_idx %arg8[%get3A_644] : memref<2048xf32, #tpu.memory_space<vmem>>[vector<16xi32>], vector<16xf32>,
    %add3A_646 = arith.addf %broadcast_in_dim3A_640, %gather3A_645 : vector<16xf32>
    %get3A_647 = arith.constant 1 : i32
    %get3A_648 = arith.index_cast %get3A_647 : i32 to index
    %get3A_649 = arith.constant 128 : index
    %get3A_650 = tpu.vector_load %arg6[%get3A_648, %get3A_649] {strides = array<i32>} : memref<8x512xi32, #tpu.memory_space<vmem>>, vector<16xi32>,
    %gather3A_651 = tpu.vector_load_idx %arg8[%get3A_650] : memref<2048xf32, #tpu.memory_space<vmem>>[vector<16xi32>], vector<16xf32>,
    %add3A_652 = arith.addf %add3A_646, %gather3A_651 : vector<16xf32>
    %get3A_653 = arith.constant 2 : i32
    %get3A_654 = arith.index_cast %get3A_653 : i32 to index
    %get3A_655 = arith.constant 128 : index
    %get3A_656 = tpu.vector_load %arg6[%get3A_654, %get3A_655] {strides = array<i32>} : memref<8x512xi32, #tpu.memory_space<vmem>>, vector<16xi32>,
    %gather3A_657 = tpu.vector_load_idx %arg8[%get3A_656] : memref<2048xf32, #tpu.memory_space<vmem>>[vector<16xi32>], vector<16xf32>,
    %add3A_658 = arith.addf %add3A_652, %gather3A_657 : vector<16xf32>
    %get3A_659 = arith.constant 3 : i32
    %get3A_660 = arith.index_cast %get3A_659 : i32 to index
    %get3A_661 = arith.constant 128 : index
    %get3A_662 = tpu.vector_load %arg6[%get3A_660, %get3A_661] {strides = array<i32>} : memref<8x512xi32, #tpu.memory_space<vmem>>, vector<16xi32>,
    %gather3A_663 = tpu.vector_load_idx %arg8[%get3A_662] : memref<2048xf32, #tpu.memory_space<vmem>>[vector<16xi32>], vector<16xf32>,
    %add3A_664 = arith.addf %add3A_658, %gather3A_663 : vector<16xf32>
    %get3A_665 = arith.constant 4 : i32
    %get3A_666 = arith.index_cast %get3A_665 : i32 to index
    %get3A_667 = arith.constant 128 : index
    %get3A_668 = tpu.vector_load %arg6[%get3A_666, %get3A_667] {strides = array<i32>} : memref<8x512xi32, #tpu.memory_space<vmem>>, vector<16xi32>,
    %gather3A_669 = tpu.vector_load_idx %arg8[%get3A_668] : memref<2048xf32, #tpu.memory_space<vmem>>[vector<16xi32>], vector<16xf32>,
    %add3A_670 = arith.addf %add3A_664, %gather3A_669 : vector<16xf32>
    %get3A_671 = arith.constant 5 : i32
    %get3A_672 = arith.index_cast %get3A_671 : i32 to index
    %get3A_673 = arith.constant 128 : index
    %get3A_674 = tpu.vector_load %arg6[%get3A_672, %get3A_673] {strides = array<i32>} : memref<8x512xi32, #tpu.memory_space<vmem>>, vector<16xi32>,
    %gather3A_675 = tpu.vector_load_idx %arg8[%get3A_674] : memref<2048xf32, #tpu.memory_space<vmem>>[vector<16xi32>], vector<16xf32>,
    %add3A_676 = arith.addf %add3A_670, %gather3A_675 : vector<16xf32>
    %get3A_677 = arith.constant 6 : i32
    %get3A_678 = arith.index_cast %get3A_677 : i32 to index
    %get3A_679 = arith.constant 128 : index
    %get3A_680 = tpu.vector_load %arg6[%get3A_678, %get3A_679] {strides = array<i32>} : memref<8x512xi32, #tpu.memory_space<vmem>>, vector<16xi32>,
    %gather3A_681 = tpu.vector_load_idx %arg8[%get3A_680] : memref<2048xf32, #tpu.memory_space<vmem>>[vector<16xi32>], vector<16xf32>,
    %add3A_682 = arith.addf %add3A_676, %gather3A_681 : vector<16xf32>
    %get3A_683 = arith.constant 7 : i32
    %get3A_684 = arith.index_cast %get3A_683 : i32 to index
    %get3A_685 = arith.constant 128 : index
    %get3A_686 = tpu.vector_load %arg6[%get3A_684, %get3A_685] {strides = array<i32>} : memref<8x512xi32, #tpu.memory_space<vmem>>, vector<16xi32>,
    %gather3A_687 = tpu.vector_load_idx %arg8[%get3A_686] : memref<2048xf32, #tpu.memory_space<vmem>>[vector<16xi32>], vector<16xf32>,
    %add3A_688 = arith.addf %add3A_682, %gather3A_687 : vector<16xf32>
    %get3A_689 = arith.constant 0 : i32
    %get3A_690 = arith.index_cast %get3A_689 : i32 to index
    %get3A_691 = arith.constant 128 : index
    %get3A_692 = tpu.vector_load %arg7[%get3A_690, %get3A_691] {strides = array<i32>} : memref<2x512xf32, #tpu.memory_space<vmem>>, vector<16xf32>,
    %max3A_693 = arith.maximumf %get3A_692, %broadcast_in_dim3A_5 : vector<16xf32>
    %bitcast3A_694 = vector.bitcast %max3A_693 : vector<16xf32> to vector<16xi32>
    %shift_right_arithmetic3A_695 = arith.constant 1 : i32
    %shift_right_arithmetic3A_696 = vector.broadcast %shift_right_arithmetic3A_695 : i32 to vector<16xi32>
    %shift_right_arithmetic3A_697 = arith.shrsi %bitcast3A_694, %shift_right_arithmetic3A_696 : vector<16xi32>
    %add3A_698 = arith.addi %shift_right_arithmetic3A_697, %broadcast_in_dim3A_7 : vector<16xi32>
    %bitcast3A_699 = vector.bitcast %add3A_698 : vector<16xi32> to vector<16xf32>
    %div3A_700 = arith.divf %max3A_693, %bitcast3A_699 : vector<16xf32>
    %add3A_701 = arith.addf %bitcast3A_699, %div3A_700 : vector<16xf32>
    %mul3A_702 = arith.mulf %broadcast_in_dim3A_3, %add3A_701 : vector<16xf32>
    %div3A_703 = arith.divf %max3A_693, %mul3A_702 : vector<16xf32>
    %add3A_704 = arith.addf %mul3A_702, %div3A_703 : vector<16xf32>
    %mul3A_705 = arith.mulf %broadcast_in_dim3A_3, %add3A_704 : vector<16xf32>
    %div3A_706 = arith.divf %max3A_693, %mul3A_705 : vector<16xf32>
    %add3A_707 = arith.addf %mul3A_705, %div3A_706 : vector<16xf32>
    %mul3A_708 = arith.mulf %broadcast_in_dim3A_3, %add3A_707 : vector<16xf32>
    %mul3A_709 = arith.mulf %broadcast_in_dim3A_3, %add3A_688 : vector<16xf32>
    %get3A_710 = arith.constant 1 : i32
    %get3A_711 = arith.index_cast %get3A_710 : i32 to index
    %get3A_712 = arith.constant 128 : index
    %get3A_713 = tpu.vector_load %arg7[%get3A_711, %get3A_712] {strides = array<i32>} : memref<2x512xf32, #tpu.memory_space<vmem>>, vector<16xf32>,
    %sub3A_714 = arith.subf %mul3A_709, %get3A_713 : vector<16xf32>
    %abs3A_715 = math.absf %sub3A_714 : vector<16xf32>
    %add3A_716 = arith.addf %mul3A_708, %abs3A_715 : vector<16xf32>
    %swap3A_717 = arith.constant 128 : index
    %swap3A_718 = tpu.vector_load %arg9[%swap3A_717] {strides = array<i32>} : memref<512xf32, #tpu.memory_space<vmem>>, vector<16xf32>,
    tpu.vector_store %arg9[%swap3A_717], %add3A_716 {strides = array<i32>} : memref<512xf32, #tpu.memory_space<vmem>>, vector<16xf32>,
    %broadcast_in_dim3A_719 = arith.constant 0.000000e+00 : f32
    %broadcast_in_dim3A_720 = vector.broadcast %broadcast_in_dim3A_719 : f32 to vector<16xf32>
    %get3A_721 = arith.constant 0 : i32
    %get3A_722 = arith.index_cast %get3A_721 : i32 to index
    %get3A_723 = arith.constant 144 : index
    %get3A_724 = tpu.vector_load %arg6[%get3A_722, %get3A_723] {strides = array<i32>} : memref<8x512xi32, #tpu.memory_space<vmem>>, vector<16xi32>,
    %gather3A_725 = tpu.vector_load_idx %arg8[%get3A_724] : memref<2048xf32, #tpu.memory_space<vmem>>[vector<16xi32>], vector<16xf32>,
    %add3A_726 = arith.addf %broadcast_in_dim3A_720, %gather3A_725 : vector<16xf32>
    %get3A_727 = arith.constant 1 : i32
    %get3A_728 = arith.index_cast %get3A_727 : i32 to index
    %get3A_729 = arith.constant 144 : index
    %get3A_730 = tpu.vector_load %arg6[%get3A_728, %get3A_729] {strides = array<i32>} : memref<8x512xi32, #tpu.memory_space<vmem>>, vector<16xi32>,
    %gather3A_731 = tpu.vector_load_idx %arg8[%get3A_730] : memref<2048xf32, #tpu.memory_space<vmem>>[vector<16xi32>], vector<16xf32>,
    %add3A_732 = arith.addf %add3A_726, %gather3A_731 : vector<16xf32>
    %get3A_733 = arith.constant 2 : i32
    %get3A_734 = arith.index_cast %get3A_733 : i32 to index
    %get3A_735 = arith.constant 144 : index
    %get3A_736 = tpu.vector_load %arg6[%get3A_734, %get3A_735] {strides = array<i32>} : memref<8x512xi32, #tpu.memory_space<vmem>>, vector<16xi32>,
    %gather3A_737 = tpu.vector_load_idx %arg8[%get3A_736] : memref<2048xf32, #tpu.memory_space<vmem>>[vector<16xi32>], vector<16xf32>,
    %add3A_738 = arith.addf %add3A_732, %gather3A_737 : vector<16xf32>
    %get3A_739 = arith.constant 3 : i32
    %get3A_740 = arith.index_cast %get3A_739 : i32 to index
    %get3A_741 = arith.constant 144 : index
    %get3A_742 = tpu.vector_load %arg6[%get3A_740, %get3A_741] {strides = array<i32>} : memref<8x512xi32, #tpu.memory_space<vmem>>, vector<16xi32>,
    %gather3A_743 = tpu.vector_load_idx %arg8[%get3A_742] : memref<2048xf32, #tpu.memory_space<vmem>>[vector<16xi32>], vector<16xf32>,
    %add3A_744 = arith.addf %add3A_738, %gather3A_743 : vector<16xf32>
    %get3A_745 = arith.constant 4 : i32
    %get3A_746 = arith.index_cast %get3A_745 : i32 to index
    %get3A_747 = arith.constant 144 : index
    %get3A_748 = tpu.vector_load %arg6[%get3A_746, %get3A_747] {strides = array<i32>} : memref<8x512xi32, #tpu.memory_space<vmem>>, vector<16xi32>,
    %gather3A_749 = tpu.vector_load_idx %arg8[%get3A_748] : memref<2048xf32, #tpu.memory_space<vmem>>[vector<16xi32>], vector<16xf32>,
    %add3A_750 = arith.addf %add3A_744, %gather3A_749 : vector<16xf32>
    %get3A_751 = arith.constant 5 : i32
    %get3A_752 = arith.index_cast %get3A_751 : i32 to index
    %get3A_753 = arith.constant 144 : index
    %get3A_754 = tpu.vector_load %arg6[%get3A_752, %get3A_753] {strides = array<i32>} : memref<8x512xi32, #tpu.memory_space<vmem>>, vector<16xi32>,
    %gather3A_755 = tpu.vector_load_idx %arg8[%get3A_754] : memref<2048xf32, #tpu.memory_space<vmem>>[vector<16xi32>], vector<16xf32>,
    %add3A_756 = arith.addf %add3A_750, %gather3A_755 : vector<16xf32>
    %get3A_757 = arith.constant 6 : i32
    %get3A_758 = arith.index_cast %get3A_757 : i32 to index
    %get3A_759 = arith.constant 144 : index
    %get3A_760 = tpu.vector_load %arg6[%get3A_758, %get3A_759] {strides = array<i32>} : memref<8x512xi32, #tpu.memory_space<vmem>>, vector<16xi32>,
    %gather3A_761 = tpu.vector_load_idx %arg8[%get3A_760] : memref<2048xf32, #tpu.memory_space<vmem>>[vector<16xi32>], vector<16xf32>,
    %add3A_762 = arith.addf %add3A_756, %gather3A_761 : vector<16xf32>
    %get3A_763 = arith.constant 7 : i32
    %get3A_764 = arith.index_cast %get3A_763 : i32 to index
    %get3A_765 = arith.constant 144 : index
    %get3A_766 = tpu.vector_load %arg6[%get3A_764, %get3A_765] {strides = array<i32>} : memref<8x512xi32, #tpu.memory_space<vmem>>, vector<16xi32>,
    %gather3A_767 = tpu.vector_load_idx %arg8[%get3A_766] : memref<2048xf32, #tpu.memory_space<vmem>>[vector<16xi32>], vector<16xf32>,
    %add3A_768 = arith.addf %add3A_762, %gather3A_767 : vector<16xf32>
    %get3A_769 = arith.constant 0 : i32
    %get3A_770 = arith.index_cast %get3A_769 : i32 to index
    %get3A_771 = arith.constant 144 : index
    %get3A_772 = tpu.vector_load %arg7[%get3A_770, %get3A_771] {strides = array<i32>} : memref<2x512xf32, #tpu.memory_space<vmem>>, vector<16xf32>,
    %max3A_773 = arith.maximumf %get3A_772, %broadcast_in_dim3A_5 : vector<16xf32>
    %bitcast3A_774 = vector.bitcast %max3A_773 : vector<16xf32> to vector<16xi32>
    %shift_right_arithmetic3A_775 = arith.constant 1 : i32
    %shift_right_arithmetic3A_776 = vector.broadcast %shift_right_arithmetic3A_775 : i32 to vector<16xi32>
    %shift_right_arithmetic3A_777 = arith.shrsi %bitcast3A_774, %shift_right_arithmetic3A_776 : vector<16xi32>
    %add3A_778 = arith.addi %shift_right_arithmetic3A_777, %broadcast_in_dim3A_7 : vector<16xi32>
    %bitcast3A_779 = vector.bitcast %add3A_778 : vector<16xi32> to vector<16xf32>
    %div3A_780 = arith.divf %max3A_773, %bitcast3A_779 : vector<16xf32>
    %add3A_781 = arith.addf %bitcast3A_779, %div3A_780 : vector<16xf32>
    %mul3A_782 = arith.mulf %broadcast_in_dim3A_3, %add3A_781 : vector<16xf32>
    %div3A_783 = arith.divf %max3A_773, %mul3A_782 : vector<16xf32>
    %add3A_784 = arith.addf %mul3A_782, %div3A_783 : vector<16xf32>
    %mul3A_785 = arith.mulf %broadcast_in_dim3A_3, %add3A_784 : vector<16xf32>
    %div3A_786 = arith.divf %max3A_773, %mul3A_785 : vector<16xf32>
    %add3A_787 = arith.addf %mul3A_785, %div3A_786 : vector<16xf32>
    %mul3A_788 = arith.mulf %broadcast_in_dim3A_3, %add3A_787 : vector<16xf32>
    %mul3A_789 = arith.mulf %broadcast_in_dim3A_3, %add3A_768 : vector<16xf32>
    %get3A_790 = arith.constant 1 : i32
    %get3A_791 = arith.index_cast %get3A_790 : i32 to index
    %get3A_792 = arith.constant 144 : index
    %get3A_793 = tpu.vector_load %arg7[%get3A_791, %get3A_792] {strides = array<i32>} : memref<2x512xf32, #tpu.memory_space<vmem>>, vector<16xf32>,
    %sub3A_794 = arith.subf %mul3A_789, %get3A_793 : vector<16xf32>
    %abs3A_795 = math.absf %sub3A_794 : vector<16xf32>
    %add3A_796 = arith.addf %mul3A_788, %abs3A_795 : vector<16xf32>
    %swap3A_797 = arith.constant 144 : index
    %swap3A_798 = tpu.vector_load %arg9[%swap3A_797] {strides = array<i32>} : memref<512xf32, #tpu.memory_space<vmem>>, vector<16xf32>,
    tpu.vector_store %arg9[%swap3A_797], %add3A_796 {strides = array<i32>} : memref<512xf32, #tpu.memory_space<vmem>>, vector<16xf32>,
    %broadcast_in_dim3A_799 = arith.constant 0.000000e+00 : f32
    %broadcast_in_dim3A_800 = vector.broadcast %broadcast_in_dim3A_799 : f32 to vector<16xf32>
    %get3A_801 = arith.constant 0 : i32
    %get3A_802 = arith.index_cast %get3A_801 : i32 to index
    %get3A_803 = arith.constant 160 : index
    %get3A_804 = tpu.vector_load %arg6[%get3A_802, %get3A_803] {strides = array<i32>} : memref<8x512xi32, #tpu.memory_space<vmem>>, vector<16xi32>,
    %gather3A_805 = tpu.vector_load_idx %arg8[%get3A_804] : memref<2048xf32, #tpu.memory_space<vmem>>[vector<16xi32>], vector<16xf32>,
    %add3A_806 = arith.addf %broadcast_in_dim3A_800, %gather3A_805 : vector<16xf32>
    %get3A_807 = arith.constant 1 : i32
    %get3A_808 = arith.index_cast %get3A_807 : i32 to index
    %get3A_809 = arith.constant 160 : index
    %get3A_810 = tpu.vector_load %arg6[%get3A_808, %get3A_809] {strides = array<i32>} : memref<8x512xi32, #tpu.memory_space<vmem>>, vector<16xi32>,
    %gather3A_811 = tpu.vector_load_idx %arg8[%get3A_810] : memref<2048xf32, #tpu.memory_space<vmem>>[vector<16xi32>], vector<16xf32>,
    %add3A_812 = arith.addf %add3A_806, %gather3A_811 : vector<16xf32>
    %get3A_813 = arith.constant 2 : i32
    %get3A_814 = arith.index_cast %get3A_813 : i32 to index
    %get3A_815 = arith.constant 160 : index
    %get3A_816 = tpu.vector_load %arg6[%get3A_814, %get3A_815] {strides = array<i32>} : memref<8x512xi32, #tpu.memory_space<vmem>>, vector<16xi32>,
    %gather3A_817 = tpu.vector_load_idx %arg8[%get3A_816] : memref<2048xf32, #tpu.memory_space<vmem>>[vector<16xi32>], vector<16xf32>,
    %add3A_818 = arith.addf %add3A_812, %gather3A_817 : vector<16xf32>
    %get3A_819 = arith.constant 3 : i32
    %get3A_820 = arith.index_cast %get3A_819 : i32 to index
    %get3A_821 = arith.constant 160 : index
    %get3A_822 = tpu.vector_load %arg6[%get3A_820, %get3A_821] {strides = array<i32>} : memref<8x512xi32, #tpu.memory_space<vmem>>, vector<16xi32>,
    %gather3A_823 = tpu.vector_load_idx %arg8[%get3A_822] : memref<2048xf32, #tpu.memory_space<vmem>>[vector<16xi32>], vector<16xf32>,
    %add3A_824 = arith.addf %add3A_818, %gather3A_823 : vector<16xf32>
    %get3A_825 = arith.constant 4 : i32
    %get3A_826 = arith.index_cast %get3A_825 : i32 to index
    %get3A_827 = arith.constant 160 : index
    %get3A_828 = tpu.vector_load %arg6[%get3A_826, %get3A_827] {strides = array<i32>} : memref<8x512xi32, #tpu.memory_space<vmem>>, vector<16xi32>,
    %gather3A_829 = tpu.vector_load_idx %arg8[%get3A_828] : memref<2048xf32, #tpu.memory_space<vmem>>[vector<16xi32>], vector<16xf32>,
    %add3A_830 = arith.addf %add3A_824, %gather3A_829 : vector<16xf32>
    %get3A_831 = arith.constant 5 : i32
    %get3A_832 = arith.index_cast %get3A_831 : i32 to index
    %get3A_833 = arith.constant 160 : index
    %get3A_834 = tpu.vector_load %arg6[%get3A_832, %get3A_833] {strides = array<i32>} : memref<8x512xi32, #tpu.memory_space<vmem>>, vector<16xi32>,
    %gather3A_835 = tpu.vector_load_idx %arg8[%get3A_834] : memref<2048xf32, #tpu.memory_space<vmem>>[vector<16xi32>], vector<16xf32>,
    %add3A_836 = arith.addf %add3A_830, %gather3A_835 : vector<16xf32>
    %get3A_837 = arith.constant 6 : i32
    %get3A_838 = arith.index_cast %get3A_837 : i32 to index
    %get3A_839 = arith.constant 160 : index
    %get3A_840 = tpu.vector_load %arg6[%get3A_838, %get3A_839] {strides = array<i32>} : memref<8x512xi32, #tpu.memory_space<vmem>>, vector<16xi32>,
    %gather3A_841 = tpu.vector_load_idx %arg8[%get3A_840] : memref<2048xf32, #tpu.memory_space<vmem>>[vector<16xi32>], vector<16xf32>,
    %add3A_842 = arith.addf %add3A_836, %gather3A_841 : vector<16xf32>
    %get3A_843 = arith.constant 7 : i32
    %get3A_844 = arith.index_cast %get3A_843 : i32 to index
    %get3A_845 = arith.constant 160 : index
    %get3A_846 = tpu.vector_load %arg6[%get3A_844, %get3A_845] {strides = array<i32>} : memref<8x512xi32, #tpu.memory_space<vmem>>, vector<16xi32>,
    %gather3A_847 = tpu.vector_load_idx %arg8[%get3A_846] : memref<2048xf32, #tpu.memory_space<vmem>>[vector<16xi32>], vector<16xf32>,
    %add3A_848 = arith.addf %add3A_842, %gather3A_847 : vector<16xf32>
    %get3A_849 = arith.constant 0 : i32
    %get3A_850 = arith.index_cast %get3A_849 : i32 to index
    %get3A_851 = arith.constant 160 : index
    %get3A_852 = tpu.vector_load %arg7[%get3A_850, %get3A_851] {strides = array<i32>} : memref<2x512xf32, #tpu.memory_space<vmem>>, vector<16xf32>,
    %max3A_853 = arith.maximumf %get3A_852, %broadcast_in_dim3A_5 : vector<16xf32>
    %bitcast3A_854 = vector.bitcast %max3A_853 : vector<16xf32> to vector<16xi32>
    %shift_right_arithmetic3A_855 = arith.constant 1 : i32
    %shift_right_arithmetic3A_856 = vector.broadcast %shift_right_arithmetic3A_855 : i32 to vector<16xi32>
    %shift_right_arithmetic3A_857 = arith.shrsi %bitcast3A_854, %shift_right_arithmetic3A_856 : vector<16xi32>
    %add3A_858 = arith.addi %shift_right_arithmetic3A_857, %broadcast_in_dim3A_7 : vector<16xi32>
    %bitcast3A_859 = vector.bitcast %add3A_858 : vector<16xi32> to vector<16xf32>
    %div3A_860 = arith.divf %max3A_853, %bitcast3A_859 : vector<16xf32>
    %add3A_861 = arith.addf %bitcast3A_859, %div3A_860 : vector<16xf32>
    %mul3A_862 = arith.mulf %broadcast_in_dim3A_3, %add3A_861 : vector<16xf32>
    %div3A_863 = arith.divf %max3A_853, %mul3A_862 : vector<16xf32>
    %add3A_864 = arith.addf %mul3A_862, %div3A_863 : vector<16xf32>
    %mul3A_865 = arith.mulf %broadcast_in_dim3A_3, %add3A_864 : vector<16xf32>
    %div3A_866 = arith.divf %max3A_853, %mul3A_865 : vector<16xf32>
    %add3A_867 = arith.addf %mul3A_865, %div3A_866 : vector<16xf32>
    %mul3A_868 = arith.mulf %broadcast_in_dim3A_3, %add3A_867 : vector<16xf32>
    %mul3A_869 = arith.mulf %broadcast_in_dim3A_3, %add3A_848 : vector<16xf32>
    %get3A_870 = arith.constant 1 : i32
    %get3A_871 = arith.index_cast %get3A_870 : i32 to index
    %get3A_872 = arith.constant 160 : index
    %get3A_873 = tpu.vector_load %arg7[%get3A_871, %get3A_872] {strides = array<i32>} : memref<2x512xf32, #tpu.memory_space<vmem>>, vector<16xf32>,
    %sub3A_874 = arith.subf %mul3A_869, %get3A_873 : vector<16xf32>
    %abs3A_875 = math.absf %sub3A_874 : vector<16xf32>
    %add3A_876 = arith.addf %mul3A_868, %abs3A_875 : vector<16xf32>
    %swap3A_877 = arith.constant 160 : index
    %swap3A_878 = tpu.vector_load %arg9[%swap3A_877] {strides = array<i32>} : memref<512xf32, #tpu.memory_space<vmem>>, vector<16xf32>,
    tpu.vector_store %arg9[%swap3A_877], %add3A_876 {strides = array<i32>} : memref<512xf32, #tpu.memory_space<vmem>>, vector<16xf32>,
    %broadcast_in_dim3A_879 = arith.constant 0.000000e+00 : f32
    %broadcast_in_dim3A_880 = vector.broadcast %broadcast_in_dim3A_879 : f32 to vector<16xf32>
    %get3A_881 = arith.constant 0 : i32
    %get3A_882 = arith.index_cast %get3A_881 : i32 to index
    %get3A_883 = arith.constant 176 : index
    %get3A_884 = tpu.vector_load %arg6[%get3A_882, %get3A_883] {strides = array<i32>} : memref<8x512xi32, #tpu.memory_space<vmem>>, vector<16xi32>,
    %gather3A_885 = tpu.vector_load_idx %arg8[%get3A_884] : memref<2048xf32, #tpu.memory_space<vmem>>[vector<16xi32>], vector<16xf32>,
    %add3A_886 = arith.addf %broadcast_in_dim3A_880, %gather3A_885 : vector<16xf32>
    %get3A_887 = arith.constant 1 : i32
    %get3A_888 = arith.index_cast %get3A_887 : i32 to index
    %get3A_889 = arith.constant 176 : index
    %get3A_890 = tpu.vector_load %arg6[%get3A_888, %get3A_889] {strides = array<i32>} : memref<8x512xi32, #tpu.memory_space<vmem>>, vector<16xi32>,
    %gather3A_891 = tpu.vector_load_idx %arg8[%get3A_890] : memref<2048xf32, #tpu.memory_space<vmem>>[vector<16xi32>], vector<16xf32>,
    %add3A_892 = arith.addf %add3A_886, %gather3A_891 : vector<16xf32>
    %get3A_893 = arith.constant 2 : i32
    %get3A_894 = arith.index_cast %get3A_893 : i32 to index
    %get3A_895 = arith.constant 176 : index
    %get3A_896 = tpu.vector_load %arg6[%get3A_894, %get3A_895] {strides = array<i32>} : memref<8x512xi32, #tpu.memory_space<vmem>>, vector<16xi32>,
    %gather3A_897 = tpu.vector_load_idx %arg8[%get3A_896] : memref<2048xf32, #tpu.memory_space<vmem>>[vector<16xi32>], vector<16xf32>,
    %add3A_898 = arith.addf %add3A_892, %gather3A_897 : vector<16xf32>
    %get3A_899 = arith.constant 3 : i32
    %get3A_900 = arith.index_cast %get3A_899 : i32 to index
    %get3A_901 = arith.constant 176 : index
    %get3A_902 = tpu.vector_load %arg6[%get3A_900, %get3A_901] {strides = array<i32>} : memref<8x512xi32, #tpu.memory_space<vmem>>, vector<16xi32>,
    %gather3A_903 = tpu.vector_load_idx %arg8[%get3A_902] : memref<2048xf32, #tpu.memory_space<vmem>>[vector<16xi32>], vector<16xf32>,
    %add3A_904 = arith.addf %add3A_898, %gather3A_903 : vector<16xf32>
    %get3A_905 = arith.constant 4 : i32
    %get3A_906 = arith.index_cast %get3A_905 : i32 to index
    %get3A_907 = arith.constant 176 : index
    %get3A_908 = tpu.vector_load %arg6[%get3A_906, %get3A_907] {strides = array<i32>} : memref<8x512xi32, #tpu.memory_space<vmem>>, vector<16xi32>,
    %gather3A_909 = tpu.vector_load_idx %arg8[%get3A_908] : memref<2048xf32, #tpu.memory_space<vmem>>[vector<16xi32>], vector<16xf32>,
    %add3A_910 = arith.addf %add3A_904, %gather3A_909 : vector<16xf32>
    %get3A_911 = arith.constant 5 : i32
    %get3A_912 = arith.index_cast %get3A_911 : i32 to index
    %get3A_913 = arith.constant 176 : index
    %get3A_914 = tpu.vector_load %arg6[%get3A_912, %get3A_913] {strides = array<i32>} : memref<8x512xi32, #tpu.memory_space<vmem>>, vector<16xi32>,
    %gather3A_915 = tpu.vector_load_idx %arg8[%get3A_914] : memref<2048xf32, #tpu.memory_space<vmem>>[vector<16xi32>], vector<16xf32>,
    %add3A_916 = arith.addf %add3A_910, %gather3A_915 : vector<16xf32>
    %get3A_917 = arith.constant 6 : i32
    %get3A_918 = arith.index_cast %get3A_917 : i32 to index
    %get3A_919 = arith.constant 176 : index
    %get3A_920 = tpu.vector_load %arg6[%get3A_918, %get3A_919] {strides = array<i32>} : memref<8x512xi32, #tpu.memory_space<vmem>>, vector<16xi32>,
    %gather3A_921 = tpu.vector_load_idx %arg8[%get3A_920] : memref<2048xf32, #tpu.memory_space<vmem>>[vector<16xi32>], vector<16xf32>,
    %add3A_922 = arith.addf %add3A_916, %gather3A_921 : vector<16xf32>
    %get3A_923 = arith.constant 7 : i32
    %get3A_924 = arith.index_cast %get3A_923 : i32 to index
    %get3A_925 = arith.constant 176 : index
    %get3A_926 = tpu.vector_load %arg6[%get3A_924, %get3A_925] {strides = array<i32>} : memref<8x512xi32, #tpu.memory_space<vmem>>, vector<16xi32>,
    %gather3A_927 = tpu.vector_load_idx %arg8[%get3A_926] : memref<2048xf32, #tpu.memory_space<vmem>>[vector<16xi32>], vector<16xf32>,
    %add3A_928 = arith.addf %add3A_922, %gather3A_927 : vector<16xf32>
    %get3A_929 = arith.constant 0 : i32
    %get3A_930 = arith.index_cast %get3A_929 : i32 to index
    %get3A_931 = arith.constant 176 : index
    %get3A_932 = tpu.vector_load %arg7[%get3A_930, %get3A_931] {strides = array<i32>} : memref<2x512xf32, #tpu.memory_space<vmem>>, vector<16xf32>,
    %max3A_933 = arith.maximumf %get3A_932, %broadcast_in_dim3A_5 : vector<16xf32>
    %bitcast3A_934 = vector.bitcast %max3A_933 : vector<16xf32> to vector<16xi32>
    %shift_right_arithmetic3A_935 = arith.constant 1 : i32
    %shift_right_arithmetic3A_936 = vector.broadcast %shift_right_arithmetic3A_935 : i32 to vector<16xi32>
    %shift_right_arithmetic3A_937 = arith.shrsi %bitcast3A_934, %shift_right_arithmetic3A_936 : vector<16xi32>
    %add3A_938 = arith.addi %shift_right_arithmetic3A_937, %broadcast_in_dim3A_7 : vector<16xi32>
    %bitcast3A_939 = vector.bitcast %add3A_938 : vector<16xi32> to vector<16xf32>
    %div3A_940 = arith.divf %max3A_933, %bitcast3A_939 : vector<16xf32>
    %add3A_941 = arith.addf %bitcast3A_939, %div3A_940 : vector<16xf32>
    %mul3A_942 = arith.mulf %broadcast_in_dim3A_3, %add3A_941 : vector<16xf32>
    %div3A_943 = arith.divf %max3A_933, %mul3A_942 : vector<16xf32>
    %add3A_944 = arith.addf %mul3A_942, %div3A_943 : vector<16xf32>
    %mul3A_945 = arith.mulf %broadcast_in_dim3A_3, %add3A_944 : vector<16xf32>
    %div3A_946 = arith.divf %max3A_933, %mul3A_945 : vector<16xf32>
    %add3A_947 = arith.addf %mul3A_945, %div3A_946 : vector<16xf32>
    %mul3A_948 = arith.mulf %broadcast_in_dim3A_3, %add3A_947 : vector<16xf32>
    %mul3A_949 = arith.mulf %broadcast_in_dim3A_3, %add3A_928 : vector<16xf32>
    %get3A_950 = arith.constant 1 : i32
    %get3A_951 = arith.index_cast %get3A_950 : i32 to index
    %get3A_952 = arith.constant 176 : index
    %get3A_953 = tpu.vector_load %arg7[%get3A_951, %get3A_952] {strides = array<i32>} : memref<2x512xf32, #tpu.memory_space<vmem>>, vector<16xf32>,
    %sub3A_954 = arith.subf %mul3A_949, %get3A_953 : vector<16xf32>
    %abs3A_955 = math.absf %sub3A_954 : vector<16xf32>
    %add3A_956 = arith.addf %mul3A_948, %abs3A_955 : vector<16xf32>
    %swap3A_957 = arith.constant 176 : index
    %swap3A_958 = tpu.vector_load %arg9[%swap3A_957] {strides = array<i32>} : memref<512xf32, #tpu.memory_space<vmem>>, vector<16xf32>,
    tpu.vector_store %arg9[%swap3A_957], %add3A_956 {strides = array<i32>} : memref<512xf32, #tpu.memory_space<vmem>>, vector<16xf32>,
    %broadcast_in_dim3A_959 = arith.constant 0.000000e+00 : f32
    %broadcast_in_dim3A_960 = vector.broadcast %broadcast_in_dim3A_959 : f32 to vector<16xf32>
    %get3A_961 = arith.constant 0 : i32
    %get3A_962 = arith.index_cast %get3A_961 : i32 to index
    %get3A_963 = arith.constant 192 : index
    %get3A_964 = tpu.vector_load %arg6[%get3A_962, %get3A_963] {strides = array<i32>} : memref<8x512xi32, #tpu.memory_space<vmem>>, vector<16xi32>,
    %gather3A_965 = tpu.vector_load_idx %arg8[%get3A_964] : memref<2048xf32, #tpu.memory_space<vmem>>[vector<16xi32>], vector<16xf32>,
    %add3A_966 = arith.addf %broadcast_in_dim3A_960, %gather3A_965 : vector<16xf32>
    %get3A_967 = arith.constant 1 : i32
    %get3A_968 = arith.index_cast %get3A_967 : i32 to index
    %get3A_969 = arith.constant 192 : index
    %get3A_970 = tpu.vector_load %arg6[%get3A_968, %get3A_969] {strides = array<i32>} : memref<8x512xi32, #tpu.memory_space<vmem>>, vector<16xi32>,
    %gather3A_971 = tpu.vector_load_idx %arg8[%get3A_970] : memref<2048xf32, #tpu.memory_space<vmem>>[vector<16xi32>], vector<16xf32>,
    %add3A_972 = arith.addf %add3A_966, %gather3A_971 : vector<16xf32>
    %get3A_973 = arith.constant 2 : i32
    %get3A_974 = arith.index_cast %get3A_973 : i32 to index
    %get3A_975 = arith.constant 192 : index
    %get3A_976 = tpu.vector_load %arg6[%get3A_974, %get3A_975] {strides = array<i32>} : memref<8x512xi32, #tpu.memory_space<vmem>>, vector<16xi32>,
    %gather3A_977 = tpu.vector_load_idx %arg8[%get3A_976] : memref<2048xf32, #tpu.memory_space<vmem>>[vector<16xi32>], vector<16xf32>,
    %add3A_978 = arith.addf %add3A_972, %gather3A_977 : vector<16xf32>
    %get3A_979 = arith.constant 3 : i32
    %get3A_980 = arith.index_cast %get3A_979 : i32 to index
    %get3A_981 = arith.constant 192 : index
    %get3A_982 = tpu.vector_load %arg6[%get3A_980, %get3A_981] {strides = array<i32>} : memref<8x512xi32, #tpu.memory_space<vmem>>, vector<16xi32>,
    %gather3A_983 = tpu.vector_load_idx %arg8[%get3A_982] : memref<2048xf32, #tpu.memory_space<vmem>>[vector<16xi32>], vector<16xf32>,
    %add3A_984 = arith.addf %add3A_978, %gather3A_983 : vector<16xf32>
    %get3A_985 = arith.constant 4 : i32
    %get3A_986 = arith.index_cast %get3A_985 : i32 to index
    %get3A_987 = arith.constant 192 : index
    %get3A_988 = tpu.vector_load %arg6[%get3A_986, %get3A_987] {strides = array<i32>} : memref<8x512xi32, #tpu.memory_space<vmem>>, vector<16xi32>,
    %gather3A_989 = tpu.vector_load_idx %arg8[%get3A_988] : memref<2048xf32, #tpu.memory_space<vmem>>[vector<16xi32>], vector<16xf32>,
    %add3A_990 = arith.addf %add3A_984, %gather3A_989 : vector<16xf32>
    %get3A_991 = arith.constant 5 : i32
    %get3A_992 = arith.index_cast %get3A_991 : i32 to index
    %get3A_993 = arith.constant 192 : index
    %get3A_994 = tpu.vector_load %arg6[%get3A_992, %get3A_993] {strides = array<i32>} : memref<8x512xi32, #tpu.memory_space<vmem>>, vector<16xi32>,
    %gather3A_995 = tpu.vector_load_idx %arg8[%get3A_994] : memref<2048xf32, #tpu.memory_space<vmem>>[vector<16xi32>], vector<16xf32>,
    %add3A_996 = arith.addf %add3A_990, %gather3A_995 : vector<16xf32>
    %get3A_997 = arith.constant 6 : i32
    %get3A_998 = arith.index_cast %get3A_997 : i32 to index
    %get3A_999 = arith.constant 192 : index
    %get3A_1000 = tpu.vector_load %arg6[%get3A_998, %get3A_999] {strides = array<i32>} : memref<8x512xi32, #tpu.memory_space<vmem>>, vector<16xi32>,
    %gather3A_1001 = tpu.vector_load_idx %arg8[%get3A_1000] : memref<2048xf32, #tpu.memory_space<vmem>>[vector<16xi32>], vector<16xf32>,
    %add3A_1002 = arith.addf %add3A_996, %gather3A_1001 : vector<16xf32>
    %get3A_1003 = arith.constant 7 : i32
    %get3A_1004 = arith.index_cast %get3A_1003 : i32 to index
    %get3A_1005 = arith.constant 192 : index
    %get3A_1006 = tpu.vector_load %arg6[%get3A_1004, %get3A_1005] {strides = array<i32>} : memref<8x512xi32, #tpu.memory_space<vmem>>, vector<16xi32>,
    %gather3A_1007 = tpu.vector_load_idx %arg8[%get3A_1006] : memref<2048xf32, #tpu.memory_space<vmem>>[vector<16xi32>], vector<16xf32>,
    %add3A_1008 = arith.addf %add3A_1002, %gather3A_1007 : vector<16xf32>
    %get3A_1009 = arith.constant 0 : i32
    %get3A_1010 = arith.index_cast %get3A_1009 : i32 to index
    %get3A_1011 = arith.constant 192 : index
    %get3A_1012 = tpu.vector_load %arg7[%get3A_1010, %get3A_1011] {strides = array<i32>} : memref<2x512xf32, #tpu.memory_space<vmem>>, vector<16xf32>,
    %max3A_1013 = arith.maximumf %get3A_1012, %broadcast_in_dim3A_5 : vector<16xf32>
    %bitcast3A_1014 = vector.bitcast %max3A_1013 : vector<16xf32> to vector<16xi32>
    %shift_right_arithmetic3A_1015 = arith.constant 1 : i32
    %shift_right_arithmetic3A_1016 = vector.broadcast %shift_right_arithmetic3A_1015 : i32 to vector<16xi32>
    %shift_right_arithmetic3A_1017 = arith.shrsi %bitcast3A_1014, %shift_right_arithmetic3A_1016 : vector<16xi32>
    %add3A_1018 = arith.addi %shift_right_arithmetic3A_1017, %broadcast_in_dim3A_7 : vector<16xi32>
    %bitcast3A_1019 = vector.bitcast %add3A_1018 : vector<16xi32> to vector<16xf32>
    %div3A_1020 = arith.divf %max3A_1013, %bitcast3A_1019 : vector<16xf32>
    %add3A_1021 = arith.addf %bitcast3A_1019, %div3A_1020 : vector<16xf32>
    %mul3A_1022 = arith.mulf %broadcast_in_dim3A_3, %add3A_1021 : vector<16xf32>
    %div3A_1023 = arith.divf %max3A_1013, %mul3A_1022 : vector<16xf32>
    %add3A_1024 = arith.addf %mul3A_1022, %div3A_1023 : vector<16xf32>
    %mul3A_1025 = arith.mulf %broadcast_in_dim3A_3, %add3A_1024 : vector<16xf32>
    %div3A_1026 = arith.divf %max3A_1013, %mul3A_1025 : vector<16xf32>
    %add3A_1027 = arith.addf %mul3A_1025, %div3A_1026 : vector<16xf32>
    %mul3A_1028 = arith.mulf %broadcast_in_dim3A_3, %add3A_1027 : vector<16xf32>
    %mul3A_1029 = arith.mulf %broadcast_in_dim3A_3, %add3A_1008 : vector<16xf32>
    %get3A_1030 = arith.constant 1 : i32
    %get3A_1031 = arith.index_cast %get3A_1030 : i32 to index
    %get3A_1032 = arith.constant 192 : index
    %get3A_1033 = tpu.vector_load %arg7[%get3A_1031, %get3A_1032] {strides = array<i32>} : memref<2x512xf32, #tpu.memory_space<vmem>>, vector<16xf32>,
    %sub3A_1034 = arith.subf %mul3A_1029, %get3A_1033 : vector<16xf32>
    %abs3A_1035 = math.absf %sub3A_1034 : vector<16xf32>
    %add3A_1036 = arith.addf %mul3A_1028, %abs3A_1035 : vector<16xf32>
    %swap3A_1037 = arith.constant 192 : index
    %swap3A_1038 = tpu.vector_load %arg9[%swap3A_1037] {strides = array<i32>} : memref<512xf32, #tpu.memory_space<vmem>>, vector<16xf32>,
    tpu.vector_store %arg9[%swap3A_1037], %add3A_1036 {strides = array<i32>} : memref<512xf32, #tpu.memory_space<vmem>>, vector<16xf32>,
    %broadcast_in_dim3A_1039 = arith.constant 0.000000e+00 : f32
    %broadcast_in_dim3A_1040 = vector.broadcast %broadcast_in_dim3A_1039 : f32 to vector<16xf32>
    %get3A_1041 = arith.constant 0 : i32
    %get3A_1042 = arith.index_cast %get3A_1041 : i32 to index
    %get3A_1043 = arith.constant 208 : index
    %get3A_1044 = tpu.vector_load %arg6[%get3A_1042, %get3A_1043] {strides = array<i32>} : memref<8x512xi32, #tpu.memory_space<vmem>>, vector<16xi32>,
    %gather3A_1045 = tpu.vector_load_idx %arg8[%get3A_1044] : memref<2048xf32, #tpu.memory_space<vmem>>[vector<16xi32>], vector<16xf32>,
    %add3A_1046 = arith.addf %broadcast_in_dim3A_1040, %gather3A_1045 : vector<16xf32>
    %get3A_1047 = arith.constant 1 : i32
    %get3A_1048 = arith.index_cast %get3A_1047 : i32 to index
    %get3A_1049 = arith.constant 208 : index
    %get3A_1050 = tpu.vector_load %arg6[%get3A_1048, %get3A_1049] {strides = array<i32>} : memref<8x512xi32, #tpu.memory_space<vmem>>, vector<16xi32>,
    %gather3A_1051 = tpu.vector_load_idx %arg8[%get3A_1050] : memref<2048xf32, #tpu.memory_space<vmem>>[vector<16xi32>], vector<16xf32>,
    %add3A_1052 = arith.addf %add3A_1046, %gather3A_1051 : vector<16xf32>
    %get3A_1053 = arith.constant 2 : i32
    %get3A_1054 = arith.index_cast %get3A_1053 : i32 to index
    %get3A_1055 = arith.constant 208 : index
    %get3A_1056 = tpu.vector_load %arg6[%get3A_1054, %get3A_1055] {strides = array<i32>} : memref<8x512xi32, #tpu.memory_space<vmem>>, vector<16xi32>,
    %gather3A_1057 = tpu.vector_load_idx %arg8[%get3A_1056] : memref<2048xf32, #tpu.memory_space<vmem>>[vector<16xi32>], vector<16xf32>,
    %add3A_1058 = arith.addf %add3A_1052, %gather3A_1057 : vector<16xf32>
    %get3A_1059 = arith.constant 3 : i32
    %get3A_1060 = arith.index_cast %get3A_1059 : i32 to index
    %get3A_1061 = arith.constant 208 : index
    %get3A_1062 = tpu.vector_load %arg6[%get3A_1060, %get3A_1061] {strides = array<i32>} : memref<8x512xi32, #tpu.memory_space<vmem>>, vector<16xi32>,
    %gather3A_1063 = tpu.vector_load_idx %arg8[%get3A_1062] : memref<2048xf32, #tpu.memory_space<vmem>>[vector<16xi32>], vector<16xf32>,
    %add3A_1064 = arith.addf %add3A_1058, %gather3A_1063 : vector<16xf32>
    %get3A_1065 = arith.constant 4 : i32
    %get3A_1066 = arith.index_cast %get3A_1065 : i32 to index
    %get3A_1067 = arith.constant 208 : index
    %get3A_1068 = tpu.vector_load %arg6[%get3A_1066, %get3A_1067] {strides = array<i32>} : memref<8x512xi32, #tpu.memory_space<vmem>>, vector<16xi32>,
    %gather3A_1069 = tpu.vector_load_idx %arg8[%get3A_1068] : memref<2048xf32, #tpu.memory_space<vmem>>[vector<16xi32>], vector<16xf32>,
    %add3A_1070 = arith.addf %add3A_1064, %gather3A_1069 : vector<16xf32>
    %get3A_1071 = arith.constant 5 : i32
    %get3A_1072 = arith.index_cast %get3A_1071 : i32 to index
    %get3A_1073 = arith.constant 208 : index
    %get3A_1074 = tpu.vector_load %arg6[%get3A_1072, %get3A_1073] {strides = array<i32>} : memref<8x512xi32, #tpu.memory_space<vmem>>, vector<16xi32>,
    %gather3A_1075 = tpu.vector_load_idx %arg8[%get3A_1074] : memref<2048xf32, #tpu.memory_space<vmem>>[vector<16xi32>], vector<16xf32>,
    %add3A_1076 = arith.addf %add3A_1070, %gather3A_1075 : vector<16xf32>
    %get3A_1077 = arith.constant 6 : i32
    %get3A_1078 = arith.index_cast %get3A_1077 : i32 to index
    %get3A_1079 = arith.constant 208 : index
    %get3A_1080 = tpu.vector_load %arg6[%get3A_1078, %get3A_1079] {strides = array<i32>} : memref<8x512xi32, #tpu.memory_space<vmem>>, vector<16xi32>,
    %gather3A_1081 = tpu.vector_load_idx %arg8[%get3A_1080] : memref<2048xf32, #tpu.memory_space<vmem>>[vector<16xi32>], vector<16xf32>,
    %add3A_1082 = arith.addf %add3A_1076, %gather3A_1081 : vector<16xf32>
    %get3A_1083 = arith.constant 7 : i32
    %get3A_1084 = arith.index_cast %get3A_1083 : i32 to index
    %get3A_1085 = arith.constant 208 : index
    %get3A_1086 = tpu.vector_load %arg6[%get3A_1084, %get3A_1085] {strides = array<i32>} : memref<8x512xi32, #tpu.memory_space<vmem>>, vector<16xi32>,
    %gather3A_1087 = tpu.vector_load_idx %arg8[%get3A_1086] : memref<2048xf32, #tpu.memory_space<vmem>>[vector<16xi32>], vector<16xf32>,
    %add3A_1088 = arith.addf %add3A_1082, %gather3A_1087 : vector<16xf32>
    %get3A_1089 = arith.constant 0 : i32
    %get3A_1090 = arith.index_cast %get3A_1089 : i32 to index
    %get3A_1091 = arith.constant 208 : index
    %get3A_1092 = tpu.vector_load %arg7[%get3A_1090, %get3A_1091] {strides = array<i32>} : memref<2x512xf32, #tpu.memory_space<vmem>>, vector<16xf32>,
    %max3A_1093 = arith.maximumf %get3A_1092, %broadcast_in_dim3A_5 : vector<16xf32>
    %bitcast3A_1094 = vector.bitcast %max3A_1093 : vector<16xf32> to vector<16xi32>
    %shift_right_arithmetic3A_1095 = arith.constant 1 : i32
    %shift_right_arithmetic3A_1096 = vector.broadcast %shift_right_arithmetic3A_1095 : i32 to vector<16xi32>
    %shift_right_arithmetic3A_1097 = arith.shrsi %bitcast3A_1094, %shift_right_arithmetic3A_1096 : vector<16xi32>
    %add3A_1098 = arith.addi %shift_right_arithmetic3A_1097, %broadcast_in_dim3A_7 : vector<16xi32>
    %bitcast3A_1099 = vector.bitcast %add3A_1098 : vector<16xi32> to vector<16xf32>
    %div3A_1100 = arith.divf %max3A_1093, %bitcast3A_1099 : vector<16xf32>
    %add3A_1101 = arith.addf %bitcast3A_1099, %div3A_1100 : vector<16xf32>
    %mul3A_1102 = arith.mulf %broadcast_in_dim3A_3, %add3A_1101 : vector<16xf32>
    %div3A_1103 = arith.divf %max3A_1093, %mul3A_1102 : vector<16xf32>
    %add3A_1104 = arith.addf %mul3A_1102, %div3A_1103 : vector<16xf32>
    %mul3A_1105 = arith.mulf %broadcast_in_dim3A_3, %add3A_1104 : vector<16xf32>
    %div3A_1106 = arith.divf %max3A_1093, %mul3A_1105 : vector<16xf32>
    %add3A_1107 = arith.addf %mul3A_1105, %div3A_1106 : vector<16xf32>
    %mul3A_1108 = arith.mulf %broadcast_in_dim3A_3, %add3A_1107 : vector<16xf32>
    %mul3A_1109 = arith.mulf %broadcast_in_dim3A_3, %add3A_1088 : vector<16xf32>
    %get3A_1110 = arith.constant 1 : i32
    %get3A_1111 = arith.index_cast %get3A_1110 : i32 to index
    %get3A_1112 = arith.constant 208 : index
    %get3A_1113 = tpu.vector_load %arg7[%get3A_1111, %get3A_1112] {strides = array<i32>} : memref<2x512xf32, #tpu.memory_space<vmem>>, vector<16xf32>,
    %sub3A_1114 = arith.subf %mul3A_1109, %get3A_1113 : vector<16xf32>
    %abs3A_1115 = math.absf %sub3A_1114 : vector<16xf32>
    %add3A_1116 = arith.addf %mul3A_1108, %abs3A_1115 : vector<16xf32>
    %swap3A_1117 = arith.constant 208 : index
    %swap3A_1118 = tpu.vector_load %arg9[%swap3A_1117] {strides = array<i32>} : memref<512xf32, #tpu.memory_space<vmem>>, vector<16xf32>,
    tpu.vector_store %arg9[%swap3A_1117], %add3A_1116 {strides = array<i32>} : memref<512xf32, #tpu.memory_space<vmem>>, vector<16xf32>,
    %broadcast_in_dim3A_1119 = arith.constant 0.000000e+00 : f32
    %broadcast_in_dim3A_1120 = vector.broadcast %broadcast_in_dim3A_1119 : f32 to vector<16xf32>
    %get3A_1121 = arith.constant 0 : i32
    %get3A_1122 = arith.index_cast %get3A_1121 : i32 to index
    %get3A_1123 = arith.constant 224 : index
    %get3A_1124 = tpu.vector_load %arg6[%get3A_1122, %get3A_1123] {strides = array<i32>} : memref<8x512xi32, #tpu.memory_space<vmem>>, vector<16xi32>,
    %gather3A_1125 = tpu.vector_load_idx %arg8[%get3A_1124] : memref<2048xf32, #tpu.memory_space<vmem>>[vector<16xi32>], vector<16xf32>,
    %add3A_1126 = arith.addf %broadcast_in_dim3A_1120, %gather3A_1125 : vector<16xf32>
    %get3A_1127 = arith.constant 1 : i32
    %get3A_1128 = arith.index_cast %get3A_1127 : i32 to index
    %get3A_1129 = arith.constant 224 : index
    %get3A_1130 = tpu.vector_load %arg6[%get3A_1128, %get3A_1129] {strides = array<i32>} : memref<8x512xi32, #tpu.memory_space<vmem>>, vector<16xi32>,
    %gather3A_1131 = tpu.vector_load_idx %arg8[%get3A_1130] : memref<2048xf32, #tpu.memory_space<vmem>>[vector<16xi32>], vector<16xf32>,
    %add3A_1132 = arith.addf %add3A_1126, %gather3A_1131 : vector<16xf32>
    %get3A_1133 = arith.constant 2 : i32
    %get3A_1134 = arith.index_cast %get3A_1133 : i32 to index
    %get3A_1135 = arith.constant 224 : index
    %get3A_1136 = tpu.vector_load %arg6[%get3A_1134, %get3A_1135] {strides = array<i32>} : memref<8x512xi32, #tpu.memory_space<vmem>>, vector<16xi32>,
    %gather3A_1137 = tpu.vector_load_idx %arg8[%get3A_1136] : memref<2048xf32, #tpu.memory_space<vmem>>[vector<16xi32>], vector<16xf32>,
    %add3A_1138 = arith.addf %add3A_1132, %gather3A_1137 : vector<16xf32>
    %get3A_1139 = arith.constant 3 : i32
    %get3A_1140 = arith.index_cast %get3A_1139 : i32 to index
    %get3A_1141 = arith.constant 224 : index
    %get3A_1142 = tpu.vector_load %arg6[%get3A_1140, %get3A_1141] {strides = array<i32>} : memref<8x512xi32, #tpu.memory_space<vmem>>, vector<16xi32>,
    %gather3A_1143 = tpu.vector_load_idx %arg8[%get3A_1142] : memref<2048xf32, #tpu.memory_space<vmem>>[vector<16xi32>], vector<16xf32>,
    %add3A_1144 = arith.addf %add3A_1138, %gather3A_1143 : vector<16xf32>
    %get3A_1145 = arith.constant 4 : i32
    %get3A_1146 = arith.index_cast %get3A_1145 : i32 to index
    %get3A_1147 = arith.constant 224 : index
    %get3A_1148 = tpu.vector_load %arg6[%get3A_1146, %get3A_1147] {strides = array<i32>} : memref<8x512xi32, #tpu.memory_space<vmem>>, vector<16xi32>,
    %gather3A_1149 = tpu.vector_load_idx %arg8[%get3A_1148] : memref<2048xf32, #tpu.memory_space<vmem>>[vector<16xi32>], vector<16xf32>,
    %add3A_1150 = arith.addf %add3A_1144, %gather3A_1149 : vector<16xf32>
    %get3A_1151 = arith.constant 5 : i32
    %get3A_1152 = arith.index_cast %get3A_1151 : i32 to index
    %get3A_1153 = arith.constant 224 : index
    %get3A_1154 = tpu.vector_load %arg6[%get3A_1152, %get3A_1153] {strides = array<i32>} : memref<8x512xi32, #tpu.memory_space<vmem>>, vector<16xi32>,
    %gather3A_1155 = tpu.vector_load_idx %arg8[%get3A_1154] : memref<2048xf32, #tpu.memory_space<vmem>>[vector<16xi32>], vector<16xf32>,
    %add3A_1156 = arith.addf %add3A_1150, %gather3A_1155 : vector<16xf32>
    %get3A_1157 = arith.constant 6 : i32
    %get3A_1158 = arith.index_cast %get3A_1157 : i32 to index
    %get3A_1159 = arith.constant 224 : index
    %get3A_1160 = tpu.vector_load %arg6[%get3A_1158, %get3A_1159] {strides = array<i32>} : memref<8x512xi32, #tpu.memory_space<vmem>>, vector<16xi32>,
    %gather3A_1161 = tpu.vector_load_idx %arg8[%get3A_1160] : memref<2048xf32, #tpu.memory_space<vmem>>[vector<16xi32>], vector<16xf32>,
    %add3A_1162 = arith.addf %add3A_1156, %gather3A_1161 : vector<16xf32>
    %get3A_1163 = arith.constant 7 : i32
    %get3A_1164 = arith.index_cast %get3A_1163 : i32 to index
    %get3A_1165 = arith.constant 224 : index
    %get3A_1166 = tpu.vector_load %arg6[%get3A_1164, %get3A_1165] {strides = array<i32>} : memref<8x512xi32, #tpu.memory_space<vmem>>, vector<16xi32>,
    %gather3A_1167 = tpu.vector_load_idx %arg8[%get3A_1166] : memref<2048xf32, #tpu.memory_space<vmem>>[vector<16xi32>], vector<16xf32>,
    %add3A_1168 = arith.addf %add3A_1162, %gather3A_1167 : vector<16xf32>
    %get3A_1169 = arith.constant 0 : i32
    %get3A_1170 = arith.index_cast %get3A_1169 : i32 to index
    %get3A_1171 = arith.constant 224 : index
    %get3A_1172 = tpu.vector_load %arg7[%get3A_1170, %get3A_1171] {strides = array<i32>} : memref<2x512xf32, #tpu.memory_space<vmem>>, vector<16xf32>,
    %max3A_1173 = arith.maximumf %get3A_1172, %broadcast_in_dim3A_5 : vector<16xf32>
    %bitcast3A_1174 = vector.bitcast %max3A_1173 : vector<16xf32> to vector<16xi32>
    %shift_right_arithmetic3A_1175 = arith.constant 1 : i32
    %shift_right_arithmetic3A_1176 = vector.broadcast %shift_right_arithmetic3A_1175 : i32 to vector<16xi32>
    %shift_right_arithmetic3A_1177 = arith.shrsi %bitcast3A_1174, %shift_right_arithmetic3A_1176 : vector<16xi32>
    %add3A_1178 = arith.addi %shift_right_arithmetic3A_1177, %broadcast_in_dim3A_7 : vector<16xi32>
    %bitcast3A_1179 = vector.bitcast %add3A_1178 : vector<16xi32> to vector<16xf32>
    %div3A_1180 = arith.divf %max3A_1173, %bitcast3A_1179 : vector<16xf32>
    %add3A_1181 = arith.addf %bitcast3A_1179, %div3A_1180 : vector<16xf32>
    %mul3A_1182 = arith.mulf %broadcast_in_dim3A_3, %add3A_1181 : vector<16xf32>
    %div3A_1183 = arith.divf %max3A_1173, %mul3A_1182 : vector<16xf32>
    %add3A_1184 = arith.addf %mul3A_1182, %div3A_1183 : vector<16xf32>
    %mul3A_1185 = arith.mulf %broadcast_in_dim3A_3, %add3A_1184 : vector<16xf32>
    %div3A_1186 = arith.divf %max3A_1173, %mul3A_1185 : vector<16xf32>
    %add3A_1187 = arith.addf %mul3A_1185, %div3A_1186 : vector<16xf32>
    %mul3A_1188 = arith.mulf %broadcast_in_dim3A_3, %add3A_1187 : vector<16xf32>
    %mul3A_1189 = arith.mulf %broadcast_in_dim3A_3, %add3A_1168 : vector<16xf32>
    %get3A_1190 = arith.constant 1 : i32
    %get3A_1191 = arith.index_cast %get3A_1190 : i32 to index
    %get3A_1192 = arith.constant 224 : index
    %get3A_1193 = tpu.vector_load %arg7[%get3A_1191, %get3A_1192] {strides = array<i32>} : memref<2x512xf32, #tpu.memory_space<vmem>>, vector<16xf32>,
    %sub3A_1194 = arith.subf %mul3A_1189, %get3A_1193 : vector<16xf32>
    %abs3A_1195 = math.absf %sub3A_1194 : vector<16xf32>
    %add3A_1196 = arith.addf %mul3A_1188, %abs3A_1195 : vector<16xf32>
    %swap3A_1197 = arith.constant 224 : index
    %swap3A_1198 = tpu.vector_load %arg9[%swap3A_1197] {strides = array<i32>} : memref<512xf32, #tpu.memory_space<vmem>>, vector<16xf32>,
    tpu.vector_store %arg9[%swap3A_1197], %add3A_1196 {strides = array<i32>} : memref<512xf32, #tpu.memory_space<vmem>>, vector<16xf32>,
    %broadcast_in_dim3A_1199 = arith.constant 0.000000e+00 : f32
    %broadcast_in_dim3A_1200 = vector.broadcast %broadcast_in_dim3A_1199 : f32 to vector<16xf32>
    %get3A_1201 = arith.constant 0 : i32
    %get3A_1202 = arith.index_cast %get3A_1201 : i32 to index
    %get3A_1203 = arith.constant 240 : index
    %get3A_1204 = tpu.vector_load %arg6[%get3A_1202, %get3A_1203] {strides = array<i32>} : memref<8x512xi32, #tpu.memory_space<vmem>>, vector<16xi32>,
    %gather3A_1205 = tpu.vector_load_idx %arg8[%get3A_1204] : memref<2048xf32, #tpu.memory_space<vmem>>[vector<16xi32>], vector<16xf32>,
    %add3A_1206 = arith.addf %broadcast_in_dim3A_1200, %gather3A_1205 : vector<16xf32>
    %get3A_1207 = arith.constant 1 : i32
    %get3A_1208 = arith.index_cast %get3A_1207 : i32 to index
    %get3A_1209 = arith.constant 240 : index
    %get3A_1210 = tpu.vector_load %arg6[%get3A_1208, %get3A_1209] {strides = array<i32>} : memref<8x512xi32, #tpu.memory_space<vmem>>, vector<16xi32>,
    %gather3A_1211 = tpu.vector_load_idx %arg8[%get3A_1210] : memref<2048xf32, #tpu.memory_space<vmem>>[vector<16xi32>], vector<16xf32>,
    %add3A_1212 = arith.addf %add3A_1206, %gather3A_1211 : vector<16xf32>
    %get3A_1213 = arith.constant 2 : i32
    %get3A_1214 = arith.index_cast %get3A_1213 : i32 to index
    %get3A_1215 = arith.constant 240 : index
    %get3A_1216 = tpu.vector_load %arg6[%get3A_1214, %get3A_1215] {strides = array<i32>} : memref<8x512xi32, #tpu.memory_space<vmem>>, vector<16xi32>,
    %gather3A_1217 = tpu.vector_load_idx %arg8[%get3A_1216] : memref<2048xf32, #tpu.memory_space<vmem>>[vector<16xi32>], vector<16xf32>,
    %add3A_1218 = arith.addf %add3A_1212, %gather3A_1217 : vector<16xf32>
    %get3A_1219 = arith.constant 3 : i32
    %get3A_1220 = arith.index_cast %get3A_1219 : i32 to index
    %get3A_1221 = arith.constant 240 : index
    %get3A_1222 = tpu.vector_load %arg6[%get3A_1220, %get3A_1221] {strides = array<i32>} : memref<8x512xi32, #tpu.memory_space<vmem>>, vector<16xi32>,
    %gather3A_1223 = tpu.vector_load_idx %arg8[%get3A_1222] : memref<2048xf32, #tpu.memory_space<vmem>>[vector<16xi32>], vector<16xf32>,
    %add3A_1224 = arith.addf %add3A_1218, %gather3A_1223 : vector<16xf32>
    %get3A_1225 = arith.constant 4 : i32
    %get3A_1226 = arith.index_cast %get3A_1225 : i32 to index
    %get3A_1227 = arith.constant 240 : index
    %get3A_1228 = tpu.vector_load %arg6[%get3A_1226, %get3A_1227] {strides = array<i32>} : memref<8x512xi32, #tpu.memory_space<vmem>>, vector<16xi32>,
    %gather3A_1229 = tpu.vector_load_idx %arg8[%get3A_1228] : memref<2048xf32, #tpu.memory_space<vmem>>[vector<16xi32>], vector<16xf32>,
    %add3A_1230 = arith.addf %add3A_1224, %gather3A_1229 : vector<16xf32>
    %get3A_1231 = arith.constant 5 : i32
    %get3A_1232 = arith.index_cast %get3A_1231 : i32 to index
    %get3A_1233 = arith.constant 240 : index
    %get3A_1234 = tpu.vector_load %arg6[%get3A_1232, %get3A_1233] {strides = array<i32>} : memref<8x512xi32, #tpu.memory_space<vmem>>, vector<16xi32>,
    %gather3A_1235 = tpu.vector_load_idx %arg8[%get3A_1234] : memref<2048xf32, #tpu.memory_space<vmem>>[vector<16xi32>], vector<16xf32>,
    %add3A_1236 = arith.addf %add3A_1230, %gather3A_1235 : vector<16xf32>
    %get3A_1237 = arith.constant 6 : i32
    %get3A_1238 = arith.index_cast %get3A_1237 : i32 to index
    %get3A_1239 = arith.constant 240 : index
    %get3A_1240 = tpu.vector_load %arg6[%get3A_1238, %get3A_1239] {strides = array<i32>} : memref<8x512xi32, #tpu.memory_space<vmem>>, vector<16xi32>,
    %gather3A_1241 = tpu.vector_load_idx %arg8[%get3A_1240] : memref<2048xf32, #tpu.memory_space<vmem>>[vector<16xi32>], vector<16xf32>,
    %add3A_1242 = arith.addf %add3A_1236, %gather3A_1241 : vector<16xf32>
    %get3A_1243 = arith.constant 7 : i32
    %get3A_1244 = arith.index_cast %get3A_1243 : i32 to index
    %get3A_1245 = arith.constant 240 : index
    %get3A_1246 = tpu.vector_load %arg6[%get3A_1244, %get3A_1245] {strides = array<i32>} : memref<8x512xi32, #tpu.memory_space<vmem>>, vector<16xi32>,
    %gather3A_1247 = tpu.vector_load_idx %arg8[%get3A_1246] : memref<2048xf32, #tpu.memory_space<vmem>>[vector<16xi32>], vector<16xf32>,
    %add3A_1248 = arith.addf %add3A_1242, %gather3A_1247 : vector<16xf32>
    %get3A_1249 = arith.constant 0 : i32
    %get3A_1250 = arith.index_cast %get3A_1249 : i32 to index
    %get3A_1251 = arith.constant 240 : index
    %get3A_1252 = tpu.vector_load %arg7[%get3A_1250, %get3A_1251] {strides = array<i32>} : memref<2x512xf32, #tpu.memory_space<vmem>>, vector<16xf32>,
    %max3A_1253 = arith.maximumf %get3A_1252, %broadcast_in_dim3A_5 : vector<16xf32>
    %bitcast3A_1254 = vector.bitcast %max3A_1253 : vector<16xf32> to vector<16xi32>
    %shift_right_arithmetic3A_1255 = arith.constant 1 : i32
    %shift_right_arithmetic3A_1256 = vector.broadcast %shift_right_arithmetic3A_1255 : i32 to vector<16xi32>
    %shift_right_arithmetic3A_1257 = arith.shrsi %bitcast3A_1254, %shift_right_arithmetic3A_1256 : vector<16xi32>
    %add3A_1258 = arith.addi %shift_right_arithmetic3A_1257, %broadcast_in_dim3A_7 : vector<16xi32>
    %bitcast3A_1259 = vector.bitcast %add3A_1258 : vector<16xi32> to vector<16xf32>
    %div3A_1260 = arith.divf %max3A_1253, %bitcast3A_1259 : vector<16xf32>
    %add3A_1261 = arith.addf %bitcast3A_1259, %div3A_1260 : vector<16xf32>
    %mul3A_1262 = arith.mulf %broadcast_in_dim3A_3, %add3A_1261 : vector<16xf32>
    %div3A_1263 = arith.divf %max3A_1253, %mul3A_1262 : vector<16xf32>
    %add3A_1264 = arith.addf %mul3A_1262, %div3A_1263 : vector<16xf32>
    %mul3A_1265 = arith.mulf %broadcast_in_dim3A_3, %add3A_1264 : vector<16xf32>
    %div3A_1266 = arith.divf %max3A_1253, %mul3A_1265 : vector<16xf32>
    %add3A_1267 = arith.addf %mul3A_1265, %div3A_1266 : vector<16xf32>
    %mul3A_1268 = arith.mulf %broadcast_in_dim3A_3, %add3A_1267 : vector<16xf32>
    %mul3A_1269 = arith.mulf %broadcast_in_dim3A_3, %add3A_1248 : vector<16xf32>
    %get3A_1270 = arith.constant 1 : i32
    %get3A_1271 = arith.index_cast %get3A_1270 : i32 to index
    %get3A_1272 = arith.constant 240 : index
    %get3A_1273 = tpu.vector_load %arg7[%get3A_1271, %get3A_1272] {strides = array<i32>} : memref<2x512xf32, #tpu.memory_space<vmem>>, vector<16xf32>,
    %sub3A_1274 = arith.subf %mul3A_1269, %get3A_1273 : vector<16xf32>
    %abs3A_1275 = math.absf %sub3A_1274 : vector<16xf32>
    %add3A_1276 = arith.addf %mul3A_1268, %abs3A_1275 : vector<16xf32>
    %swap3A_1277 = arith.constant 240 : index
    %swap3A_1278 = tpu.vector_load %arg9[%swap3A_1277] {strides = array<i32>} : memref<512xf32, #tpu.memory_space<vmem>>, vector<16xf32>,
    tpu.vector_store %arg9[%swap3A_1277], %add3A_1276 {strides = array<i32>} : memref<512xf32, #tpu.memory_space<vmem>>, vector<16xf32>,
    %broadcast_in_dim3A_1279 = arith.constant 0.000000e+00 : f32
    %broadcast_in_dim3A_1280 = vector.broadcast %broadcast_in_dim3A_1279 : f32 to vector<16xf32>
    %get3A_1281 = arith.constant 0 : i32
    %get3A_1282 = arith.index_cast %get3A_1281 : i32 to index
    %get3A_1283 = arith.constant 256 : index
    %get3A_1284 = tpu.vector_load %arg6[%get3A_1282, %get3A_1283] {strides = array<i32>} : memref<8x512xi32, #tpu.memory_space<vmem>>, vector<16xi32>,
    %gather3A_1285 = tpu.vector_load_idx %arg8[%get3A_1284] : memref<2048xf32, #tpu.memory_space<vmem>>[vector<16xi32>], vector<16xf32>,
    %add3A_1286 = arith.addf %broadcast_in_dim3A_1280, %gather3A_1285 : vector<16xf32>
    %get3A_1287 = arith.constant 1 : i32
    %get3A_1288 = arith.index_cast %get3A_1287 : i32 to index
    %get3A_1289 = arith.constant 256 : index
    %get3A_1290 = tpu.vector_load %arg6[%get3A_1288, %get3A_1289] {strides = array<i32>} : memref<8x512xi32, #tpu.memory_space<vmem>>, vector<16xi32>,
    %gather3A_1291 = tpu.vector_load_idx %arg8[%get3A_1290] : memref<2048xf32, #tpu.memory_space<vmem>>[vector<16xi32>], vector<16xf32>,
    %add3A_1292 = arith.addf %add3A_1286, %gather3A_1291 : vector<16xf32>
    %get3A_1293 = arith.constant 2 : i32
    %get3A_1294 = arith.index_cast %get3A_1293 : i32 to index
    %get3A_1295 = arith.constant 256 : index
    %get3A_1296 = tpu.vector_load %arg6[%get3A_1294, %get3A_1295] {strides = array<i32>} : memref<8x512xi32, #tpu.memory_space<vmem>>, vector<16xi32>,
    %gather3A_1297 = tpu.vector_load_idx %arg8[%get3A_1296] : memref<2048xf32, #tpu.memory_space<vmem>>[vector<16xi32>], vector<16xf32>,
    %add3A_1298 = arith.addf %add3A_1292, %gather3A_1297 : vector<16xf32>
    %get3A_1299 = arith.constant 3 : i32
    %get3A_1300 = arith.index_cast %get3A_1299 : i32 to index
    %get3A_1301 = arith.constant 256 : index
    %get3A_1302 = tpu.vector_load %arg6[%get3A_1300, %get3A_1301] {strides = array<i32>} : memref<8x512xi32, #tpu.memory_space<vmem>>, vector<16xi32>,
    %gather3A_1303 = tpu.vector_load_idx %arg8[%get3A_1302] : memref<2048xf32, #tpu.memory_space<vmem>>[vector<16xi32>], vector<16xf32>,
    %add3A_1304 = arith.addf %add3A_1298, %gather3A_1303 : vector<16xf32>
    %get3A_1305 = arith.constant 4 : i32
    %get3A_1306 = arith.index_cast %get3A_1305 : i32 to index
    %get3A_1307 = arith.constant 256 : index
    %get3A_1308 = tpu.vector_load %arg6[%get3A_1306, %get3A_1307] {strides = array<i32>} : memref<8x512xi32, #tpu.memory_space<vmem>>, vector<16xi32>,
    %gather3A_1309 = tpu.vector_load_idx %arg8[%get3A_1308] : memref<2048xf32, #tpu.memory_space<vmem>>[vector<16xi32>], vector<16xf32>,
    %add3A_1310 = arith.addf %add3A_1304, %gather3A_1309 : vector<16xf32>
    %get3A_1311 = arith.constant 5 : i32
    %get3A_1312 = arith.index_cast %get3A_1311 : i32 to index
    %get3A_1313 = arith.constant 256 : index
    %get3A_1314 = tpu.vector_load %arg6[%get3A_1312, %get3A_1313] {strides = array<i32>} : memref<8x512xi32, #tpu.memory_space<vmem>>, vector<16xi32>,
    %gather3A_1315 = tpu.vector_load_idx %arg8[%get3A_1314] : memref<2048xf32, #tpu.memory_space<vmem>>[vector<16xi32>], vector<16xf32>,
    %add3A_1316 = arith.addf %add3A_1310, %gather3A_1315 : vector<16xf32>
    %get3A_1317 = arith.constant 6 : i32
    %get3A_1318 = arith.index_cast %get3A_1317 : i32 to index
    %get3A_1319 = arith.constant 256 : index
    %get3A_1320 = tpu.vector_load %arg6[%get3A_1318, %get3A_1319] {strides = array<i32>} : memref<8x512xi32, #tpu.memory_space<vmem>>, vector<16xi32>,
    %gather3A_1321 = tpu.vector_load_idx %arg8[%get3A_1320] : memref<2048xf32, #tpu.memory_space<vmem>>[vector<16xi32>], vector<16xf32>,
    %add3A_1322 = arith.addf %add3A_1316, %gather3A_1321 : vector<16xf32>
    %get3A_1323 = arith.constant 7 : i32
    %get3A_1324 = arith.index_cast %get3A_1323 : i32 to index
    %get3A_1325 = arith.constant 256 : index
    %get3A_1326 = tpu.vector_load %arg6[%get3A_1324, %get3A_1325] {strides = array<i32>} : memref<8x512xi32, #tpu.memory_space<vmem>>, vector<16xi32>,
    %gather3A_1327 = tpu.vector_load_idx %arg8[%get3A_1326] : memref<2048xf32, #tpu.memory_space<vmem>>[vector<16xi32>], vector<16xf32>,
    %add3A_1328 = arith.addf %add3A_1322, %gather3A_1327 : vector<16xf32>
    %get3A_1329 = arith.constant 0 : i32
    %get3A_1330 = arith.index_cast %get3A_1329 : i32 to index
    %get3A_1331 = arith.constant 256 : index
    %get3A_1332 = tpu.vector_load %arg7[%get3A_1330, %get3A_1331] {strides = array<i32>} : memref<2x512xf32, #tpu.memory_space<vmem>>, vector<16xf32>,
    %max3A_1333 = arith.maximumf %get3A_1332, %broadcast_in_dim3A_5 : vector<16xf32>
    %bitcast3A_1334 = vector.bitcast %max3A_1333 : vector<16xf32> to vector<16xi32>
    %shift_right_arithmetic3A_1335 = arith.constant 1 : i32
    %shift_right_arithmetic3A_1336 = vector.broadcast %shift_right_arithmetic3A_1335 : i32 to vector<16xi32>
    %shift_right_arithmetic3A_1337 = arith.shrsi %bitcast3A_1334, %shift_right_arithmetic3A_1336 : vector<16xi32>
    %add3A_1338 = arith.addi %shift_right_arithmetic3A_1337, %broadcast_in_dim3A_7 : vector<16xi32>
    %bitcast3A_1339 = vector.bitcast %add3A_1338 : vector<16xi32> to vector<16xf32>
    %div3A_1340 = arith.divf %max3A_1333, %bitcast3A_1339 : vector<16xf32>
    %add3A_1341 = arith.addf %bitcast3A_1339, %div3A_1340 : vector<16xf32>
    %mul3A_1342 = arith.mulf %broadcast_in_dim3A_3, %add3A_1341 : vector<16xf32>
    %div3A_1343 = arith.divf %max3A_1333, %mul3A_1342 : vector<16xf32>
    %add3A_1344 = arith.addf %mul3A_1342, %div3A_1343 : vector<16xf32>
    %mul3A_1345 = arith.mulf %broadcast_in_dim3A_3, %add3A_1344 : vector<16xf32>
    %div3A_1346 = arith.divf %max3A_1333, %mul3A_1345 : vector<16xf32>
    %add3A_1347 = arith.addf %mul3A_1345, %div3A_1346 : vector<16xf32>
    %mul3A_1348 = arith.mulf %broadcast_in_dim3A_3, %add3A_1347 : vector<16xf32>
    %mul3A_1349 = arith.mulf %broadcast_in_dim3A_3, %add3A_1328 : vector<16xf32>
    %get3A_1350 = arith.constant 1 : i32
    %get3A_1351 = arith.index_cast %get3A_1350 : i32 to index
    %get3A_1352 = arith.constant 256 : index
    %get3A_1353 = tpu.vector_load %arg7[%get3A_1351, %get3A_1352] {strides = array<i32>} : memref<2x512xf32, #tpu.memory_space<vmem>>, vector<16xf32>,
    %sub3A_1354 = arith.subf %mul3A_1349, %get3A_1353 : vector<16xf32>
    %abs3A_1355 = math.absf %sub3A_1354 : vector<16xf32>
    %add3A_1356 = arith.addf %mul3A_1348, %abs3A_1355 : vector<16xf32>
    %swap3A_1357 = arith.constant 256 : index
    %swap3A_1358 = tpu.vector_load %arg9[%swap3A_1357] {strides = array<i32>} : memref<512xf32, #tpu.memory_space<vmem>>, vector<16xf32>,
    tpu.vector_store %arg9[%swap3A_1357], %add3A_1356 {strides = array<i32>} : memref<512xf32, #tpu.memory_space<vmem>>, vector<16xf32>,
    %broadcast_in_dim3A_1359 = arith.constant 0.000000e+00 : f32
    %broadcast_in_dim3A_1360 = vector.broadcast %broadcast_in_dim3A_1359 : f32 to vector<16xf32>
    %get3A_1361 = arith.constant 0 : i32
    %get3A_1362 = arith.index_cast %get3A_1361 : i32 to index
    %get3A_1363 = arith.constant 272 : index
    %get3A_1364 = tpu.vector_load %arg6[%get3A_1362, %get3A_1363] {strides = array<i32>} : memref<8x512xi32, #tpu.memory_space<vmem>>, vector<16xi32>,
    %gather3A_1365 = tpu.vector_load_idx %arg8[%get3A_1364] : memref<2048xf32, #tpu.memory_space<vmem>>[vector<16xi32>], vector<16xf32>,
    %add3A_1366 = arith.addf %broadcast_in_dim3A_1360, %gather3A_1365 : vector<16xf32>
    %get3A_1367 = arith.constant 1 : i32
    %get3A_1368 = arith.index_cast %get3A_1367 : i32 to index
    %get3A_1369 = arith.constant 272 : index
    %get3A_1370 = tpu.vector_load %arg6[%get3A_1368, %get3A_1369] {strides = array<i32>} : memref<8x512xi32, #tpu.memory_space<vmem>>, vector<16xi32>,
    %gather3A_1371 = tpu.vector_load_idx %arg8[%get3A_1370] : memref<2048xf32, #tpu.memory_space<vmem>>[vector<16xi32>], vector<16xf32>,
    %add3A_1372 = arith.addf %add3A_1366, %gather3A_1371 : vector<16xf32>
    %get3A_1373 = arith.constant 2 : i32
    %get3A_1374 = arith.index_cast %get3A_1373 : i32 to index
    %get3A_1375 = arith.constant 272 : index
    %get3A_1376 = tpu.vector_load %arg6[%get3A_1374, %get3A_1375] {strides = array<i32>} : memref<8x512xi32, #tpu.memory_space<vmem>>, vector<16xi32>,
    %gather3A_1377 = tpu.vector_load_idx %arg8[%get3A_1376] : memref<2048xf32, #tpu.memory_space<vmem>>[vector<16xi32>], vector<16xf32>,
    %add3A_1378 = arith.addf %add3A_1372, %gather3A_1377 : vector<16xf32>
    %get3A_1379 = arith.constant 3 : i32
    %get3A_1380 = arith.index_cast %get3A_1379 : i32 to index
    %get3A_1381 = arith.constant 272 : index
    %get3A_1382 = tpu.vector_load %arg6[%get3A_1380, %get3A_1381] {strides = array<i32>} : memref<8x512xi32, #tpu.memory_space<vmem>>, vector<16xi32>,
    %gather3A_1383 = tpu.vector_load_idx %arg8[%get3A_1382] : memref<2048xf32, #tpu.memory_space<vmem>>[vector<16xi32>], vector<16xf32>,
    %add3A_1384 = arith.addf %add3A_1378, %gather3A_1383 : vector<16xf32>
    %get3A_1385 = arith.constant 4 : i32
    %get3A_1386 = arith.index_cast %get3A_1385 : i32 to index
    %get3A_1387 = arith.constant 272 : index
    %get3A_1388 = tpu.vector_load %arg6[%get3A_1386, %get3A_1387] {strides = array<i32>} : memref<8x512xi32, #tpu.memory_space<vmem>>, vector<16xi32>,
    %gather3A_1389 = tpu.vector_load_idx %arg8[%get3A_1388] : memref<2048xf32, #tpu.memory_space<vmem>>[vector<16xi32>], vector<16xf32>,
    %add3A_1390 = arith.addf %add3A_1384, %gather3A_1389 : vector<16xf32>
    %get3A_1391 = arith.constant 5 : i32
    %get3A_1392 = arith.index_cast %get3A_1391 : i32 to index
    %get3A_1393 = arith.constant 272 : index
    %get3A_1394 = tpu.vector_load %arg6[%get3A_1392, %get3A_1393] {strides = array<i32>} : memref<8x512xi32, #tpu.memory_space<vmem>>, vector<16xi32>,
    %gather3A_1395 = tpu.vector_load_idx %arg8[%get3A_1394] : memref<2048xf32, #tpu.memory_space<vmem>>[vector<16xi32>], vector<16xf32>,
    %add3A_1396 = arith.addf %add3A_1390, %gather3A_1395 : vector<16xf32>
    %get3A_1397 = arith.constant 6 : i32
    %get3A_1398 = arith.index_cast %get3A_1397 : i32 to index
    %get3A_1399 = arith.constant 272 : index
    %get3A_1400 = tpu.vector_load %arg6[%get3A_1398, %get3A_1399] {strides = array<i32>} : memref<8x512xi32, #tpu.memory_space<vmem>>, vector<16xi32>,
    %gather3A_1401 = tpu.vector_load_idx %arg8[%get3A_1400] : memref<2048xf32, #tpu.memory_space<vmem>>[vector<16xi32>], vector<16xf32>,
    %add3A_1402 = arith.addf %add3A_1396, %gather3A_1401 : vector<16xf32>
    %get3A_1403 = arith.constant 7 : i32
    %get3A_1404 = arith.index_cast %get3A_1403 : i32 to index
    %get3A_1405 = arith.constant 272 : index
    %get3A_1406 = tpu.vector_load %arg6[%get3A_1404, %get3A_1405] {strides = array<i32>} : memref<8x512xi32, #tpu.memory_space<vmem>>, vector<16xi32>,
    %gather3A_1407 = tpu.vector_load_idx %arg8[%get3A_1406] : memref<2048xf32, #tpu.memory_space<vmem>>[vector<16xi32>], vector<16xf32>,
    %add3A_1408 = arith.addf %add3A_1402, %gather3A_1407 : vector<16xf32>
    %get3A_1409 = arith.constant 0 : i32
    %get3A_1410 = arith.index_cast %get3A_1409 : i32 to index
    %get3A_1411 = arith.constant 272 : index
    %get3A_1412 = tpu.vector_load %arg7[%get3A_1410, %get3A_1411] {strides = array<i32>} : memref<2x512xf32, #tpu.memory_space<vmem>>, vector<16xf32>,
    %max3A_1413 = arith.maximumf %get3A_1412, %broadcast_in_dim3A_5 : vector<16xf32>
    %bitcast3A_1414 = vector.bitcast %max3A_1413 : vector<16xf32> to vector<16xi32>
    %shift_right_arithmetic3A_1415 = arith.constant 1 : i32
    %shift_right_arithmetic3A_1416 = vector.broadcast %shift_right_arithmetic3A_1415 : i32 to vector<16xi32>
    %shift_right_arithmetic3A_1417 = arith.shrsi %bitcast3A_1414, %shift_right_arithmetic3A_1416 : vector<16xi32>
    %add3A_1418 = arith.addi %shift_right_arithmetic3A_1417, %broadcast_in_dim3A_7 : vector<16xi32>
    %bitcast3A_1419 = vector.bitcast %add3A_1418 : vector<16xi32> to vector<16xf32>
    %div3A_1420 = arith.divf %max3A_1413, %bitcast3A_1419 : vector<16xf32>
    %add3A_1421 = arith.addf %bitcast3A_1419, %div3A_1420 : vector<16xf32>
    %mul3A_1422 = arith.mulf %broadcast_in_dim3A_3, %add3A_1421 : vector<16xf32>
    %div3A_1423 = arith.divf %max3A_1413, %mul3A_1422 : vector<16xf32>
    %add3A_1424 = arith.addf %mul3A_1422, %div3A_1423 : vector<16xf32>
    %mul3A_1425 = arith.mulf %broadcast_in_dim3A_3, %add3A_1424 : vector<16xf32>
    %div3A_1426 = arith.divf %max3A_1413, %mul3A_1425 : vector<16xf32>
    %add3A_1427 = arith.addf %mul3A_1425, %div3A_1426 : vector<16xf32>
    %mul3A_1428 = arith.mulf %broadcast_in_dim3A_3, %add3A_1427 : vector<16xf32>
    %mul3A_1429 = arith.mulf %broadcast_in_dim3A_3, %add3A_1408 : vector<16xf32>
    %get3A_1430 = arith.constant 1 : i32
    %get3A_1431 = arith.index_cast %get3A_1430 : i32 to index
    %get3A_1432 = arith.constant 272 : index
    %get3A_1433 = tpu.vector_load %arg7[%get3A_1431, %get3A_1432] {strides = array<i32>} : memref<2x512xf32, #tpu.memory_space<vmem>>, vector<16xf32>,
    %sub3A_1434 = arith.subf %mul3A_1429, %get3A_1433 : vector<16xf32>
    %abs3A_1435 = math.absf %sub3A_1434 : vector<16xf32>
    %add3A_1436 = arith.addf %mul3A_1428, %abs3A_1435 : vector<16xf32>
    %swap3A_1437 = arith.constant 272 : index
    %swap3A_1438 = tpu.vector_load %arg9[%swap3A_1437] {strides = array<i32>} : memref<512xf32, #tpu.memory_space<vmem>>, vector<16xf32>,
    tpu.vector_store %arg9[%swap3A_1437], %add3A_1436 {strides = array<i32>} : memref<512xf32, #tpu.memory_space<vmem>>, vector<16xf32>,
    %broadcast_in_dim3A_1439 = arith.constant 0.000000e+00 : f32
    %broadcast_in_dim3A_1440 = vector.broadcast %broadcast_in_dim3A_1439 : f32 to vector<16xf32>
    %get3A_1441 = arith.constant 0 : i32
    %get3A_1442 = arith.index_cast %get3A_1441 : i32 to index
    %get3A_1443 = arith.constant 288 : index
    %get3A_1444 = tpu.vector_load %arg6[%get3A_1442, %get3A_1443] {strides = array<i32>} : memref<8x512xi32, #tpu.memory_space<vmem>>, vector<16xi32>,
    %gather3A_1445 = tpu.vector_load_idx %arg8[%get3A_1444] : memref<2048xf32, #tpu.memory_space<vmem>>[vector<16xi32>], vector<16xf32>,
    %add3A_1446 = arith.addf %broadcast_in_dim3A_1440, %gather3A_1445 : vector<16xf32>
    %get3A_1447 = arith.constant 1 : i32
    %get3A_1448 = arith.index_cast %get3A_1447 : i32 to index
    %get3A_1449 = arith.constant 288 : index
    %get3A_1450 = tpu.vector_load %arg6[%get3A_1448, %get3A_1449] {strides = array<i32>} : memref<8x512xi32, #tpu.memory_space<vmem>>, vector<16xi32>,
    %gather3A_1451 = tpu.vector_load_idx %arg8[%get3A_1450] : memref<2048xf32, #tpu.memory_space<vmem>>[vector<16xi32>], vector<16xf32>,
    %add3A_1452 = arith.addf %add3A_1446, %gather3A_1451 : vector<16xf32>
    %get3A_1453 = arith.constant 2 : i32
    %get3A_1454 = arith.index_cast %get3A_1453 : i32 to index
    %get3A_1455 = arith.constant 288 : index
    %get3A_1456 = tpu.vector_load %arg6[%get3A_1454, %get3A_1455] {strides = array<i32>} : memref<8x512xi32, #tpu.memory_space<vmem>>, vector<16xi32>,
    %gather3A_1457 = tpu.vector_load_idx %arg8[%get3A_1456] : memref<2048xf32, #tpu.memory_space<vmem>>[vector<16xi32>], vector<16xf32>,
    %add3A_1458 = arith.addf %add3A_1452, %gather3A_1457 : vector<16xf32>
    %get3A_1459 = arith.constant 3 : i32
    %get3A_1460 = arith.index_cast %get3A_1459 : i32 to index
    %get3A_1461 = arith.constant 288 : index
    %get3A_1462 = tpu.vector_load %arg6[%get3A_1460, %get3A_1461] {strides = array<i32>} : memref<8x512xi32, #tpu.memory_space<vmem>>, vector<16xi32>,
    %gather3A_1463 = tpu.vector_load_idx %arg8[%get3A_1462] : memref<2048xf32, #tpu.memory_space<vmem>>[vector<16xi32>], vector<16xf32>,
    %add3A_1464 = arith.addf %add3A_1458, %gather3A_1463 : vector<16xf32>
    %get3A_1465 = arith.constant 4 : i32
    %get3A_1466 = arith.index_cast %get3A_1465 : i32 to index
    %get3A_1467 = arith.constant 288 : index
    %get3A_1468 = tpu.vector_load %arg6[%get3A_1466, %get3A_1467] {strides = array<i32>} : memref<8x512xi32, #tpu.memory_space<vmem>>, vector<16xi32>,
    %gather3A_1469 = tpu.vector_load_idx %arg8[%get3A_1468] : memref<2048xf32, #tpu.memory_space<vmem>>[vector<16xi32>], vector<16xf32>,
    %add3A_1470 = arith.addf %add3A_1464, %gather3A_1469 : vector<16xf32>
    %get3A_1471 = arith.constant 5 : i32
    %get3A_1472 = arith.index_cast %get3A_1471 : i32 to index
    %get3A_1473 = arith.constant 288 : index
    %get3A_1474 = tpu.vector_load %arg6[%get3A_1472, %get3A_1473] {strides = array<i32>} : memref<8x512xi32, #tpu.memory_space<vmem>>, vector<16xi32>,
    %gather3A_1475 = tpu.vector_load_idx %arg8[%get3A_1474] : memref<2048xf32, #tpu.memory_space<vmem>>[vector<16xi32>], vector<16xf32>,
    %add3A_1476 = arith.addf %add3A_1470, %gather3A_1475 : vector<16xf32>
    %get3A_1477 = arith.constant 6 : i32
    %get3A_1478 = arith.index_cast %get3A_1477 : i32 to index
    %get3A_1479 = arith.constant 288 : index
    %get3A_1480 = tpu.vector_load %arg6[%get3A_1478, %get3A_1479] {strides = array<i32>} : memref<8x512xi32, #tpu.memory_space<vmem>>, vector<16xi32>,
    %gather3A_1481 = tpu.vector_load_idx %arg8[%get3A_1480] : memref<2048xf32, #tpu.memory_space<vmem>>[vector<16xi32>], vector<16xf32>,
    %add3A_1482 = arith.addf %add3A_1476, %gather3A_1481 : vector<16xf32>
    %get3A_1483 = arith.constant 7 : i32
    %get3A_1484 = arith.index_cast %get3A_1483 : i32 to index
    %get3A_1485 = arith.constant 288 : index
    %get3A_1486 = tpu.vector_load %arg6[%get3A_1484, %get3A_1485] {strides = array<i32>} : memref<8x512xi32, #tpu.memory_space<vmem>>, vector<16xi32>,
    %gather3A_1487 = tpu.vector_load_idx %arg8[%get3A_1486] : memref<2048xf32, #tpu.memory_space<vmem>>[vector<16xi32>], vector<16xf32>,
    %add3A_1488 = arith.addf %add3A_1482, %gather3A_1487 : vector<16xf32>
    %get3A_1489 = arith.constant 0 : i32
    %get3A_1490 = arith.index_cast %get3A_1489 : i32 to index
    %get3A_1491 = arith.constant 288 : index
    %get3A_1492 = tpu.vector_load %arg7[%get3A_1490, %get3A_1491] {strides = array<i32>} : memref<2x512xf32, #tpu.memory_space<vmem>>, vector<16xf32>,
    %max3A_1493 = arith.maximumf %get3A_1492, %broadcast_in_dim3A_5 : vector<16xf32>
    %bitcast3A_1494 = vector.bitcast %max3A_1493 : vector<16xf32> to vector<16xi32>
    %shift_right_arithmetic3A_1495 = arith.constant 1 : i32
    %shift_right_arithmetic3A_1496 = vector.broadcast %shift_right_arithmetic3A_1495 : i32 to vector<16xi32>
    %shift_right_arithmetic3A_1497 = arith.shrsi %bitcast3A_1494, %shift_right_arithmetic3A_1496 : vector<16xi32>
    %add3A_1498 = arith.addi %shift_right_arithmetic3A_1497, %broadcast_in_dim3A_7 : vector<16xi32>
    %bitcast3A_1499 = vector.bitcast %add3A_1498 : vector<16xi32> to vector<16xf32>
    %div3A_1500 = arith.divf %max3A_1493, %bitcast3A_1499 : vector<16xf32>
    %add3A_1501 = arith.addf %bitcast3A_1499, %div3A_1500 : vector<16xf32>
    %mul3A_1502 = arith.mulf %broadcast_in_dim3A_3, %add3A_1501 : vector<16xf32>
    %div3A_1503 = arith.divf %max3A_1493, %mul3A_1502 : vector<16xf32>
    %add3A_1504 = arith.addf %mul3A_1502, %div3A_1503 : vector<16xf32>
    %mul3A_1505 = arith.mulf %broadcast_in_dim3A_3, %add3A_1504 : vector<16xf32>
    %div3A_1506 = arith.divf %max3A_1493, %mul3A_1505 : vector<16xf32>
    %add3A_1507 = arith.addf %mul3A_1505, %div3A_1506 : vector<16xf32>
    %mul3A_1508 = arith.mulf %broadcast_in_dim3A_3, %add3A_1507 : vector<16xf32>
    %mul3A_1509 = arith.mulf %broadcast_in_dim3A_3, %add3A_1488 : vector<16xf32>
    %get3A_1510 = arith.constant 1 : i32
    %get3A_1511 = arith.index_cast %get3A_1510 : i32 to index
    %get3A_1512 = arith.constant 288 : index
    %get3A_1513 = tpu.vector_load %arg7[%get3A_1511, %get3A_1512] {strides = array<i32>} : memref<2x512xf32, #tpu.memory_space<vmem>>, vector<16xf32>,
    %sub3A_1514 = arith.subf %mul3A_1509, %get3A_1513 : vector<16xf32>
    %abs3A_1515 = math.absf %sub3A_1514 : vector<16xf32>
    %add3A_1516 = arith.addf %mul3A_1508, %abs3A_1515 : vector<16xf32>
    %swap3A_1517 = arith.constant 288 : index
    %swap3A_1518 = tpu.vector_load %arg9[%swap3A_1517] {strides = array<i32>} : memref<512xf32, #tpu.memory_space<vmem>>, vector<16xf32>,
    tpu.vector_store %arg9[%swap3A_1517], %add3A_1516 {strides = array<i32>} : memref<512xf32, #tpu.memory_space<vmem>>, vector<16xf32>,
    %broadcast_in_dim3A_1519 = arith.constant 0.000000e+00 : f32
    %broadcast_in_dim3A_1520 = vector.broadcast %broadcast_in_dim3A_1519 : f32 to vector<16xf32>
    %get3A_1521 = arith.constant 0 : i32
    %get3A_1522 = arith.index_cast %get3A_1521 : i32 to index
    %get3A_1523 = arith.constant 304 : index
    %get3A_1524 = tpu.vector_load %arg6[%get3A_1522, %get3A_1523] {strides = array<i32>} : memref<8x512xi32, #tpu.memory_space<vmem>>, vector<16xi32>,
    %gather3A_1525 = tpu.vector_load_idx %arg8[%get3A_1524] : memref<2048xf32, #tpu.memory_space<vmem>>[vector<16xi32>], vector<16xf32>,
    %add3A_1526 = arith.addf %broadcast_in_dim3A_1520, %gather3A_1525 : vector<16xf32>
    %get3A_1527 = arith.constant 1 : i32
    %get3A_1528 = arith.index_cast %get3A_1527 : i32 to index
    %get3A_1529 = arith.constant 304 : index
    %get3A_1530 = tpu.vector_load %arg6[%get3A_1528, %get3A_1529] {strides = array<i32>} : memref<8x512xi32, #tpu.memory_space<vmem>>, vector<16xi32>,
    %gather3A_1531 = tpu.vector_load_idx %arg8[%get3A_1530] : memref<2048xf32, #tpu.memory_space<vmem>>[vector<16xi32>], vector<16xf32>,
    %add3A_1532 = arith.addf %add3A_1526, %gather3A_1531 : vector<16xf32>
    %get3A_1533 = arith.constant 2 : i32
    %get3A_1534 = arith.index_cast %get3A_1533 : i32 to index
    %get3A_1535 = arith.constant 304 : index
    %get3A_1536 = tpu.vector_load %arg6[%get3A_1534, %get3A_1535] {strides = array<i32>} : memref<8x512xi32, #tpu.memory_space<vmem>>, vector<16xi32>,
    %gather3A_1537 = tpu.vector_load_idx %arg8[%get3A_1536] : memref<2048xf32, #tpu.memory_space<vmem>>[vector<16xi32>], vector<16xf32>,
    %add3A_1538 = arith.addf %add3A_1532, %gather3A_1537 : vector<16xf32>
    %get3A_1539 = arith.constant 3 : i32
    %get3A_1540 = arith.index_cast %get3A_1539 : i32 to index
    %get3A_1541 = arith.constant 304 : index
    %get3A_1542 = tpu.vector_load %arg6[%get3A_1540, %get3A_1541] {strides = array<i32>} : memref<8x512xi32, #tpu.memory_space<vmem>>, vector<16xi32>,
    %gather3A_1543 = tpu.vector_load_idx %arg8[%get3A_1542] : memref<2048xf32, #tpu.memory_space<vmem>>[vector<16xi32>], vector<16xf32>,
    %add3A_1544 = arith.addf %add3A_1538, %gather3A_1543 : vector<16xf32>
    %get3A_1545 = arith.constant 4 : i32
    %get3A_1546 = arith.index_cast %get3A_1545 : i32 to index
    %get3A_1547 = arith.constant 304 : index
    %get3A_1548 = tpu.vector_load %arg6[%get3A_1546, %get3A_1547] {strides = array<i32>} : memref<8x512xi32, #tpu.memory_space<vmem>>, vector<16xi32>,
    %gather3A_1549 = tpu.vector_load_idx %arg8[%get3A_1548] : memref<2048xf32, #tpu.memory_space<vmem>>[vector<16xi32>], vector<16xf32>,
    %add3A_1550 = arith.addf %add3A_1544, %gather3A_1549 : vector<16xf32>
    %get3A_1551 = arith.constant 5 : i32
    %get3A_1552 = arith.index_cast %get3A_1551 : i32 to index
    %get3A_1553 = arith.constant 304 : index
    %get3A_1554 = tpu.vector_load %arg6[%get3A_1552, %get3A_1553] {strides = array<i32>} : memref<8x512xi32, #tpu.memory_space<vmem>>, vector<16xi32>,
    %gather3A_1555 = tpu.vector_load_idx %arg8[%get3A_1554] : memref<2048xf32, #tpu.memory_space<vmem>>[vector<16xi32>], vector<16xf32>,
    %add3A_1556 = arith.addf %add3A_1550, %gather3A_1555 : vector<16xf32>
    %get3A_1557 = arith.constant 6 : i32
    %get3A_1558 = arith.index_cast %get3A_1557 : i32 to index
    %get3A_1559 = arith.constant 304 : index
    %get3A_1560 = tpu.vector_load %arg6[%get3A_1558, %get3A_1559] {strides = array<i32>} : memref<8x512xi32, #tpu.memory_space<vmem>>, vector<16xi32>,
    %gather3A_1561 = tpu.vector_load_idx %arg8[%get3A_1560] : memref<2048xf32, #tpu.memory_space<vmem>>[vector<16xi32>], vector<16xf32>,
    %add3A_1562 = arith.addf %add3A_1556, %gather3A_1561 : vector<16xf32>
    %get3A_1563 = arith.constant 7 : i32
    %get3A_1564 = arith.index_cast %get3A_1563 : i32 to index
    %get3A_1565 = arith.constant 304 : index
    %get3A_1566 = tpu.vector_load %arg6[%get3A_1564, %get3A_1565] {strides = array<i32>} : memref<8x512xi32, #tpu.memory_space<vmem>>, vector<16xi32>,
    %gather3A_1567 = tpu.vector_load_idx %arg8[%get3A_1566] : memref<2048xf32, #tpu.memory_space<vmem>>[vector<16xi32>], vector<16xf32>,
    %add3A_1568 = arith.addf %add3A_1562, %gather3A_1567 : vector<16xf32>
    %get3A_1569 = arith.constant 0 : i32
    %get3A_1570 = arith.index_cast %get3A_1569 : i32 to index
    %get3A_1571 = arith.constant 304 : index
    %get3A_1572 = tpu.vector_load %arg7[%get3A_1570, %get3A_1571] {strides = array<i32>} : memref<2x512xf32, #tpu.memory_space<vmem>>, vector<16xf32>,
    %max3A_1573 = arith.maximumf %get3A_1572, %broadcast_in_dim3A_5 : vector<16xf32>
    %bitcast3A_1574 = vector.bitcast %max3A_1573 : vector<16xf32> to vector<16xi32>
    %shift_right_arithmetic3A_1575 = arith.constant 1 : i32
    %shift_right_arithmetic3A_1576 = vector.broadcast %shift_right_arithmetic3A_1575 : i32 to vector<16xi32>
    %shift_right_arithmetic3A_1577 = arith.shrsi %bitcast3A_1574, %shift_right_arithmetic3A_1576 : vector<16xi32>
    %add3A_1578 = arith.addi %shift_right_arithmetic3A_1577, %broadcast_in_dim3A_7 : vector<16xi32>
    %bitcast3A_1579 = vector.bitcast %add3A_1578 : vector<16xi32> to vector<16xf32>
    %div3A_1580 = arith.divf %max3A_1573, %bitcast3A_1579 : vector<16xf32>
    %add3A_1581 = arith.addf %bitcast3A_1579, %div3A_1580 : vector<16xf32>
    %mul3A_1582 = arith.mulf %broadcast_in_dim3A_3, %add3A_1581 : vector<16xf32>
    %div3A_1583 = arith.divf %max3A_1573, %mul3A_1582 : vector<16xf32>
    %add3A_1584 = arith.addf %mul3A_1582, %div3A_1583 : vector<16xf32>
    %mul3A_1585 = arith.mulf %broadcast_in_dim3A_3, %add3A_1584 : vector<16xf32>
    %div3A_1586 = arith.divf %max3A_1573, %mul3A_1585 : vector<16xf32>
    %add3A_1587 = arith.addf %mul3A_1585, %div3A_1586 : vector<16xf32>
    %mul3A_1588 = arith.mulf %broadcast_in_dim3A_3, %add3A_1587 : vector<16xf32>
    %mul3A_1589 = arith.mulf %broadcast_in_dim3A_3, %add3A_1568 : vector<16xf32>
    %get3A_1590 = arith.constant 1 : i32
    %get3A_1591 = arith.index_cast %get3A_1590 : i32 to index
    %get3A_1592 = arith.constant 304 : index
    %get3A_1593 = tpu.vector_load %arg7[%get3A_1591, %get3A_1592] {strides = array<i32>} : memref<2x512xf32, #tpu.memory_space<vmem>>, vector<16xf32>,
    %sub3A_1594 = arith.subf %mul3A_1589, %get3A_1593 : vector<16xf32>
    %abs3A_1595 = math.absf %sub3A_1594 : vector<16xf32>
    %add3A_1596 = arith.addf %mul3A_1588, %abs3A_1595 : vector<16xf32>
    %swap3A_1597 = arith.constant 304 : index
    %swap3A_1598 = tpu.vector_load %arg9[%swap3A_1597] {strides = array<i32>} : memref<512xf32, #tpu.memory_space<vmem>>, vector<16xf32>,
    tpu.vector_store %arg9[%swap3A_1597], %add3A_1596 {strides = array<i32>} : memref<512xf32, #tpu.memory_space<vmem>>, vector<16xf32>,
    %broadcast_in_dim3A_1599 = arith.constant 0.000000e+00 : f32
    %broadcast_in_dim3A_1600 = vector.broadcast %broadcast_in_dim3A_1599 : f32 to vector<16xf32>
    %get3A_1601 = arith.constant 0 : i32
    %get3A_1602 = arith.index_cast %get3A_1601 : i32 to index
    %get3A_1603 = arith.constant 320 : index
    %get3A_1604 = tpu.vector_load %arg6[%get3A_1602, %get3A_1603] {strides = array<i32>} : memref<8x512xi32, #tpu.memory_space<vmem>>, vector<16xi32>,
    %gather3A_1605 = tpu.vector_load_idx %arg8[%get3A_1604] : memref<2048xf32, #tpu.memory_space<vmem>>[vector<16xi32>], vector<16xf32>,
    %add3A_1606 = arith.addf %broadcast_in_dim3A_1600, %gather3A_1605 : vector<16xf32>
    %get3A_1607 = arith.constant 1 : i32
    %get3A_1608 = arith.index_cast %get3A_1607 : i32 to index
    %get3A_1609 = arith.constant 320 : index
    %get3A_1610 = tpu.vector_load %arg6[%get3A_1608, %get3A_1609] {strides = array<i32>} : memref<8x512xi32, #tpu.memory_space<vmem>>, vector<16xi32>,
    %gather3A_1611 = tpu.vector_load_idx %arg8[%get3A_1610] : memref<2048xf32, #tpu.memory_space<vmem>>[vector<16xi32>], vector<16xf32>,
    %add3A_1612 = arith.addf %add3A_1606, %gather3A_1611 : vector<16xf32>
    %get3A_1613 = arith.constant 2 : i32
    %get3A_1614 = arith.index_cast %get3A_1613 : i32 to index
    %get3A_1615 = arith.constant 320 : index
    %get3A_1616 = tpu.vector_load %arg6[%get3A_1614, %get3A_1615] {strides = array<i32>} : memref<8x512xi32, #tpu.memory_space<vmem>>, vector<16xi32>,
    %gather3A_1617 = tpu.vector_load_idx %arg8[%get3A_1616] : memref<2048xf32, #tpu.memory_space<vmem>>[vector<16xi32>], vector<16xf32>,
    %add3A_1618 = arith.addf %add3A_1612, %gather3A_1617 : vector<16xf32>
    %get3A_1619 = arith.constant 3 : i32
    %get3A_1620 = arith.index_cast %get3A_1619 : i32 to index
    %get3A_1621 = arith.constant 320 : index
    %get3A_1622 = tpu.vector_load %arg6[%get3A_1620, %get3A_1621] {strides = array<i32>} : memref<8x512xi32, #tpu.memory_space<vmem>>, vector<16xi32>,
    %gather3A_1623 = tpu.vector_load_idx %arg8[%get3A_1622] : memref<2048xf32, #tpu.memory_space<vmem>>[vector<16xi32>], vector<16xf32>,
    %add3A_1624 = arith.addf %add3A_1618, %gather3A_1623 : vector<16xf32>
    %get3A_1625 = arith.constant 4 : i32
    %get3A_1626 = arith.index_cast %get3A_1625 : i32 to index
    %get3A_1627 = arith.constant 320 : index
    %get3A_1628 = tpu.vector_load %arg6[%get3A_1626, %get3A_1627] {strides = array<i32>} : memref<8x512xi32, #tpu.memory_space<vmem>>, vector<16xi32>,
    %gather3A_1629 = tpu.vector_load_idx %arg8[%get3A_1628] : memref<2048xf32, #tpu.memory_space<vmem>>[vector<16xi32>], vector<16xf32>,
    %add3A_1630 = arith.addf %add3A_1624, %gather3A_1629 : vector<16xf32>
    %get3A_1631 = arith.constant 5 : i32
    %get3A_1632 = arith.index_cast %get3A_1631 : i32 to index
    %get3A_1633 = arith.constant 320 : index
    %get3A_1634 = tpu.vector_load %arg6[%get3A_1632, %get3A_1633] {strides = array<i32>} : memref<8x512xi32, #tpu.memory_space<vmem>>, vector<16xi32>,
    %gather3A_1635 = tpu.vector_load_idx %arg8[%get3A_1634] : memref<2048xf32, #tpu.memory_space<vmem>>[vector<16xi32>], vector<16xf32>,
    %add3A_1636 = arith.addf %add3A_1630, %gather3A_1635 : vector<16xf32>
    %get3A_1637 = arith.constant 6 : i32
    %get3A_1638 = arith.index_cast %get3A_1637 : i32 to index
    %get3A_1639 = arith.constant 320 : index
    %get3A_1640 = tpu.vector_load %arg6[%get3A_1638, %get3A_1639] {strides = array<i32>} : memref<8x512xi32, #tpu.memory_space<vmem>>, vector<16xi32>,
    %gather3A_1641 = tpu.vector_load_idx %arg8[%get3A_1640] : memref<2048xf32, #tpu.memory_space<vmem>>[vector<16xi32>], vector<16xf32>,
    %add3A_1642 = arith.addf %add3A_1636, %gather3A_1641 : vector<16xf32>
    %get3A_1643 = arith.constant 7 : i32
    %get3A_1644 = arith.index_cast %get3A_1643 : i32 to index
    %get3A_1645 = arith.constant 320 : index
    %get3A_1646 = tpu.vector_load %arg6[%get3A_1644, %get3A_1645] {strides = array<i32>} : memref<8x512xi32, #tpu.memory_space<vmem>>, vector<16xi32>,
    %gather3A_1647 = tpu.vector_load_idx %arg8[%get3A_1646] : memref<2048xf32, #tpu.memory_space<vmem>>[vector<16xi32>], vector<16xf32>,
    %add3A_1648 = arith.addf %add3A_1642, %gather3A_1647 : vector<16xf32>
    %get3A_1649 = arith.constant 0 : i32
    %get3A_1650 = arith.index_cast %get3A_1649 : i32 to index
    %get3A_1651 = arith.constant 320 : index
    %get3A_1652 = tpu.vector_load %arg7[%get3A_1650, %get3A_1651] {strides = array<i32>} : memref<2x512xf32, #tpu.memory_space<vmem>>, vector<16xf32>,
    %max3A_1653 = arith.maximumf %get3A_1652, %broadcast_in_dim3A_5 : vector<16xf32>
    %bitcast3A_1654 = vector.bitcast %max3A_1653 : vector<16xf32> to vector<16xi32>
    %shift_right_arithmetic3A_1655 = arith.constant 1 : i32
    %shift_right_arithmetic3A_1656 = vector.broadcast %shift_right_arithmetic3A_1655 : i32 to vector<16xi32>
    %shift_right_arithmetic3A_1657 = arith.shrsi %bitcast3A_1654, %shift_right_arithmetic3A_1656 : vector<16xi32>
    %add3A_1658 = arith.addi %shift_right_arithmetic3A_1657, %broadcast_in_dim3A_7 : vector<16xi32>
    %bitcast3A_1659 = vector.bitcast %add3A_1658 : vector<16xi32> to vector<16xf32>
    %div3A_1660 = arith.divf %max3A_1653, %bitcast3A_1659 : vector<16xf32>
    %add3A_1661 = arith.addf %bitcast3A_1659, %div3A_1660 : vector<16xf32>
    %mul3A_1662 = arith.mulf %broadcast_in_dim3A_3, %add3A_1661 : vector<16xf32>
    %div3A_1663 = arith.divf %max3A_1653, %mul3A_1662 : vector<16xf32>
    %add3A_1664 = arith.addf %mul3A_1662, %div3A_1663 : vector<16xf32>
    %mul3A_1665 = arith.mulf %broadcast_in_dim3A_3, %add3A_1664 : vector<16xf32>
    %div3A_1666 = arith.divf %max3A_1653, %mul3A_1665 : vector<16xf32>
    %add3A_1667 = arith.addf %mul3A_1665, %div3A_1666 : vector<16xf32>
    %mul3A_1668 = arith.mulf %broadcast_in_dim3A_3, %add3A_1667 : vector<16xf32>
    %mul3A_1669 = arith.mulf %broadcast_in_dim3A_3, %add3A_1648 : vector<16xf32>
    %get3A_1670 = arith.constant 1 : i32
    %get3A_1671 = arith.index_cast %get3A_1670 : i32 to index
    %get3A_1672 = arith.constant 320 : index
    %get3A_1673 = tpu.vector_load %arg7[%get3A_1671, %get3A_1672] {strides = array<i32>} : memref<2x512xf32, #tpu.memory_space<vmem>>, vector<16xf32>,
    %sub3A_1674 = arith.subf %mul3A_1669, %get3A_1673 : vector<16xf32>
    %abs3A_1675 = math.absf %sub3A_1674 : vector<16xf32>
    %add3A_1676 = arith.addf %mul3A_1668, %abs3A_1675 : vector<16xf32>
    %swap3A_1677 = arith.constant 320 : index
    %swap3A_1678 = tpu.vector_load %arg9[%swap3A_1677] {strides = array<i32>} : memref<512xf32, #tpu.memory_space<vmem>>, vector<16xf32>,
    tpu.vector_store %arg9[%swap3A_1677], %add3A_1676 {strides = array<i32>} : memref<512xf32, #tpu.memory_space<vmem>>, vector<16xf32>,
    %broadcast_in_dim3A_1679 = arith.constant 0.000000e+00 : f32
    %broadcast_in_dim3A_1680 = vector.broadcast %broadcast_in_dim3A_1679 : f32 to vector<16xf32>
    %get3A_1681 = arith.constant 0 : i32
    %get3A_1682 = arith.index_cast %get3A_1681 : i32 to index
    %get3A_1683 = arith.constant 336 : index
    %get3A_1684 = tpu.vector_load %arg6[%get3A_1682, %get3A_1683] {strides = array<i32>} : memref<8x512xi32, #tpu.memory_space<vmem>>, vector<16xi32>,
    %gather3A_1685 = tpu.vector_load_idx %arg8[%get3A_1684] : memref<2048xf32, #tpu.memory_space<vmem>>[vector<16xi32>], vector<16xf32>,
    %add3A_1686 = arith.addf %broadcast_in_dim3A_1680, %gather3A_1685 : vector<16xf32>
    %get3A_1687 = arith.constant 1 : i32
    %get3A_1688 = arith.index_cast %get3A_1687 : i32 to index
    %get3A_1689 = arith.constant 336 : index
    %get3A_1690 = tpu.vector_load %arg6[%get3A_1688, %get3A_1689] {strides = array<i32>} : memref<8x512xi32, #tpu.memory_space<vmem>>, vector<16xi32>,
    %gather3A_1691 = tpu.vector_load_idx %arg8[%get3A_1690] : memref<2048xf32, #tpu.memory_space<vmem>>[vector<16xi32>], vector<16xf32>,
    %add3A_1692 = arith.addf %add3A_1686, %gather3A_1691 : vector<16xf32>
    %get3A_1693 = arith.constant 2 : i32
    %get3A_1694 = arith.index_cast %get3A_1693 : i32 to index
    %get3A_1695 = arith.constant 336 : index
    %get3A_1696 = tpu.vector_load %arg6[%get3A_1694, %get3A_1695] {strides = array<i32>} : memref<8x512xi32, #tpu.memory_space<vmem>>, vector<16xi32>,
    %gather3A_1697 = tpu.vector_load_idx %arg8[%get3A_1696] : memref<2048xf32, #tpu.memory_space<vmem>>[vector<16xi32>], vector<16xf32>,
    %add3A_1698 = arith.addf %add3A_1692, %gather3A_1697 : vector<16xf32>
    %get3A_1699 = arith.constant 3 : i32
    %get3A_1700 = arith.index_cast %get3A_1699 : i32 to index
    %get3A_1701 = arith.constant 336 : index
    %get3A_1702 = tpu.vector_load %arg6[%get3A_1700, %get3A_1701] {strides = array<i32>} : memref<8x512xi32, #tpu.memory_space<vmem>>, vector<16xi32>,
    %gather3A_1703 = tpu.vector_load_idx %arg8[%get3A_1702] : memref<2048xf32, #tpu.memory_space<vmem>>[vector<16xi32>], vector<16xf32>,
    %add3A_1704 = arith.addf %add3A_1698, %gather3A_1703 : vector<16xf32>
    %get3A_1705 = arith.constant 4 : i32
    %get3A_1706 = arith.index_cast %get3A_1705 : i32 to index
    %get3A_1707 = arith.constant 336 : index
    %get3A_1708 = tpu.vector_load %arg6[%get3A_1706, %get3A_1707] {strides = array<i32>} : memref<8x512xi32, #tpu.memory_space<vmem>>, vector<16xi32>,
    %gather3A_1709 = tpu.vector_load_idx %arg8[%get3A_1708] : memref<2048xf32, #tpu.memory_space<vmem>>[vector<16xi32>], vector<16xf32>,
    %add3A_1710 = arith.addf %add3A_1704, %gather3A_1709 : vector<16xf32>
    %get3A_1711 = arith.constant 5 : i32
    %get3A_1712 = arith.index_cast %get3A_1711 : i32 to index
    %get3A_1713 = arith.constant 336 : index
    %get3A_1714 = tpu.vector_load %arg6[%get3A_1712, %get3A_1713] {strides = array<i32>} : memref<8x512xi32, #tpu.memory_space<vmem>>, vector<16xi32>,
    %gather3A_1715 = tpu.vector_load_idx %arg8[%get3A_1714] : memref<2048xf32, #tpu.memory_space<vmem>>[vector<16xi32>], vector<16xf32>,
    %add3A_1716 = arith.addf %add3A_1710, %gather3A_1715 : vector<16xf32>
    %get3A_1717 = arith.constant 6 : i32
    %get3A_1718 = arith.index_cast %get3A_1717 : i32 to index
    %get3A_1719 = arith.constant 336 : index
    %get3A_1720 = tpu.vector_load %arg6[%get3A_1718, %get3A_1719] {strides = array<i32>} : memref<8x512xi32, #tpu.memory_space<vmem>>, vector<16xi32>,
    %gather3A_1721 = tpu.vector_load_idx %arg8[%get3A_1720] : memref<2048xf32, #tpu.memory_space<vmem>>[vector<16xi32>], vector<16xf32>,
    %add3A_1722 = arith.addf %add3A_1716, %gather3A_1721 : vector<16xf32>
    %get3A_1723 = arith.constant 7 : i32
    %get3A_1724 = arith.index_cast %get3A_1723 : i32 to index
    %get3A_1725 = arith.constant 336 : index
    %get3A_1726 = tpu.vector_load %arg6[%get3A_1724, %get3A_1725] {strides = array<i32>} : memref<8x512xi32, #tpu.memory_space<vmem>>, vector<16xi32>,
    %gather3A_1727 = tpu.vector_load_idx %arg8[%get3A_1726] : memref<2048xf32, #tpu.memory_space<vmem>>[vector<16xi32>], vector<16xf32>,
    %add3A_1728 = arith.addf %add3A_1722, %gather3A_1727 : vector<16xf32>
    %get3A_1729 = arith.constant 0 : i32
    %get3A_1730 = arith.index_cast %get3A_1729 : i32 to index
    %get3A_1731 = arith.constant 336 : index
    %get3A_1732 = tpu.vector_load %arg7[%get3A_1730, %get3A_1731] {strides = array<i32>} : memref<2x512xf32, #tpu.memory_space<vmem>>, vector<16xf32>,
    %max3A_1733 = arith.maximumf %get3A_1732, %broadcast_in_dim3A_5 : vector<16xf32>
    %bitcast3A_1734 = vector.bitcast %max3A_1733 : vector<16xf32> to vector<16xi32>
    %shift_right_arithmetic3A_1735 = arith.constant 1 : i32
    %shift_right_arithmetic3A_1736 = vector.broadcast %shift_right_arithmetic3A_1735 : i32 to vector<16xi32>
    %shift_right_arithmetic3A_1737 = arith.shrsi %bitcast3A_1734, %shift_right_arithmetic3A_1736 : vector<16xi32>
    %add3A_1738 = arith.addi %shift_right_arithmetic3A_1737, %broadcast_in_dim3A_7 : vector<16xi32>
    %bitcast3A_1739 = vector.bitcast %add3A_1738 : vector<16xi32> to vector<16xf32>
    %div3A_1740 = arith.divf %max3A_1733, %bitcast3A_1739 : vector<16xf32>
    %add3A_1741 = arith.addf %bitcast3A_1739, %div3A_1740 : vector<16xf32>
    %mul3A_1742 = arith.mulf %broadcast_in_dim3A_3, %add3A_1741 : vector<16xf32>
    %div3A_1743 = arith.divf %max3A_1733, %mul3A_1742 : vector<16xf32>
    %add3A_1744 = arith.addf %mul3A_1742, %div3A_1743 : vector<16xf32>
    %mul3A_1745 = arith.mulf %broadcast_in_dim3A_3, %add3A_1744 : vector<16xf32>
    %div3A_1746 = arith.divf %max3A_1733, %mul3A_1745 : vector<16xf32>
    %add3A_1747 = arith.addf %mul3A_1745, %div3A_1746 : vector<16xf32>
    %mul3A_1748 = arith.mulf %broadcast_in_dim3A_3, %add3A_1747 : vector<16xf32>
    %mul3A_1749 = arith.mulf %broadcast_in_dim3A_3, %add3A_1728 : vector<16xf32>
    %get3A_1750 = arith.constant 1 : i32
    %get3A_1751 = arith.index_cast %get3A_1750 : i32 to index
    %get3A_1752 = arith.constant 336 : index
    %get3A_1753 = tpu.vector_load %arg7[%get3A_1751, %get3A_1752] {strides = array<i32>} : memref<2x512xf32, #tpu.memory_space<vmem>>, vector<16xf32>,
    %sub3A_1754 = arith.subf %mul3A_1749, %get3A_1753 : vector<16xf32>
    %abs3A_1755 = math.absf %sub3A_1754 : vector<16xf32>
    %add3A_1756 = arith.addf %mul3A_1748, %abs3A_1755 : vector<16xf32>
    %swap3A_1757 = arith.constant 336 : index
    %swap3A_1758 = tpu.vector_load %arg9[%swap3A_1757] {strides = array<i32>} : memref<512xf32, #tpu.memory_space<vmem>>, vector<16xf32>,
    tpu.vector_store %arg9[%swap3A_1757], %add3A_1756 {strides = array<i32>} : memref<512xf32, #tpu.memory_space<vmem>>, vector<16xf32>,
    %broadcast_in_dim3A_1759 = arith.constant 0.000000e+00 : f32
    %broadcast_in_dim3A_1760 = vector.broadcast %broadcast_in_dim3A_1759 : f32 to vector<16xf32>
    %get3A_1761 = arith.constant 0 : i32
    %get3A_1762 = arith.index_cast %get3A_1761 : i32 to index
    %get3A_1763 = arith.constant 352 : index
    %get3A_1764 = tpu.vector_load %arg6[%get3A_1762, %get3A_1763] {strides = array<i32>} : memref<8x512xi32, #tpu.memory_space<vmem>>, vector<16xi32>,
    %gather3A_1765 = tpu.vector_load_idx %arg8[%get3A_1764] : memref<2048xf32, #tpu.memory_space<vmem>>[vector<16xi32>], vector<16xf32>,
    %add3A_1766 = arith.addf %broadcast_in_dim3A_1760, %gather3A_1765 : vector<16xf32>
    %get3A_1767 = arith.constant 1 : i32
    %get3A_1768 = arith.index_cast %get3A_1767 : i32 to index
    %get3A_1769 = arith.constant 352 : index
    %get3A_1770 = tpu.vector_load %arg6[%get3A_1768, %get3A_1769] {strides = array<i32>} : memref<8x512xi32, #tpu.memory_space<vmem>>, vector<16xi32>,
    %gather3A_1771 = tpu.vector_load_idx %arg8[%get3A_1770] : memref<2048xf32, #tpu.memory_space<vmem>>[vector<16xi32>], vector<16xf32>,
    %add3A_1772 = arith.addf %add3A_1766, %gather3A_1771 : vector<16xf32>
    %get3A_1773 = arith.constant 2 : i32
    %get3A_1774 = arith.index_cast %get3A_1773 : i32 to index
    %get3A_1775 = arith.constant 352 : index
    %get3A_1776 = tpu.vector_load %arg6[%get3A_1774, %get3A_1775] {strides = array<i32>} : memref<8x512xi32, #tpu.memory_space<vmem>>, vector<16xi32>,
    %gather3A_1777 = tpu.vector_load_idx %arg8[%get3A_1776] : memref<2048xf32, #tpu.memory_space<vmem>>[vector<16xi32>], vector<16xf32>,
    %add3A_1778 = arith.addf %add3A_1772, %gather3A_1777 : vector<16xf32>
    %get3A_1779 = arith.constant 3 : i32
    %get3A_1780 = arith.index_cast %get3A_1779 : i32 to index
    %get3A_1781 = arith.constant 352 : index
    %get3A_1782 = tpu.vector_load %arg6[%get3A_1780, %get3A_1781] {strides = array<i32>} : memref<8x512xi32, #tpu.memory_space<vmem>>, vector<16xi32>,
    %gather3A_1783 = tpu.vector_load_idx %arg8[%get3A_1782] : memref<2048xf32, #tpu.memory_space<vmem>>[vector<16xi32>], vector<16xf32>,
    %add3A_1784 = arith.addf %add3A_1778, %gather3A_1783 : vector<16xf32>
    %get3A_1785 = arith.constant 4 : i32
    %get3A_1786 = arith.index_cast %get3A_1785 : i32 to index
    %get3A_1787 = arith.constant 352 : index
    %get3A_1788 = tpu.vector_load %arg6[%get3A_1786, %get3A_1787] {strides = array<i32>} : memref<8x512xi32, #tpu.memory_space<vmem>>, vector<16xi32>,
    %gather3A_1789 = tpu.vector_load_idx %arg8[%get3A_1788] : memref<2048xf32, #tpu.memory_space<vmem>>[vector<16xi32>], vector<16xf32>,
    %add3A_1790 = arith.addf %add3A_1784, %gather3A_1789 : vector<16xf32>
    %get3A_1791 = arith.constant 5 : i32
    %get3A_1792 = arith.index_cast %get3A_1791 : i32 to index
    %get3A_1793 = arith.constant 352 : index
    %get3A_1794 = tpu.vector_load %arg6[%get3A_1792, %get3A_1793] {strides = array<i32>} : memref<8x512xi32, #tpu.memory_space<vmem>>, vector<16xi32>,
    %gather3A_1795 = tpu.vector_load_idx %arg8[%get3A_1794] : memref<2048xf32, #tpu.memory_space<vmem>>[vector<16xi32>], vector<16xf32>,
    %add3A_1796 = arith.addf %add3A_1790, %gather3A_1795 : vector<16xf32>
    %get3A_1797 = arith.constant 6 : i32
    %get3A_1798 = arith.index_cast %get3A_1797 : i32 to index
    %get3A_1799 = arith.constant 352 : index
    %get3A_1800 = tpu.vector_load %arg6[%get3A_1798, %get3A_1799] {strides = array<i32>} : memref<8x512xi32, #tpu.memory_space<vmem>>, vector<16xi32>,
    %gather3A_1801 = tpu.vector_load_idx %arg8[%get3A_1800] : memref<2048xf32, #tpu.memory_space<vmem>>[vector<16xi32>], vector<16xf32>,
    %add3A_1802 = arith.addf %add3A_1796, %gather3A_1801 : vector<16xf32>
    %get3A_1803 = arith.constant 7 : i32
    %get3A_1804 = arith.index_cast %get3A_1803 : i32 to index
    %get3A_1805 = arith.constant 352 : index
    %get3A_1806 = tpu.vector_load %arg6[%get3A_1804, %get3A_1805] {strides = array<i32>} : memref<8x512xi32, #tpu.memory_space<vmem>>, vector<16xi32>,
    %gather3A_1807 = tpu.vector_load_idx %arg8[%get3A_1806] : memref<2048xf32, #tpu.memory_space<vmem>>[vector<16xi32>], vector<16xf32>,
    %add3A_1808 = arith.addf %add3A_1802, %gather3A_1807 : vector<16xf32>
    %get3A_1809 = arith.constant 0 : i32
    %get3A_1810 = arith.index_cast %get3A_1809 : i32 to index
    %get3A_1811 = arith.constant 352 : index
    %get3A_1812 = tpu.vector_load %arg7[%get3A_1810, %get3A_1811] {strides = array<i32>} : memref<2x512xf32, #tpu.memory_space<vmem>>, vector<16xf32>,
    %max3A_1813 = arith.maximumf %get3A_1812, %broadcast_in_dim3A_5 : vector<16xf32>
    %bitcast3A_1814 = vector.bitcast %max3A_1813 : vector<16xf32> to vector<16xi32>
    %shift_right_arithmetic3A_1815 = arith.constant 1 : i32
    %shift_right_arithmetic3A_1816 = vector.broadcast %shift_right_arithmetic3A_1815 : i32 to vector<16xi32>
    %shift_right_arithmetic3A_1817 = arith.shrsi %bitcast3A_1814, %shift_right_arithmetic3A_1816 : vector<16xi32>
    %add3A_1818 = arith.addi %shift_right_arithmetic3A_1817, %broadcast_in_dim3A_7 : vector<16xi32>
    %bitcast3A_1819 = vector.bitcast %add3A_1818 : vector<16xi32> to vector<16xf32>
    %div3A_1820 = arith.divf %max3A_1813, %bitcast3A_1819 : vector<16xf32>
    %add3A_1821 = arith.addf %bitcast3A_1819, %div3A_1820 : vector<16xf32>
    %mul3A_1822 = arith.mulf %broadcast_in_dim3A_3, %add3A_1821 : vector<16xf32>
    %div3A_1823 = arith.divf %max3A_1813, %mul3A_1822 : vector<16xf32>
    %add3A_1824 = arith.addf %mul3A_1822, %div3A_1823 : vector<16xf32>
    %mul3A_1825 = arith.mulf %broadcast_in_dim3A_3, %add3A_1824 : vector<16xf32>
    %div3A_1826 = arith.divf %max3A_1813, %mul3A_1825 : vector<16xf32>
    %add3A_1827 = arith.addf %mul3A_1825, %div3A_1826 : vector<16xf32>
    %mul3A_1828 = arith.mulf %broadcast_in_dim3A_3, %add3A_1827 : vector<16xf32>
    %mul3A_1829 = arith.mulf %broadcast_in_dim3A_3, %add3A_1808 : vector<16xf32>
    %get3A_1830 = arith.constant 1 : i32
    %get3A_1831 = arith.index_cast %get3A_1830 : i32 to index
    %get3A_1832 = arith.constant 352 : index
    %get3A_1833 = tpu.vector_load %arg7[%get3A_1831, %get3A_1832] {strides = array<i32>} : memref<2x512xf32, #tpu.memory_space<vmem>>, vector<16xf32>,
    %sub3A_1834 = arith.subf %mul3A_1829, %get3A_1833 : vector<16xf32>
    %abs3A_1835 = math.absf %sub3A_1834 : vector<16xf32>
    %add3A_1836 = arith.addf %mul3A_1828, %abs3A_1835 : vector<16xf32>
    %swap3A_1837 = arith.constant 352 : index
    %swap3A_1838 = tpu.vector_load %arg9[%swap3A_1837] {strides = array<i32>} : memref<512xf32, #tpu.memory_space<vmem>>, vector<16xf32>,
    tpu.vector_store %arg9[%swap3A_1837], %add3A_1836 {strides = array<i32>} : memref<512xf32, #tpu.memory_space<vmem>>, vector<16xf32>,
    %broadcast_in_dim3A_1839 = arith.constant 0.000000e+00 : f32
    %broadcast_in_dim3A_1840 = vector.broadcast %broadcast_in_dim3A_1839 : f32 to vector<16xf32>
    %get3A_1841 = arith.constant 0 : i32
    %get3A_1842 = arith.index_cast %get3A_1841 : i32 to index
    %get3A_1843 = arith.constant 368 : index
    %get3A_1844 = tpu.vector_load %arg6[%get3A_1842, %get3A_1843] {strides = array<i32>} : memref<8x512xi32, #tpu.memory_space<vmem>>, vector<16xi32>,
    %gather3A_1845 = tpu.vector_load_idx %arg8[%get3A_1844] : memref<2048xf32, #tpu.memory_space<vmem>>[vector<16xi32>], vector<16xf32>,
    %add3A_1846 = arith.addf %broadcast_in_dim3A_1840, %gather3A_1845 : vector<16xf32>
    %get3A_1847 = arith.constant 1 : i32
    %get3A_1848 = arith.index_cast %get3A_1847 : i32 to index
    %get3A_1849 = arith.constant 368 : index
    %get3A_1850 = tpu.vector_load %arg6[%get3A_1848, %get3A_1849] {strides = array<i32>} : memref<8x512xi32, #tpu.memory_space<vmem>>, vector<16xi32>,
    %gather3A_1851 = tpu.vector_load_idx %arg8[%get3A_1850] : memref<2048xf32, #tpu.memory_space<vmem>>[vector<16xi32>], vector<16xf32>,
    %add3A_1852 = arith.addf %add3A_1846, %gather3A_1851 : vector<16xf32>
    %get3A_1853 = arith.constant 2 : i32
    %get3A_1854 = arith.index_cast %get3A_1853 : i32 to index
    %get3A_1855 = arith.constant 368 : index
    %get3A_1856 = tpu.vector_load %arg6[%get3A_1854, %get3A_1855] {strides = array<i32>} : memref<8x512xi32, #tpu.memory_space<vmem>>, vector<16xi32>,
    %gather3A_1857 = tpu.vector_load_idx %arg8[%get3A_1856] : memref<2048xf32, #tpu.memory_space<vmem>>[vector<16xi32>], vector<16xf32>,
    %add3A_1858 = arith.addf %add3A_1852, %gather3A_1857 : vector<16xf32>
    %get3A_1859 = arith.constant 3 : i32
    %get3A_1860 = arith.index_cast %get3A_1859 : i32 to index
    %get3A_1861 = arith.constant 368 : index
    %get3A_1862 = tpu.vector_load %arg6[%get3A_1860, %get3A_1861] {strides = array<i32>} : memref<8x512xi32, #tpu.memory_space<vmem>>, vector<16xi32>,
    %gather3A_1863 = tpu.vector_load_idx %arg8[%get3A_1862] : memref<2048xf32, #tpu.memory_space<vmem>>[vector<16xi32>], vector<16xf32>,
    %add3A_1864 = arith.addf %add3A_1858, %gather3A_1863 : vector<16xf32>
    %get3A_1865 = arith.constant 4 : i32
    %get3A_1866 = arith.index_cast %get3A_1865 : i32 to index
    %get3A_1867 = arith.constant 368 : index
    %get3A_1868 = tpu.vector_load %arg6[%get3A_1866, %get3A_1867] {strides = array<i32>} : memref<8x512xi32, #tpu.memory_space<vmem>>, vector<16xi32>,
    %gather3A_1869 = tpu.vector_load_idx %arg8[%get3A_1868] : memref<2048xf32, #tpu.memory_space<vmem>>[vector<16xi32>], vector<16xf32>,
    %add3A_1870 = arith.addf %add3A_1864, %gather3A_1869 : vector<16xf32>
    %get3A_1871 = arith.constant 5 : i32
    %get3A_1872 = arith.index_cast %get3A_1871 : i32 to index
    %get3A_1873 = arith.constant 368 : index
    %get3A_1874 = tpu.vector_load %arg6[%get3A_1872, %get3A_1873] {strides = array<i32>} : memref<8x512xi32, #tpu.memory_space<vmem>>, vector<16xi32>,
    %gather3A_1875 = tpu.vector_load_idx %arg8[%get3A_1874] : memref<2048xf32, #tpu.memory_space<vmem>>[vector<16xi32>], vector<16xf32>,
    %add3A_1876 = arith.addf %add3A_1870, %gather3A_1875 : vector<16xf32>
    %get3A_1877 = arith.constant 6 : i32
    %get3A_1878 = arith.index_cast %get3A_1877 : i32 to index
    %get3A_1879 = arith.constant 368 : index
    %get3A_1880 = tpu.vector_load %arg6[%get3A_1878, %get3A_1879] {strides = array<i32>} : memref<8x512xi32, #tpu.memory_space<vmem>>, vector<16xi32>,
    %gather3A_1881 = tpu.vector_load_idx %arg8[%get3A_1880] : memref<2048xf32, #tpu.memory_space<vmem>>[vector<16xi32>], vector<16xf32>,
    %add3A_1882 = arith.addf %add3A_1876, %gather3A_1881 : vector<16xf32>
    %get3A_1883 = arith.constant 7 : i32
    %get3A_1884 = arith.index_cast %get3A_1883 : i32 to index
    %get3A_1885 = arith.constant 368 : index
    %get3A_1886 = tpu.vector_load %arg6[%get3A_1884, %get3A_1885] {strides = array<i32>} : memref<8x512xi32, #tpu.memory_space<vmem>>, vector<16xi32>,
    %gather3A_1887 = tpu.vector_load_idx %arg8[%get3A_1886] : memref<2048xf32, #tpu.memory_space<vmem>>[vector<16xi32>], vector<16xf32>,
    %add3A_1888 = arith.addf %add3A_1882, %gather3A_1887 : vector<16xf32>
    %get3A_1889 = arith.constant 0 : i32
    %get3A_1890 = arith.index_cast %get3A_1889 : i32 to index
    %get3A_1891 = arith.constant 368 : index
    %get3A_1892 = tpu.vector_load %arg7[%get3A_1890, %get3A_1891] {strides = array<i32>} : memref<2x512xf32, #tpu.memory_space<vmem>>, vector<16xf32>,
    %max3A_1893 = arith.maximumf %get3A_1892, %broadcast_in_dim3A_5 : vector<16xf32>
    %bitcast3A_1894 = vector.bitcast %max3A_1893 : vector<16xf32> to vector<16xi32>
    %shift_right_arithmetic3A_1895 = arith.constant 1 : i32
    %shift_right_arithmetic3A_1896 = vector.broadcast %shift_right_arithmetic3A_1895 : i32 to vector<16xi32>
    %shift_right_arithmetic3A_1897 = arith.shrsi %bitcast3A_1894, %shift_right_arithmetic3A_1896 : vector<16xi32>
    %add3A_1898 = arith.addi %shift_right_arithmetic3A_1897, %broadcast_in_dim3A_7 : vector<16xi32>
    %bitcast3A_1899 = vector.bitcast %add3A_1898 : vector<16xi32> to vector<16xf32>
    %div3A_1900 = arith.divf %max3A_1893, %bitcast3A_1899 : vector<16xf32>
    %add3A_1901 = arith.addf %bitcast3A_1899, %div3A_1900 : vector<16xf32>
    %mul3A_1902 = arith.mulf %broadcast_in_dim3A_3, %add3A_1901 : vector<16xf32>
    %div3A_1903 = arith.divf %max3A_1893, %mul3A_1902 : vector<16xf32>
    %add3A_1904 = arith.addf %mul3A_1902, %div3A_1903 : vector<16xf32>
    %mul3A_1905 = arith.mulf %broadcast_in_dim3A_3, %add3A_1904 : vector<16xf32>
    %div3A_1906 = arith.divf %max3A_1893, %mul3A_1905 : vector<16xf32>
    %add3A_1907 = arith.addf %mul3A_1905, %div3A_1906 : vector<16xf32>
    %mul3A_1908 = arith.mulf %broadcast_in_dim3A_3, %add3A_1907 : vector<16xf32>
    %mul3A_1909 = arith.mulf %broadcast_in_dim3A_3, %add3A_1888 : vector<16xf32>
    %get3A_1910 = arith.constant 1 : i32
    %get3A_1911 = arith.index_cast %get3A_1910 : i32 to index
    %get3A_1912 = arith.constant 368 : index
    %get3A_1913 = tpu.vector_load %arg7[%get3A_1911, %get3A_1912] {strides = array<i32>} : memref<2x512xf32, #tpu.memory_space<vmem>>, vector<16xf32>,
    %sub3A_1914 = arith.subf %mul3A_1909, %get3A_1913 : vector<16xf32>
    %abs3A_1915 = math.absf %sub3A_1914 : vector<16xf32>
    %add3A_1916 = arith.addf %mul3A_1908, %abs3A_1915 : vector<16xf32>
    %swap3A_1917 = arith.constant 368 : index
    %swap3A_1918 = tpu.vector_load %arg9[%swap3A_1917] {strides = array<i32>} : memref<512xf32, #tpu.memory_space<vmem>>, vector<16xf32>,
    tpu.vector_store %arg9[%swap3A_1917], %add3A_1916 {strides = array<i32>} : memref<512xf32, #tpu.memory_space<vmem>>, vector<16xf32>,
    %broadcast_in_dim3A_1919 = arith.constant 0.000000e+00 : f32
    %broadcast_in_dim3A_1920 = vector.broadcast %broadcast_in_dim3A_1919 : f32 to vector<16xf32>
    %get3A_1921 = arith.constant 0 : i32
    %get3A_1922 = arith.index_cast %get3A_1921 : i32 to index
    %get3A_1923 = arith.constant 384 : index
    %get3A_1924 = tpu.vector_load %arg6[%get3A_1922, %get3A_1923] {strides = array<i32>} : memref<8x512xi32, #tpu.memory_space<vmem>>, vector<16xi32>,
    %gather3A_1925 = tpu.vector_load_idx %arg8[%get3A_1924] : memref<2048xf32, #tpu.memory_space<vmem>>[vector<16xi32>], vector<16xf32>,
    %add3A_1926 = arith.addf %broadcast_in_dim3A_1920, %gather3A_1925 : vector<16xf32>
    %get3A_1927 = arith.constant 1 : i32
    %get3A_1928 = arith.index_cast %get3A_1927 : i32 to index
    %get3A_1929 = arith.constant 384 : index
    %get3A_1930 = tpu.vector_load %arg6[%get3A_1928, %get3A_1929] {strides = array<i32>} : memref<8x512xi32, #tpu.memory_space<vmem>>, vector<16xi32>,
    %gather3A_1931 = tpu.vector_load_idx %arg8[%get3A_1930] : memref<2048xf32, #tpu.memory_space<vmem>>[vector<16xi32>], vector<16xf32>,
    %add3A_1932 = arith.addf %add3A_1926, %gather3A_1931 : vector<16xf32>
    %get3A_1933 = arith.constant 2 : i32
    %get3A_1934 = arith.index_cast %get3A_1933 : i32 to index
    %get3A_1935 = arith.constant 384 : index
    %get3A_1936 = tpu.vector_load %arg6[%get3A_1934, %get3A_1935] {strides = array<i32>} : memref<8x512xi32, #tpu.memory_space<vmem>>, vector<16xi32>,
    %gather3A_1937 = tpu.vector_load_idx %arg8[%get3A_1936] : memref<2048xf32, #tpu.memory_space<vmem>>[vector<16xi32>], vector<16xf32>,
    %add3A_1938 = arith.addf %add3A_1932, %gather3A_1937 : vector<16xf32>
    %get3A_1939 = arith.constant 3 : i32
    %get3A_1940 = arith.index_cast %get3A_1939 : i32 to index
    %get3A_1941 = arith.constant 384 : index
    %get3A_1942 = tpu.vector_load %arg6[%get3A_1940, %get3A_1941] {strides = array<i32>} : memref<8x512xi32, #tpu.memory_space<vmem>>, vector<16xi32>,
    %gather3A_1943 = tpu.vector_load_idx %arg8[%get3A_1942] : memref<2048xf32, #tpu.memory_space<vmem>>[vector<16xi32>], vector<16xf32>,
    %add3A_1944 = arith.addf %add3A_1938, %gather3A_1943 : vector<16xf32>
    %get3A_1945 = arith.constant 4 : i32
    %get3A_1946 = arith.index_cast %get3A_1945 : i32 to index
    %get3A_1947 = arith.constant 384 : index
    %get3A_1948 = tpu.vector_load %arg6[%get3A_1946, %get3A_1947] {strides = array<i32>} : memref<8x512xi32, #tpu.memory_space<vmem>>, vector<16xi32>,
    %gather3A_1949 = tpu.vector_load_idx %arg8[%get3A_1948] : memref<2048xf32, #tpu.memory_space<vmem>>[vector<16xi32>], vector<16xf32>,
    %add3A_1950 = arith.addf %add3A_1944, %gather3A_1949 : vector<16xf32>
    %get3A_1951 = arith.constant 5 : i32
    %get3A_1952 = arith.index_cast %get3A_1951 : i32 to index
    %get3A_1953 = arith.constant 384 : index
    %get3A_1954 = tpu.vector_load %arg6[%get3A_1952, %get3A_1953] {strides = array<i32>} : memref<8x512xi32, #tpu.memory_space<vmem>>, vector<16xi32>,
    %gather3A_1955 = tpu.vector_load_idx %arg8[%get3A_1954] : memref<2048xf32, #tpu.memory_space<vmem>>[vector<16xi32>], vector<16xf32>,
    %add3A_1956 = arith.addf %add3A_1950, %gather3A_1955 : vector<16xf32>
    %get3A_1957 = arith.constant 6 : i32
    %get3A_1958 = arith.index_cast %get3A_1957 : i32 to index
    %get3A_1959 = arith.constant 384 : index
    %get3A_1960 = tpu.vector_load %arg6[%get3A_1958, %get3A_1959] {strides = array<i32>} : memref<8x512xi32, #tpu.memory_space<vmem>>, vector<16xi32>,
    %gather3A_1961 = tpu.vector_load_idx %arg8[%get3A_1960] : memref<2048xf32, #tpu.memory_space<vmem>>[vector<16xi32>], vector<16xf32>,
    %add3A_1962 = arith.addf %add3A_1956, %gather3A_1961 : vector<16xf32>
    %get3A_1963 = arith.constant 7 : i32
    %get3A_1964 = arith.index_cast %get3A_1963 : i32 to index
    %get3A_1965 = arith.constant 384 : index
    %get3A_1966 = tpu.vector_load %arg6[%get3A_1964, %get3A_1965] {strides = array<i32>} : memref<8x512xi32, #tpu.memory_space<vmem>>, vector<16xi32>,
    %gather3A_1967 = tpu.vector_load_idx %arg8[%get3A_1966] : memref<2048xf32, #tpu.memory_space<vmem>>[vector<16xi32>], vector<16xf32>,
    %add3A_1968 = arith.addf %add3A_1962, %gather3A_1967 : vector<16xf32>
    %get3A_1969 = arith.constant 0 : i32
    %get3A_1970 = arith.index_cast %get3A_1969 : i32 to index
    %get3A_1971 = arith.constant 384 : index
    %get3A_1972 = tpu.vector_load %arg7[%get3A_1970, %get3A_1971] {strides = array<i32>} : memref<2x512xf32, #tpu.memory_space<vmem>>, vector<16xf32>,
    %max3A_1973 = arith.maximumf %get3A_1972, %broadcast_in_dim3A_5 : vector<16xf32>
    %bitcast3A_1974 = vector.bitcast %max3A_1973 : vector<16xf32> to vector<16xi32>
    %shift_right_arithmetic3A_1975 = arith.constant 1 : i32
    %shift_right_arithmetic3A_1976 = vector.broadcast %shift_right_arithmetic3A_1975 : i32 to vector<16xi32>
    %shift_right_arithmetic3A_1977 = arith.shrsi %bitcast3A_1974, %shift_right_arithmetic3A_1976 : vector<16xi32>
    %add3A_1978 = arith.addi %shift_right_arithmetic3A_1977, %broadcast_in_dim3A_7 : vector<16xi32>
    %bitcast3A_1979 = vector.bitcast %add3A_1978 : vector<16xi32> to vector<16xf32>
    %div3A_1980 = arith.divf %max3A_1973, %bitcast3A_1979 : vector<16xf32>
    %add3A_1981 = arith.addf %bitcast3A_1979, %div3A_1980 : vector<16xf32>
    %mul3A_1982 = arith.mulf %broadcast_in_dim3A_3, %add3A_1981 : vector<16xf32>
    %div3A_1983 = arith.divf %max3A_1973, %mul3A_1982 : vector<16xf32>
    %add3A_1984 = arith.addf %mul3A_1982, %div3A_1983 : vector<16xf32>
    %mul3A_1985 = arith.mulf %broadcast_in_dim3A_3, %add3A_1984 : vector<16xf32>
    %div3A_1986 = arith.divf %max3A_1973, %mul3A_1985 : vector<16xf32>
    %add3A_1987 = arith.addf %mul3A_1985, %div3A_1986 : vector<16xf32>
    %mul3A_1988 = arith.mulf %broadcast_in_dim3A_3, %add3A_1987 : vector<16xf32>
    %mul3A_1989 = arith.mulf %broadcast_in_dim3A_3, %add3A_1968 : vector<16xf32>
    %get3A_1990 = arith.constant 1 : i32
    %get3A_1991 = arith.index_cast %get3A_1990 : i32 to index
    %get3A_1992 = arith.constant 384 : index
    %get3A_1993 = tpu.vector_load %arg7[%get3A_1991, %get3A_1992] {strides = array<i32>} : memref<2x512xf32, #tpu.memory_space<vmem>>, vector<16xf32>,
    %sub3A_1994 = arith.subf %mul3A_1989, %get3A_1993 : vector<16xf32>
    %abs3A_1995 = math.absf %sub3A_1994 : vector<16xf32>
    %add3A_1996 = arith.addf %mul3A_1988, %abs3A_1995 : vector<16xf32>
    %swap3A_1997 = arith.constant 384 : index
    %swap3A_1998 = tpu.vector_load %arg9[%swap3A_1997] {strides = array<i32>} : memref<512xf32, #tpu.memory_space<vmem>>, vector<16xf32>,
    tpu.vector_store %arg9[%swap3A_1997], %add3A_1996 {strides = array<i32>} : memref<512xf32, #tpu.memory_space<vmem>>, vector<16xf32>,
    %broadcast_in_dim3A_1999 = arith.constant 0.000000e+00 : f32
    %broadcast_in_dim3A_2000 = vector.broadcast %broadcast_in_dim3A_1999 : f32 to vector<16xf32>
    %get3A_2001 = arith.constant 0 : i32
    %get3A_2002 = arith.index_cast %get3A_2001 : i32 to index
    %get3A_2003 = arith.constant 400 : index
    %get3A_2004 = tpu.vector_load %arg6[%get3A_2002, %get3A_2003] {strides = array<i32>} : memref<8x512xi32, #tpu.memory_space<vmem>>, vector<16xi32>,
    %gather3A_2005 = tpu.vector_load_idx %arg8[%get3A_2004] : memref<2048xf32, #tpu.memory_space<vmem>>[vector<16xi32>], vector<16xf32>,
    %add3A_2006 = arith.addf %broadcast_in_dim3A_2000, %gather3A_2005 : vector<16xf32>
    %get3A_2007 = arith.constant 1 : i32
    %get3A_2008 = arith.index_cast %get3A_2007 : i32 to index
    %get3A_2009 = arith.constant 400 : index
    %get3A_2010 = tpu.vector_load %arg6[%get3A_2008, %get3A_2009] {strides = array<i32>} : memref<8x512xi32, #tpu.memory_space<vmem>>, vector<16xi32>,
    %gather3A_2011 = tpu.vector_load_idx %arg8[%get3A_2010] : memref<2048xf32, #tpu.memory_space<vmem>>[vector<16xi32>], vector<16xf32>,
    %add3A_2012 = arith.addf %add3A_2006, %gather3A_2011 : vector<16xf32>
    %get3A_2013 = arith.constant 2 : i32
    %get3A_2014 = arith.index_cast %get3A_2013 : i32 to index
    %get3A_2015 = arith.constant 400 : index
    %get3A_2016 = tpu.vector_load %arg6[%get3A_2014, %get3A_2015] {strides = array<i32>} : memref<8x512xi32, #tpu.memory_space<vmem>>, vector<16xi32>,
    %gather3A_2017 = tpu.vector_load_idx %arg8[%get3A_2016] : memref<2048xf32, #tpu.memory_space<vmem>>[vector<16xi32>], vector<16xf32>,
    %add3A_2018 = arith.addf %add3A_2012, %gather3A_2017 : vector<16xf32>
    %get3A_2019 = arith.constant 3 : i32
    %get3A_2020 = arith.index_cast %get3A_2019 : i32 to index
    %get3A_2021 = arith.constant 400 : index
    %get3A_2022 = tpu.vector_load %arg6[%get3A_2020, %get3A_2021] {strides = array<i32>} : memref<8x512xi32, #tpu.memory_space<vmem>>, vector<16xi32>,
    %gather3A_2023 = tpu.vector_load_idx %arg8[%get3A_2022] : memref<2048xf32, #tpu.memory_space<vmem>>[vector<16xi32>], vector<16xf32>,
    %add3A_2024 = arith.addf %add3A_2018, %gather3A_2023 : vector<16xf32>
    %get3A_2025 = arith.constant 4 : i32
    %get3A_2026 = arith.index_cast %get3A_2025 : i32 to index
    %get3A_2027 = arith.constant 400 : index
    %get3A_2028 = tpu.vector_load %arg6[%get3A_2026, %get3A_2027] {strides = array<i32>} : memref<8x512xi32, #tpu.memory_space<vmem>>, vector<16xi32>,
    %gather3A_2029 = tpu.vector_load_idx %arg8[%get3A_2028] : memref<2048xf32, #tpu.memory_space<vmem>>[vector<16xi32>], vector<16xf32>,
    %add3A_2030 = arith.addf %add3A_2024, %gather3A_2029 : vector<16xf32>
    %get3A_2031 = arith.constant 5 : i32
    %get3A_2032 = arith.index_cast %get3A_2031 : i32 to index
    %get3A_2033 = arith.constant 400 : index
    %get3A_2034 = tpu.vector_load %arg6[%get3A_2032, %get3A_2033] {strides = array<i32>} : memref<8x512xi32, #tpu.memory_space<vmem>>, vector<16xi32>,
    %gather3A_2035 = tpu.vector_load_idx %arg8[%get3A_2034] : memref<2048xf32, #tpu.memory_space<vmem>>[vector<16xi32>], vector<16xf32>,
    %add3A_2036 = arith.addf %add3A_2030, %gather3A_2035 : vector<16xf32>
    %get3A_2037 = arith.constant 6 : i32
    %get3A_2038 = arith.index_cast %get3A_2037 : i32 to index
    %get3A_2039 = arith.constant 400 : index
    %get3A_2040 = tpu.vector_load %arg6[%get3A_2038, %get3A_2039] {strides = array<i32>} : memref<8x512xi32, #tpu.memory_space<vmem>>, vector<16xi32>,
    %gather3A_2041 = tpu.vector_load_idx %arg8[%get3A_2040] : memref<2048xf32, #tpu.memory_space<vmem>>[vector<16xi32>], vector<16xf32>,
    %add3A_2042 = arith.addf %add3A_2036, %gather3A_2041 : vector<16xf32>
    %get3A_2043 = arith.constant 7 : i32
    %get3A_2044 = arith.index_cast %get3A_2043 : i32 to index
    %get3A_2045 = arith.constant 400 : index
    %get3A_2046 = tpu.vector_load %arg6[%get3A_2044, %get3A_2045] {strides = array<i32>} : memref<8x512xi32, #tpu.memory_space<vmem>>, vector<16xi32>,
    %gather3A_2047 = tpu.vector_load_idx %arg8[%get3A_2046] : memref<2048xf32, #tpu.memory_space<vmem>>[vector<16xi32>], vector<16xf32>,
    %add3A_2048 = arith.addf %add3A_2042, %gather3A_2047 : vector<16xf32>
    %get3A_2049 = arith.constant 0 : i32
    %get3A_2050 = arith.index_cast %get3A_2049 : i32 to index
    %get3A_2051 = arith.constant 400 : index
    %get3A_2052 = tpu.vector_load %arg7[%get3A_2050, %get3A_2051] {strides = array<i32>} : memref<2x512xf32, #tpu.memory_space<vmem>>, vector<16xf32>,
    %max3A_2053 = arith.maximumf %get3A_2052, %broadcast_in_dim3A_5 : vector<16xf32>
    %bitcast3A_2054 = vector.bitcast %max3A_2053 : vector<16xf32> to vector<16xi32>
    %shift_right_arithmetic3A_2055 = arith.constant 1 : i32
    %shift_right_arithmetic3A_2056 = vector.broadcast %shift_right_arithmetic3A_2055 : i32 to vector<16xi32>
    %shift_right_arithmetic3A_2057 = arith.shrsi %bitcast3A_2054, %shift_right_arithmetic3A_2056 : vector<16xi32>
    %add3A_2058 = arith.addi %shift_right_arithmetic3A_2057, %broadcast_in_dim3A_7 : vector<16xi32>
    %bitcast3A_2059 = vector.bitcast %add3A_2058 : vector<16xi32> to vector<16xf32>
    %div3A_2060 = arith.divf %max3A_2053, %bitcast3A_2059 : vector<16xf32>
    %add3A_2061 = arith.addf %bitcast3A_2059, %div3A_2060 : vector<16xf32>
    %mul3A_2062 = arith.mulf %broadcast_in_dim3A_3, %add3A_2061 : vector<16xf32>
    %div3A_2063 = arith.divf %max3A_2053, %mul3A_2062 : vector<16xf32>
    %add3A_2064 = arith.addf %mul3A_2062, %div3A_2063 : vector<16xf32>
    %mul3A_2065 = arith.mulf %broadcast_in_dim3A_3, %add3A_2064 : vector<16xf32>
    %div3A_2066 = arith.divf %max3A_2053, %mul3A_2065 : vector<16xf32>
    %add3A_2067 = arith.addf %mul3A_2065, %div3A_2066 : vector<16xf32>
    %mul3A_2068 = arith.mulf %broadcast_in_dim3A_3, %add3A_2067 : vector<16xf32>
    %mul3A_2069 = arith.mulf %broadcast_in_dim3A_3, %add3A_2048 : vector<16xf32>
    %get3A_2070 = arith.constant 1 : i32
    %get3A_2071 = arith.index_cast %get3A_2070 : i32 to index
    %get3A_2072 = arith.constant 400 : index
    %get3A_2073 = tpu.vector_load %arg7[%get3A_2071, %get3A_2072] {strides = array<i32>} : memref<2x512xf32, #tpu.memory_space<vmem>>, vector<16xf32>,
    %sub3A_2074 = arith.subf %mul3A_2069, %get3A_2073 : vector<16xf32>
    %abs3A_2075 = math.absf %sub3A_2074 : vector<16xf32>
    %add3A_2076 = arith.addf %mul3A_2068, %abs3A_2075 : vector<16xf32>
    %swap3A_2077 = arith.constant 400 : index
    %swap3A_2078 = tpu.vector_load %arg9[%swap3A_2077] {strides = array<i32>} : memref<512xf32, #tpu.memory_space<vmem>>, vector<16xf32>,
    tpu.vector_store %arg9[%swap3A_2077], %add3A_2076 {strides = array<i32>} : memref<512xf32, #tpu.memory_space<vmem>>, vector<16xf32>,
    %broadcast_in_dim3A_2079 = arith.constant 0.000000e+00 : f32
    %broadcast_in_dim3A_2080 = vector.broadcast %broadcast_in_dim3A_2079 : f32 to vector<16xf32>
    %get3A_2081 = arith.constant 0 : i32
    %get3A_2082 = arith.index_cast %get3A_2081 : i32 to index
    %get3A_2083 = arith.constant 416 : index
    %get3A_2084 = tpu.vector_load %arg6[%get3A_2082, %get3A_2083] {strides = array<i32>} : memref<8x512xi32, #tpu.memory_space<vmem>>, vector<16xi32>,
    %gather3A_2085 = tpu.vector_load_idx %arg8[%get3A_2084] : memref<2048xf32, #tpu.memory_space<vmem>>[vector<16xi32>], vector<16xf32>,
    %add3A_2086 = arith.addf %broadcast_in_dim3A_2080, %gather3A_2085 : vector<16xf32>
    %get3A_2087 = arith.constant 1 : i32
    %get3A_2088 = arith.index_cast %get3A_2087 : i32 to index
    %get3A_2089 = arith.constant 416 : index
    %get3A_2090 = tpu.vector_load %arg6[%get3A_2088, %get3A_2089] {strides = array<i32>} : memref<8x512xi32, #tpu.memory_space<vmem>>, vector<16xi32>,
    %gather3A_2091 = tpu.vector_load_idx %arg8[%get3A_2090] : memref<2048xf32, #tpu.memory_space<vmem>>[vector<16xi32>], vector<16xf32>,
    %add3A_2092 = arith.addf %add3A_2086, %gather3A_2091 : vector<16xf32>
    %get3A_2093 = arith.constant 2 : i32
    %get3A_2094 = arith.index_cast %get3A_2093 : i32 to index
    %get3A_2095 = arith.constant 416 : index
    %get3A_2096 = tpu.vector_load %arg6[%get3A_2094, %get3A_2095] {strides = array<i32>} : memref<8x512xi32, #tpu.memory_space<vmem>>, vector<16xi32>,
    %gather3A_2097 = tpu.vector_load_idx %arg8[%get3A_2096] : memref<2048xf32, #tpu.memory_space<vmem>>[vector<16xi32>], vector<16xf32>,
    %add3A_2098 = arith.addf %add3A_2092, %gather3A_2097 : vector<16xf32>
    %get3A_2099 = arith.constant 3 : i32
    %get3A_2100 = arith.index_cast %get3A_2099 : i32 to index
    %get3A_2101 = arith.constant 416 : index
    %get3A_2102 = tpu.vector_load %arg6[%get3A_2100, %get3A_2101] {strides = array<i32>} : memref<8x512xi32, #tpu.memory_space<vmem>>, vector<16xi32>,
    %gather3A_2103 = tpu.vector_load_idx %arg8[%get3A_2102] : memref<2048xf32, #tpu.memory_space<vmem>>[vector<16xi32>], vector<16xf32>,
    %add3A_2104 = arith.addf %add3A_2098, %gather3A_2103 : vector<16xf32>
    %get3A_2105 = arith.constant 4 : i32
    %get3A_2106 = arith.index_cast %get3A_2105 : i32 to index
    %get3A_2107 = arith.constant 416 : index
    %get3A_2108 = tpu.vector_load %arg6[%get3A_2106, %get3A_2107] {strides = array<i32>} : memref<8x512xi32, #tpu.memory_space<vmem>>, vector<16xi32>,
    %gather3A_2109 = tpu.vector_load_idx %arg8[%get3A_2108] : memref<2048xf32, #tpu.memory_space<vmem>>[vector<16xi32>], vector<16xf32>,
    %add3A_2110 = arith.addf %add3A_2104, %gather3A_2109 : vector<16xf32>
    %get3A_2111 = arith.constant 5 : i32
    %get3A_2112 = arith.index_cast %get3A_2111 : i32 to index
    %get3A_2113 = arith.constant 416 : index
    %get3A_2114 = tpu.vector_load %arg6[%get3A_2112, %get3A_2113] {strides = array<i32>} : memref<8x512xi32, #tpu.memory_space<vmem>>, vector<16xi32>,
    %gather3A_2115 = tpu.vector_load_idx %arg8[%get3A_2114] : memref<2048xf32, #tpu.memory_space<vmem>>[vector<16xi32>], vector<16xf32>,
    %add3A_2116 = arith.addf %add3A_2110, %gather3A_2115 : vector<16xf32>
    %get3A_2117 = arith.constant 6 : i32
    %get3A_2118 = arith.index_cast %get3A_2117 : i32 to index
    %get3A_2119 = arith.constant 416 : index
    %get3A_2120 = tpu.vector_load %arg6[%get3A_2118, %get3A_2119] {strides = array<i32>} : memref<8x512xi32, #tpu.memory_space<vmem>>, vector<16xi32>,
    %gather3A_2121 = tpu.vector_load_idx %arg8[%get3A_2120] : memref<2048xf32, #tpu.memory_space<vmem>>[vector<16xi32>], vector<16xf32>,
    %add3A_2122 = arith.addf %add3A_2116, %gather3A_2121 : vector<16xf32>
    %get3A_2123 = arith.constant 7 : i32
    %get3A_2124 = arith.index_cast %get3A_2123 : i32 to index
    %get3A_2125 = arith.constant 416 : index
    %get3A_2126 = tpu.vector_load %arg6[%get3A_2124, %get3A_2125] {strides = array<i32>} : memref<8x512xi32, #tpu.memory_space<vmem>>, vector<16xi32>,
    %gather3A_2127 = tpu.vector_load_idx %arg8[%get3A_2126] : memref<2048xf32, #tpu.memory_space<vmem>>[vector<16xi32>], vector<16xf32>,
    %add3A_2128 = arith.addf %add3A_2122, %gather3A_2127 : vector<16xf32>
    %get3A_2129 = arith.constant 0 : i32
    %get3A_2130 = arith.index_cast %get3A_2129 : i32 to index
    %get3A_2131 = arith.constant 416 : index
    %get3A_2132 = tpu.vector_load %arg7[%get3A_2130, %get3A_2131] {strides = array<i32>} : memref<2x512xf32, #tpu.memory_space<vmem>>, vector<16xf32>,
    %max3A_2133 = arith.maximumf %get3A_2132, %broadcast_in_dim3A_5 : vector<16xf32>
    %bitcast3A_2134 = vector.bitcast %max3A_2133 : vector<16xf32> to vector<16xi32>
    %shift_right_arithmetic3A_2135 = arith.constant 1 : i32
    %shift_right_arithmetic3A_2136 = vector.broadcast %shift_right_arithmetic3A_2135 : i32 to vector<16xi32>
    %shift_right_arithmetic3A_2137 = arith.shrsi %bitcast3A_2134, %shift_right_arithmetic3A_2136 : vector<16xi32>
    %add3A_2138 = arith.addi %shift_right_arithmetic3A_2137, %broadcast_in_dim3A_7 : vector<16xi32>
    %bitcast3A_2139 = vector.bitcast %add3A_2138 : vector<16xi32> to vector<16xf32>
    %div3A_2140 = arith.divf %max3A_2133, %bitcast3A_2139 : vector<16xf32>
    %add3A_2141 = arith.addf %bitcast3A_2139, %div3A_2140 : vector<16xf32>
    %mul3A_2142 = arith.mulf %broadcast_in_dim3A_3, %add3A_2141 : vector<16xf32>
    %div3A_2143 = arith.divf %max3A_2133, %mul3A_2142 : vector<16xf32>
    %add3A_2144 = arith.addf %mul3A_2142, %div3A_2143 : vector<16xf32>
    %mul3A_2145 = arith.mulf %broadcast_in_dim3A_3, %add3A_2144 : vector<16xf32>
    %div3A_2146 = arith.divf %max3A_2133, %mul3A_2145 : vector<16xf32>
    %add3A_2147 = arith.addf %mul3A_2145, %div3A_2146 : vector<16xf32>
    %mul3A_2148 = arith.mulf %broadcast_in_dim3A_3, %add3A_2147 : vector<16xf32>
    %mul3A_2149 = arith.mulf %broadcast_in_dim3A_3, %add3A_2128 : vector<16xf32>
    %get3A_2150 = arith.constant 1 : i32
    %get3A_2151 = arith.index_cast %get3A_2150 : i32 to index
    %get3A_2152 = arith.constant 416 : index
    %get3A_2153 = tpu.vector_load %arg7[%get3A_2151, %get3A_2152] {strides = array<i32>} : memref<2x512xf32, #tpu.memory_space<vmem>>, vector<16xf32>,
    %sub3A_2154 = arith.subf %mul3A_2149, %get3A_2153 : vector<16xf32>
    %abs3A_2155 = math.absf %sub3A_2154 : vector<16xf32>
    %add3A_2156 = arith.addf %mul3A_2148, %abs3A_2155 : vector<16xf32>
    %swap3A_2157 = arith.constant 416 : index
    %swap3A_2158 = tpu.vector_load %arg9[%swap3A_2157] {strides = array<i32>} : memref<512xf32, #tpu.memory_space<vmem>>, vector<16xf32>,
    tpu.vector_store %arg9[%swap3A_2157], %add3A_2156 {strides = array<i32>} : memref<512xf32, #tpu.memory_space<vmem>>, vector<16xf32>,
    %broadcast_in_dim3A_2159 = arith.constant 0.000000e+00 : f32
    %broadcast_in_dim3A_2160 = vector.broadcast %broadcast_in_dim3A_2159 : f32 to vector<16xf32>
    %get3A_2161 = arith.constant 0 : i32
    %get3A_2162 = arith.index_cast %get3A_2161 : i32 to index
    %get3A_2163 = arith.constant 432 : index
    %get3A_2164 = tpu.vector_load %arg6[%get3A_2162, %get3A_2163] {strides = array<i32>} : memref<8x512xi32, #tpu.memory_space<vmem>>, vector<16xi32>,
    %gather3A_2165 = tpu.vector_load_idx %arg8[%get3A_2164] : memref<2048xf32, #tpu.memory_space<vmem>>[vector<16xi32>], vector<16xf32>,
    %add3A_2166 = arith.addf %broadcast_in_dim3A_2160, %gather3A_2165 : vector<16xf32>
    %get3A_2167 = arith.constant 1 : i32
    %get3A_2168 = arith.index_cast %get3A_2167 : i32 to index
    %get3A_2169 = arith.constant 432 : index
    %get3A_2170 = tpu.vector_load %arg6[%get3A_2168, %get3A_2169] {strides = array<i32>} : memref<8x512xi32, #tpu.memory_space<vmem>>, vector<16xi32>,
    %gather3A_2171 = tpu.vector_load_idx %arg8[%get3A_2170] : memref<2048xf32, #tpu.memory_space<vmem>>[vector<16xi32>], vector<16xf32>,
    %add3A_2172 = arith.addf %add3A_2166, %gather3A_2171 : vector<16xf32>
    %get3A_2173 = arith.constant 2 : i32
    %get3A_2174 = arith.index_cast %get3A_2173 : i32 to index
    %get3A_2175 = arith.constant 432 : index
    %get3A_2176 = tpu.vector_load %arg6[%get3A_2174, %get3A_2175] {strides = array<i32>} : memref<8x512xi32, #tpu.memory_space<vmem>>, vector<16xi32>,
    %gather3A_2177 = tpu.vector_load_idx %arg8[%get3A_2176] : memref<2048xf32, #tpu.memory_space<vmem>>[vector<16xi32>], vector<16xf32>,
    %add3A_2178 = arith.addf %add3A_2172, %gather3A_2177 : vector<16xf32>
    %get3A_2179 = arith.constant 3 : i32
    %get3A_2180 = arith.index_cast %get3A_2179 : i32 to index
    %get3A_2181 = arith.constant 432 : index
    %get3A_2182 = tpu.vector_load %arg6[%get3A_2180, %get3A_2181] {strides = array<i32>} : memref<8x512xi32, #tpu.memory_space<vmem>>, vector<16xi32>,
    %gather3A_2183 = tpu.vector_load_idx %arg8[%get3A_2182] : memref<2048xf32, #tpu.memory_space<vmem>>[vector<16xi32>], vector<16xf32>,
    %add3A_2184 = arith.addf %add3A_2178, %gather3A_2183 : vector<16xf32>
    %get3A_2185 = arith.constant 4 : i32
    %get3A_2186 = arith.index_cast %get3A_2185 : i32 to index
    %get3A_2187 = arith.constant 432 : index
    %get3A_2188 = tpu.vector_load %arg6[%get3A_2186, %get3A_2187] {strides = array<i32>} : memref<8x512xi32, #tpu.memory_space<vmem>>, vector<16xi32>,
    %gather3A_2189 = tpu.vector_load_idx %arg8[%get3A_2188] : memref<2048xf32, #tpu.memory_space<vmem>>[vector<16xi32>], vector<16xf32>,
    %add3A_2190 = arith.addf %add3A_2184, %gather3A_2189 : vector<16xf32>
    %get3A_2191 = arith.constant 5 : i32
    %get3A_2192 = arith.index_cast %get3A_2191 : i32 to index
    %get3A_2193 = arith.constant 432 : index
    %get3A_2194 = tpu.vector_load %arg6[%get3A_2192, %get3A_2193] {strides = array<i32>} : memref<8x512xi32, #tpu.memory_space<vmem>>, vector<16xi32>,
    %gather3A_2195 = tpu.vector_load_idx %arg8[%get3A_2194] : memref<2048xf32, #tpu.memory_space<vmem>>[vector<16xi32>], vector<16xf32>,
    %add3A_2196 = arith.addf %add3A_2190, %gather3A_2195 : vector<16xf32>
    %get3A_2197 = arith.constant 6 : i32
    %get3A_2198 = arith.index_cast %get3A_2197 : i32 to index
    %get3A_2199 = arith.constant 432 : index
    %get3A_2200 = tpu.vector_load %arg6[%get3A_2198, %get3A_2199] {strides = array<i32>} : memref<8x512xi32, #tpu.memory_space<vmem>>, vector<16xi32>,
    %gather3A_2201 = tpu.vector_load_idx %arg8[%get3A_2200] : memref<2048xf32, #tpu.memory_space<vmem>>[vector<16xi32>], vector<16xf32>,
    %add3A_2202 = arith.addf %add3A_2196, %gather3A_2201 : vector<16xf32>
    %get3A_2203 = arith.constant 7 : i32
    %get3A_2204 = arith.index_cast %get3A_2203 : i32 to index
    %get3A_2205 = arith.constant 432 : index
    %get3A_2206 = tpu.vector_load %arg6[%get3A_2204, %get3A_2205] {strides = array<i32>} : memref<8x512xi32, #tpu.memory_space<vmem>>, vector<16xi32>,
    %gather3A_2207 = tpu.vector_load_idx %arg8[%get3A_2206] : memref<2048xf32, #tpu.memory_space<vmem>>[vector<16xi32>], vector<16xf32>,
    %add3A_2208 = arith.addf %add3A_2202, %gather3A_2207 : vector<16xf32>
    %get3A_2209 = arith.constant 0 : i32
    %get3A_2210 = arith.index_cast %get3A_2209 : i32 to index
    %get3A_2211 = arith.constant 432 : index
    %get3A_2212 = tpu.vector_load %arg7[%get3A_2210, %get3A_2211] {strides = array<i32>} : memref<2x512xf32, #tpu.memory_space<vmem>>, vector<16xf32>,
    %max3A_2213 = arith.maximumf %get3A_2212, %broadcast_in_dim3A_5 : vector<16xf32>
    %bitcast3A_2214 = vector.bitcast %max3A_2213 : vector<16xf32> to vector<16xi32>
    %shift_right_arithmetic3A_2215 = arith.constant 1 : i32
    %shift_right_arithmetic3A_2216 = vector.broadcast %shift_right_arithmetic3A_2215 : i32 to vector<16xi32>
    %shift_right_arithmetic3A_2217 = arith.shrsi %bitcast3A_2214, %shift_right_arithmetic3A_2216 : vector<16xi32>
    %add3A_2218 = arith.addi %shift_right_arithmetic3A_2217, %broadcast_in_dim3A_7 : vector<16xi32>
    %bitcast3A_2219 = vector.bitcast %add3A_2218 : vector<16xi32> to vector<16xf32>
    %div3A_2220 = arith.divf %max3A_2213, %bitcast3A_2219 : vector<16xf32>
    %add3A_2221 = arith.addf %bitcast3A_2219, %div3A_2220 : vector<16xf32>
    %mul3A_2222 = arith.mulf %broadcast_in_dim3A_3, %add3A_2221 : vector<16xf32>
    %div3A_2223 = arith.divf %max3A_2213, %mul3A_2222 : vector<16xf32>
    %add3A_2224 = arith.addf %mul3A_2222, %div3A_2223 : vector<16xf32>
    %mul3A_2225 = arith.mulf %broadcast_in_dim3A_3, %add3A_2224 : vector<16xf32>
    %div3A_2226 = arith.divf %max3A_2213, %mul3A_2225 : vector<16xf32>
    %add3A_2227 = arith.addf %mul3A_2225, %div3A_2226 : vector<16xf32>
    %mul3A_2228 = arith.mulf %broadcast_in_dim3A_3, %add3A_2227 : vector<16xf32>
    %mul3A_2229 = arith.mulf %broadcast_in_dim3A_3, %add3A_2208 : vector<16xf32>
    %get3A_2230 = arith.constant 1 : i32
    %get3A_2231 = arith.index_cast %get3A_2230 : i32 to index
    %get3A_2232 = arith.constant 432 : index
    %get3A_2233 = tpu.vector_load %arg7[%get3A_2231, %get3A_2232] {strides = array<i32>} : memref<2x512xf32, #tpu.memory_space<vmem>>, vector<16xf32>,
    %sub3A_2234 = arith.subf %mul3A_2229, %get3A_2233 : vector<16xf32>
    %abs3A_2235 = math.absf %sub3A_2234 : vector<16xf32>
    %add3A_2236 = arith.addf %mul3A_2228, %abs3A_2235 : vector<16xf32>
    %swap3A_2237 = arith.constant 432 : index
    %swap3A_2238 = tpu.vector_load %arg9[%swap3A_2237] {strides = array<i32>} : memref<512xf32, #tpu.memory_space<vmem>>, vector<16xf32>,
    tpu.vector_store %arg9[%swap3A_2237], %add3A_2236 {strides = array<i32>} : memref<512xf32, #tpu.memory_space<vmem>>, vector<16xf32>,
    %broadcast_in_dim3A_2239 = arith.constant 0.000000e+00 : f32
    %broadcast_in_dim3A_2240 = vector.broadcast %broadcast_in_dim3A_2239 : f32 to vector<16xf32>
    %get3A_2241 = arith.constant 0 : i32
    %get3A_2242 = arith.index_cast %get3A_2241 : i32 to index
    %get3A_2243 = arith.constant 448 : index
    %get3A_2244 = tpu.vector_load %arg6[%get3A_2242, %get3A_2243] {strides = array<i32>} : memref<8x512xi32, #tpu.memory_space<vmem>>, vector<16xi32>,
    %gather3A_2245 = tpu.vector_load_idx %arg8[%get3A_2244] : memref<2048xf32, #tpu.memory_space<vmem>>[vector<16xi32>], vector<16xf32>,
    %add3A_2246 = arith.addf %broadcast_in_dim3A_2240, %gather3A_2245 : vector<16xf32>
    %get3A_2247 = arith.constant 1 : i32
    %get3A_2248 = arith.index_cast %get3A_2247 : i32 to index
    %get3A_2249 = arith.constant 448 : index
    %get3A_2250 = tpu.vector_load %arg6[%get3A_2248, %get3A_2249] {strides = array<i32>} : memref<8x512xi32, #tpu.memory_space<vmem>>, vector<16xi32>,
    %gather3A_2251 = tpu.vector_load_idx %arg8[%get3A_2250] : memref<2048xf32, #tpu.memory_space<vmem>>[vector<16xi32>], vector<16xf32>,
    %add3A_2252 = arith.addf %add3A_2246, %gather3A_2251 : vector<16xf32>
    %get3A_2253 = arith.constant 2 : i32
    %get3A_2254 = arith.index_cast %get3A_2253 : i32 to index
    %get3A_2255 = arith.constant 448 : index
    %get3A_2256 = tpu.vector_load %arg6[%get3A_2254, %get3A_2255] {strides = array<i32>} : memref<8x512xi32, #tpu.memory_space<vmem>>, vector<16xi32>,
    %gather3A_2257 = tpu.vector_load_idx %arg8[%get3A_2256] : memref<2048xf32, #tpu.memory_space<vmem>>[vector<16xi32>], vector<16xf32>,
    %add3A_2258 = arith.addf %add3A_2252, %gather3A_2257 : vector<16xf32>
    %get3A_2259 = arith.constant 3 : i32
    %get3A_2260 = arith.index_cast %get3A_2259 : i32 to index
    %get3A_2261 = arith.constant 448 : index
    %get3A_2262 = tpu.vector_load %arg6[%get3A_2260, %get3A_2261] {strides = array<i32>} : memref<8x512xi32, #tpu.memory_space<vmem>>, vector<16xi32>,
    %gather3A_2263 = tpu.vector_load_idx %arg8[%get3A_2262] : memref<2048xf32, #tpu.memory_space<vmem>>[vector<16xi32>], vector<16xf32>,
    %add3A_2264 = arith.addf %add3A_2258, %gather3A_2263 : vector<16xf32>
    %get3A_2265 = arith.constant 4 : i32
    %get3A_2266 = arith.index_cast %get3A_2265 : i32 to index
    %get3A_2267 = arith.constant 448 : index
    %get3A_2268 = tpu.vector_load %arg6[%get3A_2266, %get3A_2267] {strides = array<i32>} : memref<8x512xi32, #tpu.memory_space<vmem>>, vector<16xi32>,
    %gather3A_2269 = tpu.vector_load_idx %arg8[%get3A_2268] : memref<2048xf32, #tpu.memory_space<vmem>>[vector<16xi32>], vector<16xf32>,
    %add3A_2270 = arith.addf %add3A_2264, %gather3A_2269 : vector<16xf32>
    %get3A_2271 = arith.constant 5 : i32
    %get3A_2272 = arith.index_cast %get3A_2271 : i32 to index
    %get3A_2273 = arith.constant 448 : index
    %get3A_2274 = tpu.vector_load %arg6[%get3A_2272, %get3A_2273] {strides = array<i32>} : memref<8x512xi32, #tpu.memory_space<vmem>>, vector<16xi32>,
    %gather3A_2275 = tpu.vector_load_idx %arg8[%get3A_2274] : memref<2048xf32, #tpu.memory_space<vmem>>[vector<16xi32>], vector<16xf32>,
    %add3A_2276 = arith.addf %add3A_2270, %gather3A_2275 : vector<16xf32>
    %get3A_2277 = arith.constant 6 : i32
    %get3A_2278 = arith.index_cast %get3A_2277 : i32 to index
    %get3A_2279 = arith.constant 448 : index
    %get3A_2280 = tpu.vector_load %arg6[%get3A_2278, %get3A_2279] {strides = array<i32>} : memref<8x512xi32, #tpu.memory_space<vmem>>, vector<16xi32>,
    %gather3A_2281 = tpu.vector_load_idx %arg8[%get3A_2280] : memref<2048xf32, #tpu.memory_space<vmem>>[vector<16xi32>], vector<16xf32>,
    %add3A_2282 = arith.addf %add3A_2276, %gather3A_2281 : vector<16xf32>
    %get3A_2283 = arith.constant 7 : i32
    %get3A_2284 = arith.index_cast %get3A_2283 : i32 to index
    %get3A_2285 = arith.constant 448 : index
    %get3A_2286 = tpu.vector_load %arg6[%get3A_2284, %get3A_2285] {strides = array<i32>} : memref<8x512xi32, #tpu.memory_space<vmem>>, vector<16xi32>,
    %gather3A_2287 = tpu.vector_load_idx %arg8[%get3A_2286] : memref<2048xf32, #tpu.memory_space<vmem>>[vector<16xi32>], vector<16xf32>,
    %add3A_2288 = arith.addf %add3A_2282, %gather3A_2287 : vector<16xf32>
    %get3A_2289 = arith.constant 0 : i32
    %get3A_2290 = arith.index_cast %get3A_2289 : i32 to index
    %get3A_2291 = arith.constant 448 : index
    %get3A_2292 = tpu.vector_load %arg7[%get3A_2290, %get3A_2291] {strides = array<i32>} : memref<2x512xf32, #tpu.memory_space<vmem>>, vector<16xf32>,
    %max3A_2293 = arith.maximumf %get3A_2292, %broadcast_in_dim3A_5 : vector<16xf32>
    %bitcast3A_2294 = vector.bitcast %max3A_2293 : vector<16xf32> to vector<16xi32>
    %shift_right_arithmetic3A_2295 = arith.constant 1 : i32
    %shift_right_arithmetic3A_2296 = vector.broadcast %shift_right_arithmetic3A_2295 : i32 to vector<16xi32>
    %shift_right_arithmetic3A_2297 = arith.shrsi %bitcast3A_2294, %shift_right_arithmetic3A_2296 : vector<16xi32>
    %add3A_2298 = arith.addi %shift_right_arithmetic3A_2297, %broadcast_in_dim3A_7 : vector<16xi32>
    %bitcast3A_2299 = vector.bitcast %add3A_2298 : vector<16xi32> to vector<16xf32>
    %div3A_2300 = arith.divf %max3A_2293, %bitcast3A_2299 : vector<16xf32>
    %add3A_2301 = arith.addf %bitcast3A_2299, %div3A_2300 : vector<16xf32>
    %mul3A_2302 = arith.mulf %broadcast_in_dim3A_3, %add3A_2301 : vector<16xf32>
    %div3A_2303 = arith.divf %max3A_2293, %mul3A_2302 : vector<16xf32>
    %add3A_2304 = arith.addf %mul3A_2302, %div3A_2303 : vector<16xf32>
    %mul3A_2305 = arith.mulf %broadcast_in_dim3A_3, %add3A_2304 : vector<16xf32>
    %div3A_2306 = arith.divf %max3A_2293, %mul3A_2305 : vector<16xf32>
    %add3A_2307 = arith.addf %mul3A_2305, %div3A_2306 : vector<16xf32>
    %mul3A_2308 = arith.mulf %broadcast_in_dim3A_3, %add3A_2307 : vector<16xf32>
    %mul3A_2309 = arith.mulf %broadcast_in_dim3A_3, %add3A_2288 : vector<16xf32>
    %get3A_2310 = arith.constant 1 : i32
    %get3A_2311 = arith.index_cast %get3A_2310 : i32 to index
    %get3A_2312 = arith.constant 448 : index
    %get3A_2313 = tpu.vector_load %arg7[%get3A_2311, %get3A_2312] {strides = array<i32>} : memref<2x512xf32, #tpu.memory_space<vmem>>, vector<16xf32>,
    %sub3A_2314 = arith.subf %mul3A_2309, %get3A_2313 : vector<16xf32>
    %abs3A_2315 = math.absf %sub3A_2314 : vector<16xf32>
    %add3A_2316 = arith.addf %mul3A_2308, %abs3A_2315 : vector<16xf32>
    %swap3A_2317 = arith.constant 448 : index
    %swap3A_2318 = tpu.vector_load %arg9[%swap3A_2317] {strides = array<i32>} : memref<512xf32, #tpu.memory_space<vmem>>, vector<16xf32>,
    tpu.vector_store %arg9[%swap3A_2317], %add3A_2316 {strides = array<i32>} : memref<512xf32, #tpu.memory_space<vmem>>, vector<16xf32>,
    %broadcast_in_dim3A_2319 = arith.constant 0.000000e+00 : f32
    %broadcast_in_dim3A_2320 = vector.broadcast %broadcast_in_dim3A_2319 : f32 to vector<16xf32>
    %get3A_2321 = arith.constant 0 : i32
    %get3A_2322 = arith.index_cast %get3A_2321 : i32 to index
    %get3A_2323 = arith.constant 464 : index
    %get3A_2324 = tpu.vector_load %arg6[%get3A_2322, %get3A_2323] {strides = array<i32>} : memref<8x512xi32, #tpu.memory_space<vmem>>, vector<16xi32>,
    %gather3A_2325 = tpu.vector_load_idx %arg8[%get3A_2324] : memref<2048xf32, #tpu.memory_space<vmem>>[vector<16xi32>], vector<16xf32>,
    %add3A_2326 = arith.addf %broadcast_in_dim3A_2320, %gather3A_2325 : vector<16xf32>
    %get3A_2327 = arith.constant 1 : i32
    %get3A_2328 = arith.index_cast %get3A_2327 : i32 to index
    %get3A_2329 = arith.constant 464 : index
    %get3A_2330 = tpu.vector_load %arg6[%get3A_2328, %get3A_2329] {strides = array<i32>} : memref<8x512xi32, #tpu.memory_space<vmem>>, vector<16xi32>,
    %gather3A_2331 = tpu.vector_load_idx %arg8[%get3A_2330] : memref<2048xf32, #tpu.memory_space<vmem>>[vector<16xi32>], vector<16xf32>,
    %add3A_2332 = arith.addf %add3A_2326, %gather3A_2331 : vector<16xf32>
    %get3A_2333 = arith.constant 2 : i32
    %get3A_2334 = arith.index_cast %get3A_2333 : i32 to index
    %get3A_2335 = arith.constant 464 : index
    %get3A_2336 = tpu.vector_load %arg6[%get3A_2334, %get3A_2335] {strides = array<i32>} : memref<8x512xi32, #tpu.memory_space<vmem>>, vector<16xi32>,
    %gather3A_2337 = tpu.vector_load_idx %arg8[%get3A_2336] : memref<2048xf32, #tpu.memory_space<vmem>>[vector<16xi32>], vector<16xf32>,
    %add3A_2338 = arith.addf %add3A_2332, %gather3A_2337 : vector<16xf32>
    %get3A_2339 = arith.constant 3 : i32
    %get3A_2340 = arith.index_cast %get3A_2339 : i32 to index
    %get3A_2341 = arith.constant 464 : index
    %get3A_2342 = tpu.vector_load %arg6[%get3A_2340, %get3A_2341] {strides = array<i32>} : memref<8x512xi32, #tpu.memory_space<vmem>>, vector<16xi32>,
    %gather3A_2343 = tpu.vector_load_idx %arg8[%get3A_2342] : memref<2048xf32, #tpu.memory_space<vmem>>[vector<16xi32>], vector<16xf32>,
    %add3A_2344 = arith.addf %add3A_2338, %gather3A_2343 : vector<16xf32>
    %get3A_2345 = arith.constant 4 : i32
    %get3A_2346 = arith.index_cast %get3A_2345 : i32 to index
    %get3A_2347 = arith.constant 464 : index
    %get3A_2348 = tpu.vector_load %arg6[%get3A_2346, %get3A_2347] {strides = array<i32>} : memref<8x512xi32, #tpu.memory_space<vmem>>, vector<16xi32>,
    %gather3A_2349 = tpu.vector_load_idx %arg8[%get3A_2348] : memref<2048xf32, #tpu.memory_space<vmem>>[vector<16xi32>], vector<16xf32>,
    %add3A_2350 = arith.addf %add3A_2344, %gather3A_2349 : vector<16xf32>
    %get3A_2351 = arith.constant 5 : i32
    %get3A_2352 = arith.index_cast %get3A_2351 : i32 to index
    %get3A_2353 = arith.constant 464 : index
    %get3A_2354 = tpu.vector_load %arg6[%get3A_2352, %get3A_2353] {strides = array<i32>} : memref<8x512xi32, #tpu.memory_space<vmem>>, vector<16xi32>,
    %gather3A_2355 = tpu.vector_load_idx %arg8[%get3A_2354] : memref<2048xf32, #tpu.memory_space<vmem>>[vector<16xi32>], vector<16xf32>,
    %add3A_2356 = arith.addf %add3A_2350, %gather3A_2355 : vector<16xf32>
    %get3A_2357 = arith.constant 6 : i32
    %get3A_2358 = arith.index_cast %get3A_2357 : i32 to index
    %get3A_2359 = arith.constant 464 : index
    %get3A_2360 = tpu.vector_load %arg6[%get3A_2358, %get3A_2359] {strides = array<i32>} : memref<8x512xi32, #tpu.memory_space<vmem>>, vector<16xi32>,
    %gather3A_2361 = tpu.vector_load_idx %arg8[%get3A_2360] : memref<2048xf32, #tpu.memory_space<vmem>>[vector<16xi32>], vector<16xf32>,
    %add3A_2362 = arith.addf %add3A_2356, %gather3A_2361 : vector<16xf32>
    %get3A_2363 = arith.constant 7 : i32
    %get3A_2364 = arith.index_cast %get3A_2363 : i32 to index
    %get3A_2365 = arith.constant 464 : index
    %get3A_2366 = tpu.vector_load %arg6[%get3A_2364, %get3A_2365] {strides = array<i32>} : memref<8x512xi32, #tpu.memory_space<vmem>>, vector<16xi32>,
    %gather3A_2367 = tpu.vector_load_idx %arg8[%get3A_2366] : memref<2048xf32, #tpu.memory_space<vmem>>[vector<16xi32>], vector<16xf32>,
    %add3A_2368 = arith.addf %add3A_2362, %gather3A_2367 : vector<16xf32>
    %get3A_2369 = arith.constant 0 : i32
    %get3A_2370 = arith.index_cast %get3A_2369 : i32 to index
    %get3A_2371 = arith.constant 464 : index
    %get3A_2372 = tpu.vector_load %arg7[%get3A_2370, %get3A_2371] {strides = array<i32>} : memref<2x512xf32, #tpu.memory_space<vmem>>, vector<16xf32>,
    %max3A_2373 = arith.maximumf %get3A_2372, %broadcast_in_dim3A_5 : vector<16xf32>
    %bitcast3A_2374 = vector.bitcast %max3A_2373 : vector<16xf32> to vector<16xi32>
    %shift_right_arithmetic3A_2375 = arith.constant 1 : i32
    %shift_right_arithmetic3A_2376 = vector.broadcast %shift_right_arithmetic3A_2375 : i32 to vector<16xi32>
    %shift_right_arithmetic3A_2377 = arith.shrsi %bitcast3A_2374, %shift_right_arithmetic3A_2376 : vector<16xi32>
    %add3A_2378 = arith.addi %shift_right_arithmetic3A_2377, %broadcast_in_dim3A_7 : vector<16xi32>
    %bitcast3A_2379 = vector.bitcast %add3A_2378 : vector<16xi32> to vector<16xf32>
    %div3A_2380 = arith.divf %max3A_2373, %bitcast3A_2379 : vector<16xf32>
    %add3A_2381 = arith.addf %bitcast3A_2379, %div3A_2380 : vector<16xf32>
    %mul3A_2382 = arith.mulf %broadcast_in_dim3A_3, %add3A_2381 : vector<16xf32>
    %div3A_2383 = arith.divf %max3A_2373, %mul3A_2382 : vector<16xf32>
    %add3A_2384 = arith.addf %mul3A_2382, %div3A_2383 : vector<16xf32>
    %mul3A_2385 = arith.mulf %broadcast_in_dim3A_3, %add3A_2384 : vector<16xf32>
    %div3A_2386 = arith.divf %max3A_2373, %mul3A_2385 : vector<16xf32>
    %add3A_2387 = arith.addf %mul3A_2385, %div3A_2386 : vector<16xf32>
    %mul3A_2388 = arith.mulf %broadcast_in_dim3A_3, %add3A_2387 : vector<16xf32>
    %mul3A_2389 = arith.mulf %broadcast_in_dim3A_3, %add3A_2368 : vector<16xf32>
    %get3A_2390 = arith.constant 1 : i32
    %get3A_2391 = arith.index_cast %get3A_2390 : i32 to index
    %get3A_2392 = arith.constant 464 : index
    %get3A_2393 = tpu.vector_load %arg7[%get3A_2391, %get3A_2392] {strides = array<i32>} : memref<2x512xf32, #tpu.memory_space<vmem>>, vector<16xf32>,
    %sub3A_2394 = arith.subf %mul3A_2389, %get3A_2393 : vector<16xf32>
    %abs3A_2395 = math.absf %sub3A_2394 : vector<16xf32>
    %add3A_2396 = arith.addf %mul3A_2388, %abs3A_2395 : vector<16xf32>
    %swap3A_2397 = arith.constant 464 : index
    %swap3A_2398 = tpu.vector_load %arg9[%swap3A_2397] {strides = array<i32>} : memref<512xf32, #tpu.memory_space<vmem>>, vector<16xf32>,
    tpu.vector_store %arg9[%swap3A_2397], %add3A_2396 {strides = array<i32>} : memref<512xf32, #tpu.memory_space<vmem>>, vector<16xf32>,
    %broadcast_in_dim3A_2399 = arith.constant 0.000000e+00 : f32
    %broadcast_in_dim3A_2400 = vector.broadcast %broadcast_in_dim3A_2399 : f32 to vector<16xf32>
    %get3A_2401 = arith.constant 0 : i32
    %get3A_2402 = arith.index_cast %get3A_2401 : i32 to index
    %get3A_2403 = arith.constant 480 : index
    %get3A_2404 = tpu.vector_load %arg6[%get3A_2402, %get3A_2403] {strides = array<i32>} : memref<8x512xi32, #tpu.memory_space<vmem>>, vector<16xi32>,
    %gather3A_2405 = tpu.vector_load_idx %arg8[%get3A_2404] : memref<2048xf32, #tpu.memory_space<vmem>>[vector<16xi32>], vector<16xf32>,
    %add3A_2406 = arith.addf %broadcast_in_dim3A_2400, %gather3A_2405 : vector<16xf32>
    %get3A_2407 = arith.constant 1 : i32
    %get3A_2408 = arith.index_cast %get3A_2407 : i32 to index
    %get3A_2409 = arith.constant 480 : index
    %get3A_2410 = tpu.vector_load %arg6[%get3A_2408, %get3A_2409] {strides = array<i32>} : memref<8x512xi32, #tpu.memory_space<vmem>>, vector<16xi32>,
    %gather3A_2411 = tpu.vector_load_idx %arg8[%get3A_2410] : memref<2048xf32, #tpu.memory_space<vmem>>[vector<16xi32>], vector<16xf32>,
    %add3A_2412 = arith.addf %add3A_2406, %gather3A_2411 : vector<16xf32>
    %get3A_2413 = arith.constant 2 : i32
    %get3A_2414 = arith.index_cast %get3A_2413 : i32 to index
    %get3A_2415 = arith.constant 480 : index
    %get3A_2416 = tpu.vector_load %arg6[%get3A_2414, %get3A_2415] {strides = array<i32>} : memref<8x512xi32, #tpu.memory_space<vmem>>, vector<16xi32>,
    %gather3A_2417 = tpu.vector_load_idx %arg8[%get3A_2416] : memref<2048xf32, #tpu.memory_space<vmem>>[vector<16xi32>], vector<16xf32>,
    %add3A_2418 = arith.addf %add3A_2412, %gather3A_2417 : vector<16xf32>
    %get3A_2419 = arith.constant 3 : i32
    %get3A_2420 = arith.index_cast %get3A_2419 : i32 to index
    %get3A_2421 = arith.constant 480 : index
    %get3A_2422 = tpu.vector_load %arg6[%get3A_2420, %get3A_2421] {strides = array<i32>} : memref<8x512xi32, #tpu.memory_space<vmem>>, vector<16xi32>,
    %gather3A_2423 = tpu.vector_load_idx %arg8[%get3A_2422] : memref<2048xf32, #tpu.memory_space<vmem>>[vector<16xi32>], vector<16xf32>,
    %add3A_2424 = arith.addf %add3A_2418, %gather3A_2423 : vector<16xf32>
    %get3A_2425 = arith.constant 4 : i32
    %get3A_2426 = arith.index_cast %get3A_2425 : i32 to index
    %get3A_2427 = arith.constant 480 : index
    %get3A_2428 = tpu.vector_load %arg6[%get3A_2426, %get3A_2427] {strides = array<i32>} : memref<8x512xi32, #tpu.memory_space<vmem>>, vector<16xi32>,
    %gather3A_2429 = tpu.vector_load_idx %arg8[%get3A_2428] : memref<2048xf32, #tpu.memory_space<vmem>>[vector<16xi32>], vector<16xf32>,
    %add3A_2430 = arith.addf %add3A_2424, %gather3A_2429 : vector<16xf32>
    %get3A_2431 = arith.constant 5 : i32
    %get3A_2432 = arith.index_cast %get3A_2431 : i32 to index
    %get3A_2433 = arith.constant 480 : index
    %get3A_2434 = tpu.vector_load %arg6[%get3A_2432, %get3A_2433] {strides = array<i32>} : memref<8x512xi32, #tpu.memory_space<vmem>>, vector<16xi32>,
    %gather3A_2435 = tpu.vector_load_idx %arg8[%get3A_2434] : memref<2048xf32, #tpu.memory_space<vmem>>[vector<16xi32>], vector<16xf32>,
    %add3A_2436 = arith.addf %add3A_2430, %gather3A_2435 : vector<16xf32>
    %get3A_2437 = arith.constant 6 : i32
    %get3A_2438 = arith.index_cast %get3A_2437 : i32 to index
    %get3A_2439 = arith.constant 480 : index
    %get3A_2440 = tpu.vector_load %arg6[%get3A_2438, %get3A_2439] {strides = array<i32>} : memref<8x512xi32, #tpu.memory_space<vmem>>, vector<16xi32>,
    %gather3A_2441 = tpu.vector_load_idx %arg8[%get3A_2440] : memref<2048xf32, #tpu.memory_space<vmem>>[vector<16xi32>], vector<16xf32>,
    %add3A_2442 = arith.addf %add3A_2436, %gather3A_2441 : vector<16xf32>
    %get3A_2443 = arith.constant 7 : i32
    %get3A_2444 = arith.index_cast %get3A_2443 : i32 to index
    %get3A_2445 = arith.constant 480 : index
    %get3A_2446 = tpu.vector_load %arg6[%get3A_2444, %get3A_2445] {strides = array<i32>} : memref<8x512xi32, #tpu.memory_space<vmem>>, vector<16xi32>,
    %gather3A_2447 = tpu.vector_load_idx %arg8[%get3A_2446] : memref<2048xf32, #tpu.memory_space<vmem>>[vector<16xi32>], vector<16xf32>,
    %add3A_2448 = arith.addf %add3A_2442, %gather3A_2447 : vector<16xf32>
    %get3A_2449 = arith.constant 0 : i32
    %get3A_2450 = arith.index_cast %get3A_2449 : i32 to index
    %get3A_2451 = arith.constant 480 : index
    %get3A_2452 = tpu.vector_load %arg7[%get3A_2450, %get3A_2451] {strides = array<i32>} : memref<2x512xf32, #tpu.memory_space<vmem>>, vector<16xf32>,
    %max3A_2453 = arith.maximumf %get3A_2452, %broadcast_in_dim3A_5 : vector<16xf32>
    %bitcast3A_2454 = vector.bitcast %max3A_2453 : vector<16xf32> to vector<16xi32>
    %shift_right_arithmetic3A_2455 = arith.constant 1 : i32
    %shift_right_arithmetic3A_2456 = vector.broadcast %shift_right_arithmetic3A_2455 : i32 to vector<16xi32>
    %shift_right_arithmetic3A_2457 = arith.shrsi %bitcast3A_2454, %shift_right_arithmetic3A_2456 : vector<16xi32>
    %add3A_2458 = arith.addi %shift_right_arithmetic3A_2457, %broadcast_in_dim3A_7 : vector<16xi32>
    %bitcast3A_2459 = vector.bitcast %add3A_2458 : vector<16xi32> to vector<16xf32>
    %div3A_2460 = arith.divf %max3A_2453, %bitcast3A_2459 : vector<16xf32>
    %add3A_2461 = arith.addf %bitcast3A_2459, %div3A_2460 : vector<16xf32>
    %mul3A_2462 = arith.mulf %broadcast_in_dim3A_3, %add3A_2461 : vector<16xf32>
    %div3A_2463 = arith.divf %max3A_2453, %mul3A_2462 : vector<16xf32>
    %add3A_2464 = arith.addf %mul3A_2462, %div3A_2463 : vector<16xf32>
    %mul3A_2465 = arith.mulf %broadcast_in_dim3A_3, %add3A_2464 : vector<16xf32>
    %div3A_2466 = arith.divf %max3A_2453, %mul3A_2465 : vector<16xf32>
    %add3A_2467 = arith.addf %mul3A_2465, %div3A_2466 : vector<16xf32>
    %mul3A_2468 = arith.mulf %broadcast_in_dim3A_3, %add3A_2467 : vector<16xf32>
    %mul3A_2469 = arith.mulf %broadcast_in_dim3A_3, %add3A_2448 : vector<16xf32>
    %get3A_2470 = arith.constant 1 : i32
    %get3A_2471 = arith.index_cast %get3A_2470 : i32 to index
    %get3A_2472 = arith.constant 480 : index
    %get3A_2473 = tpu.vector_load %arg7[%get3A_2471, %get3A_2472] {strides = array<i32>} : memref<2x512xf32, #tpu.memory_space<vmem>>, vector<16xf32>,
    %sub3A_2474 = arith.subf %mul3A_2469, %get3A_2473 : vector<16xf32>
    %abs3A_2475 = math.absf %sub3A_2474 : vector<16xf32>
    %add3A_2476 = arith.addf %mul3A_2468, %abs3A_2475 : vector<16xf32>
    %swap3A_2477 = arith.constant 480 : index
    %swap3A_2478 = tpu.vector_load %arg9[%swap3A_2477] {strides = array<i32>} : memref<512xf32, #tpu.memory_space<vmem>>, vector<16xf32>,
    tpu.vector_store %arg9[%swap3A_2477], %add3A_2476 {strides = array<i32>} : memref<512xf32, #tpu.memory_space<vmem>>, vector<16xf32>,
    %broadcast_in_dim3A_2479 = arith.constant 0.000000e+00 : f32
    %broadcast_in_dim3A_2480 = vector.broadcast %broadcast_in_dim3A_2479 : f32 to vector<16xf32>
    %get3A_2481 = arith.constant 0 : i32
    %get3A_2482 = arith.index_cast %get3A_2481 : i32 to index
    %get3A_2483 = arith.constant 496 : index
    %get3A_2484 = tpu.vector_load %arg6[%get3A_2482, %get3A_2483] {strides = array<i32>} : memref<8x512xi32, #tpu.memory_space<vmem>>, vector<16xi32>,
    %gather3A_2485 = tpu.vector_load_idx %arg8[%get3A_2484] : memref<2048xf32, #tpu.memory_space<vmem>>[vector<16xi32>], vector<16xf32>,
    %add3A_2486 = arith.addf %broadcast_in_dim3A_2480, %gather3A_2485 : vector<16xf32>
    %get3A_2487 = arith.constant 1 : i32
    %get3A_2488 = arith.index_cast %get3A_2487 : i32 to index
    %get3A_2489 = arith.constant 496 : index
    %get3A_2490 = tpu.vector_load %arg6[%get3A_2488, %get3A_2489] {strides = array<i32>} : memref<8x512xi32, #tpu.memory_space<vmem>>, vector<16xi32>,
    %gather3A_2491 = tpu.vector_load_idx %arg8[%get3A_2490] : memref<2048xf32, #tpu.memory_space<vmem>>[vector<16xi32>], vector<16xf32>,
    %add3A_2492 = arith.addf %add3A_2486, %gather3A_2491 : vector<16xf32>
    %get3A_2493 = arith.constant 2 : i32
    %get3A_2494 = arith.index_cast %get3A_2493 : i32 to index
    %get3A_2495 = arith.constant 496 : index
    %get3A_2496 = tpu.vector_load %arg6[%get3A_2494, %get3A_2495] {strides = array<i32>} : memref<8x512xi32, #tpu.memory_space<vmem>>, vector<16xi32>,
    %gather3A_2497 = tpu.vector_load_idx %arg8[%get3A_2496] : memref<2048xf32, #tpu.memory_space<vmem>>[vector<16xi32>], vector<16xf32>,
    %add3A_2498 = arith.addf %add3A_2492, %gather3A_2497 : vector<16xf32>
    %get3A_2499 = arith.constant 3 : i32
    %get3A_2500 = arith.index_cast %get3A_2499 : i32 to index
    %get3A_2501 = arith.constant 496 : index
    %get3A_2502 = tpu.vector_load %arg6[%get3A_2500, %get3A_2501] {strides = array<i32>} : memref<8x512xi32, #tpu.memory_space<vmem>>, vector<16xi32>,
    %gather3A_2503 = tpu.vector_load_idx %arg8[%get3A_2502] : memref<2048xf32, #tpu.memory_space<vmem>>[vector<16xi32>], vector<16xf32>,
    %add3A_2504 = arith.addf %add3A_2498, %gather3A_2503 : vector<16xf32>
    %get3A_2505 = arith.constant 4 : i32
    %get3A_2506 = arith.index_cast %get3A_2505 : i32 to index
    %get3A_2507 = arith.constant 496 : index
    %get3A_2508 = tpu.vector_load %arg6[%get3A_2506, %get3A_2507] {strides = array<i32>} : memref<8x512xi32, #tpu.memory_space<vmem>>, vector<16xi32>,
    %gather3A_2509 = tpu.vector_load_idx %arg8[%get3A_2508] : memref<2048xf32, #tpu.memory_space<vmem>>[vector<16xi32>], vector<16xf32>,
    %add3A_2510 = arith.addf %add3A_2504, %gather3A_2509 : vector<16xf32>
    %get3A_2511 = arith.constant 5 : i32
    %get3A_2512 = arith.index_cast %get3A_2511 : i32 to index
    %get3A_2513 = arith.constant 496 : index
    %get3A_2514 = tpu.vector_load %arg6[%get3A_2512, %get3A_2513] {strides = array<i32>} : memref<8x512xi32, #tpu.memory_space<vmem>>, vector<16xi32>,
    %gather3A_2515 = tpu.vector_load_idx %arg8[%get3A_2514] : memref<2048xf32, #tpu.memory_space<vmem>>[vector<16xi32>], vector<16xf32>,
    %add3A_2516 = arith.addf %add3A_2510, %gather3A_2515 : vector<16xf32>
    %get3A_2517 = arith.constant 6 : i32
    %get3A_2518 = arith.index_cast %get3A_2517 : i32 to index
    %get3A_2519 = arith.constant 496 : index
    %get3A_2520 = tpu.vector_load %arg6[%get3A_2518, %get3A_2519] {strides = array<i32>} : memref<8x512xi32, #tpu.memory_space<vmem>>, vector<16xi32>,
    %gather3A_2521 = tpu.vector_load_idx %arg8[%get3A_2520] : memref<2048xf32, #tpu.memory_space<vmem>>[vector<16xi32>], vector<16xf32>,
    %add3A_2522 = arith.addf %add3A_2516, %gather3A_2521 : vector<16xf32>
    %get3A_2523 = arith.constant 7 : i32
    %get3A_2524 = arith.index_cast %get3A_2523 : i32 to index
    %get3A_2525 = arith.constant 496 : index
    %get3A_2526 = tpu.vector_load %arg6[%get3A_2524, %get3A_2525] {strides = array<i32>} : memref<8x512xi32, #tpu.memory_space<vmem>>, vector<16xi32>,
    %gather3A_2527 = tpu.vector_load_idx %arg8[%get3A_2526] : memref<2048xf32, #tpu.memory_space<vmem>>[vector<16xi32>], vector<16xf32>,
    %add3A_2528 = arith.addf %add3A_2522, %gather3A_2527 : vector<16xf32>
    %get3A_2529 = arith.constant 0 : i32
    %get3A_2530 = arith.index_cast %get3A_2529 : i32 to index
    %get3A_2531 = arith.constant 496 : index
    %get3A_2532 = tpu.vector_load %arg7[%get3A_2530, %get3A_2531] {strides = array<i32>} : memref<2x512xf32, #tpu.memory_space<vmem>>, vector<16xf32>,
    %max3A_2533 = arith.maximumf %get3A_2532, %broadcast_in_dim3A_5 : vector<16xf32>
    %bitcast3A_2534 = vector.bitcast %max3A_2533 : vector<16xf32> to vector<16xi32>
    %shift_right_arithmetic3A_2535 = arith.constant 1 : i32
    %shift_right_arithmetic3A_2536 = vector.broadcast %shift_right_arithmetic3A_2535 : i32 to vector<16xi32>
    %shift_right_arithmetic3A_2537 = arith.shrsi %bitcast3A_2534, %shift_right_arithmetic3A_2536 : vector<16xi32>
    %add3A_2538 = arith.addi %shift_right_arithmetic3A_2537, %broadcast_in_dim3A_7 : vector<16xi32>
    %bitcast3A_2539 = vector.bitcast %add3A_2538 : vector<16xi32> to vector<16xf32>
    %div3A_2540 = arith.divf %max3A_2533, %bitcast3A_2539 : vector<16xf32>
    %add3A_2541 = arith.addf %bitcast3A_2539, %div3A_2540 : vector<16xf32>
    %mul3A_2542 = arith.mulf %broadcast_in_dim3A_3, %add3A_2541 : vector<16xf32>
    %div3A_2543 = arith.divf %max3A_2533, %mul3A_2542 : vector<16xf32>
    %add3A_2544 = arith.addf %mul3A_2542, %div3A_2543 : vector<16xf32>
    %mul3A_2545 = arith.mulf %broadcast_in_dim3A_3, %add3A_2544 : vector<16xf32>
    %div3A_2546 = arith.divf %max3A_2533, %mul3A_2545 : vector<16xf32>
    %add3A_2547 = arith.addf %mul3A_2545, %div3A_2546 : vector<16xf32>
    %mul3A_2548 = arith.mulf %broadcast_in_dim3A_3, %add3A_2547 : vector<16xf32>
    %mul3A_2549 = arith.mulf %broadcast_in_dim3A_3, %add3A_2528 : vector<16xf32>
    %get3A_2550 = arith.constant 1 : i32
    %get3A_2551 = arith.index_cast %get3A_2550 : i32 to index
    %get3A_2552 = arith.constant 496 : index
    %get3A_2553 = tpu.vector_load %arg7[%get3A_2551, %get3A_2552] {strides = array<i32>} : memref<2x512xf32, #tpu.memory_space<vmem>>, vector<16xf32>,
    %sub3A_2554 = arith.subf %mul3A_2549, %get3A_2553 : vector<16xf32>
    %abs3A_2555 = math.absf %sub3A_2554 : vector<16xf32>
    %add3A_2556 = arith.addf %mul3A_2548, %abs3A_2555 : vector<16xf32>
    %swap3A_2557 = arith.constant 496 : index
    %swap3A_2558 = tpu.vector_load %arg9[%swap3A_2557] {strides = array<i32>} : memref<512xf32, #tpu.memory_space<vmem>>, vector<16xf32>,
    tpu.vector_store %arg9[%swap3A_2557], %add3A_2556 {strides = array<i32>} : memref<512xf32, #tpu.memory_space<vmem>>, vector<16xf32>,
    "tpu.region"() ({
      %run_scoped3A = tpu.sem_alloc : memref<!tpu.dma_semaphore, #tpu.memory_space<semaphore_mem>>
      %dma_start3A = tpu.memref_slice %arg5[%mul3A_2] : memref<16384xf32, #tpu.memory_space<hbm>> -> memref<512xf32, #tpu.memory_space<hbm>>
      %dma_start3A_2559 = tpu.memref_slice %arg5[%mul3A_2] : memref<16384xf32, #tpu.memory_space<hbm>> -> memref<512xf32, #tpu.memory_space<hbm>>
      tpu.enqueue_dma source(%arg9 : memref<512xf32, #tpu.memory_space<vmem>>) target(%dma_start3A_2559 : memref<512xf32, #tpu.memory_space<hbm>>) target_semaphore(%run_scoped3A : memref<!tpu.dma_semaphore, #tpu.memory_space<semaphore_mem>>)
      %dma_wait3A = tpu.memref_slice %arg5[%mul3A_2] : memref<16384xf32, #tpu.memory_space<hbm>> -> memref<512xf32, #tpu.memory_space<hbm>>
      %dma_wait3A_2560 = tpu.memref_slice %arg5[%mul3A_2] : memref<16384xf32, #tpu.memory_space<hbm>> -> memref<512xf32, #tpu.memory_space<hbm>>
      tpu.wait_dma2 semaphore(%run_scoped3A : memref<!tpu.dma_semaphore, #tpu.memory_space<semaphore_mem>>) src(%arg9 : memref<512xf32, #tpu.memory_space<vmem>>) dst(%dma_wait3A_2560 : memref<512xf32, #tpu.memory_space<hbm>>)
      tpu.yield
    }) : () -> ()
    return
  }
}

module attributes {stable_mosaic.version = 14 : i64} {
  func.func @_pdt_tc_body(%arg0: i32, %arg1: memref<4096x256xf32, #tpu.memory_space<vmem>>, %arg2: memref<8x256x32xbf16, #tpu.memory_space<vmem>>, %arg3: memref<8x256xbf16, #tpu.memory_space<vmem>>, %arg4: memref<2x4096xf32, #tpu.memory_space<vmem>>, %arg5: memref<8x4096xi32, #tpu.memory_space<vmem>>) attributes {dimension_semantics = [#tpu.dimension_semantics<arbitrary>], iteration_bounds = array<i64: 4>, scalar_prefetch = 0 : i64, scratch_operands = 0 : i64, tpu.core_type = #tpu.core_type<tc>, window_params = [{transform_indices = @transform_0, window_bounds = array<i64: 4096, 256>}, {pipeline_mode = #tpu.pipeline_mode<synchronous>, transform_indices = @transform_1, window_bounds = array<i64: 8, 256, 32>}, {pipeline_mode = #tpu.pipeline_mode<synchronous>, transform_indices = @transform_2, window_bounds = array<i64: 8, 256>}, {transform_indices = @transform_3, window_bounds = array<i64: 2, 4096>}, {transform_indices = @transform_4, window_bounds = array<i64: 8, 4096>}]} {
    %get3A = arith.constant 0 : index
    %get3A_0 = arith.constant 0 : index
    %get3A_1 = vector.load %arg1[%get3A, %get3A_0] : memref<4096x256xf32, #tpu.memory_space<vmem>>, vector<4096x256xf32>
    %convert_element_type3A = arith.truncf %get3A_1 : vector<4096x256xf32> to vector<4096x256xbf16>
    %mul3A = arith.mulf %convert_element_type3A, %convert_element_type3A : vector<4096x256xbf16>
    %broadcast_in_dim3A = arith.constant 1.000000e+00 : bf16
    %broadcast_in_dim3A_2 = vector.broadcast %broadcast_in_dim3A : bf16 to vector<8x256xbf16>
    %dot_general3A = arith.constant dense<0.000000e+00> : vector<8x4096xf32>
    %dot_general3A_3 = tpu.matmul %broadcast_in_dim3A_2, %mul3A, %dot_general3A {dimension_numbers = #tpu.dot_dimension_numbers<[1], [1], [0], [0], [0, 0, 1, 0], [], []>, transpose_lhs_hint = false} : vector<8x256xbf16>, vector<4096x256xbf16>, vector<8x4096xf32> -> vector<8x4096xf32>
    %slice3A = vector.extract_strided_slice %dot_general3A_3 {offsets = [0, 0], sizes = [1, 4096], strides = [1, 1]} : vector<8x4096xf32> to vector<1x4096xf32>
    %squeeze3A = vector.shape_cast %slice3A : vector<1x4096xf32> to vector<4096xf32>
    %iota3A = tpu.iota {dimensions = array<i32: 0>} : vector<256x1xi32>
    %convert_element_type3A_4 = arith.sitofp %iota3A : vector<256x1xi32> to vector<256x1xbf16>
    %broadcast_in_dim3A_5 = arith.constant 0.000000e+00 : f32
    %broadcast_in_dim3A_6 = vector.broadcast %broadcast_in_dim3A_5 : f32 to vector<4096xf32>
    %slice3A_7 = vector.extract_strided_slice %convert_element_type3A {offsets = [0, 0], sizes = [4096, 32], strides = [1, 1]} : vector<4096x256xbf16> to vector<4096x32xbf16>
    %get3A_8 = arith.constant 0 : index
    %get3A_9 = arith.constant 0 : index
    %get3A_10 = vector.load %arg3[%get3A_8, %get3A_9] : memref<8x256xbf16, #tpu.memory_space<vmem>>, vector<1x256xbf16>
    %get3A_11 = vector.shape_cast %get3A_10 : vector<1x256xbf16> to vector<256xbf16>
    %broadcast_in_dim3A_12 = vector.shape_cast %get3A_11 : vector<256xbf16> to vector<256x1xbf16>
    %get3A_13 = arith.constant 0 : index
    %get3A_14 = arith.constant 0 : index
    %get3A_15 = arith.constant 0 : index
    %get3A_16 = vector.load %arg2[%get3A_13, %get3A_14, %get3A_15] : memref<8x256x32xbf16, #tpu.memory_space<vmem>>, vector<1x256x32xbf16>
    %get3A_17 = vector.shape_cast %get3A_16 : vector<1x256x32xbf16> to vector<256x32xbf16>
    %dot_general3A_18 = arith.constant dense<0.000000e+00> : vector<256x4096xf32>
    %dot_general3A_19 = tpu.matmul %get3A_17, %slice3A_7, %dot_general3A_18 {dimension_numbers = #tpu.dot_dimension_numbers<[1], [1], [0], [0], [0, 0, 1, 0], [], []>, transpose_lhs_hint = false} : vector<256x32xbf16>, vector<4096x32xbf16>, vector<256x4096xf32> -> vector<256x4096xf32>
    %convert_element_type3A_20 = arith.truncf %dot_general3A_19 : vector<256x4096xf32> to vector<256x4096xbf16>
    %add3A = vector.broadcast %broadcast_in_dim3A_12 : vector<256x1xbf16> to vector<256x4096xbf16>
    %add3A_21 = arith.addf %add3A, %convert_element_type3A_20 : vector<256x4096xbf16>
    %reduce_min3A = arith.constant dense<0x7F80> : vector<4096xbf16>
    %reduce_min3A_22 = vector.multi_reduction <minimumf>, %add3A_21, %reduce_min3A [0] : vector<256x4096xbf16> to vector<4096xbf16>
    %broadcast_in_dim3A_23 = vector.shape_cast %reduce_min3A_22 : vector<4096xbf16> to vector<1x4096xbf16>
    %eq3A = vector.broadcast %broadcast_in_dim3A_23 : vector<1x4096xbf16> to vector<256x4096xbf16>
    %eq3A_24 = arith.cmpf oeq, %add3A_21, %eq3A : vector<256x4096xbf16>
    %jit3A = arith.constant 2.560000e+02 : bf16
    %broadcast_in_dim3A_25 = vector.shape_cast %convert_element_type3A_4 : vector<256x1xbf16> to vector<256x1xbf16>
    %broadcast_in_dim3A_26 = vector.broadcast %broadcast_in_dim3A_25 : vector<256x1xbf16> to vector<256x4096xbf16>
    %broadcast_in_dim3A_27 = vector.broadcast %jit3A : bf16 to vector<256x4096xbf16>
    %select_n3A = arith.select %eq3A_24, %broadcast_in_dim3A_26, %broadcast_in_dim3A_27 : vector<256x4096xi1>, vector<256x4096xbf16>
    %reduce_min3A_28 = arith.constant dense<0x7F80> : vector<4096xbf16>
    %reduce_min3A_29 = vector.multi_reduction <minimumf>, %select_n3A, %reduce_min3A_28 [0] : vector<256x4096xbf16> to vector<4096xbf16>
    %convert_element_type3A_30 = arith.fptosi %reduce_min3A_29 : vector<4096xbf16> to vector<4096xi32>
    %add3A_31 = arith.constant 0 : i32
    %add3A_32 = vector.broadcast %add3A_31 : i32 to vector<4096xi32>
    %add3A_33 = arith.addi %convert_element_type3A_30, %add3A_32 : vector<4096xi32>
    %swap3A = arith.constant 0 : index
    %swap3A_34 = arith.constant 0 : index
    %swap3A_35 = vector.load %arg5[%swap3A, %swap3A_34] : memref<8x4096xi32, #tpu.memory_space<vmem>>, vector<1x4096xi32>
    %swap3A_36 = vector.shape_cast %swap3A_35 : vector<1x4096xi32> to vector<4096xi32>
    %swap3A_37 = vector.shape_cast %add3A_33 : vector<4096xi32> to vector<1x4096xi32>
    tpu.vector_store %arg5[%swap3A, %swap3A_34], %swap3A_37 {strides = array<i32>} : memref<8x4096xi32, #tpu.memory_space<vmem>>, vector<1x4096xi32>,
    %convert_element_type3A_38 = arith.extf %reduce_min3A_22 : vector<4096xbf16> to vector<4096xf32>
    %add3A_39 = arith.addf %broadcast_in_dim3A_6, %convert_element_type3A_38 : vector<4096xf32>
    %slice3A_40 = vector.extract_strided_slice %convert_element_type3A {offsets = [0, 32], sizes = [4096, 32], strides = [1, 1]} : vector<4096x256xbf16> to vector<4096x32xbf16>
    %get3A_41 = arith.constant 1 : index
    %get3A_42 = arith.constant 0 : index
    %get3A_43 = vector.load %arg3[%get3A_41, %get3A_42] : memref<8x256xbf16, #tpu.memory_space<vmem>>, vector<1x256xbf16>
    %get3A_44 = vector.shape_cast %get3A_43 : vector<1x256xbf16> to vector<256xbf16>
    %broadcast_in_dim3A_45 = vector.shape_cast %get3A_44 : vector<256xbf16> to vector<256x1xbf16>
    %get3A_46 = arith.constant 1 : index
    %get3A_47 = arith.constant 0 : index
    %get3A_48 = arith.constant 0 : index
    %get3A_49 = vector.load %arg2[%get3A_46, %get3A_47, %get3A_48] : memref<8x256x32xbf16, #tpu.memory_space<vmem>>, vector<1x256x32xbf16>
    %get3A_50 = vector.shape_cast %get3A_49 : vector<1x256x32xbf16> to vector<256x32xbf16>
    %dot_general3A_51 = arith.constant dense<0.000000e+00> : vector<256x4096xf32>
    %dot_general3A_52 = tpu.matmul %get3A_50, %slice3A_40, %dot_general3A_51 {dimension_numbers = #tpu.dot_dimension_numbers<[1], [1], [0], [0], [0, 0, 1, 0], [], []>, transpose_lhs_hint = false} : vector<256x32xbf16>, vector<4096x32xbf16>, vector<256x4096xf32> -> vector<256x4096xf32>
    %convert_element_type3A_53 = arith.truncf %dot_general3A_52 : vector<256x4096xf32> to vector<256x4096xbf16>
    %add3A_54 = vector.broadcast %broadcast_in_dim3A_45 : vector<256x1xbf16> to vector<256x4096xbf16>
    %add3A_55 = arith.addf %add3A_54, %convert_element_type3A_53 : vector<256x4096xbf16>
    %reduce_min3A_56 = arith.constant dense<0x7F80> : vector<4096xbf16>
    %reduce_min3A_57 = vector.multi_reduction <minimumf>, %add3A_55, %reduce_min3A_56 [0] : vector<256x4096xbf16> to vector<4096xbf16>
    %broadcast_in_dim3A_58 = vector.shape_cast %reduce_min3A_57 : vector<4096xbf16> to vector<1x4096xbf16>
    %eq3A_59 = vector.broadcast %broadcast_in_dim3A_58 : vector<1x4096xbf16> to vector<256x4096xbf16>
    %eq3A_60 = arith.cmpf oeq, %add3A_55, %eq3A_59 : vector<256x4096xbf16>
    %jit3A_61 = arith.constant 2.560000e+02 : bf16
    %broadcast_in_dim3A_62 = vector.shape_cast %convert_element_type3A_4 : vector<256x1xbf16> to vector<256x1xbf16>
    %broadcast_in_dim3A_63 = vector.broadcast %broadcast_in_dim3A_62 : vector<256x1xbf16> to vector<256x4096xbf16>
    %broadcast_in_dim3A_64 = vector.broadcast %jit3A_61 : bf16 to vector<256x4096xbf16>
    %select_n3A_65 = arith.select %eq3A_60, %broadcast_in_dim3A_63, %broadcast_in_dim3A_64 : vector<256x4096xi1>, vector<256x4096xbf16>
    %reduce_min3A_66 = arith.constant dense<0x7F80> : vector<4096xbf16>
    %reduce_min3A_67 = vector.multi_reduction <minimumf>, %select_n3A_65, %reduce_min3A_66 [0] : vector<256x4096xbf16> to vector<4096xbf16>
    %convert_element_type3A_68 = arith.fptosi %reduce_min3A_67 : vector<4096xbf16> to vector<4096xi32>
    %add3A_69 = arith.constant 256 : i32
    %add3A_70 = vector.broadcast %add3A_69 : i32 to vector<4096xi32>
    %add3A_71 = arith.addi %convert_element_type3A_68, %add3A_70 : vector<4096xi32>
    %swap3A_72 = arith.constant 1 : index
    %swap3A_73 = arith.constant 0 : index
    %swap3A_74 = vector.load %arg5[%swap3A_72, %swap3A_73] : memref<8x4096xi32, #tpu.memory_space<vmem>>, vector<1x4096xi32>
    %swap3A_75 = vector.shape_cast %swap3A_74 : vector<1x4096xi32> to vector<4096xi32>
    %swap3A_76 = vector.shape_cast %add3A_71 : vector<4096xi32> to vector<1x4096xi32>
    tpu.vector_store %arg5[%swap3A_72, %swap3A_73], %swap3A_76 {strides = array<i32>} : memref<8x4096xi32, #tpu.memory_space<vmem>>, vector<1x4096xi32>,
    %convert_element_type3A_77 = arith.extf %reduce_min3A_57 : vector<4096xbf16> to vector<4096xf32>
    %add3A_78 = arith.addf %add3A_39, %convert_element_type3A_77 : vector<4096xf32>
    %slice3A_79 = vector.extract_strided_slice %convert_element_type3A {offsets = [0, 64], sizes = [4096, 32], strides = [1, 1]} : vector<4096x256xbf16> to vector<4096x32xbf16>
    %get3A_80 = arith.constant 2 : index
    %get3A_81 = arith.constant 0 : index
    %get3A_82 = vector.load %arg3[%get3A_80, %get3A_81] : memref<8x256xbf16, #tpu.memory_space<vmem>>, vector<1x256xbf16>
    %get3A_83 = vector.shape_cast %get3A_82 : vector<1x256xbf16> to vector<256xbf16>
    %broadcast_in_dim3A_84 = vector.shape_cast %get3A_83 : vector<256xbf16> to vector<256x1xbf16>
    %get3A_85 = arith.constant 2 : index
    %get3A_86 = arith.constant 0 : index
    %get3A_87 = arith.constant 0 : index
    %get3A_88 = vector.load %arg2[%get3A_85, %get3A_86, %get3A_87] : memref<8x256x32xbf16, #tpu.memory_space<vmem>>, vector<1x256x32xbf16>
    %get3A_89 = vector.shape_cast %get3A_88 : vector<1x256x32xbf16> to vector<256x32xbf16>
    %dot_general3A_90 = arith.constant dense<0.000000e+00> : vector<256x4096xf32>
    %dot_general3A_91 = tpu.matmul %get3A_89, %slice3A_79, %dot_general3A_90 {dimension_numbers = #tpu.dot_dimension_numbers<[1], [1], [0], [0], [0, 0, 1, 0], [], []>, transpose_lhs_hint = false} : vector<256x32xbf16>, vector<4096x32xbf16>, vector<256x4096xf32> -> vector<256x4096xf32>
    %convert_element_type3A_92 = arith.truncf %dot_general3A_91 : vector<256x4096xf32> to vector<256x4096xbf16>
    %add3A_93 = vector.broadcast %broadcast_in_dim3A_84 : vector<256x1xbf16> to vector<256x4096xbf16>
    %add3A_94 = arith.addf %add3A_93, %convert_element_type3A_92 : vector<256x4096xbf16>
    %reduce_min3A_95 = arith.constant dense<0x7F80> : vector<4096xbf16>
    %reduce_min3A_96 = vector.multi_reduction <minimumf>, %add3A_94, %reduce_min3A_95 [0] : vector<256x4096xbf16> to vector<4096xbf16>
    %broadcast_in_dim3A_97 = vector.shape_cast %reduce_min3A_96 : vector<4096xbf16> to vector<1x4096xbf16>
    %eq3A_98 = vector.broadcast %broadcast_in_dim3A_97 : vector<1x4096xbf16> to vector<256x4096xbf16>
    %eq3A_99 = arith.cmpf oeq, %add3A_94, %eq3A_98 : vector<256x4096xbf16>
    %jit3A_100 = arith.constant 2.560000e+02 : bf16
    %broadcast_in_dim3A_101 = vector.shape_cast %convert_element_type3A_4 : vector<256x1xbf16> to vector<256x1xbf16>
    %broadcast_in_dim3A_102 = vector.broadcast %broadcast_in_dim3A_101 : vector<256x1xbf16> to vector<256x4096xbf16>
    %broadcast_in_dim3A_103 = vector.broadcast %jit3A_100 : bf16 to vector<256x4096xbf16>
    %select_n3A_104 = arith.select %eq3A_99, %broadcast_in_dim3A_102, %broadcast_in_dim3A_103 : vector<256x4096xi1>, vector<256x4096xbf16>
    %reduce_min3A_105 = arith.constant dense<0x7F80> : vector<4096xbf16>
    %reduce_min3A_106 = vector.multi_reduction <minimumf>, %select_n3A_104, %reduce_min3A_105 [0] : vector<256x4096xbf16> to vector<4096xbf16>
    %convert_element_type3A_107 = arith.fptosi %reduce_min3A_106 : vector<4096xbf16> to vector<4096xi32>
    %add3A_108 = arith.constant 512 : i32
    %add3A_109 = vector.broadcast %add3A_108 : i32 to vector<4096xi32>
    %add3A_110 = arith.addi %convert_element_type3A_107, %add3A_109 : vector<4096xi32>
    %swap3A_111 = arith.constant 2 : index
    %swap3A_112 = arith.constant 0 : index
    %swap3A_113 = vector.load %arg5[%swap3A_111, %swap3A_112] : memref<8x4096xi32, #tpu.memory_space<vmem>>, vector<1x4096xi32>
    %swap3A_114 = vector.shape_cast %swap3A_113 : vector<1x4096xi32> to vector<4096xi32>
    %swap3A_115 = vector.shape_cast %add3A_110 : vector<4096xi32> to vector<1x4096xi32>
    tpu.vector_store %arg5[%swap3A_111, %swap3A_112], %swap3A_115 {strides = array<i32>} : memref<8x4096xi32, #tpu.memory_space<vmem>>, vector<1x4096xi32>,
    %convert_element_type3A_116 = arith.extf %reduce_min3A_96 : vector<4096xbf16> to vector<4096xf32>
    %add3A_117 = arith.addf %add3A_78, %convert_element_type3A_116 : vector<4096xf32>
    %slice3A_118 = vector.extract_strided_slice %convert_element_type3A {offsets = [0, 96], sizes = [4096, 32], strides = [1, 1]} : vector<4096x256xbf16> to vector<4096x32xbf16>
    %get3A_119 = arith.constant 3 : index
    %get3A_120 = arith.constant 0 : index
    %get3A_121 = vector.load %arg3[%get3A_119, %get3A_120] : memref<8x256xbf16, #tpu.memory_space<vmem>>, vector<1x256xbf16>
    %get3A_122 = vector.shape_cast %get3A_121 : vector<1x256xbf16> to vector<256xbf16>
    %broadcast_in_dim3A_123 = vector.shape_cast %get3A_122 : vector<256xbf16> to vector<256x1xbf16>
    %get3A_124 = arith.constant 3 : index
    %get3A_125 = arith.constant 0 : index
    %get3A_126 = arith.constant 0 : index
    %get3A_127 = vector.load %arg2[%get3A_124, %get3A_125, %get3A_126] : memref<8x256x32xbf16, #tpu.memory_space<vmem>>, vector<1x256x32xbf16>
    %get3A_128 = vector.shape_cast %get3A_127 : vector<1x256x32xbf16> to vector<256x32xbf16>
    %dot_general3A_129 = arith.constant dense<0.000000e+00> : vector<256x4096xf32>
    %dot_general3A_130 = tpu.matmul %get3A_128, %slice3A_118, %dot_general3A_129 {dimension_numbers = #tpu.dot_dimension_numbers<[1], [1], [0], [0], [0, 0, 1, 0], [], []>, transpose_lhs_hint = false} : vector<256x32xbf16>, vector<4096x32xbf16>, vector<256x4096xf32> -> vector<256x4096xf32>
    %convert_element_type3A_131 = arith.truncf %dot_general3A_130 : vector<256x4096xf32> to vector<256x4096xbf16>
    %add3A_132 = vector.broadcast %broadcast_in_dim3A_123 : vector<256x1xbf16> to vector<256x4096xbf16>
    %add3A_133 = arith.addf %add3A_132, %convert_element_type3A_131 : vector<256x4096xbf16>
    %reduce_min3A_134 = arith.constant dense<0x7F80> : vector<4096xbf16>
    %reduce_min3A_135 = vector.multi_reduction <minimumf>, %add3A_133, %reduce_min3A_134 [0] : vector<256x4096xbf16> to vector<4096xbf16>
    %broadcast_in_dim3A_136 = vector.shape_cast %reduce_min3A_135 : vector<4096xbf16> to vector<1x4096xbf16>
    %eq3A_137 = vector.broadcast %broadcast_in_dim3A_136 : vector<1x4096xbf16> to vector<256x4096xbf16>
    %eq3A_138 = arith.cmpf oeq, %add3A_133, %eq3A_137 : vector<256x4096xbf16>
    %jit3A_139 = arith.constant 2.560000e+02 : bf16
    %broadcast_in_dim3A_140 = vector.shape_cast %convert_element_type3A_4 : vector<256x1xbf16> to vector<256x1xbf16>
    %broadcast_in_dim3A_141 = vector.broadcast %broadcast_in_dim3A_140 : vector<256x1xbf16> to vector<256x4096xbf16>
    %broadcast_in_dim3A_142 = vector.broadcast %jit3A_139 : bf16 to vector<256x4096xbf16>
    %select_n3A_143 = arith.select %eq3A_138, %broadcast_in_dim3A_141, %broadcast_in_dim3A_142 : vector<256x4096xi1>, vector<256x4096xbf16>
    %reduce_min3A_144 = arith.constant dense<0x7F80> : vector<4096xbf16>
    %reduce_min3A_145 = vector.multi_reduction <minimumf>, %select_n3A_143, %reduce_min3A_144 [0] : vector<256x4096xbf16> to vector<4096xbf16>
    %convert_element_type3A_146 = arith.fptosi %reduce_min3A_145 : vector<4096xbf16> to vector<4096xi32>
    %add3A_147 = arith.constant 768 : i32
    %add3A_148 = vector.broadcast %add3A_147 : i32 to vector<4096xi32>
    %add3A_149 = arith.addi %convert_element_type3A_146, %add3A_148 : vector<4096xi32>
    %swap3A_150 = arith.constant 3 : index
    %swap3A_151 = arith.constant 0 : index
    %swap3A_152 = vector.load %arg5[%swap3A_150, %swap3A_151] : memref<8x4096xi32, #tpu.memory_space<vmem>>, vector<1x4096xi32>
    %swap3A_153 = vector.shape_cast %swap3A_152 : vector<1x4096xi32> to vector<4096xi32>
    %swap3A_154 = vector.shape_cast %add3A_149 : vector<4096xi32> to vector<1x4096xi32>
    tpu.vector_store %arg5[%swap3A_150, %swap3A_151], %swap3A_154 {strides = array<i32>} : memref<8x4096xi32, #tpu.memory_space<vmem>>, vector<1x4096xi32>,
    %convert_element_type3A_155 = arith.extf %reduce_min3A_135 : vector<4096xbf16> to vector<4096xf32>
    %add3A_156 = arith.addf %add3A_117, %convert_element_type3A_155 : vector<4096xf32>
    %slice3A_157 = vector.extract_strided_slice %convert_element_type3A {offsets = [0, 128], sizes = [4096, 32], strides = [1, 1]} : vector<4096x256xbf16> to vector<4096x32xbf16>
    %get3A_158 = arith.constant 4 : index
    %get3A_159 = arith.constant 0 : index
    %get3A_160 = vector.load %arg3[%get3A_158, %get3A_159] : memref<8x256xbf16, #tpu.memory_space<vmem>>, vector<1x256xbf16>
    %get3A_161 = vector.shape_cast %get3A_160 : vector<1x256xbf16> to vector<256xbf16>
    %broadcast_in_dim3A_162 = vector.shape_cast %get3A_161 : vector<256xbf16> to vector<256x1xbf16>
    %get3A_163 = arith.constant 4 : index
    %get3A_164 = arith.constant 0 : index
    %get3A_165 = arith.constant 0 : index
    %get3A_166 = vector.load %arg2[%get3A_163, %get3A_164, %get3A_165] : memref<8x256x32xbf16, #tpu.memory_space<vmem>>, vector<1x256x32xbf16>
    %get3A_167 = vector.shape_cast %get3A_166 : vector<1x256x32xbf16> to vector<256x32xbf16>
    %dot_general3A_168 = arith.constant dense<0.000000e+00> : vector<256x4096xf32>
    %dot_general3A_169 = tpu.matmul %get3A_167, %slice3A_157, %dot_general3A_168 {dimension_numbers = #tpu.dot_dimension_numbers<[1], [1], [0], [0], [0, 0, 1, 0], [], []>, transpose_lhs_hint = false} : vector<256x32xbf16>, vector<4096x32xbf16>, vector<256x4096xf32> -> vector<256x4096xf32>
    %convert_element_type3A_170 = arith.truncf %dot_general3A_169 : vector<256x4096xf32> to vector<256x4096xbf16>
    %add3A_171 = vector.broadcast %broadcast_in_dim3A_162 : vector<256x1xbf16> to vector<256x4096xbf16>
    %add3A_172 = arith.addf %add3A_171, %convert_element_type3A_170 : vector<256x4096xbf16>
    %reduce_min3A_173 = arith.constant dense<0x7F80> : vector<4096xbf16>
    %reduce_min3A_174 = vector.multi_reduction <minimumf>, %add3A_172, %reduce_min3A_173 [0] : vector<256x4096xbf16> to vector<4096xbf16>
    %broadcast_in_dim3A_175 = vector.shape_cast %reduce_min3A_174 : vector<4096xbf16> to vector<1x4096xbf16>
    %eq3A_176 = vector.broadcast %broadcast_in_dim3A_175 : vector<1x4096xbf16> to vector<256x4096xbf16>
    %eq3A_177 = arith.cmpf oeq, %add3A_172, %eq3A_176 : vector<256x4096xbf16>
    %jit3A_178 = arith.constant 2.560000e+02 : bf16
    %broadcast_in_dim3A_179 = vector.shape_cast %convert_element_type3A_4 : vector<256x1xbf16> to vector<256x1xbf16>
    %broadcast_in_dim3A_180 = vector.broadcast %broadcast_in_dim3A_179 : vector<256x1xbf16> to vector<256x4096xbf16>
    %broadcast_in_dim3A_181 = vector.broadcast %jit3A_178 : bf16 to vector<256x4096xbf16>
    %select_n3A_182 = arith.select %eq3A_177, %broadcast_in_dim3A_180, %broadcast_in_dim3A_181 : vector<256x4096xi1>, vector<256x4096xbf16>
    %reduce_min3A_183 = arith.constant dense<0x7F80> : vector<4096xbf16>
    %reduce_min3A_184 = vector.multi_reduction <minimumf>, %select_n3A_182, %reduce_min3A_183 [0] : vector<256x4096xbf16> to vector<4096xbf16>
    %convert_element_type3A_185 = arith.fptosi %reduce_min3A_184 : vector<4096xbf16> to vector<4096xi32>
    %add3A_186 = arith.constant 1024 : i32
    %add3A_187 = vector.broadcast %add3A_186 : i32 to vector<4096xi32>
    %add3A_188 = arith.addi %convert_element_type3A_185, %add3A_187 : vector<4096xi32>
    %swap3A_189 = arith.constant 4 : index
    %swap3A_190 = arith.constant 0 : index
    %swap3A_191 = vector.load %arg5[%swap3A_189, %swap3A_190] : memref<8x4096xi32, #tpu.memory_space<vmem>>, vector<1x4096xi32>
    %swap3A_192 = vector.shape_cast %swap3A_191 : vector<1x4096xi32> to vector<4096xi32>
    %swap3A_193 = vector.shape_cast %add3A_188 : vector<4096xi32> to vector<1x4096xi32>
    tpu.vector_store %arg5[%swap3A_189, %swap3A_190], %swap3A_193 {strides = array<i32>} : memref<8x4096xi32, #tpu.memory_space<vmem>>, vector<1x4096xi32>,
    %convert_element_type3A_194 = arith.extf %reduce_min3A_174 : vector<4096xbf16> to vector<4096xf32>
    %add3A_195 = arith.addf %add3A_156, %convert_element_type3A_194 : vector<4096xf32>
    %slice3A_196 = vector.extract_strided_slice %convert_element_type3A {offsets = [0, 160], sizes = [4096, 32], strides = [1, 1]} : vector<4096x256xbf16> to vector<4096x32xbf16>
    %get3A_197 = arith.constant 5 : index
    %get3A_198 = arith.constant 0 : index
    %get3A_199 = vector.load %arg3[%get3A_197, %get3A_198] : memref<8x256xbf16, #tpu.memory_space<vmem>>, vector<1x256xbf16>
    %get3A_200 = vector.shape_cast %get3A_199 : vector<1x256xbf16> to vector<256xbf16>
    %broadcast_in_dim3A_201 = vector.shape_cast %get3A_200 : vector<256xbf16> to vector<256x1xbf16>
    %get3A_202 = arith.constant 5 : index
    %get3A_203 = arith.constant 0 : index
    %get3A_204 = arith.constant 0 : index
    %get3A_205 = vector.load %arg2[%get3A_202, %get3A_203, %get3A_204] : memref<8x256x32xbf16, #tpu.memory_space<vmem>>, vector<1x256x32xbf16>
    %get3A_206 = vector.shape_cast %get3A_205 : vector<1x256x32xbf16> to vector<256x32xbf16>
    %dot_general3A_207 = arith.constant dense<0.000000e+00> : vector<256x4096xf32>
    %dot_general3A_208 = tpu.matmul %get3A_206, %slice3A_196, %dot_general3A_207 {dimension_numbers = #tpu.dot_dimension_numbers<[1], [1], [0], [0], [0, 0, 1, 0], [], []>, transpose_lhs_hint = false} : vector<256x32xbf16>, vector<4096x32xbf16>, vector<256x4096xf32> -> vector<256x4096xf32>
    %convert_element_type3A_209 = arith.truncf %dot_general3A_208 : vector<256x4096xf32> to vector<256x4096xbf16>
    %add3A_210 = vector.broadcast %broadcast_in_dim3A_201 : vector<256x1xbf16> to vector<256x4096xbf16>
    %add3A_211 = arith.addf %add3A_210, %convert_element_type3A_209 : vector<256x4096xbf16>
    %reduce_min3A_212 = arith.constant dense<0x7F80> : vector<4096xbf16>
    %reduce_min3A_213 = vector.multi_reduction <minimumf>, %add3A_211, %reduce_min3A_212 [0] : vector<256x4096xbf16> to vector<4096xbf16>
    %broadcast_in_dim3A_214 = vector.shape_cast %reduce_min3A_213 : vector<4096xbf16> to vector<1x4096xbf16>
    %eq3A_215 = vector.broadcast %broadcast_in_dim3A_214 : vector<1x4096xbf16> to vector<256x4096xbf16>
    %eq3A_216 = arith.cmpf oeq, %add3A_211, %eq3A_215 : vector<256x4096xbf16>
    %jit3A_217 = arith.constant 2.560000e+02 : bf16
    %broadcast_in_dim3A_218 = vector.shape_cast %convert_element_type3A_4 : vector<256x1xbf16> to vector<256x1xbf16>
    %broadcast_in_dim3A_219 = vector.broadcast %broadcast_in_dim3A_218 : vector<256x1xbf16> to vector<256x4096xbf16>
    %broadcast_in_dim3A_220 = vector.broadcast %jit3A_217 : bf16 to vector<256x4096xbf16>
    %select_n3A_221 = arith.select %eq3A_216, %broadcast_in_dim3A_219, %broadcast_in_dim3A_220 : vector<256x4096xi1>, vector<256x4096xbf16>
    %reduce_min3A_222 = arith.constant dense<0x7F80> : vector<4096xbf16>
    %reduce_min3A_223 = vector.multi_reduction <minimumf>, %select_n3A_221, %reduce_min3A_222 [0] : vector<256x4096xbf16> to vector<4096xbf16>
    %convert_element_type3A_224 = arith.fptosi %reduce_min3A_223 : vector<4096xbf16> to vector<4096xi32>
    %add3A_225 = arith.constant 1280 : i32
    %add3A_226 = vector.broadcast %add3A_225 : i32 to vector<4096xi32>
    %add3A_227 = arith.addi %convert_element_type3A_224, %add3A_226 : vector<4096xi32>
    %swap3A_228 = arith.constant 5 : index
    %swap3A_229 = arith.constant 0 : index
    %swap3A_230 = vector.load %arg5[%swap3A_228, %swap3A_229] : memref<8x4096xi32, #tpu.memory_space<vmem>>, vector<1x4096xi32>
    %swap3A_231 = vector.shape_cast %swap3A_230 : vector<1x4096xi32> to vector<4096xi32>
    %swap3A_232 = vector.shape_cast %add3A_227 : vector<4096xi32> to vector<1x4096xi32>
    tpu.vector_store %arg5[%swap3A_228, %swap3A_229], %swap3A_232 {strides = array<i32>} : memref<8x4096xi32, #tpu.memory_space<vmem>>, vector<1x4096xi32>,
    %convert_element_type3A_233 = arith.extf %reduce_min3A_213 : vector<4096xbf16> to vector<4096xf32>
    %add3A_234 = arith.addf %add3A_195, %convert_element_type3A_233 : vector<4096xf32>
    %slice3A_235 = vector.extract_strided_slice %convert_element_type3A {offsets = [0, 192], sizes = [4096, 32], strides = [1, 1]} : vector<4096x256xbf16> to vector<4096x32xbf16>
    %get3A_236 = arith.constant 6 : index
    %get3A_237 = arith.constant 0 : index
    %get3A_238 = vector.load %arg3[%get3A_236, %get3A_237] : memref<8x256xbf16, #tpu.memory_space<vmem>>, vector<1x256xbf16>
    %get3A_239 = vector.shape_cast %get3A_238 : vector<1x256xbf16> to vector<256xbf16>
    %broadcast_in_dim3A_240 = vector.shape_cast %get3A_239 : vector<256xbf16> to vector<256x1xbf16>
    %get3A_241 = arith.constant 6 : index
    %get3A_242 = arith.constant 0 : index
    %get3A_243 = arith.constant 0 : index
    %get3A_244 = vector.load %arg2[%get3A_241, %get3A_242, %get3A_243] : memref<8x256x32xbf16, #tpu.memory_space<vmem>>, vector<1x256x32xbf16>
    %get3A_245 = vector.shape_cast %get3A_244 : vector<1x256x32xbf16> to vector<256x32xbf16>
    %dot_general3A_246 = arith.constant dense<0.000000e+00> : vector<256x4096xf32>
    %dot_general3A_247 = tpu.matmul %get3A_245, %slice3A_235, %dot_general3A_246 {dimension_numbers = #tpu.dot_dimension_numbers<[1], [1], [0], [0], [0, 0, 1, 0], [], []>, transpose_lhs_hint = false} : vector<256x32xbf16>, vector<4096x32xbf16>, vector<256x4096xf32> -> vector<256x4096xf32>
    %convert_element_type3A_248 = arith.truncf %dot_general3A_247 : vector<256x4096xf32> to vector<256x4096xbf16>
    %add3A_249 = vector.broadcast %broadcast_in_dim3A_240 : vector<256x1xbf16> to vector<256x4096xbf16>
    %add3A_250 = arith.addf %add3A_249, %convert_element_type3A_248 : vector<256x4096xbf16>
    %reduce_min3A_251 = arith.constant dense<0x7F80> : vector<4096xbf16>
    %reduce_min3A_252 = vector.multi_reduction <minimumf>, %add3A_250, %reduce_min3A_251 [0] : vector<256x4096xbf16> to vector<4096xbf16>
    %broadcast_in_dim3A_253 = vector.shape_cast %reduce_min3A_252 : vector<4096xbf16> to vector<1x4096xbf16>
    %eq3A_254 = vector.broadcast %broadcast_in_dim3A_253 : vector<1x4096xbf16> to vector<256x4096xbf16>
    %eq3A_255 = arith.cmpf oeq, %add3A_250, %eq3A_254 : vector<256x4096xbf16>
    %jit3A_256 = arith.constant 2.560000e+02 : bf16
    %broadcast_in_dim3A_257 = vector.shape_cast %convert_element_type3A_4 : vector<256x1xbf16> to vector<256x1xbf16>
    %broadcast_in_dim3A_258 = vector.broadcast %broadcast_in_dim3A_257 : vector<256x1xbf16> to vector<256x4096xbf16>
    %broadcast_in_dim3A_259 = vector.broadcast %jit3A_256 : bf16 to vector<256x4096xbf16>
    %select_n3A_260 = arith.select %eq3A_255, %broadcast_in_dim3A_258, %broadcast_in_dim3A_259 : vector<256x4096xi1>, vector<256x4096xbf16>
    %reduce_min3A_261 = arith.constant dense<0x7F80> : vector<4096xbf16>
    %reduce_min3A_262 = vector.multi_reduction <minimumf>, %select_n3A_260, %reduce_min3A_261 [0] : vector<256x4096xbf16> to vector<4096xbf16>
    %convert_element_type3A_263 = arith.fptosi %reduce_min3A_262 : vector<4096xbf16> to vector<4096xi32>
    %add3A_264 = arith.constant 1536 : i32
    %add3A_265 = vector.broadcast %add3A_264 : i32 to vector<4096xi32>
    %add3A_266 = arith.addi %convert_element_type3A_263, %add3A_265 : vector<4096xi32>
    %swap3A_267 = arith.constant 6 : index
    %swap3A_268 = arith.constant 0 : index
    %swap3A_269 = vector.load %arg5[%swap3A_267, %swap3A_268] : memref<8x4096xi32, #tpu.memory_space<vmem>>, vector<1x4096xi32>
    %swap3A_270 = vector.shape_cast %swap3A_269 : vector<1x4096xi32> to vector<4096xi32>
    %swap3A_271 = vector.shape_cast %add3A_266 : vector<4096xi32> to vector<1x4096xi32>
    tpu.vector_store %arg5[%swap3A_267, %swap3A_268], %swap3A_271 {strides = array<i32>} : memref<8x4096xi32, #tpu.memory_space<vmem>>, vector<1x4096xi32>,
    %convert_element_type3A_272 = arith.extf %reduce_min3A_252 : vector<4096xbf16> to vector<4096xf32>
    %add3A_273 = arith.addf %add3A_234, %convert_element_type3A_272 : vector<4096xf32>
    %slice3A_274 = vector.extract_strided_slice %convert_element_type3A {offsets = [0, 224], sizes = [4096, 32], strides = [1, 1]} : vector<4096x256xbf16> to vector<4096x32xbf16>
    %get3A_275 = arith.constant 7 : index
    %get3A_276 = arith.constant 0 : index
    %get3A_277 = vector.load %arg3[%get3A_275, %get3A_276] : memref<8x256xbf16, #tpu.memory_space<vmem>>, vector<1x256xbf16>
    %get3A_278 = vector.shape_cast %get3A_277 : vector<1x256xbf16> to vector<256xbf16>
    %broadcast_in_dim3A_279 = vector.shape_cast %get3A_278 : vector<256xbf16> to vector<256x1xbf16>
    %get3A_280 = arith.constant 7 : index
    %get3A_281 = arith.constant 0 : index
    %get3A_282 = arith.constant 0 : index
    %get3A_283 = vector.load %arg2[%get3A_280, %get3A_281, %get3A_282] : memref<8x256x32xbf16, #tpu.memory_space<vmem>>, vector<1x256x32xbf16>
    %get3A_284 = vector.shape_cast %get3A_283 : vector<1x256x32xbf16> to vector<256x32xbf16>
    %dot_general3A_285 = arith.constant dense<0.000000e+00> : vector<256x4096xf32>
    %dot_general3A_286 = tpu.matmul %get3A_284, %slice3A_274, %dot_general3A_285 {dimension_numbers = #tpu.dot_dimension_numbers<[1], [1], [0], [0], [0, 0, 1, 0], [], []>, transpose_lhs_hint = false} : vector<256x32xbf16>, vector<4096x32xbf16>, vector<256x4096xf32> -> vector<256x4096xf32>
    %convert_element_type3A_287 = arith.truncf %dot_general3A_286 : vector<256x4096xf32> to vector<256x4096xbf16>
    %add3A_288 = vector.broadcast %broadcast_in_dim3A_279 : vector<256x1xbf16> to vector<256x4096xbf16>
    %add3A_289 = arith.addf %add3A_288, %convert_element_type3A_287 : vector<256x4096xbf16>
    %reduce_min3A_290 = arith.constant dense<0x7F80> : vector<4096xbf16>
    %reduce_min3A_291 = vector.multi_reduction <minimumf>, %add3A_289, %reduce_min3A_290 [0] : vector<256x4096xbf16> to vector<4096xbf16>
    %broadcast_in_dim3A_292 = vector.shape_cast %reduce_min3A_291 : vector<4096xbf16> to vector<1x4096xbf16>
    %eq3A_293 = vector.broadcast %broadcast_in_dim3A_292 : vector<1x4096xbf16> to vector<256x4096xbf16>
    %eq3A_294 = arith.cmpf oeq, %add3A_289, %eq3A_293 : vector<256x4096xbf16>
    %jit3A_295 = arith.constant 2.560000e+02 : bf16
    %broadcast_in_dim3A_296 = vector.shape_cast %convert_element_type3A_4 : vector<256x1xbf16> to vector<256x1xbf16>
    %broadcast_in_dim3A_297 = vector.broadcast %broadcast_in_dim3A_296 : vector<256x1xbf16> to vector<256x4096xbf16>
    %broadcast_in_dim3A_298 = vector.broadcast %jit3A_295 : bf16 to vector<256x4096xbf16>
    %select_n3A_299 = arith.select %eq3A_294, %broadcast_in_dim3A_297, %broadcast_in_dim3A_298 : vector<256x4096xi1>, vector<256x4096xbf16>
    %reduce_min3A_300 = arith.constant dense<0x7F80> : vector<4096xbf16>
    %reduce_min3A_301 = vector.multi_reduction <minimumf>, %select_n3A_299, %reduce_min3A_300 [0] : vector<256x4096xbf16> to vector<4096xbf16>
    %convert_element_type3A_302 = arith.fptosi %reduce_min3A_301 : vector<4096xbf16> to vector<4096xi32>
    %add3A_303 = arith.constant 1792 : i32
    %add3A_304 = vector.broadcast %add3A_303 : i32 to vector<4096xi32>
    %add3A_305 = arith.addi %convert_element_type3A_302, %add3A_304 : vector<4096xi32>
    %swap3A_306 = arith.constant 7 : index
    %swap3A_307 = arith.constant 0 : index
    %swap3A_308 = vector.load %arg5[%swap3A_306, %swap3A_307] : memref<8x4096xi32, #tpu.memory_space<vmem>>, vector<1x4096xi32>
    %swap3A_309 = vector.shape_cast %swap3A_308 : vector<1x4096xi32> to vector<4096xi32>
    %swap3A_310 = vector.shape_cast %add3A_305 : vector<4096xi32> to vector<1x4096xi32>
    tpu.vector_store %arg5[%swap3A_306, %swap3A_307], %swap3A_310 {strides = array<i32>} : memref<8x4096xi32, #tpu.memory_space<vmem>>, vector<1x4096xi32>,
    %convert_element_type3A_311 = arith.extf %reduce_min3A_291 : vector<4096xbf16> to vector<4096xf32>
    %add3A_312 = arith.addf %add3A_273, %convert_element_type3A_311 : vector<4096xf32>
    %add3A_313 = arith.addf %squeeze3A, %add3A_312 : vector<4096xf32>
    %max3A = arith.constant 0.000000e+00 : f32
    %max3A_314 = vector.broadcast %max3A : f32 to vector<4096xf32>
    %max3A_315 = arith.maximumf %add3A_313, %max3A_314 : vector<4096xf32>
    %swap3A_316 = arith.constant 0 : index
    %swap3A_317 = arith.constant 0 : index
    %swap3A_318 = vector.load %arg4[%swap3A_316, %swap3A_317] : memref<2x4096xf32, #tpu.memory_space<vmem>>, vector<1x4096xf32>
    %swap3A_319 = vector.shape_cast %swap3A_318 : vector<1x4096xf32> to vector<4096xf32>
    %swap3A_320 = vector.shape_cast %max3A_315 : vector<4096xf32> to vector<1x4096xf32>
    tpu.vector_store %arg4[%swap3A_316, %swap3A_317], %swap3A_320 {strides = array<i32>} : memref<2x4096xf32, #tpu.memory_space<vmem>>, vector<1x4096xf32>,
    %mul3A_321 = arith.constant 5.000000e-01 : f32
    %mul3A_322 = vector.broadcast %mul3A_321 : f32 to vector<4096xf32>
    %mul3A_323 = arith.mulf %mul3A_322, %add3A_312 : vector<4096xf32>
    %add3A_324 = arith.addf %mul3A_323, %squeeze3A : vector<4096xf32>
    %swap3A_325 = arith.constant 1 : index
    %swap3A_326 = arith.constant 0 : index
    %swap3A_327 = vector.load %arg4[%swap3A_325, %swap3A_326] : memref<2x4096xf32, #tpu.memory_space<vmem>>, vector<1x4096xf32>
    %swap3A_328 = vector.shape_cast %swap3A_327 : vector<1x4096xf32> to vector<4096xf32>
    %swap3A_329 = vector.shape_cast %add3A_324 : vector<4096xf32> to vector<1x4096xf32>
    tpu.vector_store %arg4[%swap3A_325, %swap3A_326], %swap3A_329 {strides = array<i32>} : memref<2x4096xf32, #tpu.memory_space<vmem>>, vector<1x4096xf32>,
    return
  }
  func.func @transform_0(%arg0: i32) -> (i32, i32) {
    %c0_i32 = arith.constant 0 : i32
    %c0_i32_0 = arith.constant 0 : i32
    return %arg0, %c0_i32 : i32, i32
  }
  func.func @transform_1(%arg0: i32) -> (i32, i32, i32) {
    %c0_i32 = arith.constant 0 : i32
    %c0_i32_0 = arith.constant 0 : i32
    %c0_i32_1 = arith.constant 0 : i32
    %c0_i32_2 = arith.constant 0 : i32
    return %c0_i32, %c0_i32_0, %c0_i32_1 : i32, i32, i32
  }
  func.func @transform_2(%arg0: i32) -> (i32, i32) {
    %c0_i32 = arith.constant 0 : i32
    %c0_i32_0 = arith.constant 0 : i32
    %c0_i32_1 = arith.constant 0 : i32
    return %c0_i32, %c0_i32_0 : i32, i32
  }
  func.func @transform_3(%arg0: i32) -> (i32, i32) {
    %c0_i32 = arith.constant 0 : i32
    %c0_i32_0 = arith.constant 0 : i32
    return %c0_i32, %arg0 : i32, i32
  }
  func.func @transform_4(%arg0: i32) -> (i32, i32) {
    %c0_i32 = arith.constant 0 : i32
    %c0_i32_0 = arith.constant 0 : i32
    return %c0_i32, %arg0 : i32, i32
  }
}

</mosaic_0001>

<sc_bundles>
// kernel: kernel.4.cloned.1.call-start
scs
__scs_entry_jumppad:
0x0: {  	(pc) =	sbr.rel $0x88, $3  }
0x1: {  	(tag) =	ssettag $0x0;
	lr =	simm.s32 $0x1  }
0x2: {  	[smem:$0x3F9F] =	sst lr;
	_ =	strace $0xD0000000  }
0x3: {  	_ = 	snop  }
0x4: {  	_ = 	snop  }
0x5: {  	_ = 	snop  }
0x6: {  	_ = 	snop  }
0x7: {  	_ = 	snop  }
__scs_overlays_trampoline_lowered:
0x8: {  	[smem:$0x3FAE] =	sst s0  }
0x9: {  	[smem:$0x3FAF] =	sst s1  }
0xa: {  	[smem:$0x3FB0] =	sst s2  }
0xb: {  	[smem:$0x3FB1] =	sst s3  }
0xc: {  	[smem:$0x3FB2] =	sst s4  }
0xd: {  	[smem:$0x3FB3] =	sst s5  }
0xe: {  	[smem:$0x3FB4] =	sst s6  }
0xf: {  	[smem:$0x3FB5] =	sst s7  }
0x10: {  	[smem:$0x3FB6] =	sst s8  }
0x11: {  	[smem:$0x3FB7] =	sst s9;
	s0 =	simm.s32 @!p0 $0x0  }
0x12: {  	s1 =	sld [smem:$0x3F9D];
	s0 =	simm.s32 @p0 $0x1  }
0x13: {  	[smem:$0x3FB8] =	sst s0;
	s0 =	simm.s32 @!p1 $0x0  }
0x14: {  	s2 =	sld [smem:$0x3F9C];
	s0 =	simm.s32 @p1 $0x1  }
0x15: {  	[smem:$0x3FB9] =	sst s0;
	s0 =	simm.s32 @!p2 $0x0  }
0x16: {  	s3 =	sld [smem:$0x3FDB];
	s0 =	simm.s32 @p2 $0x1  }
0x17: {  	s4 =	simm.s32 $0x1BF5;
	[smem:$0x3FBB] =	sst s0  }
0x18: {  	s0 =	sld [smem:$0x3F9E];
	_ =	swait.ge [sflag:s4], $0x0  }
0x19: {  	s7 =	sld [smem:$0x3F9F]  }
0x1a: {  	s8 =	sadd.s32 $0xFFFFE003, lr  }
0x1b: {  	s9 =	sadd.s32 $0xFFFFFEF7, lr;
	s5 =	simm.s32 $0xFFFFFFFF;
	p2 =	slt.u32 s8, $0xFFFFF086  }
0x1c: {  	p1 =	slt.u32 s9, $0xF7A;
	s5 =	simm.s32 @!p2 $0x0  }
0x1d: {  	s5 =	simm.s32 @p1 $0x1;
	p0 =	seq.s32 s7, s2  }
0x1e: {  	s7 =	smul.u32 @!p0 $0xF7A, s2;
	p2 =	seq.s32 @!p0 s5, $0x0  }
0x1f: {  	s9 =	smul.u32 $0xF7A, s1;
	s8 =	simm.s32 @!p0 $0x1BF5;
	p2 =	por !p2, p0  }
0x20: {  	[sflag:s8] =	ssyncset.s32 @!p0 $0xFFFFF086;
	s6 =	sadd.s32 @!p0 s3, s7;
	s7 =	simm.s32 @!p0 $0x108  }
0x21: {  	s3 =	sadd.s32 s3, s9;
	s6 =	sadd.s32 @!p0 $0x88, s6;
	s7 =	simm.s32 @p2 $0x1082  }
0x22: {  	[simem:s7], [sflag:s8] =	dma.local @!p0 [hbm:s6], $0xF7A  }
0x23: {  	s9 =	sor.u32 $0xD0000000, s2;
	s6 =	simm.s32 $0x108;
	_ =	swait.ge @!p0 [sflag:s8], $0x0  }
0x24: {  	s3 =	sadd.s32 $0x88, s3;
	s6 =	simm.s32 @!p1 $0x1082;
	[sflag:s4] =	ssyncset.s32 $0xFFFFF086  }
0x25: {  	[simem:s6], [sflag:s4] =	dma.local [hbm:s3], $0xF7A  }
0x26: {  	[smem:$0x3F9F] =	sst s1;
	(tag) =	ssettag s2;
	_ =	strace s9  }
0x27: {  	s1 =	sld [smem:$0x3FAF]  }
0x28: {  	s2 =	sld [smem:$0x3FB0]  }
0x29: {  	s4 =	sld [smem:$0x3FB2]  }
0x2a: {  	p0 =	seq.s32 s5, $0x0;
	s5 =	sld [smem:$0x3FB3]  }
0x2b: {  	s6 =	sld [smem:$0x3FB4]  }
0x2c: {  	s7 =	sld [smem:$0x3FB5]  }
0x2d: {  	s3 =	simm.s32 $0x108;
	s8 =	sld [smem:$0x3FB6]  }
0x2e: {  	s3 =	simm.s32 @!p0 $0x1082;
	s9 =	sld [smem:$0x3FB7]  }
0x2f: {  	lr =	sadd.s32 s0, s3;
	s0 =	sld [smem:$0x3FAE]  }
0x30: {  	s3 =	sld [smem:$0x3FB1]  }
0x31: {  	[smem:$0x3FBA] =	sst s10  }
0x32: {  	s10 =	sld [smem:$0x3FB8];
	_ =	sdelay $0x3  }
0x33: {  	p0 =	seq.s32 s10, $0x1;
	s10 =	sld [smem:$0x3FBA];
	_ =	sdelay $0x3  }
0x34: {  	[smem:$0x3FBA] =	sst s10  }
0x35: {  	s10 =	sld [smem:$0x3FB9];
	_ =	sdelay $0x3  }
0x36: {  	p1 =	seq.s32 s10, $0x1;
	s10 =	sld [smem:$0x3FBA];
	_ =	sdelay $0x3  }
0x37: {  	[smem:$0x3FBA] =	sst s10  }
0x38: {  	s10 =	sld [smem:$0x3FBB]  }
0x39: {  	_ = 	snop;
	(pc) =	sbr.ind lr, $3  }
0x3a: {  	_ = 	snop  }
0x3b: {  	_ = 	snop  }
0x3c: {  	p2 =	seq.s32 s10, $0x1;
	s10 =	sld [smem:$0x3FBA]  }
0x3d: {  	_ =	shalt  }
0x3e: {  	_ =	shalt  }
0x3f: {  	_ =	shalt  }
0x40: {  	_ =	shalt  }
0x41: {  	_ =	shalt  }
0x42: {  	_ =	shalt  }
0x43: {  	_ =	shalt  }
0x44: {  	_ =	shalt  }
0x45: {  	_ =	shalt  }
0x46: {  	_ =	shalt  }
0x47: {  	_ =	shalt  }
0x48: {  	_ =	shalt  }
0x49: {  	_ =	shalt  }
0x4a: {  	_ =	shalt  }
0x4b: {  	_ =	shalt  }
0x4c: {  	_ =	shalt  }
0x4d: {  	_ =	shalt  }
0x4e: {  	_ =	shalt  }
0x4f: {  	_ =	shalt  }
0x50: {  	_ =	shalt  }
0x51: {  	_ =	shalt  }
0x52: {  	_ =	shalt  }
0x53: {  	_ =	shalt  }
0x54: {  	_ =	shalt  }
0x55: {  	_ =	shalt  }
0x56: {  	_ =	shalt  }
0x57: {  	_ =	shalt  }
0x58: {  	_ =	shalt  }
0x59: {  	_ =	shalt  }
0x5a: {  	_ =	shalt  }
0x5b: {  	_ =	shalt  }
0x5c: {  	_ =	shalt  }
0x5d: {  	_ =	shalt  }
0x5e: {  	_ =	shalt  }
0x5f: {  	_ =	shalt  }
0x60: {  	_ =	shalt  }
0x61: {  	_ =	shalt  }
0x62: {  	_ =	shalt  }
0x63: {  	_ =	shalt  }
0x64: {  	_ =	shalt  }
0x65: {  	_ =	shalt  }
0x66: {  	_ =	shalt  }
0x67: {  	_ =	shalt  }
0x68: {  	_ =	shalt  }
0x69: {  	_ =	shalt  }
0x6a: {  	_ =	shalt  }
0x6b: {  	_ =	shalt  }
0x6c: {  	_ =	shalt  }
0x6d: {  	_ =	shalt  }
0x6e: {  	_ =	shalt  }
0x6f: {  	_ =	shalt  }
0x70: {  	_ =	shalt  }
0x71: {  	_ =	shalt  }
0x72: {  	_ =	shalt  }
0x73: {  	_ =	shalt  }
0x74: {  	_ =	shalt  }
0x75: {  	_ =	shalt  }
0x76: {  	_ =	shalt  }
0x77: {  	_ =	shalt  }
0x78: {  	_ =	shalt  }
0x79: {  	_ =	shalt  }
0x7a: {  	_ =	shalt  }
0x7b: {  	_ =	shalt  }
0x7c: {  	_ =	shalt  }
0x7d: {  	_ =	shalt  }
0x7e: {  	_ =	shalt  }
0x7f: {  	_ =	shalt  }
0x80: {  	_ =	shalt  }
0x81: {  	_ =	shalt  }
0x82: {  	_ =	shalt  }
0x83: {  	_ =	shalt  }
0x84: {  	_ =	shalt  }
0x85: {  	_ =	shalt  }
0x86: {  	_ =	shalt  }
0x87: {  	_ =	shalt  }
.Lfunc_end0:
.L_simem_size_0:
called_computation_lowered:
.L_overlay_start_0:
0x88: {  	s2 =	sld [smem:$0x3FD9]  }
0x89: {  	s3 =	sld [smem:$0x3FFE];
	_ =	sdelay $0x1  }
0x8a: {  	s1 =	srdreg.scid  }
0x8b: {  	s0 =	sand.u32 $0x1, s1  }
0x8c: {  	s17 =	sshll.u32 s0, $0xA;
	s2 =	sadd.s32 s3, s2  }
0x8d: {  	s2 =	sadd.s32 s2, s17  }
0x8e: {  	[smem:$0x3FC6] =	sst s2  }
0x8f: {  	_ = 	snop  }
0x90: {  	s2 =	sld [smem:$0x3FD0];
	(tm) =	ssettm $0x1  }
0x91: {  	s18 =	sld [smem:$0x3FFB];
	_ =	sdelay $0x3  }
0x92: {  	_ =	strace s18  }
0x93: {  	s3 =	sld [smem:$0x3FFC];
	_ =	sdelay $0x3  }
0x94: {  	_ =	strace s3  }
0x95: {  	s3 =	sld [smem:$0x3FFD];
	_ =	sdelay $0x3  }
0x96: {  	_ =	strace s3  }
0x97: {  	_ =	strace $0x8FFFFFFF  }
0x98: {  	s19 =	sld [smem:$0x3FDB];
	_ =	sdelay $0x1  }
0x99: {  	s4 =	simm.s32 $_scs_section_size  }
0x9a: {  	s5 =	simm.s32 $_size__tile_overlayer_lowered;
	s6 =	simm.s32 $_tile_overlayer_lowered  }
0x9b: {  	s22 =	simm.s32 $0x1BFF;
	s21 =	sshll.u32 s6, $0x1;
	s3 =	sadd.s32 s4, s19  }
0x9c: {  	s7 =	simm.s32 $0x0;
	s20 =	sshll.u32 s5, $0x1;
	s5 =	sadd.s32 s21, s3  }
0x9d: {  	[timem:s7], [sflag:s22] =	dma.local [hbm:s5], s20  }
0x9e: {  	_ =	swait.ge [sflag:s22], s20  }
0x9f: {  	s4 =	ssub.s32 $0x0, s20;
	[sflag:s22] =	ssyncset.done $0x0  }
0xa0: {  	[sflag:s22] =	ssyncadd.s32 s4;
	_ =	sdelay $0x1  }
0xa1: {  	s23 =	simm.s32 $0x1B8B  }
0xa2: {  	_ =	swait.ge [sflag:s23], $0x1  }
0xa3: {  	[sflag:s23] =	ssyncset.done $0x0  }
0xa4: {  	s25 =	simm.s32 $0x1B8E;
	s24 =	sld [smem:$0x3FFE];
	[sflag:s23] =	ssyncadd.s32 $0xFFFFFFFF  }
0xa5: {  	s26 =	simm.s32 $execute0_lowered;
	[smem:$0x3FD2] =	sst s25  }
0xa6: {  	s5 =	sshll.u32 s26, $0x1;
	_ =	strace $0x80000046;
	[dreg:$0x1] =	wrdreg $0xFFFFFFFF  }
0xa7: {  	s28 =	simm.s32 $_size_execute0_lowered;
	s3 =	sadd.s32 s3, s5;
	[dreg:$0x0] =	wrdreg $0x0  }
0xa8: {  	s5 =	sshll.u32 s28, $0x1;
	[dreg:$0x2] =	wrdreg s3  }
0xa9: {  	[dreg:$0x3] =	wrdreg s5  }
0xaa: {  	[dreg:$0x4] =	wrdreg $0xC0  }
0xab: {  	_ =	task [dreg:s7], $0x5FFFF  }
0xac: {  	[dreg:$0x1] =	wrdreg $0xFFFFFFFF  }
0xad: {  	[dreg:$0x0] =	wrdreg $0x60  }
0xae: {  	[dreg:$0x2] =	wrdreg s24  }
0xaf: {  	[dreg:$0x3] =	wrdreg s2  }
0xb0: {  	[dreg:$0x4] =	wrdreg $0x9  }
0xb1: {  	_ =	task.clear_ibuf [dreg:s7], $0x5FFFF;
	_ =	strace $0x90000046  }
0xb2: {  	s29 =	simm.s32 $0x9;
	_ =	strace $0x80000048  }
0xb3: {  	_ =	swait.ge [sflag:s29], $0x1  }
0xb4: {  	[sflag:s29] =	ssyncadd.s32 $0xFFFFFFFF  }
0xb5: {  	_ =	strace $0x90000048  }
0xb6: {  	_ =	sfence  }
0xb7: {  	s30 =	sld [smem:$0x0];
	_ =	sdelay $0x2  }
0xb8: {  	s31 =	sshll.u32 s1, $0xD;
	s1 =	sshrl.u32 s1, $0x2  }
0xb9: {  	s3 =	sand.u32 $0x4000, s31;
	s1 =	sadd.s32 s1, s30  }
0xba: {  	s0 =	sor.u32 s3, s0;
	s1 =	sshll.u32 s1, $0x11  }
0xbb: {  	s0 =	sor.u32 s1, s0  }
0xbc: {  	s0 =	sadd.s32 $0x8F2B, s0  }
0xbd: {  	[sflag:s0] =	ssyncadd.remote.s32 $0x1  }
0xbe: {  	_ =	sfence.sel $0xFFFF  }
0xbf: {  	[dreg:$0x0] =	wrdreg $0xFFFFFFFF;
	(pc) =	sbr.abs _section_cstart, $3  }
0xc0: {  	[dreg:$0x1] =	wrdreg $0xFFFFFFFF  }
0xc1: {  	_ =	task.clear_ibuf [dreg:s7], $0x2FFFF;
	_ =	strace $0x9FFFFFFF  }
0xc2: {  	(tm) =	ssettm $0x7FFFFFFF  }
0xc3: {  	_ =	shalt  }
tec
execute0_lowered:
.L_overlay_start_1:
0x0: {  	(tag) =	ssettag $0x1  }
0x1: {  	s3 =	rddreg [dreg:$0x0]  }
0x2: {  	s6 =	rddreg [dreg:$0x1]  }
0x3: {  	s0 =	rddreg [dreg:$0x2];
	s4 =	srdreg.scid  }
0x4: {  	s2 =	simm.s32 $0x0;
	s1 =	stileid.u32;
	s10 =	simm.s32 $0x1000  }
0x5: {  	s11 =	simm.s32 $0x1C00;
	s4 =	sand.u32 $0x1, s4;
	[smem:$0x7FF] =	sst s2  }
0x6: {  	s5 =	sshll.u32 s1, $0xA;
	s7 =	sshll.u32 s4, $0x9;
	s4 =	ssub.s32 $0x2, s4  }
0x7: {  	_ =	strace $0x80000047;
	s7 =	sor.u32 s7, s5;
	s9 =	sshrl.u32 s4, $0x1  }
0x8: {  	s5 =	sadd.s32 s7, s3;
	s8 =	sshrl.u32 s7, $0x2;
	s9 =	ssub.s32 s4, s9  }
0x9: {  	s7 =	sshrl.u32 s7, $0x3;
	s8 =	sadd.s32 s8, s3;
	s3 =	sadd.s32 $0x800, s3  }
0xa: {  	s4 =	sadd.s32 $0xA00, s5;
	s6 =	sadd.s32 s6, s7;
	s7 =	smax.u32 s9, $0x1  }
0xb: {  	s9 =	simm.s32 $0x1;
	s5 =	sadd.s32 $0x4A00, s8;
	s8 =	simm.s32 $0x1400  }
.LBB2_1:
0xc: {  	[tilespmem:s8], [sflag:$0x1] =	stream.linear.gather [hbm4b:s3+s2], $0x800, $0x38;
	[tilespmem:$0x1E00] =	vst v63  }
0xd: {  	_ =	swait.ge [sflag:s9], $0x800  }
0xe: {  	[sflag:s9] =	ssyncset.done $0x0  }
0xf: {  	[sflag:s9] =	ssyncadd.s32 $0xFFFFF800  }
0x10: {  	[tilespmem:s2], [sflag:$0x1] =	stream.linear.gather [hbm4b:s4+s2], $0x1000, $0x38;
	[tilespmem:$0x1E00] =	vst v63  }
0x11: {  	_ =	swait.ge [sflag:s9], $0x1000  }
0x12: {  	[sflag:s9] =	ssyncset.done $0x0  }
0x13: {  	[sflag:s9] =	ssyncadd.s32 $0xFFFFF000  }
0x14: {  	[tilespmem:s10], [sflag:$0x1] =	stream.linear.gather [hbm4b:s5+s2], $0x400, $0x38;
	[tilespmem:$0x1E00] =	vst v63  }
0x15: {  	_ =	swait.ge [sflag:s9], $0x400  }
0x16: {  	[sflag:s9] =	ssyncset.done $0x0  }
0x17: {  	[sflag:s9] =	ssyncadd.s32 $0xFFFFFC00  }
0x18: {  	v0 =	vld [tilespmem:$0x1000];
	_ =	sdelay $0x4  }
0x19: {  	v0 =	vmax.f32 v0, $1.000000000e-30  }
0x1a: {  	v1 =	vshra.s32 v0, $0x1  }
0x1b: {  	v1 =	vadd.s32 $0x1FBD1DF5, v1  }
0x1c: {  	(erf) = vrcp.f32 v1;
	_ =	sdelay $0x8  }
0x1d: {  	v2 =	vpop (erf)  }
0x1e: {  	v2 =	vmul.f32 v2, v0;
	_ =	sdelay $0x1  }
0x1f: {  	v1 =	vadd.f32 v1, v2;
	_ =	sdelay $0x1  }
0x20: {  	v1 =	vmul.f32 $5.000000000e-01, v1;
	_ =	sdelay $0x1  }
0x21: {  	(erf) = vrcp.f32 v1;
	_ =	sdelay $0x8  }
0x22: {  	v3 =	vld [tilespmem:$0x1010];
	v59 =	vpop (erf)  }
0x23: {  	v2 =	vmul.f32 v59, v0;
	_ =	sdelay $0x1  }
0x24: {  	v1 =	vadd.f32 v2, v1;
	_ =	sdelay $0x1  }
0x25: {  	v60 =	vmax.f32 v3, $1.000000000e-30;
	v1 =	vmul.f32 $5.000000000e-01, v1  }
0x26: {  	v3 =	vshra.s32 v60, $0x1  }
0x27: {  	v3 =	vadd.s32 $0x1FBD1DF5, v3;
	(erf) = vrcp.f32 v1  }
0x28: {  	(erf) = vrcp.f32 v3;
	_ =	sdelay $0x7  }
0x29: {  	v4 =	vpop (erf)  }
0x2a: {  	v5 =	vpop (erf)  }
0x2b: {  	v5 =	vmul.f32 v5, v60;
	_ =	sdelay $0x1  }
0x2c: {  	v3 =	vadd.f32 v3, v5;
	_ =	sdelay $0x1  }
0x2d: {  	v3 =	vmul.f32 $5.000000000e-01, v3  }
0x2e: {  	v6 =	vld [tilespmem:$0x0]  }
0x2f: {  	(erf) = vrcp.f32 v3  }
0x30: {  	v7 =	vld [tilespmem:$0x80];
	_ =	sdelay $0x1  }
0x31: {  	v61 =	vld [tilespmem:$0x100]  }
0x32: {  	v8 =	vld [tilespmem:$0x180]  }
0x33: {  	v9 =	vld [tilespmem:$0x200]  }
0x34: {  	v10 =	vld [tilespmem:$0x280]  }
0x35: {  	v6 =	vld.idx.msk [tilespmem:v6+s8+$0x0], $0xffff  }
0x36: {  	v13 =	vld [tilespmem:$0x1020]  }
0x37: {  	v7 =	vld.idx.msk [tilespmem:v7+s8+$0x0], $0xffff;
	v12 =	vpop (erf)  }
0x38: {  	v11 =	vld [tilespmem:$0x300];
	v12 =	vmul.f32 v12, v60  }
0x39: {  	v5 =	vld.idx.msk [tilespmem:v61+s8+$0x0], $0xffff  }
0x3a: {  	v14 =	vld [tilespmem:$0x380];
	v6 =	vadd.f32 $0.0e+00, v6;
	v3 =	vadd.f32 v12, v3  }
0x3b: {  	v8 =	vld.idx.msk [tilespmem:v8+s8+$0x0], $0xffff  }
0x3c: {  	v63 =	vmax.f32 v13, $1.000000000e-30;
	v6 =	vadd.f32 v7, v6;
	v3 =	vmul.f32 $5.000000000e-01, v3  }
0x3d: {  	v15 =	vshra.s32 v63, $0x1;
	v62 =	vld.idx.msk [tilespmem:v9+s8+$0x0], $0xffff  }
0x3e: {  	v16 =	vadd.s32 $0x1FBD1DF5, v15;
	v5 =	vadd.f32 v5, v6;
	(erf) = vrcp.f32 v3  }
0x3f: {  	v13 =	vld.idx.msk [tilespmem:v10+s8+$0x0], $0xffff;
	(erf) = vrcp.f32 v16  }
0x40: {  	v5 =	vadd.f32 v8, v5  }
0x41: {  	v17 =	vld.idx.msk [tilespmem:v11+s8+$0x0], $0xffff  }
0x42: {  	v5 =	vadd.f32 v62, v5  }
0x43: {  	v18 =	vld.idx.msk [tilespmem:v14+s8+$0x0], $0xffff  }
0x44: {  	v5 =	vadd.f32 v13, v5;
	_ =	sdelay $0x1  }
0x45: {  	v5 =	vadd.f32 v17, v5  }
0x46: {  	v19 =	vld [tilespmem:$0x1080];
	v20 =	vpop (erf)  }
0x47: {  	v5 =	vadd.f32 v18, v5;
	v22 =	vpop (erf)  }
0x48: {  	v0 =	vmul.f32 v4, v0;
	v23 =	vmul.f32 v22, v63  }
0x49: {  	v21 =	vld [tilespmem:$0x10];
	v5 =	vmul.f32 $5.000000000e-01, v5  }
0x4a: {  	v0 =	vadd.f32 v0, v1;
	v1 =	vadd.f32 v16, v23  }
0x4b: {  	v24 =	vld [tilespmem:$0x90];
	v5 =	vsub.f32 v5, v19  }
0x4c: {  	v0 =	vmul.f32 $5.000000000e-01, v0;
	v1 =	vmul.f32 $5.000000000e-01, v1  }
0x4d: {  	v25 =	vld [tilespmem:$0x110];
	v5 =	vand.u32 $0x7FFFFFFF, v5  }
0x4e: {  	v0 =	vadd.f32 v0, v5;
	(erf) = vrcp.f32 v1  }
0x4f: {  	v26 =	vld [tilespmem:$0x190]  }
0x50: {  	v27 =	vld [tilespmem:$0x210];
	[tilespmem:$0x1C00] =	vst v0  }
0x51: {  	v0 =	vld.idx.msk [tilespmem:v21+s8+$0x0], $0xffff  }
0x52: {  	v28 =	vld [tilespmem:$0x290]  }
0x53: {  	v9 =	vld.idx.msk [tilespmem:v24+s8+$0x0], $0xffff  }
0x54: {  	v29 =	vld [tilespmem:$0x310]  }
0x55: {  	v8 =	vld.idx.msk [tilespmem:v25+s8+$0x0], $0xffff  }
0x56: {  	v32 =	vld [tilespmem:$0x1030];
	v0 =	vadd.f32 $0.0e+00, v0  }
0x57: {  	v5 =	vld.idx.msk [tilespmem:v26+s8+$0x0], $0xffff;
	v31 =	vpop (erf)  }
0x58: {  	v30 =	vld [tilespmem:$0x390];
	v0 =	vadd.f32 v9, v0;
	v9 =	vmul.f32 v31, v63  }
0x59: {  	v7 =	vld.idx.msk [tilespmem:v27+s8+$0x0], $0xffff  }
0x5a: {  	v0 =	vadd.f32 v8, v0;
	v1 =	vadd.f32 v9, v1;
	_ =	sdelay $0x1  }
0x5b: {  	v35 =	vmax.f32 v32, $1.000000000e-30;
	v0 =	vadd.f32 v5, v0;
	v1 =	vmul.f32 $5.000000000e-01, v1  }
0x5c: {  	v36 =	vshra.s32 v35, $0x1;
	v33 =	vld.idx.msk [tilespmem:v28+s8+$0x0], $0xffff  }
0x5d: {  	v0 =	vadd.f32 v7, v0;
	v7 =	vadd.s32 $0x1FBD1DF5, v36;
	(erf) = vrcp.f32 v1  }
0x5e: {  	v34 =	vld.idx.msk [tilespmem:v29+s8+$0x0], $0xffff;
	(erf) = vrcp.f32 v7;
	_ =	sdelay $0x1  }
0x5f: {  	v37 =	vld.idx.msk [tilespmem:v30+s8+$0x0], $0xffff  }
0x60: {  	v0 =	vadd.f32 v33, v0;
	_ =	sdelay $0x1  }
0x61: {  	v0 =	vadd.f32 v34, v0  }
0x62: {  	v38 =	vld [tilespmem:$0x1090]  }
0x63: {  	v0 =	vadd.f32 v37, v0  }
0x64: {  	v2 =	vmul.f32 v20, v60;
	v40 =	vpop (erf)  }
0x65: {  	v39 =	vld [tilespmem:$0x20];
	v0 =	vmul.f32 $5.000000000e-01, v0;
	v42 =	vpop (erf)  }
0x66: {  	v2 =	vadd.f32 v2, v3;
	v8 =	vmul.f32 v42, v35  }
0x67: {  	v41 =	vld [tilespmem:$0xA0];
	v0 =	vsub.f32 v0, v38  }
0x68: {  	v2 =	vmul.f32 $5.000000000e-01, v2;
	v7 =	vadd.f32 v7, v8  }
0x69: {  	v43 =	vld [tilespmem:$0x120];
	v0 =	vand.u32 $0x7FFFFFFF, v0  }
0x6a: {  	v0 =	vadd.f32 v2, v0;
	v45 =	vmul.f32 $5.000000000e-01, v7  }
0x6b: {  	v44 =	vld [tilespmem:$0x1A0]  }
0x6c: {  	v46 =	vld [tilespmem:$0x220];
	[tilespmem:$0x1C10] =	vst v0;
	(erf) = vrcp.f32 v45  }
0x6d: {  	v0 =	vld.idx.msk [tilespmem:v39+s8+$0x0], $0xffff  }
0x6e: {  	v47 =	vld [tilespmem:$0x2A0]  }
0x6f: {  	v5 =	vld.idx.msk [tilespmem:v41+s8+$0x0], $0xffff  }
0x70: {  	v48 =	vld [tilespmem:$0x320]  }
0x71: {  	v10 =	vld.idx.msk [tilespmem:v43+s8+$0x0], $0xffff  }
0x72: {  	v49 =	vld [tilespmem:$0x3A0];
	v0 =	vadd.f32 $0.0e+00, v0  }
0x73: {  	v2 =	vld.idx.msk [tilespmem:v44+s8+$0x0], $0xffff  }
0x74: {  	v53 =	vld [tilespmem:$0x1040];
	v0 =	vadd.f32 v5, v0  }
0x75: {  	v50 =	vld.idx.msk [tilespmem:v46+s8+$0x0], $0xffff;
	v52 =	vpop (erf)  }
0x76: {  	v0 =	vadd.f32 v10, v0;
	v54 =	vmul.f32 v52, v35  }
0x77: {  	v51 =	vld.idx.msk [tilespmem:v47+s8+$0x0], $0xffff  }
0x78: {  	v0 =	vadd.f32 v2, v0;
	v2 =	vadd.f32 v54, v45  }
0x79: {  	v55 =	vld.idx.msk [tilespmem:v48+s8+$0x0], $0xffff  }
0x7a: {  	v57 =	vmax.f32 v53, $1.000000000e-30;
	v0 =	vadd.f32 v50, v0;
	v2 =	vmul.f32 $5.000000000e-01, v2  }
0x7b: {  	v58 =	vshra.s32 v57, $0x1;
	v56 =	vld.idx.msk [tilespmem:v49+s8+$0x0], $0xffff  }
0x7c: {  	v7 =	vadd.s32 $0x1FBD1DF5, v58;
	v0 =	vadd.f32 v51, v0;
	(erf) = vrcp.f32 v2  }
0x7d: {  	(erf) = vrcp.f32 v7  }
0x7e: {  	v0 =	vadd.f32 v55, v0  }
0x7f: {  	v59 =	vld [tilespmem:$0x10A0]  }
0x80: {  	v0 =	vadd.f32 v56, v0  }
0x81: {  	v3 =	vmul.f32 v40, v63  }
0x82: {  	v0 =	vmul.f32 $5.000000000e-01, v0  }
0x83: {  	v1 =	vadd.f32 v3, v1  }
0x84: {  	v0 =	vsub.f32 v0, v59  }
0x85: {  	v60 =	vld [tilespmem:$0x30];
	v1 =	vmul.f32 $5.000000000e-01, v1;
	v63 =	vpop (erf)  }
0x86: {  	v0 =	vand.u32 $0x7FFFFFFF, v0;
	v16 =	vpop (erf)  }
0x87: {  	v61 =	vld [tilespmem:$0xB0];
	v0 =	vadd.f32 v1, v0;
	v17 =	vmul.f32 v16, v57;
	_ =	sdelay $0x1  }
0x88: {  	v62 =	vld [tilespmem:$0x130];
	[tilespmem:$0x1C20] =	vst v0;
	v0 =	vadd.f32 v7, v17;
	_ =	sdelay $0x1  }
0x89: {  	v15 =	vld [tilespmem:$0x1B0];
	v0 =	vmul.f32 $5.000000000e-01, v0  }
0x8a: {  	v18 =	vld [tilespmem:$0x230]  }
0x8b: {  	v4 =	vld.idx.msk [tilespmem:v60+s8+$0x0], $0xffff;
	(erf) = vrcp.f32 v0  }
0x8c: {  	v19 =	vld [tilespmem:$0x2B0]  }
0x8d: {  	v3 =	vld.idx.msk [tilespmem:v61+s8+$0x0], $0xffff  }
0x8e: {  	v20 =	vld [tilespmem:$0x330]  }
0x8f: {  	v6 =	vld.idx.msk [tilespmem:v62+s8+$0x0], $0xffff  }
0x90: {  	v21 =	vld [tilespmem:$0x3B0];
	v4 =	vadd.f32 $0.0e+00, v4  }
0x91: {  	v8 =	vld.idx.msk [tilespmem:v15+s8+$0x0], $0xffff  }
0x92: {  	v3 =	vadd.f32 v3, v4  }
0x93: {  	v22 =	vld.idx.msk [tilespmem:v18+s8+$0x0], $0xffff  }
0x94: {  	v26 =	vld [tilespmem:$0x1050];
	v3 =	vadd.f32 v6, v3;
	v25 =	vpop (erf)  }
0x95: {  	v23 =	vld.idx.msk [tilespmem:v19+s8+$0x0], $0xffff;
	v4 =	vmul.f32 v25, v57  }
0x96: {  	v3 =	vadd.f32 v8, v3  }
0x97: {  	v24 =	vld.idx.msk [tilespmem:v20+s8+$0x0], $0xffff;
	v0 =	vadd.f32 v4, v0  }
0x98: {  	v3 =	vadd.f32 v22, v3  }
0x99: {  	v29 =	vmax.f32 v26, $1.000000000e-30;
	v27 =	vld.idx.msk [tilespmem:v21+s8+$0x0], $0xffff;
	v0 =	vmul.f32 $5.000000000e-01, v0  }
0x9a: {  	v30 =	vshra.s32 v29, $0x1;
	v3 =	vadd.f32 v23, v3  }
0x9b: {  	v7 =	vadd.s32 $0x1FBD1DF5, v30;
	(erf) = vrcp.f32 v0  }
0x9c: {  	v3 =	vadd.f32 v24, v3;
	(erf) = vrcp.f32 v7  }
0x9d: {  	v28 =	vld [tilespmem:$0x10B0]  }
0x9e: {  	v3 =	vadd.f32 v27, v3  }
0x9f: {  	v1 =	vmul.f32 v63, v35  }
0xa0: {  	v31 =	vld [tilespmem:$0x40];
	v3 =	vmul.f32 $5.000000000e-01, v3  }
0xa1: {  	v1 =	vadd.f32 v1, v2  }
0xa2: {  	v33 =	vld [tilespmem:$0xC0];
	v32 =	vsub.f32 v3, v28  }
0xa3: {  	v1 =	vmul.f32 $5.000000000e-01, v1  }
0xa4: {  	v34 =	vld [tilespmem:$0x140];
	v2 =	vand.u32 $0x7FFFFFFF, v32;
	v36 =	vpop (erf)  }
0xa5: {  	v1 =	vadd.f32 v1, v2;
	v38 =	vpop (erf)  }
0xa6: {  	v35 =	vld [tilespmem:$0x1C0];
	v10 =	vmul.f32 v38, v29  }
0xa7: {  	v37 =	vld [tilespmem:$0x240];
	[tilespmem:$0x1C30] =	vst v1  }
0xa8: {  	v1 =	vld.idx.msk [tilespmem:v31+s8+$0x0], $0xffff;
	v7 =	vadd.f32 v7, v10  }
0xa9: {  	v39 =	vld [tilespmem:$0x2C0]  }
0xaa: {  	v3 =	vld.idx.msk [tilespmem:v33+s8+$0x0], $0xffff;
	v7 =	vmul.f32 $5.000000000e-01, v7  }
0xab: {  	v40 =	vld [tilespmem:$0x340]  }
0xac: {  	v4 =	vld.idx.msk [tilespmem:v34+s8+$0x0], $0xffff;
	(erf) = vrcp.f32 v7  }
0xad: {  	v41 =	vld [tilespmem:$0x3C0];
	v1 =	vadd.f32 $0.0e+00, v1  }
0xae: {  	v2 =	vld.idx.msk [tilespmem:v35+s8+$0x0], $0xffff  }
0xaf: {  	v1 =	vadd.f32 v3, v1  }
0xb0: {  	v42 =	vld.idx.msk [tilespmem:v37+s8+$0x0], $0xffff  }
0xb1: {  	v1 =	vadd.f32 v4, v1  }
0xb2: {  	v43 =	vld.idx.msk [tilespmem:v39+s8+$0x0], $0xffff  }
0xb3: {  	v1 =	vadd.f32 v2, v1  }
0xb4: {  	v44 =	vld.idx.msk [tilespmem:v40+s8+$0x0], $0xffff  }
0xb5: {  	v47 =	vld [tilespmem:$0x1060];
	v1 =	vadd.f32 v42, v1;
	v46 =	vpop (erf)  }
0xb6: {  	v45 =	vld.idx.msk [tilespmem:v41+s8+$0x0], $0xffff;
	v48 =	vmul.f32 v46, v29  }
0xb7: {  	v1 =	vadd.f32 v43, v1  }
0xb8: {  	v2 =	vadd.f32 v48, v7  }
0xb9: {  	v1 =	vadd.f32 v44, v1  }
0xba: {  	v49 =	vld [tilespmem:$0x10C0];
	v52 =	vmax.f32 v47, $1.000000000e-30;
	v2 =	vmul.f32 $5.000000000e-01, v2  }
0xbb: {  	v53 =	vshra.s32 v52, $0x1;
	v1 =	vadd.f32 v45, v1  }
0xbc: {  	v3 =	vadd.s32 $0x1FBD1DF5, v53;
	v50 =	vmul.f32 v36, v57;
	(erf) = vrcp.f32 v2  }
0xbd: {  	v51 =	vld [tilespmem:$0x50];
	v1 =	vmul.f32 $5.000000000e-01, v1;
	(erf) = vrcp.f32 v3  }
0xbe: {  	v0 =	vadd.f32 v50, v0  }
0xbf: {  	v54 =	vld [tilespmem:$0xD0];
	v1 =	vsub.f32 v1, v49  }
0xc0: {  	v0 =	vmul.f32 $5.000000000e-01, v0  }
0xc1: {  	v55 =	vld [tilespmem:$0x150];
	v1 =	vand.u32 $0x7FFFFFFF, v1  }
0xc2: {  	v0 =	vadd.f32 v0, v1  }
0xc3: {  	v56 =	vld [tilespmem:$0x1D0]  }
0xc4: {  	v57 =	vld [tilespmem:$0x250];
	[tilespmem:$0x1C40] =	vst v0  }
0xc5: {  	v0 =	vld.idx.msk [tilespmem:v51+s8+$0x0], $0xffff;
	v59 =	vpop (erf)  }
0xc6: {  	v58 =	vld [tilespmem:$0x2D0];
	v60 =	vpop (erf)  }
0xc7: {  	v4 =	vld.idx.msk [tilespmem:v54+s8+$0x0], $0xffff;
	v11 =	vmul.f32 v60, v52  }
0xc8: {  	v61 =	vld [tilespmem:$0x350]  }
0xc9: {  	v8 =	vld.idx.msk [tilespmem:v55+s8+$0x0], $0xffff;
	v3 =	vadd.f32 v3, v11  }
0xca: {  	v62 =	vld [tilespmem:$0x3D0];
	v0 =	vadd.f32 $0.0e+00, v0  }
0xcb: {  	v1 =	vld.idx.msk [tilespmem:v56+s8+$0x0], $0xffff;
	v3 =	vmul.f32 $5.000000000e-01, v3  }
0xcc: {  	v0 =	vadd.f32 v4, v0  }
0xcd: {  	v63 =	vld.idx.msk [tilespmem:v57+s8+$0x0], $0xffff;
	(erf) = vrcp.f32 v3  }
0xce: {  	v0 =	vadd.f32 v8, v0  }
0xcf: {  	v11 =	vld.idx.msk [tilespmem:v58+s8+$0x0], $0xffff  }
0xd0: {  	v0 =	vadd.f32 v1, v0  }
0xd1: {  	v14 =	vld.idx.msk [tilespmem:v61+s8+$0x0], $0xffff  }
0xd2: {  	v0 =	vadd.f32 v63, v0  }
0xd3: {  	v15 =	vld.idx.msk [tilespmem:v62+s8+$0x0], $0xffff  }
0xd4: {  	v0 =	vadd.f32 v11, v0;
	_ =	sdelay $0x1  }
0xd5: {  	v18 =	vld [tilespmem:$0x1070];
	v0 =	vadd.f32 v14, v0;
	v17 =	vpop (erf)  }
0xd6: {  	v16 =	vld [tilespmem:$0x10D0];
	v4 =	vmul.f32 v17, v52  }
0xd7: {  	v0 =	vadd.f32 v15, v0  }
0xd8: {  	v6 =	vmul.f32 v59, v29;
	v3 =	vadd.f32 v4, v3  }
0xd9: {  	v19 =	vld [tilespmem:$0x60];
	v0 =	vmul.f32 $5.000000000e-01, v0  }
0xda: {  	v21 =	vmax.f32 v18, $1.000000000e-30;
	v2 =	vadd.f32 v6, v2;
	v3 =	vmul.f32 $5.000000000e-01, v3  }
0xdb: {  	v20 =	vld [tilespmem:$0xE0];
	v23 =	vshra.s32 v21, $0x1;
	v0 =	vsub.f32 v0, v16  }
0xdc: {  	v24 =	vadd.s32 $0x1FBD1DF5, v23;
	v2 =	vmul.f32 $5.000000000e-01, v2;
	(erf) = vrcp.f32 v3  }
0xdd: {  	v22 =	vld [tilespmem:$0x160];
	v0 =	vand.u32 $0x7FFFFFFF, v0;
	(erf) = vrcp.f32 v24  }
0xde: {  	v0 =	vadd.f32 v2, v0  }
0xdf: {  	v25 =	vld [tilespmem:$0x1E0]  }
0xe0: {  	v26 =	vld [tilespmem:$0x260];
	[tilespmem:$0x1C50] =	vst v0  }
0xe1: {  	v0 =	vld.idx.msk [tilespmem:v19+s8+$0x0], $0xffff  }
0xe2: {  	v27 =	vld [tilespmem:$0x2E0]  }
0xe3: {  	v1 =	vld.idx.msk [tilespmem:v20+s8+$0x0], $0xffff  }
0xe4: {  	v28 =	vld [tilespmem:$0x360]  }
0xe5: {  	v5 =	vld.idx.msk [tilespmem:v22+s8+$0x0], $0xffff;
	v29 =	vpop (erf)  }
0xe6: {  	v30 =	vld [tilespmem:$0x3E0];
	v0 =	vadd.f32 $0.0e+00, v0;
	v31 =	vpop (erf)  }
0xe7: {  	v6 =	vld.idx.msk [tilespmem:v25+s8+$0x0], $0xffff;
	v32 =	vmul.f32 v31, v21  }
0xe8: {  	v0 =	vadd.f32 v1, v0  }
0xe9: {  	v8 =	vld.idx.msk [tilespmem:v26+s8+$0x0], $0xffff;
	v1 =	vadd.f32 v24, v32  }
0xea: {  	v0 =	vadd.f32 v5, v0  }
0xeb: {  	v33 =	vld.idx.msk [tilespmem:v27+s8+$0x0], $0xffff;
	v1 =	vmul.f32 $5.000000000e-01, v1  }
0xec: {  	v0 =	vadd.f32 v6, v0  }
0xed: {  	v34 =	vld.idx.msk [tilespmem:v28+s8+$0x0], $0xffff;
	(erf) = vrcp.f32 v1  }
0xee: {  	v0 =	vadd.f32 v8, v0  }
0xef: {  	v35 =	vld.idx.msk [tilespmem:v30+s8+$0x0], $0xffff  }
0xf0: {  	v0 =	vadd.f32 v33, v0;
	_ =	sdelay $0x1  }
0xf1: {  	v0 =	vadd.f32 v34, v0  }
0xf2: {  	v36 =	vld [tilespmem:$0x10E0]  }
0xf3: {  	v0 =	vadd.f32 v35, v0  }
0xf4: {  	v37 =	vmul.f32 v29, v52  }
0xf5: {  	v40 =	vld [tilespmem:$0x1100];
	v0 =	vmul.f32 $5.000000000e-01, v0;
	v39 =	vpop (erf)  }
0xf6: {  	v38 =	vld [tilespmem:$0x70];
	v3 =	vadd.f32 v37, v3;
	v5 =	vmul.f32 v39, v21  }
0xf7: {  	v0 =	vsub.f32 v0, v36  }
0xf8: {  	v41 =	vld [tilespmem:$0xF0];
	v3 =	vmul.f32 $5.000000000e-01, v3;
	v1 =	vadd.f32 v5, v1  }
0xf9: {  	v0 =	vand.u32 $0x7FFFFFFF, v0  }
0xfa: {  	v42 =	vld [tilespmem:$0x170];
	v44 =	vmax.f32 v40, $1.000000000e-30;
	v0 =	vadd.f32 v3, v0;
	v1 =	vmul.f32 $5.000000000e-01, v1  }
0xfb: {  	v45 =	vshra.s32 v44, $0x1  }
0xfc: {  	[tilespmem:$0x1C60] =	vst v0;
	v0 =	vadd.s32 $0x1FBD1DF5, v45;
	(erf) = vrcp.f32 v1  }
0xfd: {  	v43 =	vld [tilespmem:$0x1F0];
	(erf) = vrcp.f32 v0  }
0xfe: {  	v6 =	vld.idx.msk [tilespmem:v38+s8+$0x0], $0xffff  }
0xff: {  	v46 =	vld [tilespmem:$0x270]  }
0x100: {  	v2 =	vld.idx.msk [tilespmem:v41+s8+$0x0], $0xffff  }
0x101: {  	v47 =	vld [tilespmem:$0x2F0]  }
0x102: {  	v8 =	vld.idx.msk [tilespmem:v42+s8+$0x0], $0xffff  }
0x103: {  	v48 =	vld [tilespmem:$0x370];
	v6 =	vadd.f32 $0.0e+00, v6  }
0x104: {  	v49 =	vld [tilespmem:$0x3F0]  }
0x105: {  	v3 =	vld.idx.msk [tilespmem:v43+s8+$0x0], $0xffff;
	v2 =	vadd.f32 v2, v6;
	v51 =	vpop (erf)  }
0x106: {  	v52 =	vpop (erf)  }
0x107: {  	v50 =	vld.idx.msk [tilespmem:v46+s8+$0x0], $0xffff;
	v2 =	vadd.f32 v8, v2;
	v8 =	vmul.f32 v52, v44;
	_ =	sdelay $0x1  }
0x108: {  	v9 =	vld.idx.msk [tilespmem:v47+s8+$0x0], $0xffff;
	v0 =	vadd.f32 v0, v8  }
0x109: {  	v2 =	vadd.f32 v3, v2  }
0x10a: {  	v53 =	vld.idx.msk [tilespmem:v48+s8+$0x0], $0xffff;
	v0 =	vmul.f32 $5.000000000e-01, v0  }
0x10b: {  	v2 =	vadd.f32 v50, v2  }
0x10c: {  	v54 =	vld.idx.msk [tilespmem:v49+s8+$0x0], $0xffff;
	(erf) = vrcp.f32 v0  }
0x10d: {  	v2 =	vadd.f32 v9, v2;
	_ =	sdelay $0x1  }
0x10e: {  	v2 =	vadd.f32 v53, v2  }
0x10f: {  	v55 =	vld [tilespmem:$0x10F0]  }
0x110: {  	v2 =	vadd.f32 v54, v2  }
0x111: {  	v4 =	vmul.f32 v51, v21  }
0x112: {  	v56 =	vld [tilespmem:$0x400];
	v2 =	vmul.f32 $5.000000000e-01, v2  }
0x113: {  	v57 =	vld [tilespmem:$0x480];
	v1 =	vadd.f32 v4, v1  }
0x114: {  	v60 =	vld [tilespmem:$0x1110];
	v2 =	vsub.f32 v2, v55;
	v59 =	vpop (erf)  }
0x115: {  	v1 =	vmul.f32 $5.000000000e-01, v1;
	v61 =	vmul.f32 v59, v44  }
0x116: {  	v58 =	vld [tilespmem:$0x500];
	v2 =	vand.u32 $0x7FFFFFFF, v2  }
0x117: {  	v1 =	vadd.f32 v1, v2;
	v0 =	vadd.f32 v61, v0  }
0x118: {  	v62 =	vld [tilespmem:$0x580]  }
0x119: {  	v63 =	vld [tilespmem:$0x600];
	v12 =	vmax.f32 v60, $1.000000000e-30;
	[tilespmem:$0x1C70] =	vst v1;
	v0 =	vmul.f32 $5.000000000e-01, v0  }
0x11a: {  	v8 =	vshra.s32 v12, $0x1;
	v1 =	vld.idx.msk [tilespmem:v56+s8+$0x0], $0xffff  }
0x11b: {  	v13 =	vld [tilespmem:$0x680];
	v8 =	vadd.s32 $0x1FBD1DF5, v8;
	(erf) = vrcp.f32 v0  }
0x11c: {  	v3 =	vld.idx.msk [tilespmem:v57+s8+$0x0], $0xffff;
	(erf) = vrcp.f32 v8  }
0x11d: {  	v14 =	vld [tilespmem:$0x700]  }
0x11e: {  	v4 =	vld.idx.msk [tilespmem:v58+s8+$0x0], $0xffff  }
0x11f: {  	v15 =	vld [tilespmem:$0x780];
	v1 =	vadd.f32 $0.0e+00, v1  }
0x120: {  	v7 =	vld.idx.msk [tilespmem:v62+s8+$0x0], $0xffff  }
0x121: {  	v1 =	vadd.f32 v3, v1  }
0x122: {  	v2 =	vld.idx.msk [tilespmem:v63+s8+$0x0], $0xffff  }
0x123: {  	v1 =	vadd.f32 v4, v1  }
0x124: {  	v16 =	vld.idx.msk [tilespmem:v13+s8+$0x0], $0xffff;
	v17 =	vpop (erf)  }
0x125: {  	v1 =	vadd.f32 v7, v1;
	v19 =	vpop (erf)  }
0x126: {  	v18 =	vld.idx.msk [tilespmem:v14+s8+$0x0], $0xffff;
	v20 =	vmul.f32 v19, v12  }
0x127: {  	v1 =	vadd.f32 v2, v1  }
0x128: {  	v21 =	vld.idx.msk [tilespmem:v15+s8+$0x0], $0xffff;
	v2 =	vadd.f32 v8, v20  }
0x129: {  	v1 =	vadd.f32 v16, v1  }
0x12a: {  	v2 =	vmul.f32 $5.000000000e-01, v2  }
0x12b: {  	v1 =	vadd.f32 v18, v1  }
0x12c: {  	v22 =	vld [tilespmem:$0x1180];
	(erf) = vrcp.f32 v2  }
0x12d: {  	v1 =	vadd.f32 v21, v1  }
0x12e: {  	v4 =	vmul.f32 v17, v44  }
0x12f: {  	v1 =	vmul.f32 $5.000000000e-01, v1  }
0x130: {  	v23 =	vld [tilespmem:$0x410];
	v0 =	vadd.f32 v4, v0  }
0x131: {  	v1 =	vsub.f32 v1, v22  }
0x132: {  	v24 =	vld [tilespmem:$0x490];
	v0 =	vmul.f32 $5.000000000e-01, v0  }
0x133: {  	v1 =	vand.u32 $0x7FFFFFFF, v1  }
0x134: {  	v25 =	vld [tilespmem:$0x510];
	v0 =	vadd.f32 v0, v1  }
0x135: {  	v28 =	vld [tilespmem:$0x1120];
	v27 =	vpop (erf)  }
0x136: {  	v26 =	vld [tilespmem:$0x590];
	[tilespmem:$0x1C80] =	vst v0;
	v0 =	vmul.f32 v27, v12  }
0x137: {  	v29 =	vld [tilespmem:$0x610]  }
0x138: {  	v5 =	vld.idx.msk [tilespmem:v23+s8+$0x0], $0xffff;
	v0 =	vadd.f32 v0, v2  }
0x139: {  	v30 =	vld [tilespmem:$0x690]  }
0x13a: {  	v7 =	vmax.f32 v28, $1.000000000e-30;
	v3 =	vld.idx.msk [tilespmem:v24+s8+$0x0], $0xffff;
	v0 =	vmul.f32 $5.000000000e-01, v0  }
0x13b: {  	v32 =	vshra.s32 v7, $0x1  }
0x13c: {  	v10 =	vadd.s32 $0x1FBD1DF5, v32;
	v4 =	vld.idx.msk [tilespmem:v25+s8+$0x0], $0xffff;
	(erf) = vrcp.f32 v0  }
0x13d: {  	v31 =	vld [tilespmem:$0x710];
	v5 =	vadd.f32 $0.0e+00, v5;
	(erf) = vrcp.f32 v10  }
0x13e: {  	v1 =	vld.idx.msk [tilespmem:v26+s8+$0x0], $0xffff  }
0x13f: {  	v33 =	vld [tilespmem:$0x790];
	v3 =	vadd.f32 v3, v5  }
0x140: {  	v34 =	vld.idx.msk [tilespmem:v29+s8+$0x0], $0xffff  }
0x141: {  	v3 =	vadd.f32 v4, v3  }
0x142: {  	v2 =	vld.idx.msk [tilespmem:v30+s8+$0x0], $0xffff  }
0x143: {  	v1 =	vadd.f32 v1, v3;
	_ =	sdelay $0x1  }
0x144: {  	v1 =	vadd.f32 v34, v1;
	v37 =	vpop (erf)  }
0x145: {  	v35 =	vld.idx.msk [tilespmem:v31+s8+$0x0], $0xffff;
	v38 =	vpop (erf)  }
0x146: {  	v1 =	vadd.f32 v2, v1;
	v2 =	vmul.f32 v38, v7  }
0x147: {  	v36 =	vld.idx.msk [tilespmem:v33+s8+$0x0], $0xffff  }
0x148: {  	v2 =	vadd.f32 v10, v2;
	_ =	sdelay $0x1  }
0x149: {  	v1 =	vadd.f32 v35, v1;
	v2 =	vmul.f32 $5.000000000e-01, v2  }
0x14a: {  	v39 =	vld [tilespmem:$0x1190]  }
0x14b: {  	v1 =	vadd.f32 v36, v1;
	(erf) = vrcp.f32 v2  }
0x14c: {  	v40 =	vmul.f32 v37, v12  }
0x14d: {  	v41 =	vld [tilespmem:$0x420];
	v1 =	vmul.f32 $5.000000000e-01, v1  }
0x14e: {  	v0 =	vadd.f32 v40, v0  }
0x14f: {  	v42 =	vld [tilespmem:$0x4A0];
	v1 =	vsub.f32 v1, v39  }
0x150: {  	v0 =	vmul.f32 $5.000000000e-01, v0  }
0x151: {  	v43 =	vld [tilespmem:$0x520];
	v1 =	vand.u32 $0x7FFFFFFF, v1  }
0x152: {  	v46 =	vld [tilespmem:$0x620];
	v0 =	vadd.f32 v0, v1  }
0x153: {  	v44 =	vld [tilespmem:$0x5A0]  }
0x154: {  	v48 =	vld [tilespmem:$0x1130];
	[tilespmem:$0x1C90] =	vst v0;
	v47 =	vpop (erf)  }
0x155: {  	v45 =	vld.idx.msk [tilespmem:v41+s8+$0x0], $0xffff;
	v6 =	vmul.f32 v47, v7  }
0x156: {  	v49 =	vld [tilespmem:$0x6A0]  }
0x157: {  	v3 =	vld.idx.msk [tilespmem:v42+s8+$0x0], $0xffff;
	v2 =	vadd.f32 v6, v2  }
0x158: {  	v50 =	vld [tilespmem:$0x720]  }
0x159: {  	v8 =	vmax.f32 v48, $1.000000000e-30;
	v1 =	vld.idx.msk [tilespmem:v43+s8+$0x0], $0xffff;
	v2 =	vmul.f32 $5.000000000e-01, v2  }
0x15a: {  	v51 =	vld [tilespmem:$0x7A0];
	v52 =	vshra.s32 v8, $0x1;
	v4 =	vadd.f32 $0.0e+00, v45  }
0x15b: {  	v53 =	vadd.s32 $0x1FBD1DF5, v52;
	v0 =	vld.idx.msk [tilespmem:v44+s8+$0x0], $0xffff;
	(erf) = vrcp.f32 v2  }
0x15c: {  	v3 =	vadd.f32 v3, v4;
	(erf) = vrcp.f32 v53  }
0x15d: {  	v5 =	vld.idx.msk [tilespmem:v46+s8+$0x0], $0xffff  }
0x15e: {  	v1 =	vadd.f32 v1, v3  }
0x15f: {  	v54 =	vld.idx.msk [tilespmem:v49+s8+$0x0], $0xffff  }
0x160: {  	v0 =	vadd.f32 v0, v1  }
0x161: {  	v55 =	vld.idx.msk [tilespmem:v50+s8+$0x0], $0xffff  }
0x162: {  	v0 =	vadd.f32 v5, v0  }
0x163: {  	v56 =	vld.idx.msk [tilespmem:v51+s8+$0x0], $0xffff  }
0x164: {  	v0 =	vadd.f32 v54, v0;
	v57 =	vpop (erf)  }
0x165: {  	v58 =	vpop (erf)  }
0x166: {  	v0 =	vadd.f32 v55, v0;
	v1 =	vmul.f32 v58, v8  }
0x167: {  	v59 =	vld [tilespmem:$0x11A0]  }
0x168: {  	v0 =	vadd.f32 v56, v0;
	v1 =	vadd.f32 v53, v1  }
0x169: {  	v3 =	vmul.f32 v57, v7  }
0x16a: {  	v60 =	vld [tilespmem:$0x430];
	v0 =	vmul.f32 $5.000000000e-01, v0;
	v1 =	vmul.f32 $5.000000000e-01, v1  }
0x16b: {  	v2 =	vadd.f32 v3, v2  }
0x16c: {  	v61 =	vld [tilespmem:$0x4B0];
	v0 =	vsub.f32 v0, v59;
	(erf) = vrcp.f32 v1  }
0x16d: {  	v2 =	vmul.f32 $5.000000000e-01, v2  }
0x16e: {  	v62 =	vld [tilespmem:$0x530];
	v0 =	vand.u32 $0x7FFFFFFF, v0  }
0x16f: {  	v0 =	vadd.f32 v2, v0  }
0x170: {  	v63 =	vld [tilespmem:$0x5B0]  }
0x171: {  	v12 =	vld [tilespmem:$0x630];
	[tilespmem:$0x1CA0] =	vst v0  }
0x172: {  	v0 =	vld.idx.msk [tilespmem:v60+s8+$0x0], $0xffff  }
0x173: {  	v13 =	vld [tilespmem:$0x6B0]  }
0x174: {  	v3 =	vld.idx.msk [tilespmem:v61+s8+$0x0], $0xffff  }
0x175: {  	v15 =	vld [tilespmem:$0x730];
	v14 =	vpop (erf)  }
0x176: {  	v5 =	vld.idx.msk [tilespmem:v62+s8+$0x0], $0xffff;
	v7 =	vmul.f32 v14, v8  }
0x177: {  	v16 =	vld [tilespmem:$0x7B0];
	v0 =	vadd.f32 $0.0e+00, v0  }
0x178: {  	v2 =	vld.idx.msk [tilespmem:v63+s8+$0x0], $0xffff;
	v1 =	vadd.f32 v7, v1  }
0x179: {  	v0 =	vadd.f32 v3, v0  }
0x17a: {  	v17 =	vld.idx.msk [tilespmem:v12+s8+$0x0], $0xffff;
	v1 =	vmul.f32 $5.000000000e-01, v1  }
0x17b: {  	v0 =	vadd.f32 v5, v0  }
0x17c: {  	v18 =	vld.idx.msk [tilespmem:v13+s8+$0x0], $0xffff;
	(erf) = vrcp.f32 v1  }
0x17d: {  	v0 =	vadd.f32 v2, v0  }
0x17e: {  	v19 =	vld.idx.msk [tilespmem:v15+s8+$0x0], $0xffff  }
0x17f: {  	v0 =	vadd.f32 v17, v0  }
0x180: {  	v20 =	vld.idx.msk [tilespmem:v16+s8+$0x0], $0xffff  }
0x181: {  	v0 =	vadd.f32 v18, v0;
	_ =	sdelay $0x1  }
0x182: {  	v0 =	vadd.f32 v19, v0  }
0x183: {  	v21 =	vld [tilespmem:$0x11B0]  }
0x184: {  	v0 =	vadd.f32 v20, v0;
	v22 =	vpop (erf)  }
0x185: {  	v3 =	vmul.f32 v22, v8  }
0x186: {  	v23 =	vld [tilespmem:$0x440];
	v0 =	vmul.f32 $5.000000000e-01, v0  }
0x187: {  	v24 =	vld [tilespmem:$0x4C0];
	v1 =	vadd.f32 v3, v1  }
0x188: {  	v0 =	vsub.f32 v0, v21  }
0x189: {  	v1 =	vmul.f32 $5.000000000e-01, v1  }
0x18a: {  	v0 =	vand.u32 $0x7FFFFFFF, v0  }
0x18b: {  	v0 =	vadd.f32 v1, v0;
	_ =	sdelay $0x1  }
0x18c: {  	[tilespmem:$0x1CB0] =	vst v0  }
0x18d: {  	v0 =	vld.idx.msk [tilespmem:v23+s8+$0x0], $0xffff  }
0x18e: {  	v25 =	vld.idx.msk [tilespmem:v24+s8+$0x0], $0xffff  }
0x18f: {  	v26 =	vld [tilespmem:$0x1140];
	_ =	sdelay $0x4  }
0x190: {  	v27 =	vmax.f32 v26, $1.000000000e-30  }
0x191: {  	v2 =	vshra.s32 v27, $0x1  }
0x192: {  	v2 =	vadd.s32 $0x1FBD1DF5, v2  }
0x193: {  	(erf) = vrcp.f32 v2;
	_ =	sdelay $0x8  }
0x194: {  	v28 =	vpop (erf)  }
0x195: {  	v4 =	vmul.f32 v28, v27;
	_ =	sdelay $0x1  }
0x196: {  	v2 =	vadd.f32 v2, v4;
	_ =	sdelay $0x1  }
0x197: {  	v2 =	vmul.f32 $5.000000000e-01, v2;
	_ =	sdelay $0x1  }
0x198: {  	(erf) = vrcp.f32 v2;
	_ =	sdelay $0x8  }
0x199: {  	v30 =	vld [tilespmem:$0x1150];
	v29 =	vpop (erf)  }
0x19a: {  	v4 =	vmul.f32 v29, v27;
	_ =	sdelay $0x1  }
0x19b: {  	v2 =	vadd.f32 v4, v2;
	_ =	sdelay $0x1  }
0x19c: {  	v5 =	vmax.f32 v30, $1.000000000e-30;
	v4 =	vmul.f32 $5.000000000e-01, v2  }
0x19d: {  	v31 =	vshra.s32 v5, $0x1  }
0x19e: {  	v2 =	vadd.s32 $0x1FBD1DF5, v31;
	(erf) = vrcp.f32 v4  }
0x19f: {  	(erf) = vrcp.f32 v2;
	_ =	sdelay $0x7  }
0x1a0: {  	v32 =	vpop (erf)  }
0x1a1: {  	v33 =	vpop (erf)  }
0x1a2: {  	v7 =	vmul.f32 v33, v5;
	_ =	sdelay $0x1  }
0x1a3: {  	v2 =	vadd.f32 v2, v7;
	_ =	sdelay $0x1  }
0x1a4: {  	v2 =	vmul.f32 $5.000000000e-01, v2;
	_ =	sdelay $0x1  }
0x1a5: {  	(erf) = vrcp.f32 v2;
	_ =	sdelay $0x8  }
0x1a6: {  	v35 =	vld [tilespmem:$0x1160];
	v34 =	vpop (erf)  }
0x1a7: {  	v7 =	vmul.f32 v34, v5;
	_ =	sdelay $0x1  }
0x1a8: {  	v2 =	vadd.f32 v7, v2;
	_ =	sdelay $0x1  }
0x1a9: {  	v7 =	vmul.f32 $5.000000000e-01, v2;
	v2 =	vmax.f32 v35, $1.000000000e-30  }
0x1aa: {  	v8 =	vshra.s32 v2, $0x1  }
0x1ab: {  	(erf) = vrcp.f32 v7;
	v8 =	vadd.s32 $0x1FBD1DF5, v8  }
0x1ac: {  	(erf) = vrcp.f32 v8;
	_ =	sdelay $0x3  }
0x1ad: {  	v36 =	vld [tilespmem:$0x540];
	_ =	sdelay $0x1  }
0x1ae: {  	v37 =	vld [tilespmem:$0x5C0];
	_ =	sdelay $0x1  }
0x1af: {  	v39 =	vld [tilespmem:$0x640];
	v38 =	vpop (erf)  }
0x1b0: {  	v40 =	vpop (erf)  }
0x1b1: {  	v41 =	vld [tilespmem:$0x6C0];
	v13 =	vmul.f32 v40, v2  }
0x1b2: {  	v42 =	vld [tilespmem:$0x740]  }
0x1b3: {  	v9 =	vld.idx.msk [tilespmem:v36+s8+$0x0], $0xffff;
	v8 =	vadd.f32 v8, v13  }
0x1b4: {  	v15 =	vld [tilespmem:$0x7C0];
	v0 =	vadd.f32 $0.0e+00, v0  }
0x1b5: {  	v10 =	vld.idx.msk [tilespmem:v37+s8+$0x0], $0xffff;
	v8 =	vmul.f32 $5.000000000e-01, v8  }
0x1b6: {  	v0 =	vadd.f32 v25, v0  }
0x1b7: {  	v43 =	vld.idx.msk [tilespmem:v39+s8+$0x0], $0xffff;
	(erf) = vrcp.f32 v8  }
0x1b8: {  	v0 =	vadd.f32 v9, v0  }
0x1b9: {  	v44 =	vld.idx.msk [tilespmem:v41+s8+$0x0], $0xffff  }
0x1ba: {  	v0 =	vadd.f32 v10, v0  }
0x1bb: {  	v45 =	vld.idx.msk [tilespmem:v42+s8+$0x0], $0xffff  }
0x1bc: {  	v0 =	vadd.f32 v43, v0  }
0x1bd: {  	v46 =	vld.idx.msk [tilespmem:v15+s8+$0x0], $0xffff  }
0x1be: {  	v0 =	vadd.f32 v44, v0;
	_ =	sdelay $0x1  }
0x1bf: {  	v48 =	vld [tilespmem:$0x1170];
	v0 =	vadd.f32 v45, v0;
	v47 =	vpop (erf)  }
0x1c0: {  	v9 =	vmul.f32 v47, v2  }
0x1c1: {  	v0 =	vadd.f32 v46, v0  }
0x1c2: {  	v49 =	vld [tilespmem:$0x11C0];
	v50 =	vadd.f32 v9, v8  }
0x1c3: {  	v51 =	vmul.f32 $5.000000000e-01, v0  }
0x1c4: {  	v0 =	vmax.f32 v48, $1.000000000e-30;
	v3 =	vmul.f32 v32, v27;
	v9 =	vmul.f32 $5.000000000e-01, v50  }
0x1c5: {  	v52 =	vld [tilespmem:$0x450];
	v54 =	vshra.s32 v0, $0x1  }
0x1c6: {  	v53 =	vadd.f32 v3, v4;
	v3 =	vadd.s32 $0x1FBD1DF5, v54;
	(erf) = vrcp.f32 v9  }
0x1c7: {  	v56 =	vld [tilespmem:$0x4D0];
	v55 =	vsub.f32 v51, v49;
	(erf) = vrcp.f32 v3  }
0x1c8: {  	v1 =	vmul.f32 $5.000000000e-01, v53  }
0x1c9: {  	v57 =	vld [tilespmem:$0x550];
	v4 =	vand.u32 $0x7FFFFFFF, v55  }
0x1ca: {  	v1 =	vadd.f32 v1, v4  }
0x1cb: {  	v58 =	vld [tilespmem:$0x5D0]  }
0x1cc: {  	v59 =	vld [tilespmem:$0x650];
	[tilespmem:$0x1CC0] =	vst v1  }
0x1cd: {  	v1 =	vld.idx.msk [tilespmem:v52+s8+$0x0], $0xffff  }
0x1ce: {  	v60 =	vld [tilespmem:$0x6D0]  }
0x1cf: {  	v6 =	vld.idx.msk [tilespmem:v56+s8+$0x0], $0xffff;
	v61 =	vpop (erf)  }
0x1d0: {  	v63 =	vld [tilespmem:$0x750];
	v62 =	vpop (erf)  }
0x1d1: {  	v10 =	vld.idx.msk [tilespmem:v57+s8+$0x0], $0xffff;
	v14 =	vmul.f32 v62, v0  }
0x1d2: {  	v16 =	vld [tilespmem:$0x7D0];
	v1 =	vadd.f32 $0.0e+00, v1  }
0x1d3: {  	v4 =	vld.idx.msk [tilespmem:v58+s8+$0x0], $0xffff;
	v3 =	vadd.f32 v3, v14  }
0x1d4: {  	v1 =	vadd.f32 v6, v1  }
0x1d5: {  	v20 =	vld.idx.msk [tilespmem:v59+s8+$0x0], $0xffff;
	v3 =	vmul.f32 $5.000000000e-01, v3  }
0x1d6: {  	v1 =	vadd.f32 v10, v1  }
0x1d7: {  	v21 =	vld.idx.msk [tilespmem:v60+s8+$0x0], $0xffff;
	(erf) = vrcp.f32 v3  }
0x1d8: {  	v1 =	vadd.f32 v4, v1  }
0x1d9: {  	v22 =	vld.idx.msk [tilespmem:v63+s8+$0x0], $0xffff  }
0x1da: {  	v1 =	vadd.f32 v20, v1  }
0x1db: {  	v23 =	vld.idx.msk [tilespmem:v16+s8+$0x0], $0xffff  }
0x1dc: {  	v1 =	vadd.f32 v21, v1;
	_ =	sdelay $0x1  }
0x1dd: {  	v1 =	vadd.f32 v22, v1  }
0x1de: {  	v24 =	vld [tilespmem:$0x11D0]  }
0x1df: {  	v26 =	vld [tilespmem:$0x1200];
	v1 =	vadd.f32 v23, v1;
	v25 =	vpop (erf)  }
0x1e0: {  	v6 =	vmul.f32 v25, v0  }
0x1e1: {  	v1 =	vmul.f32 $5.000000000e-01, v1  }
0x1e2: {  	v5 =	vmul.f32 v38, v5;
	v3 =	vadd.f32 v6, v3  }
0x1e3: {  	v27 =	vld [tilespmem:$0x460];
	v4 =	vsub.f32 v1, v24  }
0x1e4: {  	v1 =	vmax.f32 v26, $1.000000000e-30;
	v5 =	vadd.f32 v5, v7;
	v3 =	vmul.f32 $5.000000000e-01, v3  }
0x1e5: {  	v28 =	vld [tilespmem:$0x4E0];
	v8 =	vshra.s32 v1, $0x1  }
0x1e6: {  	v5 =	vmul.f32 $5.000000000e-01, v5;
	v30 =	vadd.s32 $0x1FBD1DF5, v8;
	(erf) = vrcp.f32 v3  }
0x1e7: {  	v29 =	vld [tilespmem:$0x560];
	v4 =	vand.u32 $0x7FFFFFFF, v4;
	(erf) = vrcp.f32 v30  }
0x1e8: {  	v4 =	vadd.f32 v5, v4  }
0x1e9: {  	v31 =	vld [tilespmem:$0x5E0]  }
0x1ea: {  	v32 =	vld [tilespmem:$0x660];
	[tilespmem:$0x1CD0] =	vst v4  }
0x1eb: {  	v4 =	vld.idx.msk [tilespmem:v27+s8+$0x0], $0xffff  }
0x1ec: {  	v33 =	vld [tilespmem:$0x6E0]  }
0x1ed: {  	v6 =	vld.idx.msk [tilespmem:v28+s8+$0x0], $0xffff  }
0x1ee: {  	v34 =	vld [tilespmem:$0x760]  }
0x1ef: {  	v7 =	vld.idx.msk [tilespmem:v29+s8+$0x0], $0xffff;
	v35 =	vpop (erf)  }
0x1f0: {  	v36 =	vld [tilespmem:$0x7E0];
	v4 =	vadd.f32 $0.0e+00, v4;
	v37 =	vpop (erf)  }
0x1f1: {  	v8 =	vld.idx.msk [tilespmem:v31+s8+$0x0], $0xffff;
	v38 =	vmul.f32 v37, v1  }
0x1f2: {  	v4 =	vadd.f32 v6, v4  }
0x1f3: {  	v10 =	vld.idx.msk [tilespmem:v32+s8+$0x0], $0xffff;
	v5 =	vadd.f32 v30, v38  }
0x1f4: {  	v4 =	vadd.f32 v7, v4  }
0x1f5: {  	v39 =	vld.idx.msk [tilespmem:v33+s8+$0x0], $0xffff;
	v5 =	vmul.f32 $5.000000000e-01, v5  }
0x1f6: {  	v4 =	vadd.f32 v8, v4  }
0x1f7: {  	v40 =	vld.idx.msk [tilespmem:v34+s8+$0x0], $0xffff;
	(erf) = vrcp.f32 v5  }
0x1f8: {  	v4 =	vadd.f32 v10, v4  }
0x1f9: {  	v41 =	vld.idx.msk [tilespmem:v36+s8+$0x0], $0xffff  }
0x1fa: {  	v4 =	vadd.f32 v39, v4;
	_ =	sdelay $0x1  }
0x1fb: {  	v4 =	vadd.f32 v40, v4  }
0x1fc: {  	v42 =	vld [tilespmem:$0x11E0]  }
0x1fd: {  	v4 =	vadd.f32 v41, v4  }
0x1fe: {  	v2 =	vmul.f32 v61, v2  }
0x1ff: {  	v45 =	vld [tilespmem:$0x1210];
	v4 =	vmul.f32 $5.000000000e-01, v4;
	v44 =	vpop (erf)  }
0x200: {  	v43 =	vld [tilespmem:$0x470];
	v2 =	vadd.f32 v2, v9;
	v8 =	vmul.f32 v44, v1  }
0x201: {  	v4 =	vsub.f32 v4, v42  }
0x202: {  	v46 =	vld [tilespmem:$0x4F0];
	v2 =	vmul.f32 $5.000000000e-01, v2;
	v5 =	vadd.f32 v8, v5  }
0x203: {  	v4 =	vand.u32 $0x7FFFFFFF, v4  }
0x204: {  	v47 =	vld [tilespmem:$0x570];
	v4 =	vadd.f32 v2, v4;
	v2 =	vmax.f32 v45, $1.000000000e-30;
	v5 =	vmul.f32 $5.000000000e-01, v5  }
0x205: {  	v49 =	vshra.s32 v2, $0x1  }
0x206: {  	[tilespmem:$0x1CE0] =	vst v4;
	v4 =	vadd.s32 $0x1FBD1DF5, v49;
	(erf) = vrcp.f32 v5  }
0x207: {  	v48 =	vld [tilespmem:$0x5F0];
	(erf) = vrcp.f32 v4  }
0x208: {  	v7 =	vld.idx.msk [tilespmem:v43+s8+$0x0], $0xffff  }
0x209: {  	v50 =	vld [tilespmem:$0x670]  }
0x20a: {  	v6 =	vld.idx.msk [tilespmem:v46+s8+$0x0], $0xffff  }
0x20b: {  	v51 =	vld [tilespmem:$0x6F0]  }
0x20c: {  	v10 =	vld.idx.msk [tilespmem:v47+s8+$0x0], $0xffff  }
0x20d: {  	v52 =	vld [tilespmem:$0x770];
	v7 =	vadd.f32 $0.0e+00, v7  }
0x20e: {  	v53 =	vld [tilespmem:$0x7F0]  }
0x20f: {  	v8 =	vld.idx.msk [tilespmem:v48+s8+$0x0], $0xffff;
	v6 =	vadd.f32 v6, v7;
	v55 =	vpop (erf)  }
0x210: {  	v56 =	vpop (erf)  }
0x211: {  	v54 =	vld.idx.msk [tilespmem:v50+s8+$0x0], $0xffff;
	v6 =	vadd.f32 v10, v6;
	v10 =	vmul.f32 v56, v2;
	_ =	sdelay $0x1  }
0x212: {  	v11 =	vld.idx.msk [tilespmem:v51+s8+$0x0], $0xffff;
	v4 =	vadd.f32 v4, v10  }
0x213: {  	v6 =	vadd.f32 v8, v6  }
0x214: {  	v57 =	vld.idx.msk [tilespmem:v52+s8+$0x0], $0xffff;
	v4 =	vmul.f32 $5.000000000e-01, v4  }
0x215: {  	v6 =	vadd.f32 v54, v6  }
0x216: {  	v58 =	vld.idx.msk [tilespmem:v53+s8+$0x0], $0xffff;
	(erf) = vrcp.f32 v4  }
0x217: {  	v6 =	vadd.f32 v11, v6;
	_ =	sdelay $0x1  }
0x218: {  	v6 =	vadd.f32 v57, v6  }
0x219: {  	v59 =	vld [tilespmem:$0x11F0]  }
0x21a: {  	v6 =	vadd.f32 v58, v6  }
0x21b: {  	v0 =	vmul.f32 v35, v0  }
0x21c: {  	v60 =	vld [tilespmem:$0x800];
	v6 =	vmul.f32 $5.000000000e-01, v6  }
0x21d: {  	v17 =	vld [tilespmem:$0x1220];
	v0 =	vadd.f32 v0, v3  }
0x21e: {  	v62 =	vld [tilespmem:$0x880];
	v61 =	vsub.f32 v6, v59;
	v16 =	vpop (erf)  }
0x21f: {  	v0 =	vmul.f32 $5.000000000e-01, v0;
	v18 =	vmul.f32 v16, v2  }
0x220: {  	v63 =	vld [tilespmem:$0x900];
	v3 =	vand.u32 $0x7FFFFFFF, v61  }
0x221: {  	v0 =	vadd.f32 v0, v3;
	v20 =	vadd.f32 v18, v4  }
0x222: {  	v19 =	vld [tilespmem:$0x980]  }
0x223: {  	v22 =	vld [tilespmem:$0xA00];
	v23 =	vmax.f32 v17, $1.000000000e-30;
	[tilespmem:$0x1CF0] =	vst v0;
	v0 =	vmul.f32 $5.000000000e-01, v20  }
0x224: {  	v11 =	vshra.s32 v23, $0x1;
	v21 =	vld.idx.msk [tilespmem:v60+s8+$0x0], $0xffff  }
0x225: {  	v24 =	vld [tilespmem:$0xA80];
	v11 =	vadd.s32 $0x1FBD1DF5, v11;
	(erf) = vrcp.f32 v0  }
0x226: {  	v6 =	vld.idx.msk [tilespmem:v62+s8+$0x0], $0xffff;
	(erf) = vrcp.f32 v11  }
0x227: {  	v25 =	vld [tilespmem:$0xB00]  }
0x228: {  	v8 =	vld.idx.msk [tilespmem:v63+s8+$0x0], $0xffff  }
0x229: {  	v26 =	vld [tilespmem:$0xB80];
	v3 =	vadd.f32 $0.0e+00, v21  }
0x22a: {  	v10 =	vld.idx.msk [tilespmem:v19+s8+$0x0], $0xffff  }
0x22b: {  	v3 =	vadd.f32 v6, v3  }
0x22c: {  	v4 =	vld.idx.msk [tilespmem:v22+s8+$0x0], $0xffff  }
0x22d: {  	v3 =	vadd.f32 v8, v3  }
0x22e: {  	v27 =	vld.idx.msk [tilespmem:v24+s8+$0x0], $0xffff;
	v28 =	vpop (erf)  }
0x22f: {  	v3 =	vadd.f32 v10, v3;
	v30 =	vpop (erf)  }
0x230: {  	v29 =	vld.idx.msk [tilespmem:v25+s8+$0x0], $0xffff;
	v31 =	vmul.f32 v30, v23  }
0x231: {  	v3 =	vadd.f32 v4, v3  }
0x232: {  	v32 =	vld.idx.msk [tilespmem:v26+s8+$0x0], $0xffff;
	v4 =	vadd.f32 v11, v31  }
0x233: {  	v3 =	vadd.f32 v27, v3  }
0x234: {  	v4 =	vmul.f32 $5.000000000e-01, v4  }
0x235: {  	v3 =	vadd.f32 v29, v3  }
0x236: {  	v33 =	vld [tilespmem:$0x1280];
	(erf) = vrcp.f32 v4  }
0x237: {  	v3 =	vadd.f32 v32, v3  }
0x238: {  	v1 =	vmul.f32 v55, v1  }
0x239: {  	v3 =	vmul.f32 $5.000000000e-01, v3  }
0x23a: {  	v34 =	vld [tilespmem:$0x810];
	v1 =	vadd.f32 v1, v5  }
0x23b: {  	v3 =	vsub.f32 v3, v33  }
0x23c: {  	v35 =	vld [tilespmem:$0x890];
	v1 =	vmul.f32 $5.000000000e-01, v1  }
0x23d: {  	v3 =	vand.u32 $0x7FFFFFFF, v3  }
0x23e: {  	v36 =	vld [tilespmem:$0x910];
	v1 =	vadd.f32 v1, v3  }
0x23f: {  	v39 =	vld [tilespmem:$0x1230];
	v38 =	vpop (erf)  }
0x240: {  	v37 =	vld [tilespmem:$0x990];
	[tilespmem:$0x1D00] =	vst v1;
	v1 =	vmul.f32 v38, v23  }
0x241: {  	v40 =	vld [tilespmem:$0xA10]  }
0x242: {  	v9 =	vld.idx.msk [tilespmem:v34+s8+$0x0], $0xffff;
	v1 =	vadd.f32 v1, v4  }
0x243: {  	v41 =	vld [tilespmem:$0xA90]  }
0x244: {  	v10 =	vmax.f32 v39, $1.000000000e-30;
	v5 =	vld.idx.msk [tilespmem:v35+s8+$0x0], $0xffff;
	v1 =	vmul.f32 $5.000000000e-01, v1  }
0x245: {  	v43 =	vshra.s32 v10, $0x1  }
0x246: {  	v13 =	vadd.s32 $0x1FBD1DF5, v43;
	v6 =	vld.idx.msk [tilespmem:v36+s8+$0x0], $0xffff;
	(erf) = vrcp.f32 v1  }
0x247: {  	v9 =	vadd.f32 $0.0e+00, v9;
	(erf) = vrcp.f32 v13  }
0x248: {  	v3 =	vld.idx.msk [tilespmem:v37+s8+$0x0], $0xffff  }
0x249: {  	v5 =	vadd.f32 v5, v9  }
0x24a: {  	v45 =	vld.idx.msk [tilespmem:v40+s8+$0x0], $0xffff  }
0x24b: {  	v5 =	vadd.f32 v6, v5  }
0x24c: {  	v4 =	vld.idx.msk [tilespmem:v41+s8+$0x0], $0xffff  }
0x24d: {  	v42 =	vld [tilespmem:$0xB10];
	v3 =	vadd.f32 v3, v5;
	_ =	sdelay $0x1  }
0x24e: {  	v44 =	vld [tilespmem:$0xB90];
	v3 =	vadd.f32 v45, v3;
	v48 =	vpop (erf)  }
0x24f: {  	v49 =	vpop (erf)  }
0x250: {  	v3 =	vadd.f32 v4, v3;
	v4 =	vmul.f32 v49, v10;
	_ =	sdelay $0x1  }
0x251: {  	v4 =	vadd.f32 v13, v4;
	_ =	sdelay $0x1  }
0x252: {  	v46 =	vld.idx.msk [tilespmem:v42+s8+$0x0], $0xffff;
	v4 =	vmul.f32 $5.000000000e-01, v4;
	_ =	sdelay $0x1  }
0x253: {  	v47 =	vld.idx.msk [tilespmem:v44+s8+$0x0], $0xffff;
	(erf) = vrcp.f32 v4;
	_ =	sdelay $0x2  }
0x254: {  	v3 =	vadd.f32 v46, v3  }
0x255: {  	v50 =	vld [tilespmem:$0x1290]  }
0x256: {  	v3 =	vadd.f32 v47, v3  }
0x257: {  	v2 =	vmul.f32 v28, v2  }
0x258: {  	v51 =	vld [tilespmem:$0x820];
	v3 =	vmul.f32 $5.000000000e-01, v3  }
0x259: {  	v53 =	vld [tilespmem:$0x8A0];
	v0 =	vadd.f32 v2, v0  }
0x25a: {  	v59 =	vld [tilespmem:$0x1240];
	v52 =	vsub.f32 v3, v50;
	v58 =	vpop (erf)  }
0x25b: {  	v0 =	vmul.f32 $5.000000000e-01, v0;
	v8 =	vmul.f32 v58, v10  }
0x25c: {  	v54 =	vld [tilespmem:$0x920];
	v2 =	vand.u32 $0x7FFFFFFF, v52  }
0x25d: {  	v0 =	vadd.f32 v0, v2;
	v4 =	vadd.f32 v8, v4  }
0x25e: {  	v55 =	vld [tilespmem:$0x9A0]  }
0x25f: {  	v57 =	vld [tilespmem:$0xA20];
	v11 =	vmax.f32 v59, $1.000000000e-30;
	[tilespmem:$0x1D10] =	vst v0;
	v4 =	vmul.f32 $5.000000000e-01, v4  }
0x260: {  	v63 =	vshra.s32 v11, $0x1;
	v56 =	vld.idx.msk [tilespmem:v51+s8+$0x0], $0xffff  }
0x261: {  	v60 =	vld [tilespmem:$0xAA0];
	v14 =	vadd.s32 $0x1FBD1DF5, v63;
	(erf) = vrcp.f32 v4  }
0x262: {  	v3 =	vld.idx.msk [tilespmem:v53+s8+$0x0], $0xffff;
	(erf) = vrcp.f32 v14  }
0x263: {  	v61 =	vld [tilespmem:$0xB20]  }
0x264: {  	v2 =	vld.idx.msk [tilespmem:v54+s8+$0x0], $0xffff  }
0x265: {  	v62 =	vld [tilespmem:$0xBA0];
	v5 =	vadd.f32 $0.0e+00, v56  }
0x266: {  	v0 =	vld.idx.msk [tilespmem:v55+s8+$0x0], $0xffff  }
0x267: {  	v3 =	vadd.f32 v3, v5  }
0x268: {  	v6 =	vld.idx.msk [tilespmem:v57+s8+$0x0], $0xffff  }
0x269: {  	v2 =	vadd.f32 v2, v3  }
0x26a: {  	v15 =	vld.idx.msk [tilespmem:v60+s8+$0x0], $0xffff;
	v18 =	vpop (erf)  }
0x26b: {  	v0 =	vadd.f32 v0, v2;
	v19 =	vpop (erf)  }
0x26c: {  	v16 =	vld.idx.msk [tilespmem:v61+s8+$0x0], $0xffff;
	v2 =	vmul.f32 v19, v11  }
0x26d: {  	v0 =	vadd.f32 v6, v0  }
0x26e: {  	v17 =	vld.idx.msk [tilespmem:v62+s8+$0x0], $0xffff;
	v2 =	vadd.f32 v14, v2  }
0x26f: {  	v0 =	vadd.f32 v15, v0  }
0x270: {  	v2 =	vmul.f32 $5.000000000e-01, v2  }
0x271: {  	v0 =	vadd.f32 v16, v0  }
0x272: {  	v20 =	vld [tilespmem:$0x12A0];
	(erf) = vrcp.f32 v2  }
0x273: {  	v0 =	vadd.f32 v17, v0  }
0x274: {  	v21 =	vmul.f32 v48, v23  }
0x275: {  	v22 =	vld [tilespmem:$0x830];
	v0 =	vmul.f32 $5.000000000e-01, v0  }
0x276: {  	v1 =	vadd.f32 v21, v1  }
0x277: {  	v23 =	vld [tilespmem:$0x8B0];
	v0 =	vsub.f32 v0, v20  }
0x278: {  	v1 =	vmul.f32 $5.000000000e-01, v1  }
0x279: {  	v24 =	vld [tilespmem:$0x930];
	v0 =	vand.u32 $0x7FFFFFFF, v0  }
0x27a: {  	v25 =	vld [tilespmem:$0x9B0];
	v0 =	vadd.f32 v1, v0  }
0x27b: {  	v29 =	vld [tilespmem:$0x1250];
	v28 =	vpop (erf)  }
0x27c: {  	v26 =	vld [tilespmem:$0xA30];
	[tilespmem:$0x1D20] =	vst v0;
	v9 =	vmul.f32 v28, v11  }
0x27d: {  	v5 =	vld.idx.msk [tilespmem:v22+s8+$0x0], $0xffff  }
0x27e: {  	v27 =	vld [tilespmem:$0xAB0];
	v2 =	vadd.f32 v9, v2  }
0x27f: {  	v6 =	vld.idx.msk [tilespmem:v23+s8+$0x0], $0xffff  }
0x280: {  	v32 =	vmax.f32 v29, $1.000000000e-30;
	v30 =	vld [tilespmem:$0xB30];
	v2 =	vmul.f32 $5.000000000e-01, v2  }
0x281: {  	v12 =	vshra.s32 v32, $0x1;
	v1 =	vld.idx.msk [tilespmem:v24+s8+$0x0], $0xffff  }
0x282: {  	v33 =	vadd.s32 $0x1FBD1DF5, v12;
	v31 =	vld [tilespmem:$0xBB0];
	v5 =	vadd.f32 $0.0e+00, v5;
	(erf) = vrcp.f32 v2  }
0x283: {  	v0 =	vld.idx.msk [tilespmem:v25+s8+$0x0], $0xffff;
	(erf) = vrcp.f32 v33  }
0x284: {  	v5 =	vadd.f32 v6, v5  }
0x285: {  	v7 =	vld.idx.msk [tilespmem:v26+s8+$0x0], $0xffff  }
0x286: {  	v1 =	vadd.f32 v1, v5  }
0x287: {  	v8 =	vld.idx.msk [tilespmem:v27+s8+$0x0], $0xffff  }
0x288: {  	v0 =	vadd.f32 v0, v1  }
0x289: {  	v34 =	vld.idx.msk [tilespmem:v30+s8+$0x0], $0xffff  }
0x28a: {  	v0 =	vadd.f32 v7, v0  }
0x28b: {  	v35 =	vld.idx.msk [tilespmem:v31+s8+$0x0], $0xffff;
	v37 =	vpop (erf)  }
0x28c: {  	v0 =	vadd.f32 v8, v0;
	v38 =	vpop (erf)  }
0x28d: {  	v7 =	vmul.f32 v38, v32  }
0x28e: {  	v0 =	vadd.f32 v34, v0  }
0x28f: {  	v36 =	vld [tilespmem:$0x12B0];
	v5 =	vadd.f32 v33, v7  }
0x290: {  	v0 =	vadd.f32 v35, v0  }
0x291: {  	v3 =	vmul.f32 v18, v10;
	v5 =	vmul.f32 $5.000000000e-01, v5  }
0x292: {  	v39 =	vld [tilespmem:$0x840];
	v0 =	vmul.f32 $5.000000000e-01, v0  }
0x293: {  	v3 =	vadd.f32 v3, v4;
	(erf) = vrcp.f32 v5  }
0x294: {  	v40 =	vld [tilespmem:$0x8C0];
	v0 =	vsub.f32 v0, v36  }
0x295: {  	v41 =	vmul.f32 $5.000000000e-01, v3  }
0x296: {  	v42 =	vld [tilespmem:$0x940];
	v0 =	vand.u32 $0x7FFFFFFF, v0  }
0x297: {  	v43 =	vld [tilespmem:$0x9C0];
	v0 =	vadd.f32 v41, v0  }
0x298: {  	v45 =	vld [tilespmem:$0xA40]  }
0x299: {  	v46 =	vld [tilespmem:$0xAC0];
	[tilespmem:$0x1D30] =	vst v0  }
0x29a: {  	v44 =	vld.idx.msk [tilespmem:v39+s8+$0x0], $0xffff  }
0x29b: {  	v49 =	vld [tilespmem:$0x1260]  }
0x29c: {  	v4 =	vld.idx.msk [tilespmem:v40+s8+$0x0], $0xffff;
	v48 =	vpop (erf)  }
0x29d: {  	v47 =	vld [tilespmem:$0xB40];
	v12 =	vmul.f32 v48, v32  }
0x29e: {  	v3 =	vld.idx.msk [tilespmem:v42+s8+$0x0], $0xffff  }
0x29f: {  	v50 =	vld [tilespmem:$0xBC0];
	v1 =	vadd.f32 $0.0e+00, v44;
	v51 =	vadd.f32 v12, v5  }
0x2a0: {  	v0 =	vld.idx.msk [tilespmem:v43+s8+$0x0], $0xffff  }
0x2a1: {  	v54 =	vmax.f32 v49, $1.000000000e-30;
	v1 =	vadd.f32 v4, v1;
	v53 =	vmul.f32 $5.000000000e-01, v51  }
0x2a2: {  	v56 =	vshra.s32 v54, $0x1;
	v52 =	vld.idx.msk [tilespmem:v45+s8+$0x0], $0xffff  }
0x2a3: {  	v57 =	vadd.s32 $0x1FBD1DF5, v56;
	v1 =	vadd.f32 v3, v1;
	(erf) = vrcp.f32 v53  }
0x2a4: {  	v55 =	vld.idx.msk [tilespmem:v46+s8+$0x0], $0xffff;
	(erf) = vrcp.f32 v57  }
0x2a5: {  	v0 =	vadd.f32 v0, v1  }
0x2a6: {  	v58 =	vld.idx.msk [tilespmem:v47+s8+$0x0], $0xffff  }
0x2a7: {  	v0 =	vadd.f32 v52, v0  }
0x2a8: {  	v59 =	vld.idx.msk [tilespmem:v50+s8+$0x0], $0xffff  }
0x2a9: {  	v0 =	vadd.f32 v55, v0;
	_ =	sdelay $0x1  }
0x2aa: {  	v0 =	vadd.f32 v58, v0  }
0x2ab: {  	v60 =	vld [tilespmem:$0x12C0];
	v62 =	vpop (erf)  }
0x2ac: {  	v0 =	vadd.f32 v59, v0;
	v12 =	vpop (erf)  }
0x2ad: {  	v61 =	vmul.f32 v37, v11;
	v13 =	vmul.f32 v12, v54  }
0x2ae: {  	v63 =	vld [tilespmem:$0x850];
	v0 =	vmul.f32 $5.000000000e-01, v0  }
0x2af: {  	v2 =	vadd.f32 v61, v2;
	v1 =	vadd.f32 v57, v13  }
0x2b0: {  	v14 =	vld [tilespmem:$0x8D0];
	v0 =	vsub.f32 v0, v60  }
0x2b1: {  	v2 =	vmul.f32 $5.000000000e-01, v2;
	v1 =	vmul.f32 $5.000000000e-01, v1  }
0x2b2: {  	v15 =	vld [tilespmem:$0x950];
	v0 =	vand.u32 $0x7FFFFFFF, v0  }
0x2b3: {  	v0 =	vadd.f32 v2, v0;
	(erf) = vrcp.f32 v1  }
0x2b4: {  	v16 =	vld [tilespmem:$0x9D0]  }
0x2b5: {  	v17 =	vld [tilespmem:$0xA50];
	[tilespmem:$0x1D40] =	vst v0  }
0x2b6: {  	v0 =	vld.idx.msk [tilespmem:v63+s8+$0x0], $0xffff  }
0x2b7: {  	v18 =	vld [tilespmem:$0xAD0]  }
0x2b8: {  	v7 =	vld.idx.msk [tilespmem:v14+s8+$0x0], $0xffff  }
0x2b9: {  	v19 =	vld [tilespmem:$0xB50]  }
0x2ba: {  	v5 =	vld.idx.msk [tilespmem:v15+s8+$0x0], $0xffff  }
0x2bb: {  	v22 =	vld [tilespmem:$0x1270];
	v0 =	vadd.f32 $0.0e+00, v0  }
0x2bc: {  	v2 =	vld.idx.msk [tilespmem:v16+s8+$0x0], $0xffff;
	v21 =	vpop (erf)  }
0x2bd: {  	v20 =	vld [tilespmem:$0xBD0];
	v0 =	vadd.f32 v7, v0;
	v7 =	vmul.f32 v21, v54  }
0x2be: {  	v9 =	vld.idx.msk [tilespmem:v17+s8+$0x0], $0xffff  }
0x2bf: {  	v0 =	vadd.f32 v5, v0;
	v1 =	vadd.f32 v7, v1;
	_ =	sdelay $0x1  }
0x2c0: {  	v25 =	vmax.f32 v22, $1.000000000e-30;
	v0 =	vadd.f32 v2, v0;
	v1 =	vmul.f32 $5.000000000e-01, v1  }
0x2c1: {  	v26 =	vshra.s32 v25, $0x1;
	v23 =	vld.idx.msk [tilespmem:v18+s8+$0x0], $0xffff  }
0x2c2: {  	v0 =	vadd.f32 v9, v0;
	v9 =	vadd.s32 $0x1FBD1DF5, v26;
	(erf) = vrcp.f32 v1  }
0x2c3: {  	v24 =	vld.idx.msk [tilespmem:v19+s8+$0x0], $0xffff;
	(erf) = vrcp.f32 v9;
	_ =	sdelay $0x1  }
0x2c4: {  	v27 =	vld.idx.msk [tilespmem:v20+s8+$0x0], $0xffff  }
0x2c5: {  	v0 =	vadd.f32 v23, v0;
	_ =	sdelay $0x1  }
0x2c6: {  	v0 =	vadd.f32 v24, v0  }
0x2c7: {  	v28 =	vld [tilespmem:$0x12D0]  }
0x2c8: {  	v0 =	vadd.f32 v27, v0  }
0x2c9: {  	v29 =	vmul.f32 v62, v32;
	v31 =	vpop (erf)  }
0x2ca: {  	v30 =	vld [tilespmem:$0x860];
	v0 =	vmul.f32 $5.000000000e-01, v0;
	v33 =	vpop (erf)  }
0x2cb: {  	v3 =	vadd.f32 v29, v53;
	v8 =	vmul.f32 v33, v25  }
0x2cc: {  	v32 =	vld [tilespmem:$0x8E0];
	v0 =	vsub.f32 v0, v28  }
0x2cd: {  	v3 =	vmul.f32 $5.000000000e-01, v3;
	v8 =	vadd.f32 v9, v8  }
0x2ce: {  	v34 =	vld [tilespmem:$0x960];
	v0 =	vand.u32 $0x7FFFFFFF, v0  }
0x2cf: {  	v0 =	vadd.f32 v3, v0;
	v36 =	vmul.f32 $5.000000000e-01, v8  }
0x2d0: {  	v35 =	vld [tilespmem:$0x9E0]  }
0x2d1: {  	v37 =	vld [tilespmem:$0xA60];
	[tilespmem:$0x1D50] =	vst v0;
	(erf) = vrcp.f32 v36  }
0x2d2: {  	v0 =	vld.idx.msk [tilespmem:v30+s8+$0x0], $0xffff  }
0x2d3: {  	v38 =	vld [tilespmem:$0xAE0]  }
0x2d4: {  	v5 =	vld.idx.msk [tilespmem:v32+s8+$0x0], $0xffff  }
0x2d5: {  	v39 =	vld [tilespmem:$0xB60]  }
0x2d6: {  	v10 =	vld.idx.msk [tilespmem:v34+s8+$0x0], $0xffff  }
0x2d7: {  	v40 =	vld [tilespmem:$0xBE0];
	v0 =	vadd.f32 $0.0e+00, v0  }
0x2d8: {  	v3 =	vld.idx.msk [tilespmem:v35+s8+$0x0], $0xffff  }
0x2d9: {  	v44 =	vld [tilespmem:$0x1300];
	v0 =	vadd.f32 v5, v0  }
0x2da: {  	v41 =	vld.idx.msk [tilespmem:v37+s8+$0x0], $0xffff;
	v43 =	vpop (erf)  }
0x2db: {  	v0 =	vadd.f32 v10, v0;
	v45 =	vmul.f32 v43, v25  }
0x2dc: {  	v42 =	vld.idx.msk [tilespmem:v38+s8+$0x0], $0xffff  }
0x2dd: {  	v0 =	vadd.f32 v3, v0;
	v3 =	vadd.f32 v45, v36  }
0x2de: {  	v46 =	vld.idx.msk [tilespmem:v39+s8+$0x0], $0xffff  }
0x2df: {  	v48 =	vmax.f32 v44, $1.000000000e-30;
	v0 =	vadd.f32 v41, v0;
	v3 =	vmul.f32 $5.000000000e-01, v3  }
0x2e0: {  	v49 =	vshra.s32 v48, $0x1;
	v47 =	vld.idx.msk [tilespmem:v40+s8+$0x0], $0xffff  }
0x2e1: {  	v0 =	vadd.f32 v42, v0;
	v8 =	vadd.s32 $0x1FBD1DF5, v49;
	(erf) = vrcp.f32 v3  }
0x2e2: {  	(erf) = vrcp.f32 v8  }
0x2e3: {  	v0 =	vadd.f32 v46, v0  }
0x2e4: {  	v50 =	vld [tilespmem:$0x12E0]  }
0x2e5: {  	v0 =	vadd.f32 v47, v0  }
0x2e6: {  	v2 =	vmul.f32 v31, v54  }
0x2e7: {  	v0 =	vmul.f32 $5.000000000e-01, v0  }
0x2e8: {  	v1 =	vadd.f32 v2, v1  }
0x2e9: {  	v0 =	vsub.f32 v0, v50  }
0x2ea: {  	v51 =	vld [tilespmem:$0x870];
	v1 =	vmul.f32 $5.000000000e-01, v1;
	v54 =	vpop (erf)  }
0x2eb: {  	v0 =	vand.u32 $0x7FFFFFFF, v0;
	v56 =	vpop (erf)  }
0x2ec: {  	v52 =	vld [tilespmem:$0x8F0];
	v0 =	vadd.f32 v1, v0;
	v57 =	vmul.f32 v56, v48;
	_ =	sdelay $0x1  }
0x2ed: {  	v53 =	vld [tilespmem:$0x970];
	[tilespmem:$0x1D60] =	vst v0;
	v0 =	vadd.f32 v8, v57;
	_ =	sdelay $0x1  }
0x2ee: {  	v55 =	vld [tilespmem:$0x9F0];
	v0 =	vmul.f32 $5.000000000e-01, v0  }
0x2ef: {  	v58 =	vld [tilespmem:$0xA70]  }
0x2f0: {  	v4 =	vld.idx.msk [tilespmem:v51+s8+$0x0], $0xffff;
	(erf) = vrcp.f32 v0  }
0x2f1: {  	v59 =	vld [tilespmem:$0xAF0]  }
0x2f2: {  	v2 =	vld.idx.msk [tilespmem:v52+s8+$0x0], $0xffff  }
0x2f3: {  	v60 =	vld [tilespmem:$0xB70]  }
0x2f4: {  	v5 =	vld.idx.msk [tilespmem:v53+s8+$0x0], $0xffff  }
0x2f5: {  	v61 =	vld [tilespmem:$0xBF0];
	v4 =	vadd.f32 $0.0e+00, v4  }
0x2f6: {  	v9 =	vld.idx.msk [tilespmem:v55+s8+$0x0], $0xffff  }
0x2f7: {  	v2 =	vadd.f32 v2, v4  }
0x2f8: {  	v62 =	vld.idx.msk [tilespmem:v58+s8+$0x0], $0xffff  }
0x2f9: {  	v15 =	vld [tilespmem:$0x1310];
	v2 =	vadd.f32 v5, v2;
	v14 =	vpop (erf)  }
0x2fa: {  	v63 =	vld.idx.msk [tilespmem:v59+s8+$0x0], $0xffff;
	v4 =	vmul.f32 v14, v48  }
0x2fb: {  	v2 =	vadd.f32 v9, v2  }
0x2fc: {  	v13 =	vld.idx.msk [tilespmem:v60+s8+$0x0], $0xffff;
	v0 =	vadd.f32 v4, v0  }
0x2fd: {  	v2 =	vadd.f32 v62, v2  }
0x2fe: {  	v18 =	vmax.f32 v15, $1.000000000e-30;
	v16 =	vld.idx.msk [tilespmem:v61+s8+$0x0], $0xffff;
	v0 =	vmul.f32 $5.000000000e-01, v0  }
0x2ff: {  	v19 =	vshra.s32 v18, $0x1;
	v2 =	vadd.f32 v63, v2  }
0x300: {  	v20 =	vadd.s32 $0x1FBD1DF5, v19;
	(erf) = vrcp.f32 v0  }
0x301: {  	v2 =	vadd.f32 v13, v2;
	(erf) = vrcp.f32 v20  }
0x302: {  	v17 =	vld [tilespmem:$0x12F0]  }
0x303: {  	v2 =	vadd.f32 v16, v2  }
0x304: {  	v1 =	vmul.f32 v54, v25  }
0x305: {  	v21 =	vld [tilespmem:$0xC00];
	v2 =	vmul.f32 $5.000000000e-01, v2  }
0x306: {  	v1 =	vadd.f32 v1, v3  }
0x307: {  	v22 =	vld [tilespmem:$0xC80];
	v2 =	vsub.f32 v2, v17  }
0x308: {  	v1 =	vmul.f32 $5.000000000e-01, v1  }
0x309: {  	v23 =	vld [tilespmem:$0xD00];
	v2 =	vand.u32 $0x7FFFFFFF, v2;
	v25 =	vpop (erf)  }
0x30a: {  	v1 =	vadd.f32 v1, v2;
	v27 =	vpop (erf)  }
0x30b: {  	v24 =	vld [tilespmem:$0xD80];
	v10 =	vmul.f32 v27, v18  }
0x30c: {  	v26 =	vld [tilespmem:$0xE00];
	[tilespmem:$0x1D70] =	vst v1  }
0x30d: {  	v1 =	vld.idx.msk [tilespmem:v21+s8+$0x0], $0xffff;
	v7 =	vadd.f32 v20, v10  }
0x30e: {  	v28 =	vld [tilespmem:$0xE80]  }
0x30f: {  	v3 =	vld.idx.msk [tilespmem:v22+s8+$0x0], $0xffff;
	v7 =	vmul.f32 $5.000000000e-01, v7  }
0x310: {  	v29 =	vld [tilespmem:$0xF00]  }
0x311: {  	v4 =	vld.idx.msk [tilespmem:v23+s8+$0x0], $0xffff;
	(erf) = vrcp.f32 v7  }
0x312: {  	v30 =	vld [tilespmem:$0xF80];
	v1 =	vadd.f32 $0.0e+00, v1  }
0x313: {  	v2 =	vld.idx.msk [tilespmem:v24+s8+$0x0], $0xffff  }
0x314: {  	v1 =	vadd.f32 v3, v1  }
0x315: {  	v31 =	vld.idx.msk [tilespmem:v26+s8+$0x0], $0xffff  }
0x316: {  	v1 =	vadd.f32 v4, v1  }
0x317: {  	v32 =	vld.idx.msk [tilespmem:v28+s8+$0x0], $0xffff  }
0x318: {  	v1 =	vadd.f32 v2, v1  }
0x319: {  	v33 =	vld.idx.msk [tilespmem:v29+s8+$0x0], $0xffff  }
0x31a: {  	v36 =	vld [tilespmem:$0x1320];
	v1 =	vadd.f32 v31, v1;
	v35 =	vpop (erf)  }
0x31b: {  	v34 =	vld.idx.msk [tilespmem:v30+s8+$0x0], $0xffff;
	v37 =	vmul.f32 v35, v18  }
0x31c: {  	v1 =	vadd.f32 v32, v1  }
0x31d: {  	v2 =	vadd.f32 v37, v7  }
0x31e: {  	v1 =	vadd.f32 v33, v1  }
0x31f: {  	v38 =	vld [tilespmem:$0x1380];
	v41 =	vmax.f32 v36, $1.000000000e-30;
	v2 =	vmul.f32 $5.000000000e-01, v2  }
0x320: {  	v42 =	vshra.s32 v41, $0x1;
	v1 =	vadd.f32 v34, v1  }
0x321: {  	v3 =	vadd.s32 $0x1FBD1DF5, v42;
	v39 =	vmul.f32 v25, v48;
	(erf) = vrcp.f32 v2  }
0x322: {  	v40 =	vld [tilespmem:$0xC10];
	v1 =	vmul.f32 $5.000000000e-01, v1;
	(erf) = vrcp.f32 v3  }
0x323: {  	v0 =	vadd.f32 v39, v0  }
0x324: {  	v43 =	vld [tilespmem:$0xC90];
	v1 =	vsub.f32 v1, v38  }
0x325: {  	v0 =	vmul.f32 $5.000000000e-01, v0  }
0x326: {  	v44 =	vld [tilespmem:$0xD10];
	v1 =	vand.u32 $0x7FFFFFFF, v1  }
0x327: {  	v0 =	vadd.f32 v0, v1  }
0x328: {  	v45 =	vld [tilespmem:$0xD90]  }
0x329: {  	v46 =	vld [tilespmem:$0xE10];
	[tilespmem:$0x1D80] =	vst v0  }
0x32a: {  	v0 =	vld.idx.msk [tilespmem:v40+s8+$0x0], $0xffff;
	v48 =	vpop (erf)  }
0x32b: {  	v47 =	vld [tilespmem:$0xE90];
	v49 =	vpop (erf)  }
0x32c: {  	v4 =	vld.idx.msk [tilespmem:v43+s8+$0x0], $0xffff;
	v11 =	vmul.f32 v49, v41  }
0x32d: {  	v50 =	vld [tilespmem:$0xF10]  }
0x32e: {  	v8 =	vld.idx.msk [tilespmem:v44+s8+$0x0], $0xffff;
	v3 =	vadd.f32 v3, v11  }
0x32f: {  	v51 =	vld [tilespmem:$0xF90];
	v0 =	vadd.f32 $0.0e+00, v0  }
0x330: {  	v1 =	vld.idx.msk [tilespmem:v45+s8+$0x0], $0xffff;
	v3 =	vmul.f32 $5.000000000e-01, v3  }
0x331: {  	v0 =	vadd.f32 v4, v0  }
0x332: {  	v52 =	vld.idx.msk [tilespmem:v46+s8+$0x0], $0xffff;
	(erf) = vrcp.f32 v3  }
0x333: {  	v0 =	vadd.f32 v8, v0  }
0x334: {  	v53 =	vld.idx.msk [tilespmem:v47+s8+$0x0], $0xffff  }
0x335: {  	v0 =	vadd.f32 v1, v0  }
0x336: {  	v54 =	vld.idx.msk [tilespmem:v50+s8+$0x0], $0xffff  }
0x337: {  	v0 =	vadd.f32 v52, v0  }
0x338: {  	v55 =	vld.idx.msk [tilespmem:v51+s8+$0x0], $0xffff  }
0x339: {  	v0 =	vadd.f32 v53, v0;
	_ =	sdelay $0x1  }
0x33a: {  	v58 =	vld [tilespmem:$0x1330];
	v0 =	vadd.f32 v54, v0;
	v57 =	vpop (erf)  }
0x33b: {  	v56 =	vld [tilespmem:$0x1390];
	v4 =	vmul.f32 v57, v41  }
0x33c: {  	v0 =	vadd.f32 v55, v0  }
0x33d: {  	v5 =	vmul.f32 v48, v18;
	v3 =	vadd.f32 v4, v3  }
0x33e: {  	v59 =	vld [tilespmem:$0xC20];
	v0 =	vmul.f32 $5.000000000e-01, v0  }
0x33f: {  	v61 =	vmax.f32 v58, $1.000000000e-30;
	v2 =	vadd.f32 v5, v2;
	v3 =	vmul.f32 $5.000000000e-01, v3  }
0x340: {  	v60 =	vld [tilespmem:$0xCA0];
	v6 =	vshra.s32 v61, $0x1;
	v0 =	vsub.f32 v0, v56  }
0x341: {  	v63 =	vadd.s32 $0x1FBD1DF5, v6;
	v2 =	vmul.f32 $5.000000000e-01, v2;
	(erf) = vrcp.f32 v3  }
0x342: {  	v62 =	vld [tilespmem:$0xD20];
	v0 =	vand.u32 $0x7FFFFFFF, v0;
	(erf) = vrcp.f32 v63  }
0x343: {  	v0 =	vadd.f32 v2, v0  }
0x344: {  	v15 =	vld [tilespmem:$0xDA0]  }
0x345: {  	v16 =	vld [tilespmem:$0xE20];
	[tilespmem:$0x1D90] =	vst v0  }
0x346: {  	v0 =	vld.idx.msk [tilespmem:v59+s8+$0x0], $0xffff  }
0x347: {  	v17 =	vld [tilespmem:$0xEA0]  }
0x348: {  	v1 =	vld.idx.msk [tilespmem:v60+s8+$0x0], $0xffff  }
0x349: {  	v18 =	vld [tilespmem:$0xF20]  }
0x34a: {  	v5 =	vld.idx.msk [tilespmem:v62+s8+$0x0], $0xffff;
	v19 =	vpop (erf)  }
0x34b: {  	v20 =	vld [tilespmem:$0xFA0];
	v0 =	vadd.f32 $0.0e+00, v0;
	v21 =	vpop (erf)  }
0x34c: {  	v6 =	vld.idx.msk [tilespmem:v15+s8+$0x0], $0xffff;
	v22 =	vmul.f32 v21, v61  }
0x34d: {  	v0 =	vadd.f32 v1, v0  }
0x34e: {  	v8 =	vld.idx.msk [tilespmem:v16+s8+$0x0], $0xffff;
	v1 =	vadd.f32 v63, v22  }
0x34f: {  	v0 =	vadd.f32 v5, v0  }
0x350: {  	v23 =	vld.idx.msk [tilespmem:v17+s8+$0x0], $0xffff;
	v1 =	vmul.f32 $5.000000000e-01, v1  }
0x351: {  	v0 =	vadd.f32 v6, v0  }
0x352: {  	v24 =	vld.idx.msk [tilespmem:v18+s8+$0x0], $0xffff;
	(erf) = vrcp.f32 v1  }
0x353: {  	v0 =	vadd.f32 v8, v0  }
0x354: {  	v25 =	vld.idx.msk [tilespmem:v20+s8+$0x0], $0xffff  }
0x355: {  	v0 =	vadd.f32 v23, v0;
	_ =	sdelay $0x1  }
0x356: {  	v0 =	vadd.f32 v24, v0  }
0x357: {  	v26 =	vld [tilespmem:$0x13A0]  }
0x358: {  	v0 =	vadd.f32 v25, v0  }
0x359: {  	v27 =	vmul.f32 v19, v41  }
0x35a: {  	v30 =	vld [tilespmem:$0x1340];
	v0 =	vmul.f32 $5.000000000e-01, v0;
	v29 =	vpop (erf)  }
0x35b: {  	v28 =	vld [tilespmem:$0xC30];
	v3 =	vadd.f32 v27, v3;
	v5 =	vmul.f32 v29, v61  }
0x35c: {  	v0 =	vsub.f32 v0, v26  }
0x35d: {  	v31 =	vld [tilespmem:$0xCB0];
	v3 =	vmul.f32 $5.000000000e-01, v3;
	v1 =	vadd.f32 v5, v1  }
0x35e: {  	v0 =	vand.u32 $0x7FFFFFFF, v0  }
0x35f: {  	v32 =	vld [tilespmem:$0xD30];
	v34 =	vmax.f32 v30, $1.000000000e-30;
	v0 =	vadd.f32 v3, v0;
	v1 =	vmul.f32 $5.000000000e-01, v1  }
0x360: {  	v35 =	vshra.s32 v34, $0x1  }
0x361: {  	[tilespmem:$0x1DA0] =	vst v0;
	v0 =	vadd.s32 $0x1FBD1DF5, v35;
	(erf) = vrcp.f32 v1  }
0x362: {  	v33 =	vld [tilespmem:$0xDB0];
	(erf) = vrcp.f32 v0  }
0x363: {  	v6 =	vld.idx.msk [tilespmem:v28+s8+$0x0], $0xffff  }
0x364: {  	v36 =	vld [tilespmem:$0xE30]  }
0x365: {  	v2 =	vld.idx.msk [tilespmem:v31+s8+$0x0], $0xffff  }
0x366: {  	v37 =	vld [tilespmem:$0xEB0]  }
0x367: {  	v8 =	vld.idx.msk [tilespmem:v32+s8+$0x0], $0xffff  }
0x368: {  	v38 =	vld [tilespmem:$0xF30];
	v6 =	vadd.f32 $0.0e+00, v6  }
0x369: {  	v39 =	vld [tilespmem:$0xFB0]  }
0x36a: {  	v3 =	vld.idx.msk [tilespmem:v33+s8+$0x0], $0xffff;
	v2 =	vadd.f32 v2, v6;
	v41 =	vpop (erf)  }
0x36b: {  	v42 =	vpop (erf)  }
0x36c: {  	v40 =	vld.idx.msk [tilespmem:v36+s8+$0x0], $0xffff;
	v2 =	vadd.f32 v8, v2;
	v8 =	vmul.f32 v42, v34;
	_ =	sdelay $0x1  }
0x36d: {  	v9 =	vld.idx.msk [tilespmem:v37+s8+$0x0], $0xffff;
	v0 =	vadd.f32 v0, v8  }
0x36e: {  	v2 =	vadd.f32 v3, v2  }
0x36f: {  	v43 =	vld.idx.msk [tilespmem:v38+s8+$0x0], $0xffff;
	v0 =	vmul.f32 $5.000000000e-01, v0  }
0x370: {  	v2 =	vadd.f32 v40, v2  }
0x371: {  	v44 =	vld.idx.msk [tilespmem:v39+s8+$0x0], $0xffff;
	(erf) = vrcp.f32 v0  }
0x372: {  	v2 =	vadd.f32 v9, v2;
	_ =	sdelay $0x1  }
0x373: {  	v2 =	vadd.f32 v43, v2  }
0x374: {  	v45 =	vld [tilespmem:$0x13B0]  }
0x375: {  	v2 =	vadd.f32 v44, v2  }
0x376: {  	v4 =	vmul.f32 v41, v61  }
0x377: {  	v46 =	vld [tilespmem:$0xC40];
	v2 =	vmul.f32 $5.000000000e-01, v2  }
0x378: {  	v47 =	vld [tilespmem:$0xCC0];
	v1 =	vadd.f32 v4, v1  }
0x379: {  	v50 =	vld [tilespmem:$0x1350];
	v2 =	vsub.f32 v2, v45;
	v49 =	vpop (erf)  }
0x37a: {  	v1 =	vmul.f32 $5.000000000e-01, v1;
	v51 =	vmul.f32 v49, v34  }
0x37b: {  	v48 =	vld [tilespmem:$0xD40];
	v2 =	vand.u32 $0x7FFFFFFF, v2  }
0x37c: {  	v1 =	vadd.f32 v1, v2;
	v0 =	vadd.f32 v51, v0  }
0x37d: {  	v52 =	vld [tilespmem:$0xDC0]  }
0x37e: {  	v53 =	vld [tilespmem:$0xE40];
	v54 =	vmax.f32 v50, $1.000000000e-30;
	[tilespmem:$0x1DB0] =	vst v1;
	v0 =	vmul.f32 $5.000000000e-01, v0  }
0x37f: {  	v8 =	vshra.s32 v54, $0x1;
	v1 =	vld.idx.msk [tilespmem:v46+s8+$0x0], $0xffff  }
0x380: {  	v55 =	vld [tilespmem:$0xEC0];
	v8 =	vadd.s32 $0x1FBD1DF5, v8;
	(erf) = vrcp.f32 v0  }
0x381: {  	v3 =	vld.idx.msk [tilespmem:v47+s8+$0x0], $0xffff;
	(erf) = vrcp.f32 v8  }
0x382: {  	v56 =	vld [tilespmem:$0xF40]  }
0x383: {  	v4 =	vld.idx.msk [tilespmem:v48+s8+$0x0], $0xffff  }
0x384: {  	v57 =	vld [tilespmem:$0xFC0];
	v1 =	vadd.f32 $0.0e+00, v1  }
0x385: {  	v7 =	vld.idx.msk [tilespmem:v52+s8+$0x0], $0xffff  }
0x386: {  	v1 =	vadd.f32 v3, v1  }
0x387: {  	v2 =	vld.idx.msk [tilespmem:v53+s8+$0x0], $0xffff  }
0x388: {  	v1 =	vadd.f32 v4, v1  }
0x389: {  	v58 =	vld.idx.msk [tilespmem:v55+s8+$0x0], $0xffff;
	v59 =	vpop (erf)  }
0x38a: {  	v1 =	vadd.f32 v7, v1;
	v61 =	vpop (erf)  }
0x38b: {  	v60 =	vld.idx.msk [tilespmem:v56+s8+$0x0], $0xffff;
	v62 =	vmul.f32 v61, v54  }
0x38c: {  	v1 =	vadd.f32 v2, v1  }
0x38d: {  	v63 =	vld.idx.msk [tilespmem:v57+s8+$0x0], $0xffff;
	v2 =	vadd.f32 v8, v62  }
0x38e: {  	v1 =	vadd.f32 v58, v1  }
0x38f: {  	v2 =	vmul.f32 $5.000000000e-01, v2  }
0x390: {  	v1 =	vadd.f32 v60, v1  }
0x391: {  	v11 =	vld [tilespmem:$0x13C0];
	(erf) = vrcp.f32 v2  }
0x392: {  	v1 =	vadd.f32 v63, v1  }
0x393: {  	v4 =	vmul.f32 v59, v34  }
0x394: {  	v1 =	vmul.f32 $5.000000000e-01, v1  }
0x395: {  	v12 =	vld [tilespmem:$0xC50];
	v0 =	vadd.f32 v4, v0  }
0x396: {  	v1 =	vsub.f32 v1, v11  }
0x397: {  	v13 =	vld [tilespmem:$0xCD0];
	v0 =	vmul.f32 $5.000000000e-01, v0  }
0x398: {  	v1 =	vand.u32 $0x7FFFFFFF, v1  }
0x399: {  	v14 =	vld [tilespmem:$0xD50];
	v0 =	vadd.f32 v0, v1  }
0x39a: {  	v17 =	vld [tilespmem:$0x1360];
	v16 =	vpop (erf)  }
0x39b: {  	v15 =	vld [tilespmem:$0xDD0];
	[tilespmem:$0x1DC0] =	vst v0;
	v0 =	vmul.f32 v16, v54  }
0x39c: {  	v18 =	vld [tilespmem:$0xE50]  }
0x39d: {  	v5 =	vld.idx.msk [tilespmem:v12+s8+$0x0], $0xffff;
	v0 =	vadd.f32 v0, v2  }
0x39e: {  	v19 =	vld [tilespmem:$0xED0]  }
0x39f: {  	v7 =	vmax.f32 v17, $1.000000000e-30;
	v3 =	vld.idx.msk [tilespmem:v13+s8+$0x0], $0xffff;
	v0 =	vmul.f32 $5.000000000e-01, v0  }
0x3a0: {  	v21 =	vshra.s32 v7, $0x1  }
0x3a1: {  	v10 =	vadd.s32 $0x1FBD1DF5, v21;
	v4 =	vld.idx.msk [tilespmem:v14+s8+$0x0], $0xffff;
	(erf) = vrcp.f32 v0  }
0x3a2: {  	v20 =	vld [tilespmem:$0xF50];
	v5 =	vadd.f32 $0.0e+00, v5;
	(erf) = vrcp.f32 v10  }
0x3a3: {  	v1 =	vld.idx.msk [tilespmem:v15+s8+$0x0], $0xffff  }
0x3a4: {  	v22 =	vld [tilespmem:$0xFD0];
	v3 =	vadd.f32 v3, v5  }
0x3a5: {  	v23 =	vld.idx.msk [tilespmem:v18+s8+$0x0], $0xffff  }
0x3a6: {  	v3 =	vadd.f32 v4, v3  }
0x3a7: {  	v2 =	vld.idx.msk [tilespmem:v19+s8+$0x0], $0xffff  }
0x3a8: {  	v1 =	vadd.f32 v1, v3;
	_ =	sdelay $0x1  }
0x3a9: {  	v1 =	vadd.f32 v23, v1;
	v26 =	vpop (erf)  }
0x3aa: {  	v24 =	vld.idx.msk [tilespmem:v20+s8+$0x0], $0xffff;
	v27 =	vpop (erf)  }
0x3ab: {  	v1 =	vadd.f32 v2, v1;
	v2 =	vmul.f32 v27, v7  }
0x3ac: {  	v25 =	vld.idx.msk [tilespmem:v22+s8+$0x0], $0xffff  }
0x3ad: {  	v2 =	vadd.f32 v10, v2;
	_ =	sdelay $0x1  }
0x3ae: {  	v1 =	vadd.f32 v24, v1;
	v2 =	vmul.f32 $5.000000000e-01, v2  }
0x3af: {  	v28 =	vld [tilespmem:$0x13D0]  }
0x3b0: {  	v1 =	vadd.f32 v25, v1;
	(erf) = vrcp.f32 v2  }
0x3b1: {  	v29 =	vmul.f32 v26, v54  }
0x3b2: {  	v30 =	vld [tilespmem:$0xC60];
	v1 =	vmul.f32 $5.000000000e-01, v1  }
0x3b3: {  	v0 =	vadd.f32 v29, v0  }
0x3b4: {  	v31 =	vld [tilespmem:$0xCE0];
	v1 =	vsub.f32 v1, v28  }
0x3b5: {  	v0 =	vmul.f32 $5.000000000e-01, v0  }
0x3b6: {  	v32 =	vld [tilespmem:$0xD60];
	v1 =	vand.u32 $0x7FFFFFFF, v1  }
0x3b7: {  	v35 =	vld [tilespmem:$0xE60];
	v0 =	vadd.f32 v0, v1  }
0x3b8: {  	v33 =	vld [tilespmem:$0xDE0]  }
0x3b9: {  	v37 =	vld [tilespmem:$0x1370];
	[tilespmem:$0x1DD0] =	vst v0;
	v36 =	vpop (erf)  }
0x3ba: {  	v34 =	vld.idx.msk [tilespmem:v30+s8+$0x0], $0xffff;
	v6 =	vmul.f32 v36, v7  }
0x3bb: {  	v38 =	vld [tilespmem:$0xEE0]  }
0x3bc: {  	v3 =	vld.idx.msk [tilespmem:v31+s8+$0x0], $0xffff;
	v2 =	vadd.f32 v6, v2  }
0x3bd: {  	v39 =	vld [tilespmem:$0xF60]  }
0x3be: {  	v8 =	vmax.f32 v37, $1.000000000e-30;
	v1 =	vld.idx.msk [tilespmem:v32+s8+$0x0], $0xffff;
	v2 =	vmul.f32 $5.000000000e-01, v2  }
0x3bf: {  	v40 =	vld [tilespmem:$0xFE0];
	v41 =	vshra.s32 v8, $0x1;
	v4 =	vadd.f32 $0.0e+00, v34  }
0x3c0: {  	v42 =	vadd.s32 $0x1FBD1DF5, v41;
	v0 =	vld.idx.msk [tilespmem:v33+s8+$0x0], $0xffff;
	(erf) = vrcp.f32 v2  }
0x3c1: {  	v3 =	vadd.f32 v3, v4;
	(erf) = vrcp.f32 v42  }
0x3c2: {  	v5 =	vld.idx.msk [tilespmem:v35+s8+$0x0], $0xffff  }
0x3c3: {  	v1 =	vadd.f32 v1, v3  }
0x3c4: {  	v43 =	vld.idx.msk [tilespmem:v38+s8+$0x0], $0xffff  }
0x3c5: {  	v0 =	vadd.f32 v0, v1  }
0x3c6: {  	v44 =	vld.idx.msk [tilespmem:v39+s8+$0x0], $0xffff  }
0x3c7: {  	v0 =	vadd.f32 v5, v0  }
0x3c8: {  	v45 =	vld.idx.msk [tilespmem:v40+s8+$0x0], $0xffff  }
0x3c9: {  	v0 =	vadd.f32 v43, v0;
	v46 =	vpop (erf)  }
0x3ca: {  	v47 =	vpop (erf)  }
0x3cb: {  	v0 =	vadd.f32 v44, v0;
	v1 =	vmul.f32 v47, v8  }
0x3cc: {  	v48 =	vld [tilespmem:$0x13E0]  }
0x3cd: {  	v0 =	vadd.f32 v45, v0;
	v1 =	vadd.f32 v42, v1  }
0x3ce: {  	v3 =	vmul.f32 v46, v7  }
0x3cf: {  	v49 =	vld [tilespmem:$0xC70];
	v0 =	vmul.f32 $5.000000000e-01, v0;
	v1 =	vmul.f32 $5.000000000e-01, v1  }
0x3d0: {  	v2 =	vadd.f32 v3, v2  }
0x3d1: {  	v50 =	vld [tilespmem:$0xCF0];
	v0 =	vsub.f32 v0, v48;
	(erf) = vrcp.f32 v1  }
0x3d2: {  	v2 =	vmul.f32 $5.000000000e-01, v2  }
0x3d3: {  	v51 =	vld [tilespmem:$0xD70];
	v0 =	vand.u32 $0x7FFFFFFF, v0  }
0x3d4: {  	v0 =	vadd.f32 v2, v0  }
0x3d5: {  	v52 =	vld [tilespmem:$0xDF0]  }
0x3d6: {  	v53 =	vld [tilespmem:$0xE70];
	[tilespmem:$0x1DE0] =	vst v0  }
0x3d7: {  	v0 =	vld.idx.msk [tilespmem:v49+s8+$0x0], $0xffff  }
0x3d8: {  	v54 =	vld [tilespmem:$0xEF0]  }
0x3d9: {  	v3 =	vld.idx.msk [tilespmem:v50+s8+$0x0], $0xffff  }
0x3da: {  	v56 =	vld [tilespmem:$0xF70];
	v55 =	vpop (erf)  }
0x3db: {  	v5 =	vld.idx.msk [tilespmem:v51+s8+$0x0], $0xffff;
	v7 =	vmul.f32 v55, v8  }
0x3dc: {  	v57 =	vld [tilespmem:$0xFF0];
	v0 =	vadd.f32 $0.0e+00, v0  }
0x3dd: {  	v2 =	vld.idx.msk [tilespmem:v52+s8+$0x0], $0xffff;
	v1 =	vadd.f32 v7, v1  }
0x3de: {  	v0 =	vadd.f32 v3, v0  }
0x3df: {  	v58 =	vld.idx.msk [tilespmem:v53+s8+$0x0], $0xffff;
	v1 =	vmul.f32 $5.000000000e-01, v1  }
0x3e0: {  	v0 =	vadd.f32 v5, v0  }
0x3e1: {  	v59 =	vld.idx.msk [tilespmem:v54+s8+$0x0], $0xffff;
	(erf) = vrcp.f32 v1  }
0x3e2: {  	v0 =	vadd.f32 v2, v0  }
0x3e3: {  	v60 =	vld.idx.msk [tilespmem:v56+s8+$0x0], $0xffff  }
0x3e4: {  	v0 =	vadd.f32 v58, v0  }
0x3e5: {  	v61 =	vld.idx.msk [tilespmem:v57+s8+$0x0], $0xffff  }
0x3e6: {  	v0 =	vadd.f32 v59, v0;
	_ =	sdelay $0x1  }
0x3e7: {  	v0 =	vadd.f32 v60, v0  }
0x3e8: {  	v62 =	vld [tilespmem:$0x13F0]  }
0x3e9: {  	v0 =	vadd.f32 v61, v0;
	v63 =	vpop (erf)  }
0x3ea: {  	v3 =	vmul.f32 v63, v8  }
0x3eb: {  	v0 =	vmul.f32 $5.000000000e-01, v0  }
0x3ec: {  	v1 =	vadd.f32 v3, v1  }
0x3ed: {  	v0 =	vsub.f32 v0, v62  }
0x3ee: {  	v1 =	vmul.f32 $5.000000000e-01, v1  }
0x3ef: {  	v0 =	vand.u32 $0x7FFFFFFF, v0  }
0x3f0: {  	v0 =	vadd.f32 v1, v0  }
0x3f1: {  	p0 =	sne.s32 s7, $0x1  }
.Ltmp0:
0x3f2: {  	[tilespmem:$0x1DF0] =	vst v0;
	(pc) =	sbr.rel @p0 .LBB2_1-.Ltmp0, $4  }
0x3f3: {  	[hbm4b:s6+s2] =	stream.linear.scatter [tilespmem:s11], [sflag:$0x1], $0x200, $0x38;
	[tilespmem:$0x1E00] =	vst v63  }
0x3f4: {  	_ =	swait.ge [sflag:s9], $0x200  }
0x3f5: {  	[sflag:s9] =	ssyncset.done $0x0  }
0x3f6: {  	s7 =	sadd.s32 $0xFFFFFFFF, s7;
	[sflag:s9] =	ssyncadd.s32 $0xFFFFFE00  }
0x3f7: {  	_ =	sfence.sel $0x180000  }
0x3f8: {  	[bflag:$0x0] =	sbarrier.arrive $0xFFFF  }
0x3f9: {  	p0 =	sne.s32 s1, $0x0;
	_ =	strace $0x90000047  }
0x3fa: {  	s0 =	sadd.s32 @!p0 $0x100000, s0;
	[bflag:$0x2] =	sbarrier.arrive $0xFFFF  }
0x3fb: {  	[sflag:s0] =	ssyncadd.tile.s32 @!p0 $0x1;
	_ =	shalt  }
.Lfunc_end2:
_tile_overlayer_lowered:
.L_overlay_start_2:
0x3fc: {  	(tag) =	ssettag $0x2  }
0x3fd: {  	s0 =	rddreg [dreg:$0x0];
	s2 =	stileid.u32  }
0x3fe: {  	s1 =	rddreg [dreg:$0x1];
	p0 =	sne.s32 s2, $0x0  }
0x3ff: {  	s3 =	rddreg [dreg:$0x2];
	[bflag:$0x3] =	sbarrier.arrive $0xFFFF;
	s2 =	simm.s32 @!p0 $0x1C01  }
0x400: {  	[timem:s3], [sflag:s2] =	dma.local @!p0 [hbm:s0], s1  }
0x401: {  	s0 =	simm.s32 @!p0 $0x1  }
0x402: {  	_ =	swait.ge @!p0 [sflag:s0], s1  }
0x403: {  	s1 =	ssub.s32 @!p0 $0x0, s1;
	[sflag:s0] =	ssyncset.done @!p0 $0x0  }
0x404: {  	[sflag:s0] =	ssyncadd.s32 @!p0 s1  }
0x405: {  	[bflag:$0x3] =	sbarrier.arrive $0xFFFF  }
0x406: {  	_ =	shalt  }

</sc_bundles>
